<compile_context>
chip_gen: v7x
topology: tpu7x:2x2x1
jax: 0.10.2.dev20260603
libtpu: 0.0.44.dev20260713+nightly
codegen_flags: <defaults>
</compile_context>

<pallas_src>
import functools

import jax
import jax.numpy as jnp
from jax import lax
from jax.experimental import pallas as pl
from jax.experimental.pallas import tpu as pltpu
from jax.experimental.pallas import tpu_sc as plsc

D = 128
SEQ = 200
NW = 32
NBUF = 4
ROWS_PER_IT = 4


def _emb_body(idx_hbm, tok_hbm, pos_hbm, out_hbm,
              rows0, rows1, rows2, rows3,
              idx0, idx1, idx2, idx3,
              g0, g1, g2, g3, o0, o1, o2, o3,
              i0, i1, i2, i3,
              pos_v):
    cid = lax.axis_index("c")
    sid = lax.axis_index("s")
    wid = sid * 2 + cid
    seq_per_w = idx_hbm.shape[0] // NW
    base = wid * seq_per_w

    rows = (rows0, rows1, rows2, rows3)
    idxb = (idx0, idx1, idx2, idx3)
    gsem = (g0, g1, g2, g3)
    osem = (o0, o1, o2, o3)
    isem = (i0, i1, i2, i3)

    pltpu.sync_copy(pos_hbm, pos_v)

    def start_idx(j, slot):
        pltpu.async_copy(idx_hbm.at[base + j], idxb[slot], isem[slot])

    def wait_idx(slot):
        pltpu.make_async_copy(idx_hbm.at[0], idxb[slot], isem[slot]).wait()

    def start_gathers(slot):
        pltpu.async_copy(tok_hbm.at[idxb[slot].at[pl.ds(0, 128)]],
                         rows[slot].at[pl.ds(0, 128)], gsem[slot])
        pltpu.async_copy(tok_hbm.at[idxb[slot].at[pl.ds(128, SEQ - 128)]],
                         rows[slot].at[pl.ds(128, SEQ - 128)], gsem[slot])

    def wait_gather(slot):
        pltpu.make_async_copy(tok_hbm.at[idxb[slot].at[pl.ds(0, 128)]],
                              rows[slot].at[pl.ds(0, 128)], gsem[slot]).wait()
        pltpu.make_async_copy(tok_hbm.at[idxb[slot].at[pl.ds(128, SEQ - 128)]],
                              rows[slot].at[pl.ds(128, SEQ - 128)],
                              gsem[slot]).wait()

    def add_pos(slot):
        rv = rows[slot]

        def add_body(i, c):
            r0 = i * ROWS_PER_IT
            for r in range(ROWS_PER_IT):
                for k in range(D // 16):
                    sl = pl.ds(k * 16, 16)
                    plsc.addupdate(rv.at[r0 + r, sl], pos_v[r0 + r, sl])
            return c

        lax.fori_loop(0, SEQ // ROWS_PER_IT, add_body, 0)

    def start_scatter(j, slot):
        pltpu.async_copy(rows[slot], out_hbm.at[pl.ds((base + j) * SEQ, SEQ)],
                         osem[slot])

    def wait_scatter(slot):
        pltpu.make_async_copy(rows[slot], out_hbm.at[pl.ds(0, SEQ)],
                              osem[slot]).wait()

    def finish_unit(j, slot):
        wait_gather(slot)
        add_pos(slot)
        start_scatter(j, slot)

    start_idx(0, 0)
    start_idx(1, 1)
    wait_idx(0)
    start_gathers(0)
    wait_idx(1)
    start_gathers(1)
    start_idx(2, 2)
    wait_idx(2)
    start_gathers(2)
    start_idx(3, 3)
    finish_unit(0, 0)
    wait_idx(3)
    start_gathers(3)
    start_idx(4, 0)
    finish_unit(1, 1)

    def steady(g, c):
        j = 4 * g + 2
        for u in range(NBUF):
            slot = (2 + u) % NBUF
            nslot = u
            pslot = (1 + u) % NBUF
            wait_scatter(nslot)
            wait_idx(nslot)
            start_gathers(nslot)

            @pl.when(j + u + 3 < seq_per_w)
            def _():
                start_idx(j + u + 3, pslot)

            finish_unit(j + u, slot)
        return c

    lax.fori_loop(0, (seq_per_w - NBUF) // NBUF, steady, 0)

    finish_unit(seq_per_w - 2, (seq_per_w - 2) % NBUF)
    finish_unit(seq_per_w - 1, (seq_per_w - 1) % NBUF)
    for slot in range(NBUF):
        wait_scatter(slot)


def kernel(indices, token_embedding, position_embedding):
    B, S = indices.shape
    assert S == SEQ and B % NW == 0 and (B // NW - NBUF) % NBUF == 0
    mesh = plsc.VectorSubcoreMesh(core_axis_name="c", subcore_axis_name="s")
    run = functools.partial(
        pl.kernel,
        out_type=jax.ShapeDtypeStruct((B * S, D), jnp.float32),
        mesh=mesh,
        scratch_types=(
            [pltpu.VMEM((SEQ, D), jnp.float32) for _ in range(NBUF)]
            + [pltpu.VMEM((SEQ,), jnp.int32) for _ in range(NBUF)]
            + [pltpu.SemaphoreType.DMA for _ in range(3 * NBUF)]
            + [pltpu.VMEM((SEQ, D), jnp.float32)]
        ),
    )(_emb_body)
    out = run(indices.astype(jnp.int32), token_embedding, position_embedding)
    return out.reshape(B, S, D)

# --- scband reference (transcript-rebuilt; emitter-appended) ---
"""Pipeline reference for scband-embedding-26792005992739 (READ-ONLY COPY).

The authoritative reference and input builder live on the scoring server;
editing this copy changes nothing except your own understanding.
"""

import jax, jax.numpy as jnp
import numpy as np

VOCAB_SIZE = 100000
MAX_WORDS = 200
EMBED_DIM = 128
BATCH = 4096
SEQ = 200

def setup_inputs(seed: int = 0) -> dict:
    key = jax.random.key(seed)
    k_idx, k_tok, k_pos = jax.random.split(key, 3)
    indices = jax.random.randint(k_idx, (BATCH, SEQ), 0, VOCAB_SIZE, dtype=jnp.int64 if jax.config.jax_enable_x64 else jnp.int32)
    token_embedding = jax.random.normal(k_tok, (VOCAB_SIZE, EMBED_DIM), dtype=jnp.float32) * 0.02
    position_embedding = jax.random.normal(k_pos, (MAX_WORDS, EMBED_DIM), dtype=jnp.float32) * 0.02
    return {"indices": indices, "token_embedding": token_embedding, "position_embedding": position_embedding}

def reference(indices, token_embedding, position_embedding):
    # tokens = tf.gather(token_embedding, indices)
    tokens = jnp.take(token_embedding, indices, axis=0)
    # positions = tf.gather(position_embedding, tf.range(seq_len)) then expand_tile over batch
    seq_len = indices.shape[1]
    positions = jnp.take(position_embedding, jnp.arange(seq_len), axis=0)
    positions = jnp.broadcast_to(positions[None, :, :], (indices.shape[0], seq_len, positions.shape[-1]))
    return tokens + positions

if __name__ == "__main__":
    import jax
    _d = setup_inputs()
    print(jax.jit(kernel)(*tuple(_d.values())))

</pallas_src>

<mosaic_0001>
#map = affine_map<(d0, d1) -> (0, 0)>
module attributes {stable_mosaic.version = 14 : i64} {
  func.func @_emb_body(%arg0: i32, %arg1: i32, %arg2: memref<4096x200xi32, #tpu.memory_space<hbm>>, %arg3: memref<100000x128xf32, #tpu.memory_space<hbm>>, %arg4: memref<200x128xf32, #tpu.memory_space<hbm>>, %arg5: memref<819200x128xf32, #tpu.memory_space<hbm>>, %arg6: memref<200x128xf32, #tpu.memory_space<vmem>>, %arg7: memref<200x128xf32, #tpu.memory_space<vmem>>, %arg8: memref<200x128xf32, #tpu.memory_space<vmem>>, %arg9: memref<200x128xf32, #tpu.memory_space<vmem>>, %arg10: memref<200xi32, #tpu.memory_space<vmem>>, %arg11: memref<200xi32, #tpu.memory_space<vmem>>, %arg12: memref<200xi32, #tpu.memory_space<vmem>>, %arg13: memref<200xi32, #tpu.memory_space<vmem>>, %arg14: memref<!tpu.dma_semaphore, #tpu.memory_space<semaphore_mem>>, %arg15: memref<!tpu.dma_semaphore, #tpu.memory_space<semaphore_mem>>, %arg16: memref<!tpu.dma_semaphore, #tpu.memory_space<semaphore_mem>>, %arg17: memref<!tpu.dma_semaphore, #tpu.memory_space<semaphore_mem>>, %arg18: memref<!tpu.dma_semaphore, #tpu.memory_space<semaphore_mem>>, %arg19: memref<!tpu.dma_semaphore, #tpu.memory_space<semaphore_mem>>, %arg20: memref<!tpu.dma_semaphore, #tpu.memory_space<semaphore_mem>>, %arg21: memref<!tpu.dma_semaphore, #tpu.memory_space<semaphore_mem>>, %arg22: memref<!tpu.dma_semaphore, #tpu.memory_space<semaphore_mem>>, %arg23: memref<!tpu.dma_semaphore, #tpu.memory_space<semaphore_mem>>, %arg24: memref<!tpu.dma_semaphore, #tpu.memory_space<semaphore_mem>>, %arg25: memref<!tpu.dma_semaphore, #tpu.memory_space<semaphore_mem>>, %arg26: memref<200x128xf32, #tpu.memory_space<vmem>>) attributes {dimension_semantics = [#tpu.dimension_semantics<core_parallel>, #tpu.dimension_semantics<subcore_parallel>], iteration_bounds = array<i64: 2, 16>, scalar_prefetch = 0 : i64, scratch_operands = 21 : i64, tpu.core_type = #tpu.core_type<sc_vector_subcore>, window_params = [{transform_indices = #map}, {transform_indices = #map}, {transform_indices = #map}, {transform_indices = #map}]} {
    %mul3A = arith.constant 2 : i32
    %mul3A_0 = arith.muli %arg1, %mul3A : i32
    %add3A = arith.addi %mul3A_0, %arg0 : i32
    %mul3A_1 = arith.constant 128 : i32
    %mul3A_2 = arith.muli %add3A, %mul3A_1 : i32
    "tpu.region"() ({
      %run_scoped3A = tpu.sem_alloc : memref<!tpu.dma_semaphore, #tpu.memory_space<semaphore_mem>>
      tpu.enqueue_dma source(%arg4 : memref<200x128xf32, #tpu.memory_space<hbm>>) target(%arg26 : memref<200x128xf32, #tpu.memory_space<vmem>>) target_semaphore(%run_scoped3A : memref<!tpu.dma_semaphore, #tpu.memory_space<semaphore_mem>>)
      tpu.wait_dma2 semaphore(%run_scoped3A : memref<!tpu.dma_semaphore, #tpu.memory_space<semaphore_mem>>) src(%arg4 : memref<200x128xf32, #tpu.memory_space<hbm>>) dst(%arg26 : memref<200x128xf32, #tpu.memory_space<vmem>>)
      tpu.yield
    }) : () -> ()
    %add3A_3 = arith.constant 0 : i32
    %add3A_4 = arith.addi %mul3A_2, %add3A_3 : i32
    %dma_start3A = arith.constant 0 : i32
    %dma_start3A_5 = tpu.memref_slice %arg2[%add3A_4, %dma_start3A] : memref<4096x200xi32, #tpu.memory_space<hbm>> -> memref<1x200xi32, #tpu.memory_space<hbm>>
    %dma_start3A_6 = tpu.memref_squeeze %dma_start3A_5 : memref<1x200xi32, #tpu.memory_space<hbm>> -> memref<200xi32, #tpu.memory_space<hbm>>
    %dma_start3A_7 = arith.constant 0 : i32
    %dma_start3A_8 = tpu.memref_slice %arg2[%add3A_4, %dma_start3A_7] : memref<4096x200xi32, #tpu.memory_space<hbm>> -> memref<1x200xi32, #tpu.memory_space<hbm>>
    %dma_start3A_9 = tpu.memref_squeeze %dma_start3A_8 : memref<1x200xi32, #tpu.memory_space<hbm>> -> memref<200xi32, #tpu.memory_space<hbm>>
    tpu.enqueue_dma source(%dma_start3A_9 : memref<200xi32, #tpu.memory_space<hbm>>) target(%arg10 : memref<200xi32, #tpu.memory_space<vmem>>) target_semaphore(%arg22 : memref<!tpu.dma_semaphore, #tpu.memory_space<semaphore_mem>>)
    %add3A_10 = arith.constant 1 : i32
    %add3A_11 = arith.addi %mul3A_2, %add3A_10 : i32
    %dma_start3A_12 = arith.constant 0 : i32
    %dma_start3A_13 = tpu.memref_slice %arg2[%add3A_11, %dma_start3A_12] : memref<4096x200xi32, #tpu.memory_space<hbm>> -> memref<1x200xi32, #tpu.memory_space<hbm>>
    %dma_start3A_14 = tpu.memref_squeeze %dma_start3A_13 : memref<1x200xi32, #tpu.memory_space<hbm>> -> memref<200xi32, #tpu.memory_space<hbm>>
    %dma_start3A_15 = arith.constant 0 : i32
    %dma_start3A_16 = tpu.memref_slice %arg2[%add3A_11, %dma_start3A_15] : memref<4096x200xi32, #tpu.memory_space<hbm>> -> memref<1x200xi32, #tpu.memory_space<hbm>>
    %dma_start3A_17 = tpu.memref_squeeze %dma_start3A_16 : memref<1x200xi32, #tpu.memory_space<hbm>> -> memref<200xi32, #tpu.memory_space<hbm>>
    tpu.enqueue_dma source(%dma_start3A_17 : memref<200xi32, #tpu.memory_space<hbm>>) target(%arg11 : memref<200xi32, #tpu.memory_space<vmem>>) target_semaphore(%arg23 : memref<!tpu.dma_semaphore, #tpu.memory_space<semaphore_mem>>)
    %dma_wait3A = arith.constant 0 : i32
    %dma_wait3A_18 = arith.constant 0 : i32
    %dma_wait3A_19 = tpu.memref_slice %arg2[%dma_wait3A, %dma_wait3A_18] : memref<4096x200xi32, #tpu.memory_space<hbm>> -> memref<1x200xi32, #tpu.memory_space<hbm>>
    %dma_wait3A_20 = tpu.memref_squeeze %dma_wait3A_19 : memref<1x200xi32, #tpu.memory_space<hbm>> -> memref<200xi32, #tpu.memory_space<hbm>>
    %dma_wait3A_21 = arith.constant 0 : i32
    %dma_wait3A_22 = tpu.memref_slice %arg2[%dma_wait3A, %dma_wait3A_21] : memref<4096x200xi32, #tpu.memory_space<hbm>> -> memref<1x200xi32, #tpu.memory_space<hbm>>
    %dma_wait3A_23 = tpu.memref_squeeze %dma_wait3A_22 : memref<1x200xi32, #tpu.memory_space<hbm>> -> memref<200xi32, #tpu.memory_space<hbm>>
    tpu.wait_dma2 semaphore(%arg22 : memref<!tpu.dma_semaphore, #tpu.memory_space<semaphore_mem>>) src(%dma_wait3A_23 : memref<200xi32, #tpu.memory_space<hbm>>) dst(%arg10 : memref<200xi32, #tpu.memory_space<vmem>>)
    %dma_start3A_24 = arith.constant 0 : i32
    %dma_start3A_25 = arith.constant 0 : i32
    %dma_start3A_26 = tpu.memref_slice %arg6[%dma_start3A_24, %dma_start3A_25] : memref<200x128xf32, #tpu.memory_space<vmem>> -> memref<128x128xf32, #tpu.memory_space<vmem>>
    %dma_start3A_27 = arith.constant 0 : i32
    %dma_start3A_28 = tpu.memref_slice %arg10[%dma_start3A_27] : memref<200xi32, #tpu.memory_space<vmem>> -> memref<128xi32, #tpu.memory_space<vmem>>
    %dma_start3A_29 = arith.constant 0 : i32
    %dma_start3A_30 = arith.constant 0 : i32
    %dma_start3A_31 = tpu.memref_slice %arg3[%dma_start3A_29, %dma_start3A_30] : memref<100000x128xf32, #tpu.memory_space<hbm>> -> memref<100000x128xf32, #tpu.memory_space<hbm>>
    tpu.enqueue_indirect_dma source(%dma_start3A_31 : memref<100000x128xf32, #tpu.memory_space<hbm>>) target(%dma_start3A_26 : memref<128x128xf32, #tpu.memory_space<vmem>>) offsets(%dma_start3A_28 : memref<128xi32, #tpu.memory_space<vmem>>) semaphore(%arg14 : memref<!tpu.dma_semaphore, #tpu.memory_space<semaphore_mem>>)
    %dma_start3A_32 = arith.constant 128 : i32
    %dma_start3A_33 = arith.constant 0 : i32
    %dma_start3A_34 = tpu.memref_slice %arg6[%dma_start3A_32, %dma_start3A_33] : memref<200x128xf32, #tpu.memory_space<vmem>> -> memref<72x128xf32, #tpu.memory_space<vmem>>
    %dma_start3A_35 = arith.constant 128 : i32
    %dma_start3A_36 = tpu.memref_slice %arg10[%dma_start3A_35] : memref<200xi32, #tpu.memory_space<vmem>> -> memref<72xi32, #tpu.memory_space<vmem>>
    %dma_start3A_37 = arith.constant 0 : i32
    %dma_start3A_38 = arith.constant 0 : i32
    %dma_start3A_39 = tpu.memref_slice %arg3[%dma_start3A_37, %dma_start3A_38] : memref<100000x128xf32, #tpu.memory_space<hbm>> -> memref<100000x128xf32, #tpu.memory_space<hbm>>
    tpu.enqueue_indirect_dma source(%dma_start3A_39 : memref<100000x128xf32, #tpu.memory_space<hbm>>) target(%dma_start3A_34 : memref<72x128xf32, #tpu.memory_space<vmem>>) offsets(%dma_start3A_36 : memref<72xi32, #tpu.memory_space<vmem>>) semaphore(%arg14 : memref<!tpu.dma_semaphore, #tpu.memory_space<semaphore_mem>>)
    %dma_wait3A_40 = arith.constant 0 : i32
    %dma_wait3A_41 = arith.constant 0 : i32
    %dma_wait3A_42 = tpu.memref_slice %arg2[%dma_wait3A_40, %dma_wait3A_41] : memref<4096x200xi32, #tpu.memory_space<hbm>> -> memref<1x200xi32, #tpu.memory_space<hbm>>
    %dma_wait3A_43 = tpu.memref_squeeze %dma_wait3A_42 : memref<1x200xi32, #tpu.memory_space<hbm>> -> memref<200xi32, #tpu.memory_space<hbm>>
    %dma_wait3A_44 = arith.constant 0 : i32
    %dma_wait3A_45 = tpu.memref_slice %arg2[%dma_wait3A_40, %dma_wait3A_44] : memref<4096x200xi32, #tpu.memory_space<hbm>> -> memref<1x200xi32, #tpu.memory_space<hbm>>
    %dma_wait3A_46 = tpu.memref_squeeze %dma_wait3A_45 : memref<1x200xi32, #tpu.memory_space<hbm>> -> memref<200xi32, #tpu.memory_space<hbm>>
    tpu.wait_dma2 semaphore(%arg23 : memref<!tpu.dma_semaphore, #tpu.memory_space<semaphore_mem>>) src(%dma_wait3A_46 : memref<200xi32, #tpu.memory_space<hbm>>) dst(%arg11 : memref<200xi32, #tpu.memory_space<vmem>>)
    %dma_start3A_47 = arith.constant 0 : i32
    %dma_start3A_48 = arith.constant 0 : i32
    %dma_start3A_49 = tpu.memref_slice %arg7[%dma_start3A_47, %dma_start3A_48] : memref<200x128xf32, #tpu.memory_space<vmem>> -> memref<128x128xf32, #tpu.memory_space<vmem>>
    %dma_start3A_50 = arith.constant 0 : i32
    %dma_start3A_51 = tpu.memref_slice %arg11[%dma_start3A_50] : memref<200xi32, #tpu.memory_space<vmem>> -> memref<128xi32, #tpu.memory_space<vmem>>
    %dma_start3A_52 = arith.constant 0 : i32
    %dma_start3A_53 = arith.constant 0 : i32
    %dma_start3A_54 = tpu.memref_slice %arg3[%dma_start3A_52, %dma_start3A_53] : memref<100000x128xf32, #tpu.memory_space<hbm>> -> memref<100000x128xf32, #tpu.memory_space<hbm>>
    tpu.enqueue_indirect_dma source(%dma_start3A_54 : memref<100000x128xf32, #tpu.memory_space<hbm>>) target(%dma_start3A_49 : memref<128x128xf32, #tpu.memory_space<vmem>>) offsets(%dma_start3A_51 : memref<128xi32, #tpu.memory_space<vmem>>) semaphore(%arg15 : memref<!tpu.dma_semaphore, #tpu.memory_space<semaphore_mem>>)
    %dma_start3A_55 = arith.constant 128 : i32
    %dma_start3A_56 = arith.constant 0 : i32
    %dma_start3A_57 = tpu.memref_slice %arg7[%dma_start3A_55, %dma_start3A_56] : memref<200x128xf32, #tpu.memory_space<vmem>> -> memref<72x128xf32, #tpu.memory_space<vmem>>
    %dma_start3A_58 = arith.constant 128 : i32
    %dma_start3A_59 = tpu.memref_slice %arg11[%dma_start3A_58] : memref<200xi32, #tpu.memory_space<vmem>> -> memref<72xi32, #tpu.memory_space<vmem>>
    %dma_start3A_60 = arith.constant 0 : i32
    %dma_start3A_61 = arith.constant 0 : i32
    %dma_start3A_62 = tpu.memref_slice %arg3[%dma_start3A_60, %dma_start3A_61] : memref<100000x128xf32, #tpu.memory_space<hbm>> -> memref<100000x128xf32, #tpu.memory_space<hbm>>
    tpu.enqueue_indirect_dma source(%dma_start3A_62 : memref<100000x128xf32, #tpu.memory_space<hbm>>) target(%dma_start3A_57 : memref<72x128xf32, #tpu.memory_space<vmem>>) offsets(%dma_start3A_59 : memref<72xi32, #tpu.memory_space<vmem>>) semaphore(%arg15 : memref<!tpu.dma_semaphore, #tpu.memory_space<semaphore_mem>>)
    %add3A_63 = arith.constant 2 : i32
    %add3A_64 = arith.addi %mul3A_2, %add3A_63 : i32
    %dma_start3A_65 = arith.constant 0 : i32
    %dma_start3A_66 = tpu.memref_slice %arg2[%add3A_64, %dma_start3A_65] : memref<4096x200xi32, #tpu.memory_space<hbm>> -> memref<1x200xi32, #tpu.memory_space<hbm>>
    %dma_start3A_67 = tpu.memref_squeeze %dma_start3A_66 : memref<1x200xi32, #tpu.memory_space<hbm>> -> memref<200xi32, #tpu.memory_space<hbm>>
    %dma_start3A_68 = arith.constant 0 : i32
    %dma_start3A_69 = tpu.memref_slice %arg2[%add3A_64, %dma_start3A_68] : memref<4096x200xi32, #tpu.memory_space<hbm>> -> memref<1x200xi32, #tpu.memory_space<hbm>>
    %dma_start3A_70 = tpu.memref_squeeze %dma_start3A_69 : memref<1x200xi32, #tpu.memory_space<hbm>> -> memref<200xi32, #tpu.memory_space<hbm>>
    tpu.enqueue_dma source(%dma_start3A_70 : memref<200xi32, #tpu.memory_space<hbm>>) target(%arg12 : memref<200xi32, #tpu.memory_space<vmem>>) target_semaphore(%arg24 : memref<!tpu.dma_semaphore, #tpu.memory_space<semaphore_mem>>)
    %dma_wait3A_71 = arith.constant 0 : i32
    %dma_wait3A_72 = arith.constant 0 : i32
    %dma_wait3A_73 = tpu.memref_slice %arg2[%dma_wait3A_71, %dma_wait3A_72] : memref<4096x200xi32, #tpu.memory_space<hbm>> -> memref<1x200xi32, #tpu.memory_space<hbm>>
    %dma_wait3A_74 = tpu.memref_squeeze %dma_wait3A_73 : memref<1x200xi32, #tpu.memory_space<hbm>> -> memref<200xi32, #tpu.memory_space<hbm>>
    %dma_wait3A_75 = arith.constant 0 : i32
    %dma_wait3A_76 = tpu.memref_slice %arg2[%dma_wait3A_71, %dma_wait3A_75] : memref<4096x200xi32, #tpu.memory_space<hbm>> -> memref<1x200xi32, #tpu.memory_space<hbm>>
    %dma_wait3A_77 = tpu.memref_squeeze %dma_wait3A_76 : memref<1x200xi32, #tpu.memory_space<hbm>> -> memref<200xi32, #tpu.memory_space<hbm>>
    tpu.wait_dma2 semaphore(%arg24 : memref<!tpu.dma_semaphore, #tpu.memory_space<semaphore_mem>>) src(%dma_wait3A_77 : memref<200xi32, #tpu.memory_space<hbm>>) dst(%arg12 : memref<200xi32, #tpu.memory_space<vmem>>)
    %dma_start3A_78 = arith.constant 0 : i32
    %dma_start3A_79 = arith.constant 0 : i32
    %dma_start3A_80 = tpu.memref_slice %arg8[%dma_start3A_78, %dma_start3A_79] : memref<200x128xf32, #tpu.memory_space<vmem>> -> memref<128x128xf32, #tpu.memory_space<vmem>>
    %dma_start3A_81 = arith.constant 0 : i32
    %dma_start3A_82 = tpu.memref_slice %arg12[%dma_start3A_81] : memref<200xi32, #tpu.memory_space<vmem>> -> memref<128xi32, #tpu.memory_space<vmem>>
    %dma_start3A_83 = arith.constant 0 : i32
    %dma_start3A_84 = arith.constant 0 : i32
    %dma_start3A_85 = tpu.memref_slice %arg3[%dma_start3A_83, %dma_start3A_84] : memref<100000x128xf32, #tpu.memory_space<hbm>> -> memref<100000x128xf32, #tpu.memory_space<hbm>>
    tpu.enqueue_indirect_dma source(%dma_start3A_85 : memref<100000x128xf32, #tpu.memory_space<hbm>>) target(%dma_start3A_80 : memref<128x128xf32, #tpu.memory_space<vmem>>) offsets(%dma_start3A_82 : memref<128xi32, #tpu.memory_space<vmem>>) semaphore(%arg16 : memref<!tpu.dma_semaphore, #tpu.memory_space<semaphore_mem>>)
    %dma_start3A_86 = arith.constant 128 : i32
    %dma_start3A_87 = arith.constant 0 : i32
    %dma_start3A_88 = tpu.memref_slice %arg8[%dma_start3A_86, %dma_start3A_87] : memref<200x128xf32, #tpu.memory_space<vmem>> -> memref<72x128xf32, #tpu.memory_space<vmem>>
    %dma_start3A_89 = arith.constant 128 : i32
    %dma_start3A_90 = tpu.memref_slice %arg12[%dma_start3A_89] : memref<200xi32, #tpu.memory_space<vmem>> -> memref<72xi32, #tpu.memory_space<vmem>>
    %dma_start3A_91 = arith.constant 0 : i32
    %dma_start3A_92 = arith.constant 0 : i32
    %dma_start3A_93 = tpu.memref_slice %arg3[%dma_start3A_91, %dma_start3A_92] : memref<100000x128xf32, #tpu.memory_space<hbm>> -> memref<100000x128xf32, #tpu.memory_space<hbm>>
    tpu.enqueue_indirect_dma source(%dma_start3A_93 : memref<100000x128xf32, #tpu.memory_space<hbm>>) target(%dma_start3A_88 : memref<72x128xf32, #tpu.memory_space<vmem>>) offsets(%dma_start3A_90 : memref<72xi32, #tpu.memory_space<vmem>>) semaphore(%arg16 : memref<!tpu.dma_semaphore, #tpu.memory_space<semaphore_mem>>)
    %add3A_94 = arith.constant 3 : i32
    %add3A_95 = arith.addi %mul3A_2, %add3A_94 : i32
    %dma_start3A_96 = arith.constant 0 : i32
    %dma_start3A_97 = tpu.memref_slice %arg2[%add3A_95, %dma_start3A_96] : memref<4096x200xi32, #tpu.memory_space<hbm>> -> memref<1x200xi32, #tpu.memory_space<hbm>>
    %dma_start3A_98 = tpu.memref_squeeze %dma_start3A_97 : memref<1x200xi32, #tpu.memory_space<hbm>> -> memref<200xi32, #tpu.memory_space<hbm>>
    %dma_start3A_99 = arith.constant 0 : i32
    %dma_start3A_100 = tpu.memref_slice %arg2[%add3A_95, %dma_start3A_99] : memref<4096x200xi32, #tpu.memory_space<hbm>> -> memref<1x200xi32, #tpu.memory_space<hbm>>
    %dma_start3A_101 = tpu.memref_squeeze %dma_start3A_100 : memref<1x200xi32, #tpu.memory_space<hbm>> -> memref<200xi32, #tpu.memory_space<hbm>>
    tpu.enqueue_dma source(%dma_start3A_101 : memref<200xi32, #tpu.memory_space<hbm>>) target(%arg13 : memref<200xi32, #tpu.memory_space<vmem>>) target_semaphore(%arg25 : memref<!tpu.dma_semaphore, #tpu.memory_space<semaphore_mem>>)
    %dma_wait3A_102 = arith.constant 0 : i32
    %dma_wait3A_103 = arith.constant 0 : i32
    %dma_wait3A_104 = tpu.memref_slice %arg6[%dma_wait3A_102, %dma_wait3A_103] : memref<200x128xf32, #tpu.memory_space<vmem>> -> memref<128x128xf32, #tpu.memory_space<vmem>>
    %dma_wait3A_105 = arith.constant 0 : i32
    %dma_wait3A_106 = tpu.memref_slice %arg10[%dma_wait3A_105] : memref<200xi32, #tpu.memory_space<vmem>> -> memref<128xi32, #tpu.memory_space<vmem>>
    %dma_wait3A_107 = arith.constant 0 : i32
    %dma_wait3A_108 = arith.constant 0 : i32
    %dma_wait3A_109 = tpu.memref_slice %arg3[%dma_wait3A_107, %dma_wait3A_108] : memref<100000x128xf32, #tpu.memory_space<hbm>> -> memref<100000x128xf32, #tpu.memory_space<hbm>>
    tpu.wait_indirect_dma semaphore(%arg14 : memref<!tpu.dma_semaphore, #tpu.memory_space<semaphore_mem>>) src(%dma_wait3A_109 : memref<100000x128xf32, #tpu.memory_space<hbm>>) dst(%dma_wait3A_104 : memref<128x128xf32, #tpu.memory_space<vmem>>)
    %dma_wait3A_110 = arith.constant 128 : i32
    %dma_wait3A_111 = arith.constant 0 : i32
    %dma_wait3A_112 = tpu.memref_slice %arg6[%dma_wait3A_110, %dma_wait3A_111] : memref<200x128xf32, #tpu.memory_space<vmem>> -> memref<72x128xf32, #tpu.memory_space<vmem>>
    %dma_wait3A_113 = arith.constant 128 : i32
    %dma_wait3A_114 = tpu.memref_slice %arg10[%dma_wait3A_113] : memref<200xi32, #tpu.memory_space<vmem>> -> memref<72xi32, #tpu.memory_space<vmem>>
    %dma_wait3A_115 = arith.constant 0 : i32
    %dma_wait3A_116 = arith.constant 0 : i32
    %dma_wait3A_117 = tpu.memref_slice %arg3[%dma_wait3A_115, %dma_wait3A_116] : memref<100000x128xf32, #tpu.memory_space<hbm>> -> memref<100000x128xf32, #tpu.memory_space<hbm>>
    tpu.wait_indirect_dma semaphore(%arg14 : memref<!tpu.dma_semaphore, #tpu.memory_space<semaphore_mem>>) src(%dma_wait3A_117 : memref<100000x128xf32, #tpu.memory_space<hbm>>) dst(%dma_wait3A_112 : memref<72x128xf32, #tpu.memory_space<vmem>>)
    %scan3A = arith.constant 0 : i32
    %scan3A_118 = arith.constant 0 : i32
    %scan3A_119 = arith.constant 50 : i32
    %scan3A_120 = arith.addi %scan3A_118, %scan3A_119 : i32
    %scan3A_121 = arith.constant 1 : i32
    scf.for %scan3A_282 = %scan3A_118 to %scan3A_120 step %scan3A_121  : i32 {
      %mul3A_283 = arith.constant 4 : i32
      %mul3A_284 = arith.muli %scan3A_282, %mul3A_283 : i32
      %add3A_285 = arith.constant 0 : i32
      %add3A_286 = arith.addi %mul3A_284, %add3A_285 : i32
      %add3A_287 = arith.constant 0 : i32
      %add3A_288 = arith.addi %mul3A_284, %add3A_287 : i32
      %get3A = arith.index_cast %add3A_288 : i32 to index
      %get3A_289 = arith.constant 0 : index
      %get3A_290 = tpu.vector_load %arg26[%get3A, %get3A_289] {strides = array<i32>} : memref<200x128xf32, #tpu.memory_space<vmem>>, vector<1x16xf32>,
      %get3A_291 = vector.shape_cast %get3A_290 : vector<1x16xf32> to vector<16xf32>
      %swap3A = arith.index_cast %add3A_286 : i32 to index
      %swap3A_292 = arith.constant 0 : index
      %swap3A_293 = tpu.vector_load %arg6[%swap3A, %swap3A_292] {strides = array<i32>} : memref<200x128xf32, #tpu.memory_space<vmem>>, vector<1x16xf32>,
      %swap3A_294 = vector.shape_cast %swap3A_293 : vector<1x16xf32> to vector<16xf32>
      %swap3A_295 = vector.shape_cast %get3A_291 : vector<16xf32> to vector<1x16xf32>
      tpu.vector_store %arg6[%swap3A, %swap3A_292], %swap3A_295 {add = true, strides = array<i32>} : memref<200x128xf32, #tpu.memory_space<vmem>>, vector<1x16xf32>,
      %add3A_296 = arith.constant 0 : i32
      %add3A_297 = arith.addi %mul3A_284, %add3A_296 : i32
      %add3A_298 = arith.constant 0 : i32
      %add3A_299 = arith.addi %mul3A_284, %add3A_298 : i32
      %get3A_300 = arith.index_cast %add3A_299 : i32 to index
      %get3A_301 = arith.constant 16 : index
      %get3A_302 = tpu.vector_load %arg26[%get3A_300, %get3A_301] {strides = array<i32>} : memref<200x128xf32, #tpu.memory_space<vmem>>, vector<1x16xf32>,
      %get3A_303 = vector.shape_cast %get3A_302 : vector<1x16xf32> to vector<16xf32>
      %swap3A_304 = arith.index_cast %add3A_297 : i32 to index
      %swap3A_305 = arith.constant 16 : index
      %swap3A_306 = tpu.vector_load %arg6[%swap3A_304, %swap3A_305] {strides = array<i32>} : memref<200x128xf32, #tpu.memory_space<vmem>>, vector<1x16xf32>,
      %swap3A_307 = vector.shape_cast %swap3A_306 : vector<1x16xf32> to vector<16xf32>
      %swap3A_308 = vector.shape_cast %get3A_303 : vector<16xf32> to vector<1x16xf32>
      tpu.vector_store %arg6[%swap3A_304, %swap3A_305], %swap3A_308 {add = true, strides = array<i32>} : memref<200x128xf32, #tpu.memory_space<vmem>>, vector<1x16xf32>,
      %add3A_309 = arith.constant 0 : i32
      %add3A_310 = arith.addi %mul3A_284, %add3A_309 : i32
      %add3A_311 = arith.constant 0 : i32
      %add3A_312 = arith.addi %mul3A_284, %add3A_311 : i32
      %get3A_313 = arith.index_cast %add3A_312 : i32 to index
      %get3A_314 = arith.constant 32 : index
      %get3A_315 = tpu.vector_load %arg26[%get3A_313, %get3A_314] {strides = array<i32>} : memref<200x128xf32, #tpu.memory_space<vmem>>, vector<1x16xf32>,
      %get3A_316 = vector.shape_cast %get3A_315 : vector<1x16xf32> to vector<16xf32>
      %swap3A_317 = arith.index_cast %add3A_310 : i32 to index
      %swap3A_318 = arith.constant 32 : index
      %swap3A_319 = tpu.vector_load %arg6[%swap3A_317, %swap3A_318] {strides = array<i32>} : memref<200x128xf32, #tpu.memory_space<vmem>>, vector<1x16xf32>,
      %swap3A_320 = vector.shape_cast %swap3A_319 : vector<1x16xf32> to vector<16xf32>
      %swap3A_321 = vector.shape_cast %get3A_316 : vector<16xf32> to vector<1x16xf32>
      tpu.vector_store %arg6[%swap3A_317, %swap3A_318], %swap3A_321 {add = true, strides = array<i32>} : memref<200x128xf32, #tpu.memory_space<vmem>>, vector<1x16xf32>,
      %add3A_322 = arith.constant 0 : i32
      %add3A_323 = arith.addi %mul3A_284, %add3A_322 : i32
      %add3A_324 = arith.constant 0 : i32
      %add3A_325 = arith.addi %mul3A_284, %add3A_324 : i32
      %get3A_326 = arith.index_cast %add3A_325 : i32 to index
      %get3A_327 = arith.constant 48 : index
      %get3A_328 = tpu.vector_load %arg26[%get3A_326, %get3A_327] {strides = array<i32>} : memref<200x128xf32, #tpu.memory_space<vmem>>, vector<1x16xf32>,
      %get3A_329 = vector.shape_cast %get3A_328 : vector<1x16xf32> to vector<16xf32>
      %swap3A_330 = arith.index_cast %add3A_323 : i32 to index
      %swap3A_331 = arith.constant 48 : index
      %swap3A_332 = tpu.vector_load %arg6[%swap3A_330, %swap3A_331] {strides = array<i32>} : memref<200x128xf32, #tpu.memory_space<vmem>>, vector<1x16xf32>,
      %swap3A_333 = vector.shape_cast %swap3A_332 : vector<1x16xf32> to vector<16xf32>
      %swap3A_334 = vector.shape_cast %get3A_329 : vector<16xf32> to vector<1x16xf32>
      tpu.vector_store %arg6[%swap3A_330, %swap3A_331], %swap3A_334 {add = true, strides = array<i32>} : memref<200x128xf32, #tpu.memory_space<vmem>>, vector<1x16xf32>,
      %add3A_335 = arith.constant 0 : i32
      %add3A_336 = arith.addi %mul3A_284, %add3A_335 : i32
      %add3A_337 = arith.constant 0 : i32
      %add3A_338 = arith.addi %mul3A_284, %add3A_337 : i32
      %get3A_339 = arith.index_cast %add3A_338 : i32 to index
      %get3A_340 = arith.constant 64 : index
      %get3A_341 = tpu.vector_load %arg26[%get3A_339, %get3A_340] {strides = array<i32>} : memref<200x128xf32, #tpu.memory_space<vmem>>, vector<1x16xf32>,
      %get3A_342 = vector.shape_cast %get3A_341 : vector<1x16xf32> to vector<16xf32>
      %swap3A_343 = arith.index_cast %add3A_336 : i32 to index
      %swap3A_344 = arith.constant 64 : index
      %swap3A_345 = tpu.vector_load %arg6[%swap3A_343, %swap3A_344] {strides = array<i32>} : memref<200x128xf32, #tpu.memory_space<vmem>>, vector<1x16xf32>,
      %swap3A_346 = vector.shape_cast %swap3A_345 : vector<1x16xf32> to vector<16xf32>
      %swap3A_347 = vector.shape_cast %get3A_342 : vector<16xf32> to vector<1x16xf32>
      tpu.vector_store %arg6[%swap3A_343, %swap3A_344], %swap3A_347 {add = true, strides = array<i32>} : memref<200x128xf32, #tpu.memory_space<vmem>>, vector<1x16xf32>,
      %add3A_348 = arith.constant 0 : i32
      %add3A_349 = arith.addi %mul3A_284, %add3A_348 : i32
      %add3A_350 = arith.constant 0 : i32
      %add3A_351 = arith.addi %mul3A_284, %add3A_350 : i32
      %get3A_352 = arith.index_cast %add3A_351 : i32 to index
      %get3A_353 = arith.constant 80 : index
      %get3A_354 = tpu.vector_load %arg26[%get3A_352, %get3A_353] {strides = array<i32>} : memref<200x128xf32, #tpu.memory_space<vmem>>, vector<1x16xf32>,
      %get3A_355 = vector.shape_cast %get3A_354 : vector<1x16xf32> to vector<16xf32>
      %swap3A_356 = arith.index_cast %add3A_349 : i32 to index
      %swap3A_357 = arith.constant 80 : index
      %swap3A_358 = tpu.vector_load %arg6[%swap3A_356, %swap3A_357] {strides = array<i32>} : memref<200x128xf32, #tpu.memory_space<vmem>>, vector<1x16xf32>,
      %swap3A_359 = vector.shape_cast %swap3A_358 : vector<1x16xf32> to vector<16xf32>
      %swap3A_360 = vector.shape_cast %get3A_355 : vector<16xf32> to vector<1x16xf32>
      tpu.vector_store %arg6[%swap3A_356, %swap3A_357], %swap3A_360 {add = true, strides = array<i32>} : memref<200x128xf32, #tpu.memory_space<vmem>>, vector<1x16xf32>,
      %add3A_361 = arith.constant 0 : i32
      %add3A_362 = arith.addi %mul3A_284, %add3A_361 : i32
      %add3A_363 = arith.constant 0 : i32
      %add3A_364 = arith.addi %mul3A_284, %add3A_363 : i32
      %get3A_365 = arith.index_cast %add3A_364 : i32 to index
      %get3A_366 = arith.constant 96 : index
      %get3A_367 = tpu.vector_load %arg26[%get3A_365, %get3A_366] {strides = array<i32>} : memref<200x128xf32, #tpu.memory_space<vmem>>, vector<1x16xf32>,
      %get3A_368 = vector.shape_cast %get3A_367 : vector<1x16xf32> to vector<16xf32>
      %swap3A_369 = arith.index_cast %add3A_362 : i32 to index
      %swap3A_370 = arith.constant 96 : index
      %swap3A_371 = tpu.vector_load %arg6[%swap3A_369, %swap3A_370] {strides = array<i32>} : memref<200x128xf32, #tpu.memory_space<vmem>>, vector<1x16xf32>,
      %swap3A_372 = vector.shape_cast %swap3A_371 : vector<1x16xf32> to vector<16xf32>
      %swap3A_373 = vector.shape_cast %get3A_368 : vector<16xf32> to vector<1x16xf32>
      tpu.vector_store %arg6[%swap3A_369, %swap3A_370], %swap3A_373 {add = true, strides = array<i32>} : memref<200x128xf32, #tpu.memory_space<vmem>>, vector<1x16xf32>,
      %add3A_374 = arith.constant 0 : i32
      %add3A_375 = arith.addi %mul3A_284, %add3A_374 : i32
      %add3A_376 = arith.constant 0 : i32
      %add3A_377 = arith.addi %mul3A_284, %add3A_376 : i32
      %get3A_378 = arith.index_cast %add3A_377 : i32 to index
      %get3A_379 = arith.constant 112 : index
      %get3A_380 = tpu.vector_load %arg26[%get3A_378, %get3A_379] {strides = array<i32>} : memref<200x128xf32, #tpu.memory_space<vmem>>, vector<1x16xf32>,
      %get3A_381 = vector.shape_cast %get3A_380 : vector<1x16xf32> to vector<16xf32>
      %swap3A_382 = arith.index_cast %add3A_375 : i32 to index
      %swap3A_383 = arith.constant 112 : index
      %swap3A_384 = tpu.vector_load %arg6[%swap3A_382, %swap3A_383] {strides = array<i32>} : memref<200x128xf32, #tpu.memory_space<vmem>>, vector<1x16xf32>,
      %swap3A_385 = vector.shape_cast %swap3A_384 : vector<1x16xf32> to vector<16xf32>
      %swap3A_386 = vector.shape_cast %get3A_381 : vector<16xf32> to vector<1x16xf32>
      tpu.vector_store %arg6[%swap3A_382, %swap3A_383], %swap3A_386 {add = true, strides = array<i32>} : memref<200x128xf32, #tpu.memory_space<vmem>>, vector<1x16xf32>,
      %add3A_387 = arith.constant 1 : i32
      %add3A_388 = arith.addi %mul3A_284, %add3A_387 : i32
      %add3A_389 = arith.constant 1 : i32
      %add3A_390 = arith.addi %mul3A_284, %add3A_389 : i32
      %get3A_391 = arith.index_cast %add3A_390 : i32 to index
      %get3A_392 = arith.constant 0 : index
      %get3A_393 = tpu.vector_load %arg26[%get3A_391, %get3A_392] {strides = array<i32>} : memref<200x128xf32, #tpu.memory_space<vmem>>, vector<1x16xf32>,
      %get3A_394 = vector.shape_cast %get3A_393 : vector<1x16xf32> to vector<16xf32>
      %swap3A_395 = arith.index_cast %add3A_388 : i32 to index
      %swap3A_396 = arith.constant 0 : index
      %swap3A_397 = tpu.vector_load %arg6[%swap3A_395, %swap3A_396] {strides = array<i32>} : memref<200x128xf32, #tpu.memory_space<vmem>>, vector<1x16xf32>,
      %swap3A_398 = vector.shape_cast %swap3A_397 : vector<1x16xf32> to vector<16xf32>
      %swap3A_399 = vector.shape_cast %get3A_394 : vector<16xf32> to vector<1x16xf32>
      tpu.vector_store %arg6[%swap3A_395, %swap3A_396], %swap3A_399 {add = true, strides = array<i32>} : memref<200x128xf32, #tpu.memory_space<vmem>>, vector<1x16xf32>,
      %add3A_400 = arith.constant 1 : i32
      %add3A_401 = arith.addi %mul3A_284, %add3A_400 : i32
      %add3A_402 = arith.constant 1 : i32
      %add3A_403 = arith.addi %mul3A_284, %add3A_402 : i32
      %get3A_404 = arith.index_cast %add3A_403 : i32 to index
      %get3A_405 = arith.constant 16 : index
      %get3A_406 = tpu.vector_load %arg26[%get3A_404, %get3A_405] {strides = array<i32>} : memref<200x128xf32, #tpu.memory_space<vmem>>, vector<1x16xf32>,
      %get3A_407 = vector.shape_cast %get3A_406 : vector<1x16xf32> to vector<16xf32>
      %swap3A_408 = arith.index_cast %add3A_401 : i32 to index
      %swap3A_409 = arith.constant 16 : index
      %swap3A_410 = tpu.vector_load %arg6[%swap3A_408, %swap3A_409] {strides = array<i32>} : memref<200x128xf32, #tpu.memory_space<vmem>>, vector<1x16xf32>,
      %swap3A_411 = vector.shape_cast %swap3A_410 : vector<1x16xf32> to vector<16xf32>
      %swap3A_412 = vector.shape_cast %get3A_407 : vector<16xf32> to vector<1x16xf32>
      tpu.vector_store %arg6[%swap3A_408, %swap3A_409], %swap3A_412 {add = true, strides = array<i32>} : memref<200x128xf32, #tpu.memory_space<vmem>>, vector<1x16xf32>,
      %add3A_413 = arith.constant 1 : i32
      %add3A_414 = arith.addi %mul3A_284, %add3A_413 : i32
      %add3A_415 = arith.constant 1 : i32
      %add3A_416 = arith.addi %mul3A_284, %add3A_415 : i32
      %get3A_417 = arith.index_cast %add3A_416 : i32 to index
      %get3A_418 = arith.constant 32 : index
      %get3A_419 = tpu.vector_load %arg26[%get3A_417, %get3A_418] {strides = array<i32>} : memref<200x128xf32, #tpu.memory_space<vmem>>, vector<1x16xf32>,
      %get3A_420 = vector.shape_cast %get3A_419 : vector<1x16xf32> to vector<16xf32>
      %swap3A_421 = arith.index_cast %add3A_414 : i32 to index
      %swap3A_422 = arith.constant 32 : index
      %swap3A_423 = tpu.vector_load %arg6[%swap3A_421, %swap3A_422] {strides = array<i32>} : memref<200x128xf32, #tpu.memory_space<vmem>>, vector<1x16xf32>,
      %swap3A_424 = vector.shape_cast %swap3A_423 : vector<1x16xf32> to vector<16xf32>
      %swap3A_425 = vector.shape_cast %get3A_420 : vector<16xf32> to vector<1x16xf32>
      tpu.vector_store %arg6[%swap3A_421, %swap3A_422], %swap3A_425 {add = true, strides = array<i32>} : memref<200x128xf32, #tpu.memory_space<vmem>>, vector<1x16xf32>,
      %add3A_426 = arith.constant 1 : i32
      %add3A_427 = arith.addi %mul3A_284, %add3A_426 : i32
      %add3A_428 = arith.constant 1 : i32
      %add3A_429 = arith.addi %mul3A_284, %add3A_428 : i32
      %get3A_430 = arith.index_cast %add3A_429 : i32 to index
      %get3A_431 = arith.constant 48 : index
      %get3A_432 = tpu.vector_load %arg26[%get3A_430, %get3A_431] {strides = array<i32>} : memref<200x128xf32, #tpu.memory_space<vmem>>, vector<1x16xf32>,
      %get3A_433 = vector.shape_cast %get3A_432 : vector<1x16xf32> to vector<16xf32>
      %swap3A_434 = arith.index_cast %add3A_427 : i32 to index
      %swap3A_435 = arith.constant 48 : index
      %swap3A_436 = tpu.vector_load %arg6[%swap3A_434, %swap3A_435] {strides = array<i32>} : memref<200x128xf32, #tpu.memory_space<vmem>>, vector<1x16xf32>,
      %swap3A_437 = vector.shape_cast %swap3A_436 : vector<1x16xf32> to vector<16xf32>
      %swap3A_438 = vector.shape_cast %get3A_433 : vector<16xf32> to vector<1x16xf32>
      tpu.vector_store %arg6[%swap3A_434, %swap3A_435], %swap3A_438 {add = true, strides = array<i32>} : memref<200x128xf32, #tpu.memory_space<vmem>>, vector<1x16xf32>,
      %add3A_439 = arith.constant 1 : i32
      %add3A_440 = arith.addi %mul3A_284, %add3A_439 : i32
      %add3A_441 = arith.constant 1 : i32
      %add3A_442 = arith.addi %mul3A_284, %add3A_441 : i32
      %get3A_443 = arith.index_cast %add3A_442 : i32 to index
      %get3A_444 = arith.constant 64 : index
      %get3A_445 = tpu.vector_load %arg26[%get3A_443, %get3A_444] {strides = array<i32>} : memref<200x128xf32, #tpu.memory_space<vmem>>, vector<1x16xf32>,
      %get3A_446 = vector.shape_cast %get3A_445 : vector<1x16xf32> to vector<16xf32>
      %swap3A_447 = arith.index_cast %add3A_440 : i32 to index
      %swap3A_448 = arith.constant 64 : index
      %swap3A_449 = tpu.vector_load %arg6[%swap3A_447, %swap3A_448] {strides = array<i32>} : memref<200x128xf32, #tpu.memory_space<vmem>>, vector<1x16xf32>,
      %swap3A_450 = vector.shape_cast %swap3A_449 : vector<1x16xf32> to vector<16xf32>
      %swap3A_451 = vector.shape_cast %get3A_446 : vector<16xf32> to vector<1x16xf32>
      tpu.vector_store %arg6[%swap3A_447, %swap3A_448], %swap3A_451 {add = true, strides = array<i32>} : memref<200x128xf32, #tpu.memory_space<vmem>>, vector<1x16xf32>,
      %add3A_452 = arith.constant 1 : i32
      %add3A_453 = arith.addi %mul3A_284, %add3A_452 : i32
      %add3A_454 = arith.constant 1 : i32
      %add3A_455 = arith.addi %mul3A_284, %add3A_454 : i32
      %get3A_456 = arith.index_cast %add3A_455 : i32 to index
      %get3A_457 = arith.constant 80 : index
      %get3A_458 = tpu.vector_load %arg26[%get3A_456, %get3A_457] {strides = array<i32>} : memref<200x128xf32, #tpu.memory_space<vmem>>, vector<1x16xf32>,
      %get3A_459 = vector.shape_cast %get3A_458 : vector<1x16xf32> to vector<16xf32>
      %swap3A_460 = arith.index_cast %add3A_453 : i32 to index
      %swap3A_461 = arith.constant 80 : index
      %swap3A_462 = tpu.vector_load %arg6[%swap3A_460, %swap3A_461] {strides = array<i32>} : memref<200x128xf32, #tpu.memory_space<vmem>>, vector<1x16xf32>,
      %swap3A_463 = vector.shape_cast %swap3A_462 : vector<1x16xf32> to vector<16xf32>
      %swap3A_464 = vector.shape_cast %get3A_459 : vector<16xf32> to vector<1x16xf32>
      tpu.vector_store %arg6[%swap3A_460, %swap3A_461], %swap3A_464 {add = true, strides = array<i32>} : memref<200x128xf32, #tpu.memory_space<vmem>>, vector<1x16xf32>,
      %add3A_465 = arith.constant 1 : i32
      %add3A_466 = arith.addi %mul3A_284, %add3A_465 : i32
      %add3A_467 = arith.constant 1 : i32
      %add3A_468 = arith.addi %mul3A_284, %add3A_467 : i32
      %get3A_469 = arith.index_cast %add3A_468 : i32 to index
      %get3A_470 = arith.constant 96 : index
      %get3A_471 = tpu.vector_load %arg26[%get3A_469, %get3A_470] {strides = array<i32>} : memref<200x128xf32, #tpu.memory_space<vmem>>, vector<1x16xf32>,
      %get3A_472 = vector.shape_cast %get3A_471 : vector<1x16xf32> to vector<16xf32>
      %swap3A_473 = arith.index_cast %add3A_466 : i32 to index
      %swap3A_474 = arith.constant 96 : index
      %swap3A_475 = tpu.vector_load %arg6[%swap3A_473, %swap3A_474] {strides = array<i32>} : memref<200x128xf32, #tpu.memory_space<vmem>>, vector<1x16xf32>,
      %swap3A_476 = vector.shape_cast %swap3A_475 : vector<1x16xf32> to vector<16xf32>
      %swap3A_477 = vector.shape_cast %get3A_472 : vector<16xf32> to vector<1x16xf32>
      tpu.vector_store %arg6[%swap3A_473, %swap3A_474], %swap3A_477 {add = true, strides = array<i32>} : memref<200x128xf32, #tpu.memory_space<vmem>>, vector<1x16xf32>,
      %add3A_478 = arith.constant 1 : i32
      %add3A_479 = arith.addi %mul3A_284, %add3A_478 : i32
      %add3A_480 = arith.constant 1 : i32
      %add3A_481 = arith.addi %mul3A_284, %add3A_480 : i32
      %get3A_482 = arith.index_cast %add3A_481 : i32 to index
      %get3A_483 = arith.constant 112 : index
      %get3A_484 = tpu.vector_load %arg26[%get3A_482, %get3A_483] {strides = array<i32>} : memref<200x128xf32, #tpu.memory_space<vmem>>, vector<1x16xf32>,
      %get3A_485 = vector.shape_cast %get3A_484 : vector<1x16xf32> to vector<16xf32>
      %swap3A_486 = arith.index_cast %add3A_479 : i32 to index
      %swap3A_487 = arith.constant 112 : index
      %swap3A_488 = tpu.vector_load %arg6[%swap3A_486, %swap3A_487] {strides = array<i32>} : memref<200x128xf32, #tpu.memory_space<vmem>>, vector<1x16xf32>,
      %swap3A_489 = vector.shape_cast %swap3A_488 : vector<1x16xf32> to vector<16xf32>
      %swap3A_490 = vector.shape_cast %get3A_485 : vector<16xf32> to vector<1x16xf32>
      tpu.vector_store %arg6[%swap3A_486, %swap3A_487], %swap3A_490 {add = true, strides = array<i32>} : memref<200x128xf32, #tpu.memory_space<vmem>>, vector<1x16xf32>,
      %add3A_491 = arith.constant 2 : i32
      %add3A_492 = arith.addi %mul3A_284, %add3A_491 : i32
      %add3A_493 = arith.constant 2 : i32
      %add3A_494 = arith.addi %mul3A_284, %add3A_493 : i32
      %get3A_495 = arith.index_cast %add3A_494 : i32 to index
      %get3A_496 = arith.constant 0 : index
      %get3A_497 = tpu.vector_load %arg26[%get3A_495, %get3A_496] {strides = array<i32>} : memref<200x128xf32, #tpu.memory_space<vmem>>, vector<1x16xf32>,
      %get3A_498 = vector.shape_cast %get3A_497 : vector<1x16xf32> to vector<16xf32>
      %swap3A_499 = arith.index_cast %add3A_492 : i32 to index
      %swap3A_500 = arith.constant 0 : index
      %swap3A_501 = tpu.vector_load %arg6[%swap3A_499, %swap3A_500] {strides = array<i32>} : memref<200x128xf32, #tpu.memory_space<vmem>>, vector<1x16xf32>,
      %swap3A_502 = vector.shape_cast %swap3A_501 : vector<1x16xf32> to vector<16xf32>
      %swap3A_503 = vector.shape_cast %get3A_498 : vector<16xf32> to vector<1x16xf32>
      tpu.vector_store %arg6[%swap3A_499, %swap3A_500], %swap3A_503 {add = true, strides = array<i32>} : memref<200x128xf32, #tpu.memory_space<vmem>>, vector<1x16xf32>,
      %add3A_504 = arith.constant 2 : i32
      %add3A_505 = arith.addi %mul3A_284, %add3A_504 : i32
      %add3A_506 = arith.constant 2 : i32
      %add3A_507 = arith.addi %mul3A_284, %add3A_506 : i32
      %get3A_508 = arith.index_cast %add3A_507 : i32 to index
      %get3A_509 = arith.constant 16 : index
      %get3A_510 = tpu.vector_load %arg26[%get3A_508, %get3A_509] {strides = array<i32>} : memref<200x128xf32, #tpu.memory_space<vmem>>, vector<1x16xf32>,
      %get3A_511 = vector.shape_cast %get3A_510 : vector<1x16xf32> to vector<16xf32>
      %swap3A_512 = arith.index_cast %add3A_505 : i32 to index
      %swap3A_513 = arith.constant 16 : index
      %swap3A_514 = tpu.vector_load %arg6[%swap3A_512, %swap3A_513] {strides = array<i32>} : memref<200x128xf32, #tpu.memory_space<vmem>>, vector<1x16xf32>,
      %swap3A_515 = vector.shape_cast %swap3A_514 : vector<1x16xf32> to vector<16xf32>
      %swap3A_516 = vector.shape_cast %get3A_511 : vector<16xf32> to vector<1x16xf32>
      tpu.vector_store %arg6[%swap3A_512, %swap3A_513], %swap3A_516 {add = true, strides = array<i32>} : memref<200x128xf32, #tpu.memory_space<vmem>>, vector<1x16xf32>,
      %add3A_517 = arith.constant 2 : i32
      %add3A_518 = arith.addi %mul3A_284, %add3A_517 : i32
      %add3A_519 = arith.constant 2 : i32
      %add3A_520 = arith.addi %mul3A_284, %add3A_519 : i32
      %get3A_521 = arith.index_cast %add3A_520 : i32 to index
      %get3A_522 = arith.constant 32 : index
      %get3A_523 = tpu.vector_load %arg26[%get3A_521, %get3A_522] {strides = array<i32>} : memref<200x128xf32, #tpu.memory_space<vmem>>, vector<1x16xf32>,
      %get3A_524 = vector.shape_cast %get3A_523 : vector<1x16xf32> to vector<16xf32>
      %swap3A_525 = arith.index_cast %add3A_518 : i32 to index
      %swap3A_526 = arith.constant 32 : index
      %swap3A_527 = tpu.vector_load %arg6[%swap3A_525, %swap3A_526] {strides = array<i32>} : memref<200x128xf32, #tpu.memory_space<vmem>>, vector<1x16xf32>,
      %swap3A_528 = vector.shape_cast %swap3A_527 : vector<1x16xf32> to vector<16xf32>
      %swap3A_529 = vector.shape_cast %get3A_524 : vector<16xf32> to vector<1x16xf32>
      tpu.vector_store %arg6[%swap3A_525, %swap3A_526], %swap3A_529 {add = true, strides = array<i32>} : memref<200x128xf32, #tpu.memory_space<vmem>>, vector<1x16xf32>,
      %add3A_530 = arith.constant 2 : i32
      %add3A_531 = arith.addi %mul3A_284, %add3A_530 : i32
      %add3A_532 = arith.constant 2 : i32
      %add3A_533 = arith.addi %mul3A_284, %add3A_532 : i32
      %get3A_534 = arith.index_cast %add3A_533 : i32 to index
      %get3A_535 = arith.constant 48 : index
      %get3A_536 = tpu.vector_load %arg26[%get3A_534, %get3A_535] {strides = array<i32>} : memref<200x128xf32, #tpu.memory_space<vmem>>, vector<1x16xf32>,
      %get3A_537 = vector.shape_cast %get3A_536 : vector<1x16xf32> to vector<16xf32>
      %swap3A_538 = arith.index_cast %add3A_531 : i32 to index
      %swap3A_539 = arith.constant 48 : index
      %swap3A_540 = tpu.vector_load %arg6[%swap3A_538, %swap3A_539] {strides = array<i32>} : memref<200x128xf32, #tpu.memory_space<vmem>>, vector<1x16xf32>,
      %swap3A_541 = vector.shape_cast %swap3A_540 : vector<1x16xf32> to vector<16xf32>
      %swap3A_542 = vector.shape_cast %get3A_537 : vector<16xf32> to vector<1x16xf32>
      tpu.vector_store %arg6[%swap3A_538, %swap3A_539], %swap3A_542 {add = true, strides = array<i32>} : memref<200x128xf32, #tpu.memory_space<vmem>>, vector<1x16xf32>,
      %add3A_543 = arith.constant 2 : i32
      %add3A_544 = arith.addi %mul3A_284, %add3A_543 : i32
      %add3A_545 = arith.constant 2 : i32
      %add3A_546 = arith.addi %mul3A_284, %add3A_545 : i32
      %get3A_547 = arith.index_cast %add3A_546 : i32 to index
      %get3A_548 = arith.constant 64 : index
      %get3A_549 = tpu.vector_load %arg26[%get3A_547, %get3A_548] {strides = array<i32>} : memref<200x128xf32, #tpu.memory_space<vmem>>, vector<1x16xf32>,
      %get3A_550 = vector.shape_cast %get3A_549 : vector<1x16xf32> to vector<16xf32>
      %swap3A_551 = arith.index_cast %add3A_544 : i32 to index
      %swap3A_552 = arith.constant 64 : index
      %swap3A_553 = tpu.vector_load %arg6[%swap3A_551, %swap3A_552] {strides = array<i32>} : memref<200x128xf32, #tpu.memory_space<vmem>>, vector<1x16xf32>,
      %swap3A_554 = vector.shape_cast %swap3A_553 : vector<1x16xf32> to vector<16xf32>
      %swap3A_555 = vector.shape_cast %get3A_550 : vector<16xf32> to vector<1x16xf32>
      tpu.vector_store %arg6[%swap3A_551, %swap3A_552], %swap3A_555 {add = true, strides = array<i32>} : memref<200x128xf32, #tpu.memory_space<vmem>>, vector<1x16xf32>,
      %add3A_556 = arith.constant 2 : i32
      %add3A_557 = arith.addi %mul3A_284, %add3A_556 : i32
      %add3A_558 = arith.constant 2 : i32
      %add3A_559 = arith.addi %mul3A_284, %add3A_558 : i32
      %get3A_560 = arith.index_cast %add3A_559 : i32 to index
      %get3A_561 = arith.constant 80 : index
      %get3A_562 = tpu.vector_load %arg26[%get3A_560, %get3A_561] {strides = array<i32>} : memref<200x128xf32, #tpu.memory_space<vmem>>, vector<1x16xf32>,
      %get3A_563 = vector.shape_cast %get3A_562 : vector<1x16xf32> to vector<16xf32>
      %swap3A_564 = arith.index_cast %add3A_557 : i32 to index
      %swap3A_565 = arith.constant 80 : index
      %swap3A_566 = tpu.vector_load %arg6[%swap3A_564, %swap3A_565] {strides = array<i32>} : memref<200x128xf32, #tpu.memory_space<vmem>>, vector<1x16xf32>,
      %swap3A_567 = vector.shape_cast %swap3A_566 : vector<1x16xf32> to vector<16xf32>
      %swap3A_568 = vector.shape_cast %get3A_563 : vector<16xf32> to vector<1x16xf32>
      tpu.vector_store %arg6[%swap3A_564, %swap3A_565], %swap3A_568 {add = true, strides = array<i32>} : memref<200x128xf32, #tpu.memory_space<vmem>>, vector<1x16xf32>,
      %add3A_569 = arith.constant 2 : i32
      %add3A_570 = arith.addi %mul3A_284, %add3A_569 : i32
      %add3A_571 = arith.constant 2 : i32
      %add3A_572 = arith.addi %mul3A_284, %add3A_571 : i32
      %get3A_573 = arith.index_cast %add3A_572 : i32 to index
      %get3A_574 = arith.constant 96 : index
      %get3A_575 = tpu.vector_load %arg26[%get3A_573, %get3A_574] {strides = array<i32>} : memref<200x128xf32, #tpu.memory_space<vmem>>, vector<1x16xf32>,
      %get3A_576 = vector.shape_cast %get3A_575 : vector<1x16xf32> to vector<16xf32>
      %swap3A_577 = arith.index_cast %add3A_570 : i32 to index
      %swap3A_578 = arith.constant 96 : index
      %swap3A_579 = tpu.vector_load %arg6[%swap3A_577, %swap3A_578] {strides = array<i32>} : memref<200x128xf32, #tpu.memory_space<vmem>>, vector<1x16xf32>,
      %swap3A_580 = vector.shape_cast %swap3A_579 : vector<1x16xf32> to vector<16xf32>
      %swap3A_581 = vector.shape_cast %get3A_576 : vector<16xf32> to vector<1x16xf32>
      tpu.vector_store %arg6[%swap3A_577, %swap3A_578], %swap3A_581 {add = true, strides = array<i32>} : memref<200x128xf32, #tpu.memory_space<vmem>>, vector<1x16xf32>,
      %add3A_582 = arith.constant 2 : i32
      %add3A_583 = arith.addi %mul3A_284, %add3A_582 : i32
      %add3A_584 = arith.constant 2 : i32
      %add3A_585 = arith.addi %mul3A_284, %add3A_584 : i32
      %get3A_586 = arith.index_cast %add3A_585 : i32 to index
      %get3A_587 = arith.constant 112 : index
      %get3A_588 = tpu.vector_load %arg26[%get3A_586, %get3A_587] {strides = array<i32>} : memref<200x128xf32, #tpu.memory_space<vmem>>, vector<1x16xf32>,
      %get3A_589 = vector.shape_cast %get3A_588 : vector<1x16xf32> to vector<16xf32>
      %swap3A_590 = arith.index_cast %add3A_583 : i32 to index
      %swap3A_591 = arith.constant 112 : index
      %swap3A_592 = tpu.vector_load %arg6[%swap3A_590, %swap3A_591] {strides = array<i32>} : memref<200x128xf32, #tpu.memory_space<vmem>>, vector<1x16xf32>,
      %swap3A_593 = vector.shape_cast %swap3A_592 : vector<1x16xf32> to vector<16xf32>
      %swap3A_594 = vector.shape_cast %get3A_589 : vector<16xf32> to vector<1x16xf32>
      tpu.vector_store %arg6[%swap3A_590, %swap3A_591], %swap3A_594 {add = true, strides = array<i32>} : memref<200x128xf32, #tpu.memory_space<vmem>>, vector<1x16xf32>,
      %add3A_595 = arith.constant 3 : i32
      %add3A_596 = arith.addi %mul3A_284, %add3A_595 : i32
      %add3A_597 = arith.constant 3 : i32
      %add3A_598 = arith.addi %mul3A_284, %add3A_597 : i32
      %get3A_599 = arith.index_cast %add3A_598 : i32 to index
      %get3A_600 = arith.constant 0 : index
      %get3A_601 = tpu.vector_load %arg26[%get3A_599, %get3A_600] {strides = array<i32>} : memref<200x128xf32, #tpu.memory_space<vmem>>, vector<1x16xf32>,
      %get3A_602 = vector.shape_cast %get3A_601 : vector<1x16xf32> to vector<16xf32>
      %swap3A_603 = arith.index_cast %add3A_596 : i32 to index
      %swap3A_604 = arith.constant 0 : index
      %swap3A_605 = tpu.vector_load %arg6[%swap3A_603, %swap3A_604] {strides = array<i32>} : memref<200x128xf32, #tpu.memory_space<vmem>>, vector<1x16xf32>,
      %swap3A_606 = vector.shape_cast %swap3A_605 : vector<1x16xf32> to vector<16xf32>
      %swap3A_607 = vector.shape_cast %get3A_602 : vector<16xf32> to vector<1x16xf32>
      tpu.vector_store %arg6[%swap3A_603, %swap3A_604], %swap3A_607 {add = true, strides = array<i32>} : memref<200x128xf32, #tpu.memory_space<vmem>>, vector<1x16xf32>,
      %add3A_608 = arith.constant 3 : i32
      %add3A_609 = arith.addi %mul3A_284, %add3A_608 : i32
      %add3A_610 = arith.constant 3 : i32
      %add3A_611 = arith.addi %mul3A_284, %add3A_610 : i32
      %get3A_612 = arith.index_cast %add3A_611 : i32 to index
      %get3A_613 = arith.constant 16 : index
      %get3A_614 = tpu.vector_load %arg26[%get3A_612, %get3A_613] {strides = array<i32>} : memref<200x128xf32, #tpu.memory_space<vmem>>, vector<1x16xf32>,
      %get3A_615 = vector.shape_cast %get3A_614 : vector<1x16xf32> to vector<16xf32>
      %swap3A_616 = arith.index_cast %add3A_609 : i32 to index
      %swap3A_617 = arith.constant 16 : index
      %swap3A_618 = tpu.vector_load %arg6[%swap3A_616, %swap3A_617] {strides = array<i32>} : memref<200x128xf32, #tpu.memory_space<vmem>>, vector<1x16xf32>,
      %swap3A_619 = vector.shape_cast %swap3A_618 : vector<1x16xf32> to vector<16xf32>
      %swap3A_620 = vector.shape_cast %get3A_615 : vector<16xf32> to vector<1x16xf32>
      tpu.vector_store %arg6[%swap3A_616, %swap3A_617], %swap3A_620 {add = true, strides = array<i32>} : memref<200x128xf32, #tpu.memory_space<vmem>>, vector<1x16xf32>,
      %add3A_621 = arith.constant 3 : i32
      %add3A_622 = arith.addi %mul3A_284, %add3A_621 : i32
      %add3A_623 = arith.constant 3 : i32
      %add3A_624 = arith.addi %mul3A_284, %add3A_623 : i32
      %get3A_625 = arith.index_cast %add3A_624 : i32 to index
      %get3A_626 = arith.constant 32 : index
      %get3A_627 = tpu.vector_load %arg26[%get3A_625, %get3A_626] {strides = array<i32>} : memref<200x128xf32, #tpu.memory_space<vmem>>, vector<1x16xf32>,
      %get3A_628 = vector.shape_cast %get3A_627 : vector<1x16xf32> to vector<16xf32>
      %swap3A_629 = arith.index_cast %add3A_622 : i32 to index
      %swap3A_630 = arith.constant 32 : index
      %swap3A_631 = tpu.vector_load %arg6[%swap3A_629, %swap3A_630] {strides = array<i32>} : memref<200x128xf32, #tpu.memory_space<vmem>>, vector<1x16xf32>,
      %swap3A_632 = vector.shape_cast %swap3A_631 : vector<1x16xf32> to vector<16xf32>
      %swap3A_633 = vector.shape_cast %get3A_628 : vector<16xf32> to vector<1x16xf32>
      tpu.vector_store %arg6[%swap3A_629, %swap3A_630], %swap3A_633 {add = true, strides = array<i32>} : memref<200x128xf32, #tpu.memory_space<vmem>>, vector<1x16xf32>,
      %add3A_634 = arith.constant 3 : i32
      %add3A_635 = arith.addi %mul3A_284, %add3A_634 : i32
      %add3A_636 = arith.constant 3 : i32
      %add3A_637 = arith.addi %mul3A_284, %add3A_636 : i32
      %get3A_638 = arith.index_cast %add3A_637 : i32 to index
      %get3A_639 = arith.constant 48 : index
      %get3A_640 = tpu.vector_load %arg26[%get3A_638, %get3A_639] {strides = array<i32>} : memref<200x128xf32, #tpu.memory_space<vmem>>, vector<1x16xf32>,
      %get3A_641 = vector.shape_cast %get3A_640 : vector<1x16xf32> to vector<16xf32>
      %swap3A_642 = arith.index_cast %add3A_635 : i32 to index
      %swap3A_643 = arith.constant 48 : index
      %swap3A_644 = tpu.vector_load %arg6[%swap3A_642, %swap3A_643] {strides = array<i32>} : memref<200x128xf32, #tpu.memory_space<vmem>>, vector<1x16xf32>,
      %swap3A_645 = vector.shape_cast %swap3A_644 : vector<1x16xf32> to vector<16xf32>
      %swap3A_646 = vector.shape_cast %get3A_641 : vector<16xf32> to vector<1x16xf32>
      tpu.vector_store %arg6[%swap3A_642, %swap3A_643], %swap3A_646 {add = true, strides = array<i32>} : memref<200x128xf32, #tpu.memory_space<vmem>>, vector<1x16xf32>,
      %add3A_647 = arith.constant 3 : i32
      %add3A_648 = arith.addi %mul3A_284, %add3A_647 : i32
      %add3A_649 = arith.constant 3 : i32
      %add3A_650 = arith.addi %mul3A_284, %add3A_649 : i32
      %get3A_651 = arith.index_cast %add3A_650 : i32 to index
      %get3A_652 = arith.constant 64 : index
      %get3A_653 = tpu.vector_load %arg26[%get3A_651, %get3A_652] {strides = array<i32>} : memref<200x128xf32, #tpu.memory_space<vmem>>, vector<1x16xf32>,
      %get3A_654 = vector.shape_cast %get3A_653 : vector<1x16xf32> to vector<16xf32>
      %swap3A_655 = arith.index_cast %add3A_648 : i32 to index
      %swap3A_656 = arith.constant 64 : index
      %swap3A_657 = tpu.vector_load %arg6[%swap3A_655, %swap3A_656] {strides = array<i32>} : memref<200x128xf32, #tpu.memory_space<vmem>>, vector<1x16xf32>,
      %swap3A_658 = vector.shape_cast %swap3A_657 : vector<1x16xf32> to vector<16xf32>
      %swap3A_659 = vector.shape_cast %get3A_654 : vector<16xf32> to vector<1x16xf32>
      tpu.vector_store %arg6[%swap3A_655, %swap3A_656], %swap3A_659 {add = true, strides = array<i32>} : memref<200x128xf32, #tpu.memory_space<vmem>>, vector<1x16xf32>,
      %add3A_660 = arith.constant 3 : i32
      %add3A_661 = arith.addi %mul3A_284, %add3A_660 : i32
      %add3A_662 = arith.constant 3 : i32
      %add3A_663 = arith.addi %mul3A_284, %add3A_662 : i32
      %get3A_664 = arith.index_cast %add3A_663 : i32 to index
      %get3A_665 = arith.constant 80 : index
      %get3A_666 = tpu.vector_load %arg26[%get3A_664, %get3A_665] {strides = array<i32>} : memref<200x128xf32, #tpu.memory_space<vmem>>, vector<1x16xf32>,
      %get3A_667 = vector.shape_cast %get3A_666 : vector<1x16xf32> to vector<16xf32>
      %swap3A_668 = arith.index_cast %add3A_661 : i32 to index
      %swap3A_669 = arith.constant 80 : index
      %swap3A_670 = tpu.vector_load %arg6[%swap3A_668, %swap3A_669] {strides = array<i32>} : memref<200x128xf32, #tpu.memory_space<vmem>>, vector<1x16xf32>,
      %swap3A_671 = vector.shape_cast %swap3A_670 : vector<1x16xf32> to vector<16xf32>
      %swap3A_672 = vector.shape_cast %get3A_667 : vector<16xf32> to vector<1x16xf32>
      tpu.vector_store %arg6[%swap3A_668, %swap3A_669], %swap3A_672 {add = true, strides = array<i32>} : memref<200x128xf32, #tpu.memory_space<vmem>>, vector<1x16xf32>,
      %add3A_673 = arith.constant 3 : i32
      %add3A_674 = arith.addi %mul3A_284, %add3A_673 : i32
      %add3A_675 = arith.constant 3 : i32
      %add3A_676 = arith.addi %mul3A_284, %add3A_675 : i32
      %get3A_677 = arith.index_cast %add3A_676 : i32 to index
      %get3A_678 = arith.constant 96 : index
      %get3A_679 = tpu.vector_load %arg26[%get3A_677, %get3A_678] {strides = array<i32>} : memref<200x128xf32, #tpu.memory_space<vmem>>, vector<1x16xf32>,
      %get3A_680 = vector.shape_cast %get3A_679 : vector<1x16xf32> to vector<16xf32>
      %swap3A_681 = arith.index_cast %add3A_674 : i32 to index
      %swap3A_682 = arith.constant 96 : index
      %swap3A_683 = tpu.vector_load %arg6[%swap3A_681, %swap3A_682] {strides = array<i32>} : memref<200x128xf32, #tpu.memory_space<vmem>>, vector<1x16xf32>,
      %swap3A_684 = vector.shape_cast %swap3A_683 : vector<1x16xf32> to vector<16xf32>
      %swap3A_685 = vector.shape_cast %get3A_680 : vector<16xf32> to vector<1x16xf32>
      tpu.vector_store %arg6[%swap3A_681, %swap3A_682], %swap3A_685 {add = true, strides = array<i32>} : memref<200x128xf32, #tpu.memory_space<vmem>>, vector<1x16xf32>,
      %add3A_686 = arith.constant 3 : i32
      %add3A_687 = arith.addi %mul3A_284, %add3A_686 : i32
      %add3A_688 = arith.constant 3 : i32
      %add3A_689 = arith.addi %mul3A_284, %add3A_688 : i32
      %get3A_690 = arith.index_cast %add3A_689 : i32 to index
      %get3A_691 = arith.constant 112 : index
      %get3A_692 = tpu.vector_load %arg26[%get3A_690, %get3A_691] {strides = array<i32>} : memref<200x128xf32, #tpu.memory_space<vmem>>, vector<1x16xf32>,
      %get3A_693 = vector.shape_cast %get3A_692 : vector<1x16xf32> to vector<16xf32>
      %swap3A_694 = arith.index_cast %add3A_687 : i32 to index
      %swap3A_695 = arith.constant 112 : index
      %swap3A_696 = tpu.vector_load %arg6[%swap3A_694, %swap3A_695] {strides = array<i32>} : memref<200x128xf32, #tpu.memory_space<vmem>>, vector<1x16xf32>,
      %swap3A_697 = vector.shape_cast %swap3A_696 : vector<1x16xf32> to vector<16xf32>
      %swap3A_698 = vector.shape_cast %get3A_693 : vector<16xf32> to vector<1x16xf32>
      tpu.vector_store %arg6[%swap3A_694, %swap3A_695], %swap3A_698 {add = true, strides = array<i32>} : memref<200x128xf32, #tpu.memory_space<vmem>>, vector<1x16xf32>,
    }
    %scan3A_122 = arith.constant 50 : i32
    %add3A_123 = arith.constant 0 : i32
    %add3A_124 = arith.addi %mul3A_2, %add3A_123 : i32
    %mul3A_125 = arith.constant 200 : i32
    %mul3A_126 = arith.muli %add3A_124, %mul3A_125 : i32
    %dma_start3A_127 = arith.constant 0 : i32
    %dma_start3A_128 = tpu.memref_slice %arg5[%mul3A_126, %dma_start3A_127] : memref<819200x128xf32, #tpu.memory_space<hbm>> -> memref<200x128xf32, #tpu.memory_space<hbm>>
    %dma_start3A_129 = arith.constant 0 : i32
    %dma_start3A_130 = tpu.memref_slice %arg5[%mul3A_126, %dma_start3A_129] : memref<819200x128xf32, #tpu.memory_space<hbm>> -> memref<200x128xf32, #tpu.memory_space<hbm>>
    tpu.enqueue_dma source(%arg6 : memref<200x128xf32, #tpu.memory_space<vmem>>) target(%dma_start3A_130 : memref<200x128xf32, #tpu.memory_space<hbm>>) target_semaphore(%arg18 : memref<!tpu.dma_semaphore, #tpu.memory_space<semaphore_mem>>)
    %dma_wait3A_131 = arith.constant 0 : i32
    %dma_wait3A_132 = arith.constant 0 : i32
    %dma_wait3A_133 = tpu.memref_slice %arg2[%dma_wait3A_131, %dma_wait3A_132] : memref<4096x200xi32, #tpu.memory_space<hbm>> -> memref<1x200xi32, #tpu.memory_space<hbm>>
    %dma_wait3A_134 = tpu.memref_squeeze %dma_wait3A_133 : memref<1x200xi32, #tpu.memory_space<hbm>> -> memref<200xi32, #tpu.memory_space<hbm>>
    %dma_wait3A_135 = arith.constant 0 : i32
    %dma_wait3A_136 = tpu.memref_slice %arg2[%dma_wait3A_131, %dma_wait3A_135] : memref<4096x200xi32, #tpu.memory_space<hbm>> -> memref<1x200xi32, #tpu.memory_space<hbm>>
    %dma_wait3A_137 = tpu.memref_squeeze %dma_wait3A_136 : memref<1x200xi32, #tpu.memory_space<hbm>> -> memref<200xi32, #tpu.memory_space<hbm>>
    tpu.wait_dma2 semaphore(%arg25 : memref<!tpu.dma_semaphore, #tpu.memory_space<semaphore_mem>>) src(%dma_wait3A_137 : memref<200xi32, #tpu.memory_space<hbm>>) dst(%arg13 : memref<200xi32, #tpu.memory_space<vmem>>)
    %dma_start3A_138 = arith.constant 0 : i32
    %dma_start3A_139 = arith.constant 0 : i32
    %dma_start3A_140 = tpu.memref_slice %arg9[%dma_start3A_138, %dma_start3A_139] : memref<200x128xf32, #tpu.memory_space<vmem>> -> memref<128x128xf32, #tpu.memory_space<vmem>>
    %dma_start3A_141 = arith.constant 0 : i32
    %dma_start3A_142 = tpu.memref_slice %arg13[%dma_start3A_141] : memref<200xi32, #tpu.memory_space<vmem>> -> memref<128xi32, #tpu.memory_space<vmem>>
    %dma_start3A_143 = arith.constant 0 : i32
    %dma_start3A_144 = arith.constant 0 : i32
    %dma_start3A_145 = tpu.memref_slice %arg3[%dma_start3A_143, %dma_start3A_144] : memref<100000x128xf32, #tpu.memory_space<hbm>> -> memref<100000x128xf32, #tpu.memory_space<hbm>>
    tpu.enqueue_indirect_dma source(%dma_start3A_145 : memref<100000x128xf32, #tpu.memory_space<hbm>>) target(%dma_start3A_140 : memref<128x128xf32, #tpu.memory_space<vmem>>) offsets(%dma_start3A_142 : memref<128xi32, #tpu.memory_space<vmem>>) semaphore(%arg17 : memref<!tpu.dma_semaphore, #tpu.memory_space<semaphore_mem>>)
    %dma_start3A_146 = arith.constant 128 : i32
    %dma_start3A_147 = arith.constant 0 : i32
    %dma_start3A_148 = tpu.memref_slice %arg9[%dma_start3A_146, %dma_start3A_147] : memref<200x128xf32, #tpu.memory_space<vmem>> -> memref<72x128xf32, #tpu.memory_space<vmem>>
    %dma_start3A_149 = arith.constant 128 : i32
    %dma_start3A_150 = tpu.memref_slice %arg13[%dma_start3A_149] : memref<200xi32, #tpu.memory_space<vmem>> -> memref<72xi32, #tpu.memory_space<vmem>>
    %dma_start3A_151 = arith.constant 0 : i32
    %dma_start3A_152 = arith.constant 0 : i32
    %dma_start3A_153 = tpu.memref_slice %arg3[%dma_start3A_151, %dma_start3A_152] : memref<100000x128xf32, #tpu.memory_space<hbm>> -> memref<100000x128xf32, #tpu.memory_space<hbm>>
    tpu.enqueue_indirect_dma source(%dma_start3A_153 : memref<100000x128xf32, #tpu.memory_space<hbm>>) target(%dma_start3A_148 : memref<72x128xf32, #tpu.memory_space<vmem>>) offsets(%dma_start3A_150 : memref<72xi32, #tpu.memory_space<vmem>>) semaphore(%arg17 : memref<!tpu.dma_semaphore, #tpu.memory_space<semaphore_mem>>)
    %add3A_154 = arith.constant 4 : i32
    %add3A_155 = arith.addi %mul3A_2, %add3A_154 : i32
    %dma_start3A_156 = arith.constant 0 : i32
    %dma_start3A_157 = tpu.memref_slice %arg2[%add3A_155, %dma_start3A_156] : memref<4096x200xi32, #tpu.memory_space<hbm>> -> memref<1x200xi32, #tpu.memory_space<hbm>>
    %dma_start3A_158 = tpu.memref_squeeze %dma_start3A_157 : memref<1x200xi32, #tpu.memory_space<hbm>> -> memref<200xi32, #tpu.memory_space<hbm>>
    %dma_start3A_159 = arith.constant 0 : i32
    %dma_start3A_160 = tpu.memref_slice %arg2[%add3A_155, %dma_start3A_159] : memref<4096x200xi32, #tpu.memory_space<hbm>> -> memref<1x200xi32, #tpu.memory_space<hbm>>
    %dma_start3A_161 = tpu.memref_squeeze %dma_start3A_160 : memref<1x200xi32, #tpu.memory_space<hbm>> -> memref<200xi32, #tpu.memory_space<hbm>>
    tpu.enqueue_dma source(%dma_start3A_161 : memref<200xi32, #tpu.memory_space<hbm>>) target(%arg10 : memref<200xi32, #tpu.memory_space<vmem>>) target_semaphore(%arg22 : memref<!tpu.dma_semaphore, #tpu.memory_space<semaphore_mem>>)
    %dma_wait3A_162 = arith.constant 0 : i32
    %dma_wait3A_163 = arith.constant 0 : i32
    %dma_wait3A_164 = tpu.memref_slice %arg7[%dma_wait3A_162, %dma_wait3A_163] : memref<200x128xf32, #tpu.memory_space<vmem>> -> memref<128x128xf32, #tpu.memory_space<vmem>>
    %dma_wait3A_165 = arith.constant 0 : i32
    %dma_wait3A_166 = tpu.memref_slice %arg11[%dma_wait3A_165] : memref<200xi32, #tpu.memory_space<vmem>> -> memref<128xi32, #tpu.memory_space<vmem>>
    %dma_wait3A_167 = arith.constant 0 : i32
    %dma_wait3A_168 = arith.constant 0 : i32
    %dma_wait3A_169 = tpu.memref_slice %arg3[%dma_wait3A_167, %dma_wait3A_168] : memref<100000x128xf32, #tpu.memory_space<hbm>> -> memref<100000x128xf32, #tpu.memory_space<hbm>>
    tpu.wait_indirect_dma semaphore(%arg15 : memref<!tpu.dma_semaphore, #tpu.memory_space<semaphore_mem>>) src(%dma_wait3A_169 : memref<100000x128xf32, #tpu.memory_space<hbm>>) dst(%dma_wait3A_164 : memref<128x128xf32, #tpu.memory_space<vmem>>)
    %dma_wait3A_170 = arith.constant 128 : i32
    %dma_wait3A_171 = arith.constant 0 : i32
    %dma_wait3A_172 = tpu.memref_slice %arg7[%dma_wait3A_170, %dma_wait3A_171] : memref<200x128xf32, #tpu.memory_space<vmem>> -> memref<72x128xf32, #tpu.memory_space<vmem>>
    %dma_wait3A_173 = arith.constant 128 : i32
    %dma_wait3A_174 = tpu.memref_slice %arg11[%dma_wait3A_173] : memref<200xi32, #tpu.memory_space<vmem>> -> memref<72xi32, #tpu.memory_space<vmem>>
    %dma_wait3A_175 = arith.constant 0 : i32
    %dma_wait3A_176 = arith.constant 0 : i32
    %dma_wait3A_177 = tpu.memref_slice %arg3[%dma_wait3A_175, %dma_wait3A_176] : memref<100000x128xf32, #tpu.memory_space<hbm>> -> memref<100000x128xf32, #tpu.memory_space<hbm>>
    tpu.wait_indirect_dma semaphore(%arg15 : memref<!tpu.dma_semaphore, #tpu.memory_space<semaphore_mem>>) src(%dma_wait3A_177 : memref<100000x128xf32, #tpu.memory_space<hbm>>) dst(%dma_wait3A_172 : memref<72x128xf32, #tpu.memory_space<vmem>>)
    %scan3A_178 = arith.constant 0 : i32
    %scan3A_179 = arith.constant 0 : i32
    %scan3A_180 = arith.constant 50 : i32
    %scan3A_181 = arith.addi %scan3A_179, %scan3A_180 : i32
    %scan3A_182 = arith.constant 1 : i32
    scf.for %scan3A_282 = %scan3A_179 to %scan3A_181 step %scan3A_182  : i32 {
      %mul3A_283 = arith.constant 4 : i32
      %mul3A_284 = arith.muli %scan3A_282, %mul3A_283 : i32
      %add3A_285 = arith.constant 0 : i32
      %add3A_286 = arith.addi %mul3A_284, %add3A_285 : i32
      %add3A_287 = arith.constant 0 : i32
      %add3A_288 = arith.addi %mul3A_284, %add3A_287 : i32
      %get3A = arith.index_cast %add3A_288 : i32 to index
      %get3A_289 = arith.constant 0 : index
      %get3A_290 = tpu.vector_load %arg26[%get3A, %get3A_289] {strides = array<i32>} : memref<200x128xf32, #tpu.memory_space<vmem>>, vector<1x16xf32>,
      %get3A_291 = vector.shape_cast %get3A_290 : vector<1x16xf32> to vector<16xf32>
      %swap3A = arith.index_cast %add3A_286 : i32 to index
      %swap3A_292 = arith.constant 0 : index
      %swap3A_293 = tpu.vector_load %arg7[%swap3A, %swap3A_292] {strides = array<i32>} : memref<200x128xf32, #tpu.memory_space<vmem>>, vector<1x16xf32>,
      %swap3A_294 = vector.shape_cast %swap3A_293 : vector<1x16xf32> to vector<16xf32>
      %swap3A_295 = vector.shape_cast %get3A_291 : vector<16xf32> to vector<1x16xf32>
      tpu.vector_store %arg7[%swap3A, %swap3A_292], %swap3A_295 {add = true, strides = array<i32>} : memref<200x128xf32, #tpu.memory_space<vmem>>, vector<1x16xf32>,
      %add3A_296 = arith.constant 0 : i32
      %add3A_297 = arith.addi %mul3A_284, %add3A_296 : i32
      %add3A_298 = arith.constant 0 : i32
      %add3A_299 = arith.addi %mul3A_284, %add3A_298 : i32
      %get3A_300 = arith.index_cast %add3A_299 : i32 to index
      %get3A_301 = arith.constant 16 : index
      %get3A_302 = tpu.vector_load %arg26[%get3A_300, %get3A_301] {strides = array<i32>} : memref<200x128xf32, #tpu.memory_space<vmem>>, vector<1x16xf32>,
      %get3A_303 = vector.shape_cast %get3A_302 : vector<1x16xf32> to vector<16xf32>
      %swap3A_304 = arith.index_cast %add3A_297 : i32 to index
      %swap3A_305 = arith.constant 16 : index
      %swap3A_306 = tpu.vector_load %arg7[%swap3A_304, %swap3A_305] {strides = array<i32>} : memref<200x128xf32, #tpu.memory_space<vmem>>, vector<1x16xf32>,
      %swap3A_307 = vector.shape_cast %swap3A_306 : vector<1x16xf32> to vector<16xf32>
      %swap3A_308 = vector.shape_cast %get3A_303 : vector<16xf32> to vector<1x16xf32>
      tpu.vector_store %arg7[%swap3A_304, %swap3A_305], %swap3A_308 {add = true, strides = array<i32>} : memref<200x128xf32, #tpu.memory_space<vmem>>, vector<1x16xf32>,
      %add3A_309 = arith.constant 0 : i32
      %add3A_310 = arith.addi %mul3A_284, %add3A_309 : i32
      %add3A_311 = arith.constant 0 : i32
      %add3A_312 = arith.addi %mul3A_284, %add3A_311 : i32
      %get3A_313 = arith.index_cast %add3A_312 : i32 to index
      %get3A_314 = arith.constant 32 : index
      %get3A_315 = tpu.vector_load %arg26[%get3A_313, %get3A_314] {strides = array<i32>} : memref<200x128xf32, #tpu.memory_space<vmem>>, vector<1x16xf32>,
      %get3A_316 = vector.shape_cast %get3A_315 : vector<1x16xf32> to vector<16xf32>
      %swap3A_317 = arith.index_cast %add3A_310 : i32 to index
      %swap3A_318 = arith.constant 32 : index
      %swap3A_319 = tpu.vector_load %arg7[%swap3A_317, %swap3A_318] {strides = array<i32>} : memref<200x128xf32, #tpu.memory_space<vmem>>, vector<1x16xf32>,
      %swap3A_320 = vector.shape_cast %swap3A_319 : vector<1x16xf32> to vector<16xf32>
      %swap3A_321 = vector.shape_cast %get3A_316 : vector<16xf32> to vector<1x16xf32>
      tpu.vector_store %arg7[%swap3A_317, %swap3A_318], %swap3A_321 {add = true, strides = array<i32>} : memref<200x128xf32, #tpu.memory_space<vmem>>, vector<1x16xf32>,
      %add3A_322 = arith.constant 0 : i32
      %add3A_323 = arith.addi %mul3A_284, %add3A_322 : i32
      %add3A_324 = arith.constant 0 : i32
      %add3A_325 = arith.addi %mul3A_284, %add3A_324 : i32
      %get3A_326 = arith.index_cast %add3A_325 : i32 to index
      %get3A_327 = arith.constant 48 : index
      %get3A_328 = tpu.vector_load %arg26[%get3A_326, %get3A_327] {strides = array<i32>} : memref<200x128xf32, #tpu.memory_space<vmem>>, vector<1x16xf32>,
      %get3A_329 = vector.shape_cast %get3A_328 : vector<1x16xf32> to vector<16xf32>
      %swap3A_330 = arith.index_cast %add3A_323 : i32 to index
      %swap3A_331 = arith.constant 48 : index
      %swap3A_332 = tpu.vector_load %arg7[%swap3A_330, %swap3A_331] {strides = array<i32>} : memref<200x128xf32, #tpu.memory_space<vmem>>, vector<1x16xf32>,
      %swap3A_333 = vector.shape_cast %swap3A_332 : vector<1x16xf32> to vector<16xf32>
      %swap3A_334 = vector.shape_cast %get3A_329 : vector<16xf32> to vector<1x16xf32>
      tpu.vector_store %arg7[%swap3A_330, %swap3A_331], %swap3A_334 {add = true, strides = array<i32>} : memref<200x128xf32, #tpu.memory_space<vmem>>, vector<1x16xf32>,
      %add3A_335 = arith.constant 0 : i32
      %add3A_336 = arith.addi %mul3A_284, %add3A_335 : i32
      %add3A_337 = arith.constant 0 : i32
      %add3A_338 = arith.addi %mul3A_284, %add3A_337 : i32
      %get3A_339 = arith.index_cast %add3A_338 : i32 to index
      %get3A_340 = arith.constant 64 : index
      %get3A_341 = tpu.vector_load %arg26[%get3A_339, %get3A_340] {strides = array<i32>} : memref<200x128xf32, #tpu.memory_space<vmem>>, vector<1x16xf32>,
      %get3A_342 = vector.shape_cast %get3A_341 : vector<1x16xf32> to vector<16xf32>
      %swap3A_343 = arith.index_cast %add3A_336 : i32 to index
      %swap3A_344 = arith.constant 64 : index
      %swap3A_345 = tpu.vector_load %arg7[%swap3A_343, %swap3A_344] {strides = array<i32>} : memref<200x128xf32, #tpu.memory_space<vmem>>, vector<1x16xf32>,
      %swap3A_346 = vector.shape_cast %swap3A_345 : vector<1x16xf32> to vector<16xf32>
      %swap3A_347 = vector.shape_cast %get3A_342 : vector<16xf32> to vector<1x16xf32>
      tpu.vector_store %arg7[%swap3A_343, %swap3A_344], %swap3A_347 {add = true, strides = array<i32>} : memref<200x128xf32, #tpu.memory_space<vmem>>, vector<1x16xf32>,
      %add3A_348 = arith.constant 0 : i32
      %add3A_349 = arith.addi %mul3A_284, %add3A_348 : i32
      %add3A_350 = arith.constant 0 : i32
      %add3A_351 = arith.addi %mul3A_284, %add3A_350 : i32
      %get3A_352 = arith.index_cast %add3A_351 : i32 to index
      %get3A_353 = arith.constant 80 : index
      %get3A_354 = tpu.vector_load %arg26[%get3A_352, %get3A_353] {strides = array<i32>} : memref<200x128xf32, #tpu.memory_space<vmem>>, vector<1x16xf32>,
      %get3A_355 = vector.shape_cast %get3A_354 : vector<1x16xf32> to vector<16xf32>
      %swap3A_356 = arith.index_cast %add3A_349 : i32 to index
      %swap3A_357 = arith.constant 80 : index
      %swap3A_358 = tpu.vector_load %arg7[%swap3A_356, %swap3A_357] {strides = array<i32>} : memref<200x128xf32, #tpu.memory_space<vmem>>, vector<1x16xf32>,
      %swap3A_359 = vector.shape_cast %swap3A_358 : vector<1x16xf32> to vector<16xf32>
      %swap3A_360 = vector.shape_cast %get3A_355 : vector<16xf32> to vector<1x16xf32>
      tpu.vector_store %arg7[%swap3A_356, %swap3A_357], %swap3A_360 {add = true, strides = array<i32>} : memref<200x128xf32, #tpu.memory_space<vmem>>, vector<1x16xf32>,
      %add3A_361 = arith.constant 0 : i32
      %add3A_362 = arith.addi %mul3A_284, %add3A_361 : i32
      %add3A_363 = arith.constant 0 : i32
      %add3A_364 = arith.addi %mul3A_284, %add3A_363 : i32
      %get3A_365 = arith.index_cast %add3A_364 : i32 to index
      %get3A_366 = arith.constant 96 : index
      %get3A_367 = tpu.vector_load %arg26[%get3A_365, %get3A_366] {strides = array<i32>} : memref<200x128xf32, #tpu.memory_space<vmem>>, vector<1x16xf32>,
      %get3A_368 = vector.shape_cast %get3A_367 : vector<1x16xf32> to vector<16xf32>
      %swap3A_369 = arith.index_cast %add3A_362 : i32 to index
      %swap3A_370 = arith.constant 96 : index
      %swap3A_371 = tpu.vector_load %arg7[%swap3A_369, %swap3A_370] {strides = array<i32>} : memref<200x128xf32, #tpu.memory_space<vmem>>, vector<1x16xf32>,
      %swap3A_372 = vector.shape_cast %swap3A_371 : vector<1x16xf32> to vector<16xf32>
      %swap3A_373 = vector.shape_cast %get3A_368 : vector<16xf32> to vector<1x16xf32>
      tpu.vector_store %arg7[%swap3A_369, %swap3A_370], %swap3A_373 {add = true, strides = array<i32>} : memref<200x128xf32, #tpu.memory_space<vmem>>, vector<1x16xf32>,
      %add3A_374 = arith.constant 0 : i32
      %add3A_375 = arith.addi %mul3A_284, %add3A_374 : i32
      %add3A_376 = arith.constant 0 : i32
      %add3A_377 = arith.addi %mul3A_284, %add3A_376 : i32
      %get3A_378 = arith.index_cast %add3A_377 : i32 to index
      %get3A_379 = arith.constant 112 : index
      %get3A_380 = tpu.vector_load %arg26[%get3A_378, %get3A_379] {strides = array<i32>} : memref<200x128xf32, #tpu.memory_space<vmem>>, vector<1x16xf32>,
      %get3A_381 = vector.shape_cast %get3A_380 : vector<1x16xf32> to vector<16xf32>
      %swap3A_382 = arith.index_cast %add3A_375 : i32 to index
      %swap3A_383 = arith.constant 112 : index
      %swap3A_384 = tpu.vector_load %arg7[%swap3A_382, %swap3A_383] {strides = array<i32>} : memref<200x128xf32, #tpu.memory_space<vmem>>, vector<1x16xf32>,
      %swap3A_385 = vector.shape_cast %swap3A_384 : vector<1x16xf32> to vector<16xf32>
      %swap3A_386 = vector.shape_cast %get3A_381 : vector<16xf32> to vector<1x16xf32>
      tpu.vector_store %arg7[%swap3A_382, %swap3A_383], %swap3A_386 {add = true, strides = array<i32>} : memref<200x128xf32, #tpu.memory_space<vmem>>, vector<1x16xf32>,
      %add3A_387 = arith.constant 1 : i32
      %add3A_388 = arith.addi %mul3A_284, %add3A_387 : i32
      %add3A_389 = arith.constant 1 : i32
      %add3A_390 = arith.addi %mul3A_284, %add3A_389 : i32
      %get3A_391 = arith.index_cast %add3A_390 : i32 to index
      %get3A_392 = arith.constant 0 : index
      %get3A_393 = tpu.vector_load %arg26[%get3A_391, %get3A_392] {strides = array<i32>} : memref<200x128xf32, #tpu.memory_space<vmem>>, vector<1x16xf32>,
      %get3A_394 = vector.shape_cast %get3A_393 : vector<1x16xf32> to vector<16xf32>
      %swap3A_395 = arith.index_cast %add3A_388 : i32 to index
      %swap3A_396 = arith.constant 0 : index
      %swap3A_397 = tpu.vector_load %arg7[%swap3A_395, %swap3A_396] {strides = array<i32>} : memref<200x128xf32, #tpu.memory_space<vmem>>, vector<1x16xf32>,
      %swap3A_398 = vector.shape_cast %swap3A_397 : vector<1x16xf32> to vector<16xf32>
      %swap3A_399 = vector.shape_cast %get3A_394 : vector<16xf32> to vector<1x16xf32>
      tpu.vector_store %arg7[%swap3A_395, %swap3A_396], %swap3A_399 {add = true, strides = array<i32>} : memref<200x128xf32, #tpu.memory_space<vmem>>, vector<1x16xf32>,
      %add3A_400 = arith.constant 1 : i32
      %add3A_401 = arith.addi %mul3A_284, %add3A_400 : i32
      %add3A_402 = arith.constant 1 : i32
      %add3A_403 = arith.addi %mul3A_284, %add3A_402 : i32
      %get3A_404 = arith.index_cast %add3A_403 : i32 to index
      %get3A_405 = arith.constant 16 : index
      %get3A_406 = tpu.vector_load %arg26[%get3A_404, %get3A_405] {strides = array<i32>} : memref<200x128xf32, #tpu.memory_space<vmem>>, vector<1x16xf32>,
      %get3A_407 = vector.shape_cast %get3A_406 : vector<1x16xf32> to vector<16xf32>
      %swap3A_408 = arith.index_cast %add3A_401 : i32 to index
      %swap3A_409 = arith.constant 16 : index
      %swap3A_410 = tpu.vector_load %arg7[%swap3A_408, %swap3A_409] {strides = array<i32>} : memref<200x128xf32, #tpu.memory_space<vmem>>, vector<1x16xf32>,
      %swap3A_411 = vector.shape_cast %swap3A_410 : vector<1x16xf32> to vector<16xf32>
      %swap3A_412 = vector.shape_cast %get3A_407 : vector<16xf32> to vector<1x16xf32>
      tpu.vector_store %arg7[%swap3A_408, %swap3A_409], %swap3A_412 {add = true, strides = array<i32>} : memref<200x128xf32, #tpu.memory_space<vmem>>, vector<1x16xf32>,
      %add3A_413 = arith.constant 1 : i32
      %add3A_414 = arith.addi %mul3A_284, %add3A_413 : i32
      %add3A_415 = arith.constant 1 : i32
      %add3A_416 = arith.addi %mul3A_284, %add3A_415 : i32
      %get3A_417 = arith.index_cast %add3A_416 : i32 to index
      %get3A_418 = arith.constant 32 : index
      %get3A_419 = tpu.vector_load %arg26[%get3A_417, %get3A_418] {strides = array<i32>} : memref<200x128xf32, #tpu.memory_space<vmem>>, vector<1x16xf32>,
      %get3A_420 = vector.shape_cast %get3A_419 : vector<1x16xf32> to vector<16xf32>
      %swap3A_421 = arith.index_cast %add3A_414 : i32 to index
      %swap3A_422 = arith.constant 32 : index
      %swap3A_423 = tpu.vector_load %arg7[%swap3A_421, %swap3A_422] {strides = array<i32>} : memref<200x128xf32, #tpu.memory_space<vmem>>, vector<1x16xf32>,
      %swap3A_424 = vector.shape_cast %swap3A_423 : vector<1x16xf32> to vector<16xf32>
      %swap3A_425 = vector.shape_cast %get3A_420 : vector<16xf32> to vector<1x16xf32>
      tpu.vector_store %arg7[%swap3A_421, %swap3A_422], %swap3A_425 {add = true, strides = array<i32>} : memref<200x128xf32, #tpu.memory_space<vmem>>, vector<1x16xf32>,
      %add3A_426 = arith.constant 1 : i32
      %add3A_427 = arith.addi %mul3A_284, %add3A_426 : i32
      %add3A_428 = arith.constant 1 : i32
      %add3A_429 = arith.addi %mul3A_284, %add3A_428 : i32
      %get3A_430 = arith.index_cast %add3A_429 : i32 to index
      %get3A_431 = arith.constant 48 : index
      %get3A_432 = tpu.vector_load %arg26[%get3A_430, %get3A_431] {strides = array<i32>} : memref<200x128xf32, #tpu.memory_space<vmem>>, vector<1x16xf32>,
      %get3A_433 = vector.shape_cast %get3A_432 : vector<1x16xf32> to vector<16xf32>
      %swap3A_434 = arith.index_cast %add3A_427 : i32 to index
      %swap3A_435 = arith.constant 48 : index
      %swap3A_436 = tpu.vector_load %arg7[%swap3A_434, %swap3A_435] {strides = array<i32>} : memref<200x128xf32, #tpu.memory_space<vmem>>, vector<1x16xf32>,
      %swap3A_437 = vector.shape_cast %swap3A_436 : vector<1x16xf32> to vector<16xf32>
      %swap3A_438 = vector.shape_cast %get3A_433 : vector<16xf32> to vector<1x16xf32>
      tpu.vector_store %arg7[%swap3A_434, %swap3A_435], %swap3A_438 {add = true, strides = array<i32>} : memref<200x128xf32, #tpu.memory_space<vmem>>, vector<1x16xf32>,
      %add3A_439 = arith.constant 1 : i32
      %add3A_440 = arith.addi %mul3A_284, %add3A_439 : i32
      %add3A_441 = arith.constant 1 : i32
      %add3A_442 = arith.addi %mul3A_284, %add3A_441 : i32
      %get3A_443 = arith.index_cast %add3A_442 : i32 to index
      %get3A_444 = arith.constant 64 : index
      %get3A_445 = tpu.vector_load %arg26[%get3A_443, %get3A_444] {strides = array<i32>} : memref<200x128xf32, #tpu.memory_space<vmem>>, vector<1x16xf32>,
      %get3A_446 = vector.shape_cast %get3A_445 : vector<1x16xf32> to vector<16xf32>
      %swap3A_447 = arith.index_cast %add3A_440 : i32 to index
      %swap3A_448 = arith.constant 64 : index
      %swap3A_449 = tpu.vector_load %arg7[%swap3A_447, %swap3A_448] {strides = array<i32>} : memref<200x128xf32, #tpu.memory_space<vmem>>, vector<1x16xf32>,
      %swap3A_450 = vector.shape_cast %swap3A_449 : vector<1x16xf32> to vector<16xf32>
      %swap3A_451 = vector.shape_cast %get3A_446 : vector<16xf32> to vector<1x16xf32>
      tpu.vector_store %arg7[%swap3A_447, %swap3A_448], %swap3A_451 {add = true, strides = array<i32>} : memref<200x128xf32, #tpu.memory_space<vmem>>, vector<1x16xf32>,
      %add3A_452 = arith.constant 1 : i32
      %add3A_453 = arith.addi %mul3A_284, %add3A_452 : i32
      %add3A_454 = arith.constant 1 : i32
      %add3A_455 = arith.addi %mul3A_284, %add3A_454 : i32
      %get3A_456 = arith.index_cast %add3A_455 : i32 to index
      %get3A_457 = arith.constant 80 : index
      %get3A_458 = tpu.vector_load %arg26[%get3A_456, %get3A_457] {strides = array<i32>} : memref<200x128xf32, #tpu.memory_space<vmem>>, vector<1x16xf32>,
      %get3A_459 = vector.shape_cast %get3A_458 : vector<1x16xf32> to vector<16xf32>
      %swap3A_460 = arith.index_cast %add3A_453 : i32 to index
      %swap3A_461 = arith.constant 80 : index
      %swap3A_462 = tpu.vector_load %arg7[%swap3A_460, %swap3A_461] {strides = array<i32>} : memref<200x128xf32, #tpu.memory_space<vmem>>, vector<1x16xf32>,
      %swap3A_463 = vector.shape_cast %swap3A_462 : vector<1x16xf32> to vector<16xf32>
      %swap3A_464 = vector.shape_cast %get3A_459 : vector<16xf32> to vector<1x16xf32>
      tpu.vector_store %arg7[%swap3A_460, %swap3A_461], %swap3A_464 {add = true, strides = array<i32>} : memref<200x128xf32, #tpu.memory_space<vmem>>, vector<1x16xf32>,
      %add3A_465 = arith.constant 1 : i32
      %add3A_466 = arith.addi %mul3A_284, %add3A_465 : i32
      %add3A_467 = arith.constant 1 : i32
      %add3A_468 = arith.addi %mul3A_284, %add3A_467 : i32
      %get3A_469 = arith.index_cast %add3A_468 : i32 to index
      %get3A_470 = arith.constant 96 : index
      %get3A_471 = tpu.vector_load %arg26[%get3A_469, %get3A_470] {strides = array<i32>} : memref<200x128xf32, #tpu.memory_space<vmem>>, vector<1x16xf32>,
      %get3A_472 = vector.shape_cast %get3A_471 : vector<1x16xf32> to vector<16xf32>
      %swap3A_473 = arith.index_cast %add3A_466 : i32 to index
      %swap3A_474 = arith.constant 96 : index
      %swap3A_475 = tpu.vector_load %arg7[%swap3A_473, %swap3A_474] {strides = array<i32>} : memref<200x128xf32, #tpu.memory_space<vmem>>, vector<1x16xf32>,
      %swap3A_476 = vector.shape_cast %swap3A_475 : vector<1x16xf32> to vector<16xf32>
      %swap3A_477 = vector.shape_cast %get3A_472 : vector<16xf32> to vector<1x16xf32>
      tpu.vector_store %arg7[%swap3A_473, %swap3A_474], %swap3A_477 {add = true, strides = array<i32>} : memref<200x128xf32, #tpu.memory_space<vmem>>, vector<1x16xf32>,
      %add3A_478 = arith.constant 1 : i32
      %add3A_479 = arith.addi %mul3A_284, %add3A_478 : i32
      %add3A_480 = arith.constant 1 : i32
      %add3A_481 = arith.addi %mul3A_284, %add3A_480 : i32
      %get3A_482 = arith.index_cast %add3A_481 : i32 to index
      %get3A_483 = arith.constant 112 : index
      %get3A_484 = tpu.vector_load %arg26[%get3A_482, %get3A_483] {strides = array<i32>} : memref<200x128xf32, #tpu.memory_space<vmem>>, vector<1x16xf32>,
      %get3A_485 = vector.shape_cast %get3A_484 : vector<1x16xf32> to vector<16xf32>
      %swap3A_486 = arith.index_cast %add3A_479 : i32 to index
      %swap3A_487 = arith.constant 112 : index
      %swap3A_488 = tpu.vector_load %arg7[%swap3A_486, %swap3A_487] {strides = array<i32>} : memref<200x128xf32, #tpu.memory_space<vmem>>, vector<1x16xf32>,
      %swap3A_489 = vector.shape_cast %swap3A_488 : vector<1x16xf32> to vector<16xf32>
      %swap3A_490 = vector.shape_cast %get3A_485 : vector<16xf32> to vector<1x16xf32>
      tpu.vector_store %arg7[%swap3A_486, %swap3A_487], %swap3A_490 {add = true, strides = array<i32>} : memref<200x128xf32, #tpu.memory_space<vmem>>, vector<1x16xf32>,
      %add3A_491 = arith.constant 2 : i32
      %add3A_492 = arith.addi %mul3A_284, %add3A_491 : i32
      %add3A_493 = arith.constant 2 : i32
      %add3A_494 = arith.addi %mul3A_284, %add3A_493 : i32
      %get3A_495 = arith.index_cast %add3A_494 : i32 to index
      %get3A_496 = arith.constant 0 : index
      %get3A_497 = tpu.vector_load %arg26[%get3A_495, %get3A_496] {strides = array<i32>} : memref<200x128xf32, #tpu.memory_space<vmem>>, vector<1x16xf32>,
      %get3A_498 = vector.shape_cast %get3A_497 : vector<1x16xf32> to vector<16xf32>
      %swap3A_499 = arith.index_cast %add3A_492 : i32 to index
      %swap3A_500 = arith.constant 0 : index
      %swap3A_501 = tpu.vector_load %arg7[%swap3A_499, %swap3A_500] {strides = array<i32>} : memref<200x128xf32, #tpu.memory_space<vmem>>, vector<1x16xf32>,
      %swap3A_502 = vector.shape_cast %swap3A_501 : vector<1x16xf32> to vector<16xf32>
      %swap3A_503 = vector.shape_cast %get3A_498 : vector<16xf32> to vector<1x16xf32>
      tpu.vector_store %arg7[%swap3A_499, %swap3A_500], %swap3A_503 {add = true, strides = array<i32>} : memref<200x128xf32, #tpu.memory_space<vmem>>, vector<1x16xf32>,
      %add3A_504 = arith.constant 2 : i32
      %add3A_505 = arith.addi %mul3A_284, %add3A_504 : i32
      %add3A_506 = arith.constant 2 : i32
      %add3A_507 = arith.addi %mul3A_284, %add3A_506 : i32
      %get3A_508 = arith.index_cast %add3A_507 : i32 to index
      %get3A_509 = arith.constant 16 : index
      %get3A_510 = tpu.vector_load %arg26[%get3A_508, %get3A_509] {strides = array<i32>} : memref<200x128xf32, #tpu.memory_space<vmem>>, vector<1x16xf32>,
      %get3A_511 = vector.shape_cast %get3A_510 : vector<1x16xf32> to vector<16xf32>
      %swap3A_512 = arith.index_cast %add3A_505 : i32 to index
      %swap3A_513 = arith.constant 16 : index
      %swap3A_514 = tpu.vector_load %arg7[%swap3A_512, %swap3A_513] {strides = array<i32>} : memref<200x128xf32, #tpu.memory_space<vmem>>, vector<1x16xf32>,
      %swap3A_515 = vector.shape_cast %swap3A_514 : vector<1x16xf32> to vector<16xf32>
      %swap3A_516 = vector.shape_cast %get3A_511 : vector<16xf32> to vector<1x16xf32>
      tpu.vector_store %arg7[%swap3A_512, %swap3A_513], %swap3A_516 {add = true, strides = array<i32>} : memref<200x128xf32, #tpu.memory_space<vmem>>, vector<1x16xf32>,
      %add3A_517 = arith.constant 2 : i32
      %add3A_518 = arith.addi %mul3A_284, %add3A_517 : i32
      %add3A_519 = arith.constant 2 : i32
      %add3A_520 = arith.addi %mul3A_284, %add3A_519 : i32
      %get3A_521 = arith.index_cast %add3A_520 : i32 to index
      %get3A_522 = arith.constant 32 : index
      %get3A_523 = tpu.vector_load %arg26[%get3A_521, %get3A_522] {strides = array<i32>} : memref<200x128xf32, #tpu.memory_space<vmem>>, vector<1x16xf32>,
      %get3A_524 = vector.shape_cast %get3A_523 : vector<1x16xf32> to vector<16xf32>
      %swap3A_525 = arith.index_cast %add3A_518 : i32 to index
      %swap3A_526 = arith.constant 32 : index
      %swap3A_527 = tpu.vector_load %arg7[%swap3A_525, %swap3A_526] {strides = array<i32>} : memref<200x128xf32, #tpu.memory_space<vmem>>, vector<1x16xf32>,
      %swap3A_528 = vector.shape_cast %swap3A_527 : vector<1x16xf32> to vector<16xf32>
      %swap3A_529 = vector.shape_cast %get3A_524 : vector<16xf32> to vector<1x16xf32>
      tpu.vector_store %arg7[%swap3A_525, %swap3A_526], %swap3A_529 {add = true, strides = array<i32>} : memref<200x128xf32, #tpu.memory_space<vmem>>, vector<1x16xf32>,
      %add3A_530 = arith.constant 2 : i32
      %add3A_531 = arith.addi %mul3A_284, %add3A_530 : i32
      %add3A_532 = arith.constant 2 : i32
      %add3A_533 = arith.addi %mul3A_284, %add3A_532 : i32
      %get3A_534 = arith.index_cast %add3A_533 : i32 to index
      %get3A_535 = arith.constant 48 : index
      %get3A_536 = tpu.vector_load %arg26[%get3A_534, %get3A_535] {strides = array<i32>} : memref<200x128xf32, #tpu.memory_space<vmem>>, vector<1x16xf32>,
      %get3A_537 = vector.shape_cast %get3A_536 : vector<1x16xf32> to vector<16xf32>
      %swap3A_538 = arith.index_cast %add3A_531 : i32 to index
      %swap3A_539 = arith.constant 48 : index
      %swap3A_540 = tpu.vector_load %arg7[%swap3A_538, %swap3A_539] {strides = array<i32>} : memref<200x128xf32, #tpu.memory_space<vmem>>, vector<1x16xf32>,
      %swap3A_541 = vector.shape_cast %swap3A_540 : vector<1x16xf32> to vector<16xf32>
      %swap3A_542 = vector.shape_cast %get3A_537 : vector<16xf32> to vector<1x16xf32>
      tpu.vector_store %arg7[%swap3A_538, %swap3A_539], %swap3A_542 {add = true, strides = array<i32>} : memref<200x128xf32, #tpu.memory_space<vmem>>, vector<1x16xf32>,
      %add3A_543 = arith.constant 2 : i32
      %add3A_544 = arith.addi %mul3A_284, %add3A_543 : i32
      %add3A_545 = arith.constant 2 : i32
      %add3A_546 = arith.addi %mul3A_284, %add3A_545 : i32
      %get3A_547 = arith.index_cast %add3A_546 : i32 to index
      %get3A_548 = arith.constant 64 : index
      %get3A_549 = tpu.vector_load %arg26[%get3A_547, %get3A_548] {strides = array<i32>} : memref<200x128xf32, #tpu.memory_space<vmem>>, vector<1x16xf32>,
      %get3A_550 = vector.shape_cast %get3A_549 : vector<1x16xf32> to vector<16xf32>
      %swap3A_551 = arith.index_cast %add3A_544 : i32 to index
      %swap3A_552 = arith.constant 64 : index
      %swap3A_553 = tpu.vector_load %arg7[%swap3A_551, %swap3A_552] {strides = array<i32>} : memref<200x128xf32, #tpu.memory_space<vmem>>, vector<1x16xf32>,
      %swap3A_554 = vector.shape_cast %swap3A_553 : vector<1x16xf32> to vector<16xf32>
      %swap3A_555 = vector.shape_cast %get3A_550 : vector<16xf32> to vector<1x16xf32>
      tpu.vector_store %arg7[%swap3A_551, %swap3A_552], %swap3A_555 {add = true, strides = array<i32>} : memref<200x128xf32, #tpu.memory_space<vmem>>, vector<1x16xf32>,
      %add3A_556 = arith.constant 2 : i32
      %add3A_557 = arith.addi %mul3A_284, %add3A_556 : i32
      %add3A_558 = arith.constant 2 : i32
      %add3A_559 = arith.addi %mul3A_284, %add3A_558 : i32
      %get3A_560 = arith.index_cast %add3A_559 : i32 to index
      %get3A_561 = arith.constant 80 : index
      %get3A_562 = tpu.vector_load %arg26[%get3A_560, %get3A_561] {strides = array<i32>} : memref<200x128xf32, #tpu.memory_space<vmem>>, vector<1x16xf32>,
      %get3A_563 = vector.shape_cast %get3A_562 : vector<1x16xf32> to vector<16xf32>
      %swap3A_564 = arith.index_cast %add3A_557 : i32 to index
      %swap3A_565 = arith.constant 80 : index
      %swap3A_566 = tpu.vector_load %arg7[%swap3A_564, %swap3A_565] {strides = array<i32>} : memref<200x128xf32, #tpu.memory_space<vmem>>, vector<1x16xf32>,
      %swap3A_567 = vector.shape_cast %swap3A_566 : vector<1x16xf32> to vector<16xf32>
      %swap3A_568 = vector.shape_cast %get3A_563 : vector<16xf32> to vector<1x16xf32>
      tpu.vector_store %arg7[%swap3A_564, %swap3A_565], %swap3A_568 {add = true, strides = array<i32>} : memref<200x128xf32, #tpu.memory_space<vmem>>, vector<1x16xf32>,
      %add3A_569 = arith.constant 2 : i32
      %add3A_570 = arith.addi %mul3A_284, %add3A_569 : i32
      %add3A_571 = arith.constant 2 : i32
      %add3A_572 = arith.addi %mul3A_284, %add3A_571 : i32
      %get3A_573 = arith.index_cast %add3A_572 : i32 to index
      %get3A_574 = arith.constant 96 : index
      %get3A_575 = tpu.vector_load %arg26[%get3A_573, %get3A_574] {strides = array<i32>} : memref<200x128xf32, #tpu.memory_space<vmem>>, vector<1x16xf32>,
      %get3A_576 = vector.shape_cast %get3A_575 : vector<1x16xf32> to vector<16xf32>
      %swap3A_577 = arith.index_cast %add3A_570 : i32 to index
      %swap3A_578 = arith.constant 96 : index
      %swap3A_579 = tpu.vector_load %arg7[%swap3A_577, %swap3A_578] {strides = array<i32>} : memref<200x128xf32, #tpu.memory_space<vmem>>, vector<1x16xf32>,
      %swap3A_580 = vector.shape_cast %swap3A_579 : vector<1x16xf32> to vector<16xf32>
      %swap3A_581 = vector.shape_cast %get3A_576 : vector<16xf32> to vector<1x16xf32>
      tpu.vector_store %arg7[%swap3A_577, %swap3A_578], %swap3A_581 {add = true, strides = array<i32>} : memref<200x128xf32, #tpu.memory_space<vmem>>, vector<1x16xf32>,
      %add3A_582 = arith.constant 2 : i32
      %add3A_583 = arith.addi %mul3A_284, %add3A_582 : i32
      %add3A_584 = arith.constant 2 : i32
      %add3A_585 = arith.addi %mul3A_284, %add3A_584 : i32
      %get3A_586 = arith.index_cast %add3A_585 : i32 to index
      %get3A_587 = arith.constant 112 : index
      %get3A_588 = tpu.vector_load %arg26[%get3A_586, %get3A_587] {strides = array<i32>} : memref<200x128xf32, #tpu.memory_space<vmem>>, vector<1x16xf32>,
      %get3A_589 = vector.shape_cast %get3A_588 : vector<1x16xf32> to vector<16xf32>
      %swap3A_590 = arith.index_cast %add3A_583 : i32 to index
      %swap3A_591 = arith.constant 112 : index
      %swap3A_592 = tpu.vector_load %arg7[%swap3A_590, %swap3A_591] {strides = array<i32>} : memref<200x128xf32, #tpu.memory_space<vmem>>, vector<1x16xf32>,
      %swap3A_593 = vector.shape_cast %swap3A_592 : vector<1x16xf32> to vector<16xf32>
      %swap3A_594 = vector.shape_cast %get3A_589 : vector<16xf32> to vector<1x16xf32>
      tpu.vector_store %arg7[%swap3A_590, %swap3A_591], %swap3A_594 {add = true, strides = array<i32>} : memref<200x128xf32, #tpu.memory_space<vmem>>, vector<1x16xf32>,
      %add3A_595 = arith.constant 3 : i32
      %add3A_596 = arith.addi %mul3A_284, %add3A_595 : i32
      %add3A_597 = arith.constant 3 : i32
      %add3A_598 = arith.addi %mul3A_284, %add3A_597 : i32
      %get3A_599 = arith.index_cast %add3A_598 : i32 to index
      %get3A_600 = arith.constant 0 : index
      %get3A_601 = tpu.vector_load %arg26[%get3A_599, %get3A_600] {strides = array<i32>} : memref<200x128xf32, #tpu.memory_space<vmem>>, vector<1x16xf32>,
      %get3A_602 = vector.shape_cast %get3A_601 : vector<1x16xf32> to vector<16xf32>
      %swap3A_603 = arith.index_cast %add3A_596 : i32 to index
      %swap3A_604 = arith.constant 0 : index
      %swap3A_605 = tpu.vector_load %arg7[%swap3A_603, %swap3A_604] {strides = array<i32>} : memref<200x128xf32, #tpu.memory_space<vmem>>, vector<1x16xf32>,
      %swap3A_606 = vector.shape_cast %swap3A_605 : vector<1x16xf32> to vector<16xf32>
      %swap3A_607 = vector.shape_cast %get3A_602 : vector<16xf32> to vector<1x16xf32>
      tpu.vector_store %arg7[%swap3A_603, %swap3A_604], %swap3A_607 {add = true, strides = array<i32>} : memref<200x128xf32, #tpu.memory_space<vmem>>, vector<1x16xf32>,
      %add3A_608 = arith.constant 3 : i32
      %add3A_609 = arith.addi %mul3A_284, %add3A_608 : i32
      %add3A_610 = arith.constant 3 : i32
      %add3A_611 = arith.addi %mul3A_284, %add3A_610 : i32
      %get3A_612 = arith.index_cast %add3A_611 : i32 to index
      %get3A_613 = arith.constant 16 : index
      %get3A_614 = tpu.vector_load %arg26[%get3A_612, %get3A_613] {strides = array<i32>} : memref<200x128xf32, #tpu.memory_space<vmem>>, vector<1x16xf32>,
      %get3A_615 = vector.shape_cast %get3A_614 : vector<1x16xf32> to vector<16xf32>
      %swap3A_616 = arith.index_cast %add3A_609 : i32 to index
      %swap3A_617 = arith.constant 16 : index
      %swap3A_618 = tpu.vector_load %arg7[%swap3A_616, %swap3A_617] {strides = array<i32>} : memref<200x128xf32, #tpu.memory_space<vmem>>, vector<1x16xf32>,
      %swap3A_619 = vector.shape_cast %swap3A_618 : vector<1x16xf32> to vector<16xf32>
      %swap3A_620 = vector.shape_cast %get3A_615 : vector<16xf32> to vector<1x16xf32>
      tpu.vector_store %arg7[%swap3A_616, %swap3A_617], %swap3A_620 {add = true, strides = array<i32>} : memref<200x128xf32, #tpu.memory_space<vmem>>, vector<1x16xf32>,
      %add3A_621 = arith.constant 3 : i32
      %add3A_622 = arith.addi %mul3A_284, %add3A_621 : i32
      %add3A_623 = arith.constant 3 : i32
      %add3A_624 = arith.addi %mul3A_284, %add3A_623 : i32
      %get3A_625 = arith.index_cast %add3A_624 : i32 to index
      %get3A_626 = arith.constant 32 : index
      %get3A_627 = tpu.vector_load %arg26[%get3A_625, %get3A_626] {strides = array<i32>} : memref<200x128xf32, #tpu.memory_space<vmem>>, vector<1x16xf32>,
      %get3A_628 = vector.shape_cast %get3A_627 : vector<1x16xf32> to vector<16xf32>
      %swap3A_629 = arith.index_cast %add3A_622 : i32 to index
      %swap3A_630 = arith.constant 32 : index
      %swap3A_631 = tpu.vector_load %arg7[%swap3A_629, %swap3A_630] {strides = array<i32>} : memref<200x128xf32, #tpu.memory_space<vmem>>, vector<1x16xf32>,
      %swap3A_632 = vector.shape_cast %swap3A_631 : vector<1x16xf32> to vector<16xf32>
      %swap3A_633 = vector.shape_cast %get3A_628 : vector<16xf32> to vector<1x16xf32>
      tpu.vector_store %arg7[%swap3A_629, %swap3A_630], %swap3A_633 {add = true, strides = array<i32>} : memref<200x128xf32, #tpu.memory_space<vmem>>, vector<1x16xf32>,
      %add3A_634 = arith.constant 3 : i32
      %add3A_635 = arith.addi %mul3A_284, %add3A_634 : i32
      %add3A_636 = arith.constant 3 : i32
      %add3A_637 = arith.addi %mul3A_284, %add3A_636 : i32
      %get3A_638 = arith.index_cast %add3A_637 : i32 to index
      %get3A_639 = arith.constant 48 : index
      %get3A_640 = tpu.vector_load %arg26[%get3A_638, %get3A_639] {strides = array<i32>} : memref<200x128xf32, #tpu.memory_space<vmem>>, vector<1x16xf32>,
      %get3A_641 = vector.shape_cast %get3A_640 : vector<1x16xf32> to vector<16xf32>
      %swap3A_642 = arith.index_cast %add3A_635 : i32 to index
      %swap3A_643 = arith.constant 48 : index
      %swap3A_644 = tpu.vector_load %arg7[%swap3A_642, %swap3A_643] {strides = array<i32>} : memref<200x128xf32, #tpu.memory_space<vmem>>, vector<1x16xf32>,
      %swap3A_645 = vector.shape_cast %swap3A_644 : vector<1x16xf32> to vector<16xf32>
      %swap3A_646 = vector.shape_cast %get3A_641 : vector<16xf32> to vector<1x16xf32>
      tpu.vector_store %arg7[%swap3A_642, %swap3A_643], %swap3A_646 {add = true, strides = array<i32>} : memref<200x128xf32, #tpu.memory_space<vmem>>, vector<1x16xf32>,
      %add3A_647 = arith.constant 3 : i32
      %add3A_648 = arith.addi %mul3A_284, %add3A_647 : i32
      %add3A_649 = arith.constant 3 : i32
      %add3A_650 = arith.addi %mul3A_284, %add3A_649 : i32
      %get3A_651 = arith.index_cast %add3A_650 : i32 to index
      %get3A_652 = arith.constant 64 : index
      %get3A_653 = tpu.vector_load %arg26[%get3A_651, %get3A_652] {strides = array<i32>} : memref<200x128xf32, #tpu.memory_space<vmem>>, vector<1x16xf32>,
      %get3A_654 = vector.shape_cast %get3A_653 : vector<1x16xf32> to vector<16xf32>
      %swap3A_655 = arith.index_cast %add3A_648 : i32 to index
      %swap3A_656 = arith.constant 64 : index
      %swap3A_657 = tpu.vector_load %arg7[%swap3A_655, %swap3A_656] {strides = array<i32>} : memref<200x128xf32, #tpu.memory_space<vmem>>, vector<1x16xf32>,
      %swap3A_658 = vector.shape_cast %swap3A_657 : vector<1x16xf32> to vector<16xf32>
      %swap3A_659 = vector.shape_cast %get3A_654 : vector<16xf32> to vector<1x16xf32>
      tpu.vector_store %arg7[%swap3A_655, %swap3A_656], %swap3A_659 {add = true, strides = array<i32>} : memref<200x128xf32, #tpu.memory_space<vmem>>, vector<1x16xf32>,
      %add3A_660 = arith.constant 3 : i32
      %add3A_661 = arith.addi %mul3A_284, %add3A_660 : i32
      %add3A_662 = arith.constant 3 : i32
      %add3A_663 = arith.addi %mul3A_284, %add3A_662 : i32
      %get3A_664 = arith.index_cast %add3A_663 : i32 to index
      %get3A_665 = arith.constant 80 : index
      %get3A_666 = tpu.vector_load %arg26[%get3A_664, %get3A_665] {strides = array<i32>} : memref<200x128xf32, #tpu.memory_space<vmem>>, vector<1x16xf32>,
      %get3A_667 = vector.shape_cast %get3A_666 : vector<1x16xf32> to vector<16xf32>
      %swap3A_668 = arith.index_cast %add3A_661 : i32 to index
      %swap3A_669 = arith.constant 80 : index
      %swap3A_670 = tpu.vector_load %arg7[%swap3A_668, %swap3A_669] {strides = array<i32>} : memref<200x128xf32, #tpu.memory_space<vmem>>, vector<1x16xf32>,
      %swap3A_671 = vector.shape_cast %swap3A_670 : vector<1x16xf32> to vector<16xf32>
      %swap3A_672 = vector.shape_cast %get3A_667 : vector<16xf32> to vector<1x16xf32>
      tpu.vector_store %arg7[%swap3A_668, %swap3A_669], %swap3A_672 {add = true, strides = array<i32>} : memref<200x128xf32, #tpu.memory_space<vmem>>, vector<1x16xf32>,
      %add3A_673 = arith.constant 3 : i32
      %add3A_674 = arith.addi %mul3A_284, %add3A_673 : i32
      %add3A_675 = arith.constant 3 : i32
      %add3A_676 = arith.addi %mul3A_284, %add3A_675 : i32
      %get3A_677 = arith.index_cast %add3A_676 : i32 to index
      %get3A_678 = arith.constant 96 : index
      %get3A_679 = tpu.vector_load %arg26[%get3A_677, %get3A_678] {strides = array<i32>} : memref<200x128xf32, #tpu.memory_space<vmem>>, vector<1x16xf32>,
      %get3A_680 = vector.shape_cast %get3A_679 : vector<1x16xf32> to vector<16xf32>
      %swap3A_681 = arith.index_cast %add3A_674 : i32 to index
      %swap3A_682 = arith.constant 96 : index
      %swap3A_683 = tpu.vector_load %arg7[%swap3A_681, %swap3A_682] {strides = array<i32>} : memref<200x128xf32, #tpu.memory_space<vmem>>, vector<1x16xf32>,
      %swap3A_684 = vector.shape_cast %swap3A_683 : vector<1x16xf32> to vector<16xf32>
      %swap3A_685 = vector.shape_cast %get3A_680 : vector<16xf32> to vector<1x16xf32>
      tpu.vector_store %arg7[%swap3A_681, %swap3A_682], %swap3A_685 {add = true, strides = array<i32>} : memref<200x128xf32, #tpu.memory_space<vmem>>, vector<1x16xf32>,
      %add3A_686 = arith.constant 3 : i32
      %add3A_687 = arith.addi %mul3A_284, %add3A_686 : i32
      %add3A_688 = arith.constant 3 : i32
      %add3A_689 = arith.addi %mul3A_284, %add3A_688 : i32
      %get3A_690 = arith.index_cast %add3A_689 : i32 to index
      %get3A_691 = arith.constant 112 : index
      %get3A_692 = tpu.vector_load %arg26[%get3A_690, %get3A_691] {strides = array<i32>} : memref<200x128xf32, #tpu.memory_space<vmem>>, vector<1x16xf32>,
      %get3A_693 = vector.shape_cast %get3A_692 : vector<1x16xf32> to vector<16xf32>
      %swap3A_694 = arith.index_cast %add3A_687 : i32 to index
      %swap3A_695 = arith.constant 112 : index
      %swap3A_696 = tpu.vector_load %arg7[%swap3A_694, %swap3A_695] {strides = array<i32>} : memref<200x128xf32, #tpu.memory_space<vmem>>, vector<1x16xf32>,
      %swap3A_697 = vector.shape_cast %swap3A_696 : vector<1x16xf32> to vector<16xf32>
      %swap3A_698 = vector.shape_cast %get3A_693 : vector<16xf32> to vector<1x16xf32>
      tpu.vector_store %arg7[%swap3A_694, %swap3A_695], %swap3A_698 {add = true, strides = array<i32>} : memref<200x128xf32, #tpu.memory_space<vmem>>, vector<1x16xf32>,
    }
    %scan3A_183 = arith.constant 50 : i32
    %add3A_184 = arith.constant 1 : i32
    %add3A_185 = arith.addi %mul3A_2, %add3A_184 : i32
    %mul3A_186 = arith.constant 200 : i32
    %mul3A_187 = arith.muli %add3A_185, %mul3A_186 : i32
    %dma_start3A_188 = arith.constant 0 : i32
    %dma_start3A_189 = tpu.memref_slice %arg5[%mul3A_187, %dma_start3A_188] : memref<819200x128xf32, #tpu.memory_space<hbm>> -> memref<200x128xf32, #tpu.memory_space<hbm>>
    %dma_start3A_190 = arith.constant 0 : i32
    %dma_start3A_191 = tpu.memref_slice %arg5[%mul3A_187, %dma_start3A_190] : memref<819200x128xf32, #tpu.memory_space<hbm>> -> memref<200x128xf32, #tpu.memory_space<hbm>>
    tpu.enqueue_dma source(%arg7 : memref<200x128xf32, #tpu.memory_space<vmem>>) target(%dma_start3A_191 : memref<200x128xf32, #tpu.memory_space<hbm>>) target_semaphore(%arg19 : memref<!tpu.dma_semaphore, #tpu.memory_space<semaphore_mem>>)
    %scan3A_192 = arith.constant 0 : i32
    %scan3A_193 = arith.constant 0 : i32
    %scan3A_194 = arith.constant 31 : i32
    %scan3A_195 = arith.addi %scan3A_193, %scan3A_194 : i32
    %scan3A_196 = arith.constant 1 : i32
    scf.for %scan3A_282 = %scan3A_193 to %scan3A_195 step %scan3A_196  : i32 {
      %mul3A_283 = arith.constant 4 : i32
      %mul3A_284 = arith.muli %mul3A_283, %scan3A_282 : i32
      %add3A_285 = arith.constant 2 : i32
      %add3A_286 = arith.addi %mul3A_284, %add3A_285 : i32
      %dma_wait3A_287 = arith.constant 0 : i32
      %dma_wait3A_288 = arith.constant 0 : i32
      %dma_wait3A_289 = tpu.memref_slice %arg5[%dma_wait3A_287, %dma_wait3A_288] : memref<819200x128xf32, #tpu.memory_space<hbm>> -> memref<200x128xf32, #tpu.memory_space<hbm>>
      %dma_wait3A_290 = arith.constant 0 : i32
      %dma_wait3A_291 = arith.constant 0 : i32
      %dma_wait3A_292 = tpu.memref_slice %arg5[%dma_wait3A_290, %dma_wait3A_291] : memref<819200x128xf32, #tpu.memory_space<hbm>> -> memref<200x128xf32, #tpu.memory_space<hbm>>
      tpu.wait_dma2 semaphore(%arg18 : memref<!tpu.dma_semaphore, #tpu.memory_space<semaphore_mem>>) src(%arg6 : memref<200x128xf32, #tpu.memory_space<vmem>>) dst(%dma_wait3A_292 : memref<200x128xf32, #tpu.memory_space<hbm>>)
      %dma_wait3A_293 = arith.constant 0 : i32
      %dma_wait3A_294 = arith.constant 0 : i32
      %dma_wait3A_295 = tpu.memref_slice %arg2[%dma_wait3A_293, %dma_wait3A_294] : memref<4096x200xi32, #tpu.memory_space<hbm>> -> memref<1x200xi32, #tpu.memory_space<hbm>>
      %dma_wait3A_296 = tpu.memref_squeeze %dma_wait3A_295 : memref<1x200xi32, #tpu.memory_space<hbm>> -> memref<200xi32, #tpu.memory_space<hbm>>
      %dma_wait3A_297 = arith.constant 0 : i32
      %dma_wait3A_298 = tpu.memref_slice %arg2[%dma_wait3A_293, %dma_wait3A_297] : memref<4096x200xi32, #tpu.memory_space<hbm>> -> memref<1x200xi32, #tpu.memory_space<hbm>>
      %dma_wait3A_299 = tpu.memref_squeeze %dma_wait3A_298 : memref<1x200xi32, #tpu.memory_space<hbm>> -> memref<200xi32, #tpu.memory_space<hbm>>
      tpu.wait_dma2 semaphore(%arg22 : memref<!tpu.dma_semaphore, #tpu.memory_space<semaphore_mem>>) src(%dma_wait3A_299 : memref<200xi32, #tpu.memory_space<hbm>>) dst(%arg10 : memref<200xi32, #tpu.memory_space<vmem>>)
      %dma_start3A_300 = arith.constant 0 : i32
      %dma_start3A_301 = arith.constant 0 : i32
      %dma_start3A_302 = tpu.memref_slice %arg6[%dma_start3A_300, %dma_start3A_301] : memref<200x128xf32, #tpu.memory_space<vmem>> -> memref<128x128xf32, #tpu.memory_space<vmem>>
      %dma_start3A_303 = arith.constant 0 : i32
      %dma_start3A_304 = tpu.memref_slice %arg10[%dma_start3A_303] : memref<200xi32, #tpu.memory_space<vmem>> -> memref<128xi32, #tpu.memory_space<vmem>>
      %dma_start3A_305 = arith.constant 0 : i32
      %dma_start3A_306 = arith.constant 0 : i32
      %dma_start3A_307 = tpu.memref_slice %arg3[%dma_start3A_305, %dma_start3A_306] : memref<100000x128xf32, #tpu.memory_space<hbm>> -> memref<100000x128xf32, #tpu.memory_space<hbm>>
      tpu.enqueue_indirect_dma source(%dma_start3A_307 : memref<100000x128xf32, #tpu.memory_space<hbm>>) target(%dma_start3A_302 : memref<128x128xf32, #tpu.memory_space<vmem>>) offsets(%dma_start3A_304 : memref<128xi32, #tpu.memory_space<vmem>>) semaphore(%arg14 : memref<!tpu.dma_semaphore, #tpu.memory_space<semaphore_mem>>)
      %dma_start3A_308 = arith.constant 128 : i32
      %dma_start3A_309 = arith.constant 0 : i32
      %dma_start3A_310 = tpu.memref_slice %arg6[%dma_start3A_308, %dma_start3A_309] : memref<200x128xf32, #tpu.memory_space<vmem>> -> memref<72x128xf32, #tpu.memory_space<vmem>>
      %dma_start3A_311 = arith.constant 128 : i32
      %dma_start3A_312 = tpu.memref_slice %arg10[%dma_start3A_311] : memref<200xi32, #tpu.memory_space<vmem>> -> memref<72xi32, #tpu.memory_space<vmem>>
      %dma_start3A_313 = arith.constant 0 : i32
      %dma_start3A_314 = arith.constant 0 : i32
      %dma_start3A_315 = tpu.memref_slice %arg3[%dma_start3A_313, %dma_start3A_314] : memref<100000x128xf32, #tpu.memory_space<hbm>> -> memref<100000x128xf32, #tpu.memory_space<hbm>>
      tpu.enqueue_indirect_dma source(%dma_start3A_315 : memref<100000x128xf32, #tpu.memory_space<hbm>>) target(%dma_start3A_310 : memref<72x128xf32, #tpu.memory_space<vmem>>) offsets(%dma_start3A_312 : memref<72xi32, #tpu.memory_space<vmem>>) semaphore(%arg14 : memref<!tpu.dma_semaphore, #tpu.memory_space<semaphore_mem>>)
      %add3A_316 = arith.constant 0 : i32
      %add3A_317 = arith.addi %add3A_286, %add3A_316 : i32
      %add3A_318 = arith.constant 3 : i32
      %add3A_319 = arith.addi %add3A_317, %add3A_318 : i32
      %lt3A = arith.constant 128 : i32
      %lt3A_320 = arith.cmpi slt, %add3A_319, %lt3A : i32
      %convert_element_type3A = arith.extui %lt3A_320 : i1 to i32
      %cond3A = arith.constant 0 : i32
      %cond3A_321 = arith.cmpi ne, %convert_element_type3A, %cond3A : i32
      scf.if %cond3A_321 {
        %add3A_560 = arith.constant 0 : i32
        %add3A_561 = arith.addi %add3A_286, %add3A_560 : i32
        %add3A_562 = arith.constant 3 : i32
        %add3A_563 = arith.addi %add3A_561, %add3A_562 : i32
        %add3A_564 = arith.addi %mul3A_2, %add3A_563 : i32
        %dma_start3A_565 = arith.constant 0 : i32
        %dma_start3A_566 = tpu.memref_slice %arg2[%add3A_564, %dma_start3A_565] : memref<4096x200xi32, #tpu.memory_space<hbm>> -> memref<1x200xi32, #tpu.memory_space<hbm>>
        %dma_start3A_567 = tpu.memref_squeeze %dma_start3A_566 : memref<1x200xi32, #tpu.memory_space<hbm>> -> memref<200xi32, #tpu.memory_space<hbm>>
        %dma_start3A_568 = arith.constant 0 : i32
        %dma_start3A_569 = tpu.memref_slice %arg2[%add3A_564, %dma_start3A_568] : memref<4096x200xi32, #tpu.memory_space<hbm>> -> memref<1x200xi32, #tpu.memory_space<hbm>>
        %dma_start3A_570 = tpu.memref_squeeze %dma_start3A_569 : memref<1x200xi32, #tpu.memory_space<hbm>> -> memref<200xi32, #tpu.memory_space<hbm>>
        tpu.enqueue_dma source(%dma_start3A_570 : memref<200xi32, #tpu.memory_space<hbm>>) target(%arg11 : memref<200xi32, #tpu.memory_space<vmem>>) target_semaphore(%arg23 : memref<!tpu.dma_semaphore, #tpu.memory_space<semaphore_mem>>)
      } else {
      }
      %add3A_322 = arith.constant 0 : i32
      %add3A_323 = arith.addi %add3A_286, %add3A_322 : i32
      %dma_wait3A_324 = arith.constant 0 : i32
      %dma_wait3A_325 = arith.constant 0 : i32
      %dma_wait3A_326 = tpu.memref_slice %arg8[%dma_wait3A_324, %dma_wait3A_325] : memref<200x128xf32, #tpu.memory_space<vmem>> -> memref<128x128xf32, #tpu.memory_space<vmem>>
      %dma_wait3A_327 = arith.constant 0 : i32
      %dma_wait3A_328 = tpu.memref_slice %arg12[%dma_wait3A_327] : memref<200xi32, #tpu.memory_space<vmem>> -> memref<128xi32, #tpu.memory_space<vmem>>
      %dma_wait3A_329 = arith.constant 0 : i32
      %dma_wait3A_330 = arith.constant 0 : i32
      %dma_wait3A_331 = tpu.memref_slice %arg3[%dma_wait3A_329, %dma_wait3A_330] : memref<100000x128xf32, #tpu.memory_space<hbm>> -> memref<100000x128xf32, #tpu.memory_space<hbm>>
      tpu.wait_indirect_dma semaphore(%arg16 : memref<!tpu.dma_semaphore, #tpu.memory_space<semaphore_mem>>) src(%dma_wait3A_331 : memref<100000x128xf32, #tpu.memory_space<hbm>>) dst(%dma_wait3A_326 : memref<128x128xf32, #tpu.memory_space<vmem>>)
      %dma_wait3A_332 = arith.constant 128 : i32
      %dma_wait3A_333 = arith.constant 0 : i32
      %dma_wait3A_334 = tpu.memref_slice %arg8[%dma_wait3A_332, %dma_wait3A_333] : memref<200x128xf32, #tpu.memory_space<vmem>> -> memref<72x128xf32, #tpu.memory_space<vmem>>
      %dma_wait3A_335 = arith.constant 128 : i32
      %dma_wait3A_336 = tpu.memref_slice %arg12[%dma_wait3A_335] : memref<200xi32, #tpu.memory_space<vmem>> -> memref<72xi32, #tpu.memory_space<vmem>>
      %dma_wait3A_337 = arith.constant 0 : i32
      %dma_wait3A_338 = arith.constant 0 : i32
      %dma_wait3A_339 = tpu.memref_slice %arg3[%dma_wait3A_337, %dma_wait3A_338] : memref<100000x128xf32, #tpu.memory_space<hbm>> -> memref<100000x128xf32, #tpu.memory_space<hbm>>
      tpu.wait_indirect_dma semaphore(%arg16 : memref<!tpu.dma_semaphore, #tpu.memory_space<semaphore_mem>>) src(%dma_wait3A_339 : memref<100000x128xf32, #tpu.memory_space<hbm>>) dst(%dma_wait3A_334 : memref<72x128xf32, #tpu.memory_space<vmem>>)
      %scan3A_340 = arith.constant 0 : i32
      %scan3A_341 = arith.constant 0 : i32
      %scan3A_342 = arith.constant 50 : i32
      %scan3A_343 = arith.addi %scan3A_341, %scan3A_342 : i32
      %scan3A_344 = arith.constant 1 : i32
      scf.for %scan3A_560 = %scan3A_341 to %scan3A_343 step %scan3A_344  : i32 {
        %mul3A_561 = arith.constant 4 : i32
        %mul3A_562 = arith.muli %scan3A_560, %mul3A_561 : i32
        %add3A_563 = arith.constant 0 : i32
        %add3A_564 = arith.addi %mul3A_562, %add3A_563 : i32
        %add3A_565 = arith.constant 0 : i32
        %add3A_566 = arith.addi %mul3A_562, %add3A_565 : i32
        %get3A = arith.index_cast %add3A_566 : i32 to index
        %get3A_567 = arith.constant 0 : index
        %get3A_568 = tpu.vector_load %arg26[%get3A, %get3A_567] {strides = array<i32>} : memref<200x128xf32, #tpu.memory_space<vmem>>, vector<1x16xf32>,
        %get3A_569 = vector.shape_cast %get3A_568 : vector<1x16xf32> to vector<16xf32>
        %swap3A = arith.index_cast %add3A_564 : i32 to index
        %swap3A_570 = arith.constant 0 : index
        %swap3A_571 = tpu.vector_load %arg8[%swap3A, %swap3A_570] {strides = array<i32>} : memref<200x128xf32, #tpu.memory_space<vmem>>, vector<1x16xf32>,
        %swap3A_572 = vector.shape_cast %swap3A_571 : vector<1x16xf32> to vector<16xf32>
        %swap3A_573 = vector.shape_cast %get3A_569 : vector<16xf32> to vector<1x16xf32>
        tpu.vector_store %arg8[%swap3A, %swap3A_570], %swap3A_573 {add = true, strides = array<i32>} : memref<200x128xf32, #tpu.memory_space<vmem>>, vector<1x16xf32>,
        %add3A_574 = arith.constant 0 : i32
        %add3A_575 = arith.addi %mul3A_562, %add3A_574 : i32
        %add3A_576 = arith.constant 0 : i32
        %add3A_577 = arith.addi %mul3A_562, %add3A_576 : i32
        %get3A_578 = arith.index_cast %add3A_577 : i32 to index
        %get3A_579 = arith.constant 16 : index
        %get3A_580 = tpu.vector_load %arg26[%get3A_578, %get3A_579] {strides = array<i32>} : memref<200x128xf32, #tpu.memory_space<vmem>>, vector<1x16xf32>,
        %get3A_581 = vector.shape_cast %get3A_580 : vector<1x16xf32> to vector<16xf32>
        %swap3A_582 = arith.index_cast %add3A_575 : i32 to index
        %swap3A_583 = arith.constant 16 : index
        %swap3A_584 = tpu.vector_load %arg8[%swap3A_582, %swap3A_583] {strides = array<i32>} : memref<200x128xf32, #tpu.memory_space<vmem>>, vector<1x16xf32>,
        %swap3A_585 = vector.shape_cast %swap3A_584 : vector<1x16xf32> to vector<16xf32>
        %swap3A_586 = vector.shape_cast %get3A_581 : vector<16xf32> to vector<1x16xf32>
        tpu.vector_store %arg8[%swap3A_582, %swap3A_583], %swap3A_586 {add = true, strides = array<i32>} : memref<200x128xf32, #tpu.memory_space<vmem>>, vector<1x16xf32>,
        %add3A_587 = arith.constant 0 : i32
        %add3A_588 = arith.addi %mul3A_562, %add3A_587 : i32
        %add3A_589 = arith.constant 0 : i32
        %add3A_590 = arith.addi %mul3A_562, %add3A_589 : i32
        %get3A_591 = arith.index_cast %add3A_590 : i32 to index
        %get3A_592 = arith.constant 32 : index
        %get3A_593 = tpu.vector_load %arg26[%get3A_591, %get3A_592] {strides = array<i32>} : memref<200x128xf32, #tpu.memory_space<vmem>>, vector<1x16xf32>,
        %get3A_594 = vector.shape_cast %get3A_593 : vector<1x16xf32> to vector<16xf32>
        %swap3A_595 = arith.index_cast %add3A_588 : i32 to index
        %swap3A_596 = arith.constant 32 : index
        %swap3A_597 = tpu.vector_load %arg8[%swap3A_595, %swap3A_596] {strides = array<i32>} : memref<200x128xf32, #tpu.memory_space<vmem>>, vector<1x16xf32>,
        %swap3A_598 = vector.shape_cast %swap3A_597 : vector<1x16xf32> to vector<16xf32>
        %swap3A_599 = vector.shape_cast %get3A_594 : vector<16xf32> to vector<1x16xf32>
        tpu.vector_store %arg8[%swap3A_595, %swap3A_596], %swap3A_599 {add = true, strides = array<i32>} : memref<200x128xf32, #tpu.memory_space<vmem>>, vector<1x16xf32>,
        %add3A_600 = arith.constant 0 : i32
        %add3A_601 = arith.addi %mul3A_562, %add3A_600 : i32
        %add3A_602 = arith.constant 0 : i32
        %add3A_603 = arith.addi %mul3A_562, %add3A_602 : i32
        %get3A_604 = arith.index_cast %add3A_603 : i32 to index
        %get3A_605 = arith.constant 48 : index
        %get3A_606 = tpu.vector_load %arg26[%get3A_604, %get3A_605] {strides = array<i32>} : memref<200x128xf32, #tpu.memory_space<vmem>>, vector<1x16xf32>,
        %get3A_607 = vector.shape_cast %get3A_606 : vector<1x16xf32> to vector<16xf32>
        %swap3A_608 = arith.index_cast %add3A_601 : i32 to index
        %swap3A_609 = arith.constant 48 : index
        %swap3A_610 = tpu.vector_load %arg8[%swap3A_608, %swap3A_609] {strides = array<i32>} : memref<200x128xf32, #tpu.memory_space<vmem>>, vector<1x16xf32>,
        %swap3A_611 = vector.shape_cast %swap3A_610 : vector<1x16xf32> to vector<16xf32>
        %swap3A_612 = vector.shape_cast %get3A_607 : vector<16xf32> to vector<1x16xf32>
        tpu.vector_store %arg8[%swap3A_608, %swap3A_609], %swap3A_612 {add = true, strides = array<i32>} : memref<200x128xf32, #tpu.memory_space<vmem>>, vector<1x16xf32>,
        %add3A_613 = arith.constant 0 : i32
        %add3A_614 = arith.addi %mul3A_562, %add3A_613 : i32
        %add3A_615 = arith.constant 0 : i32
        %add3A_616 = arith.addi %mul3A_562, %add3A_615 : i32
        %get3A_617 = arith.index_cast %add3A_616 : i32 to index
        %get3A_618 = arith.constant 64 : index
        %get3A_619 = tpu.vector_load %arg26[%get3A_617, %get3A_618] {strides = array<i32>} : memref<200x128xf32, #tpu.memory_space<vmem>>, vector<1x16xf32>,
        %get3A_620 = vector.shape_cast %get3A_619 : vector<1x16xf32> to vector<16xf32>
        %swap3A_621 = arith.index_cast %add3A_614 : i32 to index
        %swap3A_622 = arith.constant 64 : index
        %swap3A_623 = tpu.vector_load %arg8[%swap3A_621, %swap3A_622] {strides = array<i32>} : memref<200x128xf32, #tpu.memory_space<vmem>>, vector<1x16xf32>,
        %swap3A_624 = vector.shape_cast %swap3A_623 : vector<1x16xf32> to vector<16xf32>
        %swap3A_625 = vector.shape_cast %get3A_620 : vector<16xf32> to vector<1x16xf32>
        tpu.vector_store %arg8[%swap3A_621, %swap3A_622], %swap3A_625 {add = true, strides = array<i32>} : memref<200x128xf32, #tpu.memory_space<vmem>>, vector<1x16xf32>,
        %add3A_626 = arith.constant 0 : i32
        %add3A_627 = arith.addi %mul3A_562, %add3A_626 : i32
        %add3A_628 = arith.constant 0 : i32
        %add3A_629 = arith.addi %mul3A_562, %add3A_628 : i32
        %get3A_630 = arith.index_cast %add3A_629 : i32 to index
        %get3A_631 = arith.constant 80 : index
        %get3A_632 = tpu.vector_load %arg26[%get3A_630, %get3A_631] {strides = array<i32>} : memref<200x128xf32, #tpu.memory_space<vmem>>, vector<1x16xf32>,
        %get3A_633 = vector.shape_cast %get3A_632 : vector<1x16xf32> to vector<16xf32>
        %swap3A_634 = arith.index_cast %add3A_627 : i32 to index
        %swap3A_635 = arith.constant 80 : index
        %swap3A_636 = tpu.vector_load %arg8[%swap3A_634, %swap3A_635] {strides = array<i32>} : memref<200x128xf32, #tpu.memory_space<vmem>>, vector<1x16xf32>,
        %swap3A_637 = vector.shape_cast %swap3A_636 : vector<1x16xf32> to vector<16xf32>
        %swap3A_638 = vector.shape_cast %get3A_633 : vector<16xf32> to vector<1x16xf32>
        tpu.vector_store %arg8[%swap3A_634, %swap3A_635], %swap3A_638 {add = true, strides = array<i32>} : memref<200x128xf32, #tpu.memory_space<vmem>>, vector<1x16xf32>,
        %add3A_639 = arith.constant 0 : i32
        %add3A_640 = arith.addi %mul3A_562, %add3A_639 : i32
        %add3A_641 = arith.constant 0 : i32
        %add3A_642 = arith.addi %mul3A_562, %add3A_641 : i32
        %get3A_643 = arith.index_cast %add3A_642 : i32 to index
        %get3A_644 = arith.constant 96 : index
        %get3A_645 = tpu.vector_load %arg26[%get3A_643, %get3A_644] {strides = array<i32>} : memref<200x128xf32, #tpu.memory_space<vmem>>, vector<1x16xf32>,
        %get3A_646 = vector.shape_cast %get3A_645 : vector<1x16xf32> to vector<16xf32>
        %swap3A_647 = arith.index_cast %add3A_640 : i32 to index
        %swap3A_648 = arith.constant 96 : index
        %swap3A_649 = tpu.vector_load %arg8[%swap3A_647, %swap3A_648] {strides = array<i32>} : memref<200x128xf32, #tpu.memory_space<vmem>>, vector<1x16xf32>,
        %swap3A_650 = vector.shape_cast %swap3A_649 : vector<1x16xf32> to vector<16xf32>
        %swap3A_651 = vector.shape_cast %get3A_646 : vector<16xf32> to vector<1x16xf32>
        tpu.vector_store %arg8[%swap3A_647, %swap3A_648], %swap3A_651 {add = true, strides = array<i32>} : memref<200x128xf32, #tpu.memory_space<vmem>>, vector<1x16xf32>,
        %add3A_652 = arith.constant 0 : i32
        %add3A_653 = arith.addi %mul3A_562, %add3A_652 : i32
        %add3A_654 = arith.constant 0 : i32
        %add3A_655 = arith.addi %mul3A_562, %add3A_654 : i32
        %get3A_656 = arith.index_cast %add3A_655 : i32 to index
        %get3A_657 = arith.constant 112 : index
        %get3A_658 = tpu.vector_load %arg26[%get3A_656, %get3A_657] {strides = array<i32>} : memref<200x128xf32, #tpu.memory_space<vmem>>, vector<1x16xf32>,
        %get3A_659 = vector.shape_cast %get3A_658 : vector<1x16xf32> to vector<16xf32>
        %swap3A_660 = arith.index_cast %add3A_653 : i32 to index
        %swap3A_661 = arith.constant 112 : index
        %swap3A_662 = tpu.vector_load %arg8[%swap3A_660, %swap3A_661] {strides = array<i32>} : memref<200x128xf32, #tpu.memory_space<vmem>>, vector<1x16xf32>,
        %swap3A_663 = vector.shape_cast %swap3A_662 : vector<1x16xf32> to vector<16xf32>
        %swap3A_664 = vector.shape_cast %get3A_659 : vector<16xf32> to vector<1x16xf32>
        tpu.vector_store %arg8[%swap3A_660, %swap3A_661], %swap3A_664 {add = true, strides = array<i32>} : memref<200x128xf32, #tpu.memory_space<vmem>>, vector<1x16xf32>,
        %add3A_665 = arith.constant 1 : i32
        %add3A_666 = arith.addi %mul3A_562, %add3A_665 : i32
        %add3A_667 = arith.constant 1 : i32
        %add3A_668 = arith.addi %mul3A_562, %add3A_667 : i32
        %get3A_669 = arith.index_cast %add3A_668 : i32 to index
        %get3A_670 = arith.constant 0 : index
        %get3A_671 = tpu.vector_load %arg26[%get3A_669, %get3A_670] {strides = array<i32>} : memref<200x128xf32, #tpu.memory_space<vmem>>, vector<1x16xf32>,
        %get3A_672 = vector.shape_cast %get3A_671 : vector<1x16xf32> to vector<16xf32>
        %swap3A_673 = arith.index_cast %add3A_666 : i32 to index
        %swap3A_674 = arith.constant 0 : index
        %swap3A_675 = tpu.vector_load %arg8[%swap3A_673, %swap3A_674] {strides = array<i32>} : memref<200x128xf32, #tpu.memory_space<vmem>>, vector<1x16xf32>,
        %swap3A_676 = vector.shape_cast %swap3A_675 : vector<1x16xf32> to vector<16xf32>
        %swap3A_677 = vector.shape_cast %get3A_672 : vector<16xf32> to vector<1x16xf32>
        tpu.vector_store %arg8[%swap3A_673, %swap3A_674], %swap3A_677 {add = true, strides = array<i32>} : memref<200x128xf32, #tpu.memory_space<vmem>>, vector<1x16xf32>,
        %add3A_678 = arith.constant 1 : i32
        %add3A_679 = arith.addi %mul3A_562, %add3A_678 : i32
        %add3A_680 = arith.constant 1 : i32
        %add3A_681 = arith.addi %mul3A_562, %add3A_680 : i32
        %get3A_682 = arith.index_cast %add3A_681 : i32 to index
        %get3A_683 = arith.constant 16 : index
        %get3A_684 = tpu.vector_load %arg26[%get3A_682, %get3A_683] {strides = array<i32>} : memref<200x128xf32, #tpu.memory_space<vmem>>, vector<1x16xf32>,
        %get3A_685 = vector.shape_cast %get3A_684 : vector<1x16xf32> to vector<16xf32>
        %swap3A_686 = arith.index_cast %add3A_679 : i32 to index
        %swap3A_687 = arith.constant 16 : index
        %swap3A_688 = tpu.vector_load %arg8[%swap3A_686, %swap3A_687] {strides = array<i32>} : memref<200x128xf32, #tpu.memory_space<vmem>>, vector<1x16xf32>,
        %swap3A_689 = vector.shape_cast %swap3A_688 : vector<1x16xf32> to vector<16xf32>
        %swap3A_690 = vector.shape_cast %get3A_685 : vector<16xf32> to vector<1x16xf32>
        tpu.vector_store %arg8[%swap3A_686, %swap3A_687], %swap3A_690 {add = true, strides = array<i32>} : memref<200x128xf32, #tpu.memory_space<vmem>>, vector<1x16xf32>,
        %add3A_691 = arith.constant 1 : i32
        %add3A_692 = arith.addi %mul3A_562, %add3A_691 : i32
        %add3A_693 = arith.constant 1 : i32
        %add3A_694 = arith.addi %mul3A_562, %add3A_693 : i32
        %get3A_695 = arith.index_cast %add3A_694 : i32 to index
        %get3A_696 = arith.constant 32 : index
        %get3A_697 = tpu.vector_load %arg26[%get3A_695, %get3A_696] {strides = array<i32>} : memref<200x128xf32, #tpu.memory_space<vmem>>, vector<1x16xf32>,
        %get3A_698 = vector.shape_cast %get3A_697 : vector<1x16xf32> to vector<16xf32>
        %swap3A_699 = arith.index_cast %add3A_692 : i32 to index
        %swap3A_700 = arith.constant 32 : index
        %swap3A_701 = tpu.vector_load %arg8[%swap3A_699, %swap3A_700] {strides = array<i32>} : memref<200x128xf32, #tpu.memory_space<vmem>>, vector<1x16xf32>,
        %swap3A_702 = vector.shape_cast %swap3A_701 : vector<1x16xf32> to vector<16xf32>
        %swap3A_703 = vector.shape_cast %get3A_698 : vector<16xf32> to vector<1x16xf32>
        tpu.vector_store %arg8[%swap3A_699, %swap3A_700], %swap3A_703 {add = true, strides = array<i32>} : memref<200x128xf32, #tpu.memory_space<vmem>>, vector<1x16xf32>,
        %add3A_704 = arith.constant 1 : i32
        %add3A_705 = arith.addi %mul3A_562, %add3A_704 : i32
        %add3A_706 = arith.constant 1 : i32
        %add3A_707 = arith.addi %mul3A_562, %add3A_706 : i32
        %get3A_708 = arith.index_cast %add3A_707 : i32 to index
        %get3A_709 = arith.constant 48 : index
        %get3A_710 = tpu.vector_load %arg26[%get3A_708, %get3A_709] {strides = array<i32>} : memref<200x128xf32, #tpu.memory_space<vmem>>, vector<1x16xf32>,
        %get3A_711 = vector.shape_cast %get3A_710 : vector<1x16xf32> to vector<16xf32>
        %swap3A_712 = arith.index_cast %add3A_705 : i32 to index
        %swap3A_713 = arith.constant 48 : index
        %swap3A_714 = tpu.vector_load %arg8[%swap3A_712, %swap3A_713] {strides = array<i32>} : memref<200x128xf32, #tpu.memory_space<vmem>>, vector<1x16xf32>,
        %swap3A_715 = vector.shape_cast %swap3A_714 : vector<1x16xf32> to vector<16xf32>
        %swap3A_716 = vector.shape_cast %get3A_711 : vector<16xf32> to vector<1x16xf32>
        tpu.vector_store %arg8[%swap3A_712, %swap3A_713], %swap3A_716 {add = true, strides = array<i32>} : memref<200x128xf32, #tpu.memory_space<vmem>>, vector<1x16xf32>,
        %add3A_717 = arith.constant 1 : i32
        %add3A_718 = arith.addi %mul3A_562, %add3A_717 : i32
        %add3A_719 = arith.constant 1 : i32
        %add3A_720 = arith.addi %mul3A_562, %add3A_719 : i32
        %get3A_721 = arith.index_cast %add3A_720 : i32 to index
        %get3A_722 = arith.constant 64 : index
        %get3A_723 = tpu.vector_load %arg26[%get3A_721, %get3A_722] {strides = array<i32>} : memref<200x128xf32, #tpu.memory_space<vmem>>, vector<1x16xf32>,
        %get3A_724 = vector.shape_cast %get3A_723 : vector<1x16xf32> to vector<16xf32>
        %swap3A_725 = arith.index_cast %add3A_718 : i32 to index
        %swap3A_726 = arith.constant 64 : index
        %swap3A_727 = tpu.vector_load %arg8[%swap3A_725, %swap3A_726] {strides = array<i32>} : memref<200x128xf32, #tpu.memory_space<vmem>>, vector<1x16xf32>,
        %swap3A_728 = vector.shape_cast %swap3A_727 : vector<1x16xf32> to vector<16xf32>
        %swap3A_729 = vector.shape_cast %get3A_724 : vector<16xf32> to vector<1x16xf32>
        tpu.vector_store %arg8[%swap3A_725, %swap3A_726], %swap3A_729 {add = true, strides = array<i32>} : memref<200x128xf32, #tpu.memory_space<vmem>>, vector<1x16xf32>,
        %add3A_730 = arith.constant 1 : i32
        %add3A_731 = arith.addi %mul3A_562, %add3A_730 : i32
        %add3A_732 = arith.constant 1 : i32
        %add3A_733 = arith.addi %mul3A_562, %add3A_732 : i32
        %get3A_734 = arith.index_cast %add3A_733 : i32 to index
        %get3A_735 = arith.constant 80 : index
        %get3A_736 = tpu.vector_load %arg26[%get3A_734, %get3A_735] {strides = array<i32>} : memref<200x128xf32, #tpu.memory_space<vmem>>, vector<1x16xf32>,
        %get3A_737 = vector.shape_cast %get3A_736 : vector<1x16xf32> to vector<16xf32>
        %swap3A_738 = arith.index_cast %add3A_731 : i32 to index
        %swap3A_739 = arith.constant 80 : index
        %swap3A_740 = tpu.vector_load %arg8[%swap3A_738, %swap3A_739] {strides = array<i32>} : memref<200x128xf32, #tpu.memory_space<vmem>>, vector<1x16xf32>,
        %swap3A_741 = vector.shape_cast %swap3A_740 : vector<1x16xf32> to vector<16xf32>
        %swap3A_742 = vector.shape_cast %get3A_737 : vector<16xf32> to vector<1x16xf32>
        tpu.vector_store %arg8[%swap3A_738, %swap3A_739], %swap3A_742 {add = true, strides = array<i32>} : memref<200x128xf32, #tpu.memory_space<vmem>>, vector<1x16xf32>,
        %add3A_743 = arith.constant 1 : i32
        %add3A_744 = arith.addi %mul3A_562, %add3A_743 : i32
        %add3A_745 = arith.constant 1 : i32
        %add3A_746 = arith.addi %mul3A_562, %add3A_745 : i32
        %get3A_747 = arith.index_cast %add3A_746 : i32 to index
        %get3A_748 = arith.constant 96 : index
        %get3A_749 = tpu.vector_load %arg26[%get3A_747, %get3A_748] {strides = array<i32>} : memref<200x128xf32, #tpu.memory_space<vmem>>, vector<1x16xf32>,
        %get3A_750 = vector.shape_cast %get3A_749 : vector<1x16xf32> to vector<16xf32>
        %swap3A_751 = arith.index_cast %add3A_744 : i32 to index
        %swap3A_752 = arith.constant 96 : index
        %swap3A_753 = tpu.vector_load %arg8[%swap3A_751, %swap3A_752] {strides = array<i32>} : memref<200x128xf32, #tpu.memory_space<vmem>>, vector<1x16xf32>,
        %swap3A_754 = vector.shape_cast %swap3A_753 : vector<1x16xf32> to vector<16xf32>
        %swap3A_755 = vector.shape_cast %get3A_750 : vector<16xf32> to vector<1x16xf32>
        tpu.vector_store %arg8[%swap3A_751, %swap3A_752], %swap3A_755 {add = true, strides = array<i32>} : memref<200x128xf32, #tpu.memory_space<vmem>>, vector<1x16xf32>,
        %add3A_756 = arith.constant 1 : i32
        %add3A_757 = arith.addi %mul3A_562, %add3A_756 : i32
        %add3A_758 = arith.constant 1 : i32
        %add3A_759 = arith.addi %mul3A_562, %add3A_758 : i32
        %get3A_760 = arith.index_cast %add3A_759 : i32 to index
        %get3A_761 = arith.constant 112 : index
        %get3A_762 = tpu.vector_load %arg26[%get3A_760, %get3A_761] {strides = array<i32>} : memref<200x128xf32, #tpu.memory_space<vmem>>, vector<1x16xf32>,
        %get3A_763 = vector.shape_cast %get3A_762 : vector<1x16xf32> to vector<16xf32>
        %swap3A_764 = arith.index_cast %add3A_757 : i32 to index
        %swap3A_765 = arith.constant 112 : index
        %swap3A_766 = tpu.vector_load %arg8[%swap3A_764, %swap3A_765] {strides = array<i32>} : memref<200x128xf32, #tpu.memory_space<vmem>>, vector<1x16xf32>,
        %swap3A_767 = vector.shape_cast %swap3A_766 : vector<1x16xf32> to vector<16xf32>
        %swap3A_768 = vector.shape_cast %get3A_763 : vector<16xf32> to vector<1x16xf32>
        tpu.vector_store %arg8[%swap3A_764, %swap3A_765], %swap3A_768 {add = true, strides = array<i32>} : memref<200x128xf32, #tpu.memory_space<vmem>>, vector<1x16xf32>,
        %add3A_769 = arith.constant 2 : i32
        %add3A_770 = arith.addi %mul3A_562, %add3A_769 : i32
        %add3A_771 = arith.constant 2 : i32
        %add3A_772 = arith.addi %mul3A_562, %add3A_771 : i32
        %get3A_773 = arith.index_cast %add3A_772 : i32 to index
        %get3A_774 = arith.constant 0 : index
        %get3A_775 = tpu.vector_load %arg26[%get3A_773, %get3A_774] {strides = array<i32>} : memref<200x128xf32, #tpu.memory_space<vmem>>, vector<1x16xf32>,
        %get3A_776 = vector.shape_cast %get3A_775 : vector<1x16xf32> to vector<16xf32>
        %swap3A_777 = arith.index_cast %add3A_770 : i32 to index
        %swap3A_778 = arith.constant 0 : index
        %swap3A_779 = tpu.vector_load %arg8[%swap3A_777, %swap3A_778] {strides = array<i32>} : memref<200x128xf32, #tpu.memory_space<vmem>>, vector<1x16xf32>,
        %swap3A_780 = vector.shape_cast %swap3A_779 : vector<1x16xf32> to vector<16xf32>
        %swap3A_781 = vector.shape_cast %get3A_776 : vector<16xf32> to vector<1x16xf32>
        tpu.vector_store %arg8[%swap3A_777, %swap3A_778], %swap3A_781 {add = true, strides = array<i32>} : memref<200x128xf32, #tpu.memory_space<vmem>>, vector<1x16xf32>,
        %add3A_782 = arith.constant 2 : i32
        %add3A_783 = arith.addi %mul3A_562, %add3A_782 : i32
        %add3A_784 = arith.constant 2 : i32
        %add3A_785 = arith.addi %mul3A_562, %add3A_784 : i32
        %get3A_786 = arith.index_cast %add3A_785 : i32 to index
        %get3A_787 = arith.constant 16 : index
        %get3A_788 = tpu.vector_load %arg26[%get3A_786, %get3A_787] {strides = array<i32>} : memref<200x128xf32, #tpu.memory_space<vmem>>, vector<1x16xf32>,
        %get3A_789 = vector.shape_cast %get3A_788 : vector<1x16xf32> to vector<16xf32>
        %swap3A_790 = arith.index_cast %add3A_783 : i32 to index
        %swap3A_791 = arith.constant 16 : index
        %swap3A_792 = tpu.vector_load %arg8[%swap3A_790, %swap3A_791] {strides = array<i32>} : memref<200x128xf32, #tpu.memory_space<vmem>>, vector<1x16xf32>,
        %swap3A_793 = vector.shape_cast %swap3A_792 : vector<1x16xf32> to vector<16xf32>
        %swap3A_794 = vector.shape_cast %get3A_789 : vector<16xf32> to vector<1x16xf32>
        tpu.vector_store %arg8[%swap3A_790, %swap3A_791], %swap3A_794 {add = true, strides = array<i32>} : memref<200x128xf32, #tpu.memory_space<vmem>>, vector<1x16xf32>,
        %add3A_795 = arith.constant 2 : i32
        %add3A_796 = arith.addi %mul3A_562, %add3A_795 : i32
        %add3A_797 = arith.constant 2 : i32
        %add3A_798 = arith.addi %mul3A_562, %add3A_797 : i32
        %get3A_799 = arith.index_cast %add3A_798 : i32 to index
        %get3A_800 = arith.constant 32 : index
        %get3A_801 = tpu.vector_load %arg26[%get3A_799, %get3A_800] {strides = array<i32>} : memref<200x128xf32, #tpu.memory_space<vmem>>, vector<1x16xf32>,
        %get3A_802 = vector.shape_cast %get3A_801 : vector<1x16xf32> to vector<16xf32>
        %swap3A_803 = arith.index_cast %add3A_796 : i32 to index
        %swap3A_804 = arith.constant 32 : index
        %swap3A_805 = tpu.vector_load %arg8[%swap3A_803, %swap3A_804] {strides = array<i32>} : memref<200x128xf32, #tpu.memory_space<vmem>>, vector<1x16xf32>,
        %swap3A_806 = vector.shape_cast %swap3A_805 : vector<1x16xf32> to vector<16xf32>
        %swap3A_807 = vector.shape_cast %get3A_802 : vector<16xf32> to vector<1x16xf32>
        tpu.vector_store %arg8[%swap3A_803, %swap3A_804], %swap3A_807 {add = true, strides = array<i32>} : memref<200x128xf32, #tpu.memory_space<vmem>>, vector<1x16xf32>,
        %add3A_808 = arith.constant 2 : i32
        %add3A_809 = arith.addi %mul3A_562, %add3A_808 : i32
        %add3A_810 = arith.constant 2 : i32
        %add3A_811 = arith.addi %mul3A_562, %add3A_810 : i32
        %get3A_812 = arith.index_cast %add3A_811 : i32 to index
        %get3A_813 = arith.constant 48 : index
        %get3A_814 = tpu.vector_load %arg26[%get3A_812, %get3A_813] {strides = array<i32>} : memref<200x128xf32, #tpu.memory_space<vmem>>, vector<1x16xf32>,
        %get3A_815 = vector.shape_cast %get3A_814 : vector<1x16xf32> to vector<16xf32>
        %swap3A_816 = arith.index_cast %add3A_809 : i32 to index
        %swap3A_817 = arith.constant 48 : index
        %swap3A_818 = tpu.vector_load %arg8[%swap3A_816, %swap3A_817] {strides = array<i32>} : memref<200x128xf32, #tpu.memory_space<vmem>>, vector<1x16xf32>,
        %swap3A_819 = vector.shape_cast %swap3A_818 : vector<1x16xf32> to vector<16xf32>
        %swap3A_820 = vector.shape_cast %get3A_815 : vector<16xf32> to vector<1x16xf32>
        tpu.vector_store %arg8[%swap3A_816, %swap3A_817], %swap3A_820 {add = true, strides = array<i32>} : memref<200x128xf32, #tpu.memory_space<vmem>>, vector<1x16xf32>,
        %add3A_821 = arith.constant 2 : i32
        %add3A_822 = arith.addi %mul3A_562, %add3A_821 : i32
        %add3A_823 = arith.constant 2 : i32
        %add3A_824 = arith.addi %mul3A_562, %add3A_823 : i32
        %get3A_825 = arith.index_cast %add3A_824 : i32 to index
        %get3A_826 = arith.constant 64 : index
        %get3A_827 = tpu.vector_load %arg26[%get3A_825, %get3A_826] {strides = array<i32>} : memref<200x128xf32, #tpu.memory_space<vmem>>, vector<1x16xf32>,
        %get3A_828 = vector.shape_cast %get3A_827 : vector<1x16xf32> to vector<16xf32>
        %swap3A_829 = arith.index_cast %add3A_822 : i32 to index
        %swap3A_830 = arith.constant 64 : index
        %swap3A_831 = tpu.vector_load %arg8[%swap3A_829, %swap3A_830] {strides = array<i32>} : memref<200x128xf32, #tpu.memory_space<vmem>>, vector<1x16xf32>,
        %swap3A_832 = vector.shape_cast %swap3A_831 : vector<1x16xf32> to vector<16xf32>
        %swap3A_833 = vector.shape_cast %get3A_828 : vector<16xf32> to vector<1x16xf32>
        tpu.vector_store %arg8[%swap3A_829, %swap3A_830], %swap3A_833 {add = true, strides = array<i32>} : memref<200x128xf32, #tpu.memory_space<vmem>>, vector<1x16xf32>,
        %add3A_834 = arith.constant 2 : i32
        %add3A_835 = arith.addi %mul3A_562, %add3A_834 : i32
        %add3A_836 = arith.constant 2 : i32
        %add3A_837 = arith.addi %mul3A_562, %add3A_836 : i32
        %get3A_838 = arith.index_cast %add3A_837 : i32 to index
        %get3A_839 = arith.constant 80 : index
        %get3A_840 = tpu.vector_load %arg26[%get3A_838, %get3A_839] {strides = array<i32>} : memref<200x128xf32, #tpu.memory_space<vmem>>, vector<1x16xf32>,
        %get3A_841 = vector.shape_cast %get3A_840 : vector<1x16xf32> to vector<16xf32>
        %swap3A_842 = arith.index_cast %add3A_835 : i32 to index
        %swap3A_843 = arith.constant 80 : index
        %swap3A_844 = tpu.vector_load %arg8[%swap3A_842, %swap3A_843] {strides = array<i32>} : memref<200x128xf32, #tpu.memory_space<vmem>>, vector<1x16xf32>,
        %swap3A_845 = vector.shape_cast %swap3A_844 : vector<1x16xf32> to vector<16xf32>
        %swap3A_846 = vector.shape_cast %get3A_841 : vector<16xf32> to vector<1x16xf32>
        tpu.vector_store %arg8[%swap3A_842, %swap3A_843], %swap3A_846 {add = true, strides = array<i32>} : memref<200x128xf32, #tpu.memory_space<vmem>>, vector<1x16xf32>,
        %add3A_847 = arith.constant 2 : i32
        %add3A_848 = arith.addi %mul3A_562, %add3A_847 : i32
        %add3A_849 = arith.constant 2 : i32
        %add3A_850 = arith.addi %mul3A_562, %add3A_849 : i32
        %get3A_851 = arith.index_cast %add3A_850 : i32 to index
        %get3A_852 = arith.constant 96 : index
        %get3A_853 = tpu.vector_load %arg26[%get3A_851, %get3A_852] {strides = array<i32>} : memref<200x128xf32, #tpu.memory_space<vmem>>, vector<1x16xf32>,
        %get3A_854 = vector.shape_cast %get3A_853 : vector<1x16xf32> to vector<16xf32>
        %swap3A_855 = arith.index_cast %add3A_848 : i32 to index
        %swap3A_856 = arith.constant 96 : index
        %swap3A_857 = tpu.vector_load %arg8[%swap3A_855, %swap3A_856] {strides = array<i32>} : memref<200x128xf32, #tpu.memory_space<vmem>>, vector<1x16xf32>,
        %swap3A_858 = vector.shape_cast %swap3A_857 : vector<1x16xf32> to vector<16xf32>
        %swap3A_859 = vector.shape_cast %get3A_854 : vector<16xf32> to vector<1x16xf32>
        tpu.vector_store %arg8[%swap3A_855, %swap3A_856], %swap3A_859 {add = true, strides = array<i32>} : memref<200x128xf32, #tpu.memory_space<vmem>>, vector<1x16xf32>,
        %add3A_860 = arith.constant 2 : i32
        %add3A_861 = arith.addi %mul3A_562, %add3A_860 : i32
        %add3A_862 = arith.constant 2 : i32
        %add3A_863 = arith.addi %mul3A_562, %add3A_862 : i32
        %get3A_864 = arith.index_cast %add3A_863 : i32 to index
        %get3A_865 = arith.constant 112 : index
        %get3A_866 = tpu.vector_load %arg26[%get3A_864, %get3A_865] {strides = array<i32>} : memref<200x128xf32, #tpu.memory_space<vmem>>, vector<1x16xf32>,
        %get3A_867 = vector.shape_cast %get3A_866 : vector<1x16xf32> to vector<16xf32>
        %swap3A_868 = arith.index_cast %add3A_861 : i32 to index
        %swap3A_869 = arith.constant 112 : index
        %swap3A_870 = tpu.vector_load %arg8[%swap3A_868, %swap3A_869] {strides = array<i32>} : memref<200x128xf32, #tpu.memory_space<vmem>>, vector<1x16xf32>,
        %swap3A_871 = vector.shape_cast %swap3A_870 : vector<1x16xf32> to vector<16xf32>
        %swap3A_872 = vector.shape_cast %get3A_867 : vector<16xf32> to vector<1x16xf32>
        tpu.vector_store %arg8[%swap3A_868, %swap3A_869], %swap3A_872 {add = true, strides = array<i32>} : memref<200x128xf32, #tpu.memory_space<vmem>>, vector<1x16xf32>,
        %add3A_873 = arith.constant 3 : i32
        %add3A_874 = arith.addi %mul3A_562, %add3A_873 : i32
        %add3A_875 = arith.constant 3 : i32
        %add3A_876 = arith.addi %mul3A_562, %add3A_875 : i32
        %get3A_877 = arith.index_cast %add3A_876 : i32 to index
        %get3A_878 = arith.constant 0 : index
        %get3A_879 = tpu.vector_load %arg26[%get3A_877, %get3A_878] {strides = array<i32>} : memref<200x128xf32, #tpu.memory_space<vmem>>, vector<1x16xf32>,
        %get3A_880 = vector.shape_cast %get3A_879 : vector<1x16xf32> to vector<16xf32>
        %swap3A_881 = arith.index_cast %add3A_874 : i32 to index
        %swap3A_882 = arith.constant 0 : index
        %swap3A_883 = tpu.vector_load %arg8[%swap3A_881, %swap3A_882] {strides = array<i32>} : memref<200x128xf32, #tpu.memory_space<vmem>>, vector<1x16xf32>,
        %swap3A_884 = vector.shape_cast %swap3A_883 : vector<1x16xf32> to vector<16xf32>
        %swap3A_885 = vector.shape_cast %get3A_880 : vector<16xf32> to vector<1x16xf32>
        tpu.vector_store %arg8[%swap3A_881, %swap3A_882], %swap3A_885 {add = true, strides = array<i32>} : memref<200x128xf32, #tpu.memory_space<vmem>>, vector<1x16xf32>,
        %add3A_886 = arith.constant 3 : i32
        %add3A_887 = arith.addi %mul3A_562, %add3A_886 : i32
        %add3A_888 = arith.constant 3 : i32
        %add3A_889 = arith.addi %mul3A_562, %add3A_888 : i32
        %get3A_890 = arith.index_cast %add3A_889 : i32 to index
        %get3A_891 = arith.constant 16 : index
        %get3A_892 = tpu.vector_load %arg26[%get3A_890, %get3A_891] {strides = array<i32>} : memref<200x128xf32, #tpu.memory_space<vmem>>, vector<1x16xf32>,
        %get3A_893 = vector.shape_cast %get3A_892 : vector<1x16xf32> to vector<16xf32>
        %swap3A_894 = arith.index_cast %add3A_887 : i32 to index
        %swap3A_895 = arith.constant 16 : index
        %swap3A_896 = tpu.vector_load %arg8[%swap3A_894, %swap3A_895] {strides = array<i32>} : memref<200x128xf32, #tpu.memory_space<vmem>>, vector<1x16xf32>,
        %swap3A_897 = vector.shape_cast %swap3A_896 : vector<1x16xf32> to vector<16xf32>
        %swap3A_898 = vector.shape_cast %get3A_893 : vector<16xf32> to vector<1x16xf32>
        tpu.vector_store %arg8[%swap3A_894, %swap3A_895], %swap3A_898 {add = true, strides = array<i32>} : memref<200x128xf32, #tpu.memory_space<vmem>>, vector<1x16xf32>,
        %add3A_899 = arith.constant 3 : i32
        %add3A_900 = arith.addi %mul3A_562, %add3A_899 : i32
        %add3A_901 = arith.constant 3 : i32
        %add3A_902 = arith.addi %mul3A_562, %add3A_901 : i32
        %get3A_903 = arith.index_cast %add3A_902 : i32 to index
        %get3A_904 = arith.constant 32 : index
        %get3A_905 = tpu.vector_load %arg26[%get3A_903, %get3A_904] {strides = array<i32>} : memref<200x128xf32, #tpu.memory_space<vmem>>, vector<1x16xf32>,
        %get3A_906 = vector.shape_cast %get3A_905 : vector<1x16xf32> to vector<16xf32>
        %swap3A_907 = arith.index_cast %add3A_900 : i32 to index
        %swap3A_908 = arith.constant 32 : index
        %swap3A_909 = tpu.vector_load %arg8[%swap3A_907, %swap3A_908] {strides = array<i32>} : memref<200x128xf32, #tpu.memory_space<vmem>>, vector<1x16xf32>,
        %swap3A_910 = vector.shape_cast %swap3A_909 : vector<1x16xf32> to vector<16xf32>
        %swap3A_911 = vector.shape_cast %get3A_906 : vector<16xf32> to vector<1x16xf32>
        tpu.vector_store %arg8[%swap3A_907, %swap3A_908], %swap3A_911 {add = true, strides = array<i32>} : memref<200x128xf32, #tpu.memory_space<vmem>>, vector<1x16xf32>,
        %add3A_912 = arith.constant 3 : i32
        %add3A_913 = arith.addi %mul3A_562, %add3A_912 : i32
        %add3A_914 = arith.constant 3 : i32
        %add3A_915 = arith.addi %mul3A_562, %add3A_914 : i32
        %get3A_916 = arith.index_cast %add3A_915 : i32 to index
        %get3A_917 = arith.constant 48 : index
        %get3A_918 = tpu.vector_load %arg26[%get3A_916, %get3A_917] {strides = array<i32>} : memref<200x128xf32, #tpu.memory_space<vmem>>, vector<1x16xf32>,
        %get3A_919 = vector.shape_cast %get3A_918 : vector<1x16xf32> to vector<16xf32>
        %swap3A_920 = arith.index_cast %add3A_913 : i32 to index
        %swap3A_921 = arith.constant 48 : index
        %swap3A_922 = tpu.vector_load %arg8[%swap3A_920, %swap3A_921] {strides = array<i32>} : memref<200x128xf32, #tpu.memory_space<vmem>>, vector<1x16xf32>,
        %swap3A_923 = vector.shape_cast %swap3A_922 : vector<1x16xf32> to vector<16xf32>
        %swap3A_924 = vector.shape_cast %get3A_919 : vector<16xf32> to vector<1x16xf32>
        tpu.vector_store %arg8[%swap3A_920, %swap3A_921], %swap3A_924 {add = true, strides = array<i32>} : memref<200x128xf32, #tpu.memory_space<vmem>>, vector<1x16xf32>,
        %add3A_925 = arith.constant 3 : i32
        %add3A_926 = arith.addi %mul3A_562, %add3A_925 : i32
        %add3A_927 = arith.constant 3 : i32
        %add3A_928 = arith.addi %mul3A_562, %add3A_927 : i32
        %get3A_929 = arith.index_cast %add3A_928 : i32 to index
        %get3A_930 = arith.constant 64 : index
        %get3A_931 = tpu.vector_load %arg26[%get3A_929, %get3A_930] {strides = array<i32>} : memref<200x128xf32, #tpu.memory_space<vmem>>, vector<1x16xf32>,
        %get3A_932 = vector.shape_cast %get3A_931 : vector<1x16xf32> to vector<16xf32>
        %swap3A_933 = arith.index_cast %add3A_926 : i32 to index
        %swap3A_934 = arith.constant 64 : index
        %swap3A_935 = tpu.vector_load %arg8[%swap3A_933, %swap3A_934] {strides = array<i32>} : memref<200x128xf32, #tpu.memory_space<vmem>>, vector<1x16xf32>,
        %swap3A_936 = vector.shape_cast %swap3A_935 : vector<1x16xf32> to vector<16xf32>
        %swap3A_937 = vector.shape_cast %get3A_932 : vector<16xf32> to vector<1x16xf32>
        tpu.vector_store %arg8[%swap3A_933, %swap3A_934], %swap3A_937 {add = true, strides = array<i32>} : memref<200x128xf32, #tpu.memory_space<vmem>>, vector<1x16xf32>,
        %add3A_938 = arith.constant 3 : i32
        %add3A_939 = arith.addi %mul3A_562, %add3A_938 : i32
        %add3A_940 = arith.constant 3 : i32
        %add3A_941 = arith.addi %mul3A_562, %add3A_940 : i32
        %get3A_942 = arith.index_cast %add3A_941 : i32 to index
        %get3A_943 = arith.constant 80 : index
        %get3A_944 = tpu.vector_load %arg26[%get3A_942, %get3A_943] {strides = array<i32>} : memref<200x128xf32, #tpu.memory_space<vmem>>, vector<1x16xf32>,
        %get3A_945 = vector.shape_cast %get3A_944 : vector<1x16xf32> to vector<16xf32>
        %swap3A_946 = arith.index_cast %add3A_939 : i32 to index
        %swap3A_947 = arith.constant 80 : index
        %swap3A_948 = tpu.vector_load %arg8[%swap3A_946, %swap3A_947] {strides = array<i32>} : memref<200x128xf32, #tpu.memory_space<vmem>>, vector<1x16xf32>,
        %swap3A_949 = vector.shape_cast %swap3A_948 : vector<1x16xf32> to vector<16xf32>
        %swap3A_950 = vector.shape_cast %get3A_945 : vector<16xf32> to vector<1x16xf32>
        tpu.vector_store %arg8[%swap3A_946, %swap3A_947], %swap3A_950 {add = true, strides = array<i32>} : memref<200x128xf32, #tpu.memory_space<vmem>>, vector<1x16xf32>,
        %add3A_951 = arith.constant 3 : i32
        %add3A_952 = arith.addi %mul3A_562, %add3A_951 : i32
        %add3A_953 = arith.constant 3 : i32
        %add3A_954 = arith.addi %mul3A_562, %add3A_953 : i32
        %get3A_955 = arith.index_cast %add3A_954 : i32 to index
        %get3A_956 = arith.constant 96 : index
        %get3A_957 = tpu.vector_load %arg26[%get3A_955, %get3A_956] {strides = array<i32>} : memref<200x128xf32, #tpu.memory_space<vmem>>, vector<1x16xf32>,
        %get3A_958 = vector.shape_cast %get3A_957 : vector<1x16xf32> to vector<16xf32>
        %swap3A_959 = arith.index_cast %add3A_952 : i32 to index
        %swap3A_960 = arith.constant 96 : index
        %swap3A_961 = tpu.vector_load %arg8[%swap3A_959, %swap3A_960] {strides = array<i32>} : memref<200x128xf32, #tpu.memory_space<vmem>>, vector<1x16xf32>,
        %swap3A_962 = vector.shape_cast %swap3A_961 : vector<1x16xf32> to vector<16xf32>
        %swap3A_963 = vector.shape_cast %get3A_958 : vector<16xf32> to vector<1x16xf32>
        tpu.vector_store %arg8[%swap3A_959, %swap3A_960], %swap3A_963 {add = true, strides = array<i32>} : memref<200x128xf32, #tpu.memory_space<vmem>>, vector<1x16xf32>,
        %add3A_964 = arith.constant 3 : i32
        %add3A_965 = arith.addi %mul3A_562, %add3A_964 : i32
        %add3A_966 = arith.constant 3 : i32
        %add3A_967 = arith.addi %mul3A_562, %add3A_966 : i32
        %get3A_968 = arith.index_cast %add3A_967 : i32 to index
        %get3A_969 = arith.constant 112 : index
        %get3A_970 = tpu.vector_load %arg26[%get3A_968, %get3A_969] {strides = array<i32>} : memref<200x128xf32, #tpu.memory_space<vmem>>, vector<1x16xf32>,
        %get3A_971 = vector.shape_cast %get3A_970 : vector<1x16xf32> to vector<16xf32>
        %swap3A_972 = arith.index_cast %add3A_965 : i32 to index
        %swap3A_973 = arith.constant 112 : index
        %swap3A_974 = tpu.vector_load %arg8[%swap3A_972, %swap3A_973] {strides = array<i32>} : memref<200x128xf32, #tpu.memory_space<vmem>>, vector<1x16xf32>,
        %swap3A_975 = vector.shape_cast %swap3A_974 : vector<1x16xf32> to vector<16xf32>
        %swap3A_976 = vector.shape_cast %get3A_971 : vector<16xf32> to vector<1x16xf32>
        tpu.vector_store %arg8[%swap3A_972, %swap3A_973], %swap3A_976 {add = true, strides = array<i32>} : memref<200x128xf32, #tpu.memory_space<vmem>>, vector<1x16xf32>,
      }
      %scan3A_345 = arith.constant 50 : i32
      %add3A_346 = arith.addi %mul3A_2, %add3A_323 : i32
      %mul3A_347 = arith.constant 200 : i32
      %mul3A_348 = arith.muli %add3A_346, %mul3A_347 : i32
      %dma_start3A_349 = arith.constant 0 : i32
      %dma_start3A_350 = tpu.memref_slice %arg5[%mul3A_348, %dma_start3A_349] : memref<819200x128xf32, #tpu.memory_space<hbm>> -> memref<200x128xf32, #tpu.memory_space<hbm>>
      %dma_start3A_351 = arith.constant 0 : i32
      %dma_start3A_352 = tpu.memref_slice %arg5[%mul3A_348, %dma_start3A_351] : memref<819200x128xf32, #tpu.memory_space<hbm>> -> memref<200x128xf32, #tpu.memory_space<hbm>>
      tpu.enqueue_dma source(%arg8 : memref<200x128xf32, #tpu.memory_space<vmem>>) target(%dma_start3A_352 : memref<200x128xf32, #tpu.memory_space<hbm>>) target_semaphore(%arg20 : memref<!tpu.dma_semaphore, #tpu.memory_space<semaphore_mem>>)
      %dma_wait3A_353 = arith.constant 0 : i32
      %dma_wait3A_354 = arith.constant 0 : i32
      %dma_wait3A_355 = tpu.memref_slice %arg5[%dma_wait3A_353, %dma_wait3A_354] : memref<819200x128xf32, #tpu.memory_space<hbm>> -> memref<200x128xf32, #tpu.memory_space<hbm>>
      %dma_wait3A_356 = arith.constant 0 : i32
      %dma_wait3A_357 = arith.constant 0 : i32
      %dma_wait3A_358 = tpu.memref_slice %arg5[%dma_wait3A_356, %dma_wait3A_357] : memref<819200x128xf32, #tpu.memory_space<hbm>> -> memref<200x128xf32, #tpu.memory_space<hbm>>
      tpu.wait_dma2 semaphore(%arg19 : memref<!tpu.dma_semaphore, #tpu.memory_space<semaphore_mem>>) src(%arg7 : memref<200x128xf32, #tpu.memory_space<vmem>>) dst(%dma_wait3A_358 : memref<200x128xf32, #tpu.memory_space<hbm>>)
      %dma_wait3A_359 = arith.constant 0 : i32
      %dma_wait3A_360 = arith.constant 0 : i32
      %dma_wait3A_361 = tpu.memref_slice %arg2[%dma_wait3A_359, %dma_wait3A_360] : memref<4096x200xi32, #tpu.memory_space<hbm>> -> memref<1x200xi32, #tpu.memory_space<hbm>>
      %dma_wait3A_362 = tpu.memref_squeeze %dma_wait3A_361 : memref<1x200xi32, #tpu.memory_space<hbm>> -> memref<200xi32, #tpu.memory_space<hbm>>
      %dma_wait3A_363 = arith.constant 0 : i32
      %dma_wait3A_364 = tpu.memref_slice %arg2[%dma_wait3A_359, %dma_wait3A_363] : memref<4096x200xi32, #tpu.memory_space<hbm>> -> memref<1x200xi32, #tpu.memory_space<hbm>>
      %dma_wait3A_365 = tpu.memref_squeeze %dma_wait3A_364 : memref<1x200xi32, #tpu.memory_space<hbm>> -> memref<200xi32, #tpu.memory_space<hbm>>
      tpu.wait_dma2 semaphore(%arg23 : memref<!tpu.dma_semaphore, #tpu.memory_space<semaphore_mem>>) src(%dma_wait3A_365 : memref<200xi32, #tpu.memory_space<hbm>>) dst(%arg11 : memref<200xi32, #tpu.memory_space<vmem>>)
      %dma_start3A_366 = arith.constant 0 : i32
      %dma_start3A_367 = arith.constant 0 : i32
      %dma_start3A_368 = tpu.memref_slice %arg7[%dma_start3A_366, %dma_start3A_367] : memref<200x128xf32, #tpu.memory_space<vmem>> -> memref<128x128xf32, #tpu.memory_space<vmem>>
      %dma_start3A_369 = arith.constant 0 : i32
      %dma_start3A_370 = tpu.memref_slice %arg11[%dma_start3A_369] : memref<200xi32, #tpu.memory_space<vmem>> -> memref<128xi32, #tpu.memory_space<vmem>>
      %dma_start3A_371 = arith.constant 0 : i32
      %dma_start3A_372 = arith.constant 0 : i32
      %dma_start3A_373 = tpu.memref_slice %arg3[%dma_start3A_371, %dma_start3A_372] : memref<100000x128xf32, #tpu.memory_space<hbm>> -> memref<100000x128xf32, #tpu.memory_space<hbm>>
      tpu.enqueue_indirect_dma source(%dma_start3A_373 : memref<100000x128xf32, #tpu.memory_space<hbm>>) target(%dma_start3A_368 : memref<128x128xf32, #tpu.memory_space<vmem>>) offsets(%dma_start3A_370 : memref<128xi32, #tpu.memory_space<vmem>>) semaphore(%arg15 : memref<!tpu.dma_semaphore, #tpu.memory_space<semaphore_mem>>)
      %dma_start3A_374 = arith.constant 128 : i32
      %dma_start3A_375 = arith.constant 0 : i32
      %dma_start3A_376 = tpu.memref_slice %arg7[%dma_start3A_374, %dma_start3A_375] : memref<200x128xf32, #tpu.memory_space<vmem>> -> memref<72x128xf32, #tpu.memory_space<vmem>>
      %dma_start3A_377 = arith.constant 128 : i32
      %dma_start3A_378 = tpu.memref_slice %arg11[%dma_start3A_377] : memref<200xi32, #tpu.memory_space<vmem>> -> memref<72xi32, #tpu.memory_space<vmem>>
      %dma_start3A_379 = arith.constant 0 : i32
      %dma_start3A_380 = arith.constant 0 : i32
      %dma_start3A_381 = tpu.memref_slice %arg3[%dma_start3A_379, %dma_start3A_380] : memref<100000x128xf32, #tpu.memory_space<hbm>> -> memref<100000x128xf32, #tpu.memory_space<hbm>>
      tpu.enqueue_indirect_dma source(%dma_start3A_381 : memref<100000x128xf32, #tpu.memory_space<hbm>>) target(%dma_start3A_376 : memref<72x128xf32, #tpu.memory_space<vmem>>) offsets(%dma_start3A_378 : memref<72xi32, #tpu.memory_space<vmem>>) semaphore(%arg15 : memref<!tpu.dma_semaphore, #tpu.memory_space<semaphore_mem>>)
      %add3A_382 = arith.constant 1 : i32
      %add3A_383 = arith.addi %add3A_286, %add3A_382 : i32
      %add3A_384 = arith.constant 3 : i32
      %add3A_385 = arith.addi %add3A_383, %add3A_384 : i32
      %lt3A_386 = arith.constant 128 : i32
      %lt3A_387 = arith.cmpi slt, %add3A_385, %lt3A_386 : i32
      %convert_element_type3A_388 = arith.extui %lt3A_387 : i1 to i32
      %cond3A_389 = arith.constant 0 : i32
      %cond3A_390 = arith.cmpi ne, %convert_element_type3A_388, %cond3A_389 : i32
      scf.if %cond3A_390 {
        %add3A_560 = arith.constant 1 : i32
        %add3A_561 = arith.addi %add3A_286, %add3A_560 : i32
        %add3A_562 = arith.constant 3 : i32
        %add3A_563 = arith.addi %add3A_561, %add3A_562 : i32
        %add3A_564 = arith.addi %mul3A_2, %add3A_563 : i32
        %dma_start3A_565 = arith.constant 0 : i32
        %dma_start3A_566 = tpu.memref_slice %arg2[%add3A_564, %dma_start3A_565] : memref<4096x200xi32, #tpu.memory_space<hbm>> -> memref<1x200xi32, #tpu.memory_space<hbm>>
        %dma_start3A_567 = tpu.memref_squeeze %dma_start3A_566 : memref<1x200xi32, #tpu.memory_space<hbm>> -> memref<200xi32, #tpu.memory_space<hbm>>
        %dma_start3A_568 = arith.constant 0 : i32
        %dma_start3A_569 = tpu.memref_slice %arg2[%add3A_564, %dma_start3A_568] : memref<4096x200xi32, #tpu.memory_space<hbm>> -> memref<1x200xi32, #tpu.memory_space<hbm>>
        %dma_start3A_570 = tpu.memref_squeeze %dma_start3A_569 : memref<1x200xi32, #tpu.memory_space<hbm>> -> memref<200xi32, #tpu.memory_space<hbm>>
        tpu.enqueue_dma source(%dma_start3A_570 : memref<200xi32, #tpu.memory_space<hbm>>) target(%arg12 : memref<200xi32, #tpu.memory_space<vmem>>) target_semaphore(%arg24 : memref<!tpu.dma_semaphore, #tpu.memory_space<semaphore_mem>>)
      } else {
      }
      %add3A_391 = arith.constant 1 : i32
      %add3A_392 = arith.addi %add3A_286, %add3A_391 : i32
      %dma_wait3A_393 = arith.constant 0 : i32
      %dma_wait3A_394 = arith.constant 0 : i32
      %dma_wait3A_395 = tpu.memref_slice %arg9[%dma_wait3A_393, %dma_wait3A_394] : memref<200x128xf32, #tpu.memory_space<vmem>> -> memref<128x128xf32, #tpu.memory_space<vmem>>
      %dma_wait3A_396 = arith.constant 0 : i32
      %dma_wait3A_397 = tpu.memref_slice %arg13[%dma_wait3A_396] : memref<200xi32, #tpu.memory_space<vmem>> -> memref<128xi32, #tpu.memory_space<vmem>>
      %dma_wait3A_398 = arith.constant 0 : i32
      %dma_wait3A_399 = arith.constant 0 : i32
      %dma_wait3A_400 = tpu.memref_slice %arg3[%dma_wait3A_398, %dma_wait3A_399] : memref<100000x128xf32, #tpu.memory_space<hbm>> -> memref<100000x128xf32, #tpu.memory_space<hbm>>
      tpu.wait_indirect_dma semaphore(%arg17 : memref<!tpu.dma_semaphore, #tpu.memory_space<semaphore_mem>>) src(%dma_wait3A_400 : memref<100000x128xf32, #tpu.memory_space<hbm>>) dst(%dma_wait3A_395 : memref<128x128xf32, #tpu.memory_space<vmem>>)
      %dma_wait3A_401 = arith.constant 128 : i32
      %dma_wait3A_402 = arith.constant 0 : i32
      %dma_wait3A_403 = tpu.memref_slice %arg9[%dma_wait3A_401, %dma_wait3A_402] : memref<200x128xf32, #tpu.memory_space<vmem>> -> memref<72x128xf32, #tpu.memory_space<vmem>>
      %dma_wait3A_404 = arith.constant 128 : i32
      %dma_wait3A_405 = tpu.memref_slice %arg13[%dma_wait3A_404] : memref<200xi32, #tpu.memory_space<vmem>> -> memref<72xi32, #tpu.memory_space<vmem>>
      %dma_wait3A_406 = arith.constant 0 : i32
      %dma_wait3A_407 = arith.constant 0 : i32
      %dma_wait3A_408 = tpu.memref_slice %arg3[%dma_wait3A_406, %dma_wait3A_407] : memref<100000x128xf32, #tpu.memory_space<hbm>> -> memref<100000x128xf32, #tpu.memory_space<hbm>>
      tpu.wait_indirect_dma semaphore(%arg17 : memref<!tpu.dma_semaphore, #tpu.memory_space<semaphore_mem>>) src(%dma_wait3A_408 : memref<100000x128xf32, #tpu.memory_space<hbm>>) dst(%dma_wait3A_403 : memref<72x128xf32, #tpu.memory_space<vmem>>)
      %scan3A_409 = arith.constant 0 : i32
      %scan3A_410 = arith.constant 0 : i32
      %scan3A_411 = arith.constant 50 : i32
      %scan3A_412 = arith.addi %scan3A_410, %scan3A_411 : i32
      %scan3A_413 = arith.constant 1 : i32
      scf.for %scan3A_560 = %scan3A_410 to %scan3A_412 step %scan3A_413  : i32 {
        %mul3A_561 = arith.constant 4 : i32
        %mul3A_562 = arith.muli %scan3A_560, %mul3A_561 : i32
        %add3A_563 = arith.constant 0 : i32
        %add3A_564 = arith.addi %mul3A_562, %add3A_563 : i32
        %add3A_565 = arith.constant 0 : i32
        %add3A_566 = arith.addi %mul3A_562, %add3A_565 : i32
        %get3A = arith.index_cast %add3A_566 : i32 to index
        %get3A_567 = arith.constant 0 : index
        %get3A_568 = tpu.vector_load %arg26[%get3A, %get3A_567] {strides = array<i32>} : memref<200x128xf32, #tpu.memory_space<vmem>>, vector<1x16xf32>,
        %get3A_569 = vector.shape_cast %get3A_568 : vector<1x16xf32> to vector<16xf32>
        %swap3A = arith.index_cast %add3A_564 : i32 to index
        %swap3A_570 = arith.constant 0 : index
        %swap3A_571 = tpu.vector_load %arg9[%swap3A, %swap3A_570] {strides = array<i32>} : memref<200x128xf32, #tpu.memory_space<vmem>>, vector<1x16xf32>,
        %swap3A_572 = vector.shape_cast %swap3A_571 : vector<1x16xf32> to vector<16xf32>
        %swap3A_573 = vector.shape_cast %get3A_569 : vector<16xf32> to vector<1x16xf32>
        tpu.vector_store %arg9[%swap3A, %swap3A_570], %swap3A_573 {add = true, strides = array<i32>} : memref<200x128xf32, #tpu.memory_space<vmem>>, vector<1x16xf32>,
        %add3A_574 = arith.constant 0 : i32
        %add3A_575 = arith.addi %mul3A_562, %add3A_574 : i32
        %add3A_576 = arith.constant 0 : i32
        %add3A_577 = arith.addi %mul3A_562, %add3A_576 : i32
        %get3A_578 = arith.index_cast %add3A_577 : i32 to index
        %get3A_579 = arith.constant 16 : index
        %get3A_580 = tpu.vector_load %arg26[%get3A_578, %get3A_579] {strides = array<i32>} : memref<200x128xf32, #tpu.memory_space<vmem>>, vector<1x16xf32>,
        %get3A_581 = vector.shape_cast %get3A_580 : vector<1x16xf32> to vector<16xf32>
        %swap3A_582 = arith.index_cast %add3A_575 : i32 to index
        %swap3A_583 = arith.constant 16 : index
        %swap3A_584 = tpu.vector_load %arg9[%swap3A_582, %swap3A_583] {strides = array<i32>} : memref<200x128xf32, #tpu.memory_space<vmem>>, vector<1x16xf32>,
        %swap3A_585 = vector.shape_cast %swap3A_584 : vector<1x16xf32> to vector<16xf32>
        %swap3A_586 = vector.shape_cast %get3A_581 : vector<16xf32> to vector<1x16xf32>
        tpu.vector_store %arg9[%swap3A_582, %swap3A_583], %swap3A_586 {add = true, strides = array<i32>} : memref<200x128xf32, #tpu.memory_space<vmem>>, vector<1x16xf32>,
        %add3A_587 = arith.constant 0 : i32
        %add3A_588 = arith.addi %mul3A_562, %add3A_587 : i32
        %add3A_589 = arith.constant 0 : i32
        %add3A_590 = arith.addi %mul3A_562, %add3A_589 : i32
        %get3A_591 = arith.index_cast %add3A_590 : i32 to index
        %get3A_592 = arith.constant 32 : index
        %get3A_593 = tpu.vector_load %arg26[%get3A_591, %get3A_592] {strides = array<i32>} : memref<200x128xf32, #tpu.memory_space<vmem>>, vector<1x16xf32>,
        %get3A_594 = vector.shape_cast %get3A_593 : vector<1x16xf32> to vector<16xf32>
        %swap3A_595 = arith.index_cast %add3A_588 : i32 to index
        %swap3A_596 = arith.constant 32 : index
        %swap3A_597 = tpu.vector_load %arg9[%swap3A_595, %swap3A_596] {strides = array<i32>} : memref<200x128xf32, #tpu.memory_space<vmem>>, vector<1x16xf32>,
        %swap3A_598 = vector.shape_cast %swap3A_597 : vector<1x16xf32> to vector<16xf32>
        %swap3A_599 = vector.shape_cast %get3A_594 : vector<16xf32> to vector<1x16xf32>
        tpu.vector_store %arg9[%swap3A_595, %swap3A_596], %swap3A_599 {add = true, strides = array<i32>} : memref<200x128xf32, #tpu.memory_space<vmem>>, vector<1x16xf32>,
        %add3A_600 = arith.constant 0 : i32
        %add3A_601 = arith.addi %mul3A_562, %add3A_600 : i32
        %add3A_602 = arith.constant 0 : i32
        %add3A_603 = arith.addi %mul3A_562, %add3A_602 : i32
        %get3A_604 = arith.index_cast %add3A_603 : i32 to index
        %get3A_605 = arith.constant 48 : index
        %get3A_606 = tpu.vector_load %arg26[%get3A_604, %get3A_605] {strides = array<i32>} : memref<200x128xf32, #tpu.memory_space<vmem>>, vector<1x16xf32>,
        %get3A_607 = vector.shape_cast %get3A_606 : vector<1x16xf32> to vector<16xf32>
        %swap3A_608 = arith.index_cast %add3A_601 : i32 to index
        %swap3A_609 = arith.constant 48 : index
        %swap3A_610 = tpu.vector_load %arg9[%swap3A_608, %swap3A_609] {strides = array<i32>} : memref<200x128xf32, #tpu.memory_space<vmem>>, vector<1x16xf32>,
        %swap3A_611 = vector.shape_cast %swap3A_610 : vector<1x16xf32> to vector<16xf32>
        %swap3A_612 = vector.shape_cast %get3A_607 : vector<16xf32> to vector<1x16xf32>
        tpu.vector_store %arg9[%swap3A_608, %swap3A_609], %swap3A_612 {add = true, strides = array<i32>} : memref<200x128xf32, #tpu.memory_space<vmem>>, vector<1x16xf32>,
        %add3A_613 = arith.constant 0 : i32
        %add3A_614 = arith.addi %mul3A_562, %add3A_613 : i32
        %add3A_615 = arith.constant 0 : i32
        %add3A_616 = arith.addi %mul3A_562, %add3A_615 : i32
        %get3A_617 = arith.index_cast %add3A_616 : i32 to index
        %get3A_618 = arith.constant 64 : index
        %get3A_619 = tpu.vector_load %arg26[%get3A_617, %get3A_618] {strides = array<i32>} : memref<200x128xf32, #tpu.memory_space<vmem>>, vector<1x16xf32>,
        %get3A_620 = vector.shape_cast %get3A_619 : vector<1x16xf32> to vector<16xf32>
        %swap3A_621 = arith.index_cast %add3A_614 : i32 to index
        %swap3A_622 = arith.constant 64 : index
        %swap3A_623 = tpu.vector_load %arg9[%swap3A_621, %swap3A_622] {strides = array<i32>} : memref<200x128xf32, #tpu.memory_space<vmem>>, vector<1x16xf32>,
        %swap3A_624 = vector.shape_cast %swap3A_623 : vector<1x16xf32> to vector<16xf32>
        %swap3A_625 = vector.shape_cast %get3A_620 : vector<16xf32> to vector<1x16xf32>
        tpu.vector_store %arg9[%swap3A_621, %swap3A_622], %swap3A_625 {add = true, strides = array<i32>} : memref<200x128xf32, #tpu.memory_space<vmem>>, vector<1x16xf32>,
        %add3A_626 = arith.constant 0 : i32
        %add3A_627 = arith.addi %mul3A_562, %add3A_626 : i32
        %add3A_628 = arith.constant 0 : i32
        %add3A_629 = arith.addi %mul3A_562, %add3A_628 : i32
        %get3A_630 = arith.index_cast %add3A_629 : i32 to index
        %get3A_631 = arith.constant 80 : index
        %get3A_632 = tpu.vector_load %arg26[%get3A_630, %get3A_631] {strides = array<i32>} : memref<200x128xf32, #tpu.memory_space<vmem>>, vector<1x16xf32>,
        %get3A_633 = vector.shape_cast %get3A_632 : vector<1x16xf32> to vector<16xf32>
        %swap3A_634 = arith.index_cast %add3A_627 : i32 to index
        %swap3A_635 = arith.constant 80 : index
        %swap3A_636 = tpu.vector_load %arg9[%swap3A_634, %swap3A_635] {strides = array<i32>} : memref<200x128xf32, #tpu.memory_space<vmem>>, vector<1x16xf32>,
        %swap3A_637 = vector.shape_cast %swap3A_636 : vector<1x16xf32> to vector<16xf32>
        %swap3A_638 = vector.shape_cast %get3A_633 : vector<16xf32> to vector<1x16xf32>
        tpu.vector_store %arg9[%swap3A_634, %swap3A_635], %swap3A_638 {add = true, strides = array<i32>} : memref<200x128xf32, #tpu.memory_space<vmem>>, vector<1x16xf32>,
        %add3A_639 = arith.constant 0 : i32
        %add3A_640 = arith.addi %mul3A_562, %add3A_639 : i32
        %add3A_641 = arith.constant 0 : i32
        %add3A_642 = arith.addi %mul3A_562, %add3A_641 : i32
        %get3A_643 = arith.index_cast %add3A_642 : i32 to index
        %get3A_644 = arith.constant 96 : index
        %get3A_645 = tpu.vector_load %arg26[%get3A_643, %get3A_644] {strides = array<i32>} : memref<200x128xf32, #tpu.memory_space<vmem>>, vector<1x16xf32>,
        %get3A_646 = vector.shape_cast %get3A_645 : vector<1x16xf32> to vector<16xf32>
        %swap3A_647 = arith.index_cast %add3A_640 : i32 to index
        %swap3A_648 = arith.constant 96 : index
        %swap3A_649 = tpu.vector_load %arg9[%swap3A_647, %swap3A_648] {strides = array<i32>} : memref<200x128xf32, #tpu.memory_space<vmem>>, vector<1x16xf32>,
        %swap3A_650 = vector.shape_cast %swap3A_649 : vector<1x16xf32> to vector<16xf32>
        %swap3A_651 = vector.shape_cast %get3A_646 : vector<16xf32> to vector<1x16xf32>
        tpu.vector_store %arg9[%swap3A_647, %swap3A_648], %swap3A_651 {add = true, strides = array<i32>} : memref<200x128xf32, #tpu.memory_space<vmem>>, vector<1x16xf32>,
        %add3A_652 = arith.constant 0 : i32
        %add3A_653 = arith.addi %mul3A_562, %add3A_652 : i32
        %add3A_654 = arith.constant 0 : i32
        %add3A_655 = arith.addi %mul3A_562, %add3A_654 : i32
        %get3A_656 = arith.index_cast %add3A_655 : i32 to index
        %get3A_657 = arith.constant 112 : index
        %get3A_658 = tpu.vector_load %arg26[%get3A_656, %get3A_657] {strides = array<i32>} : memref<200x128xf32, #tpu.memory_space<vmem>>, vector<1x16xf32>,
        %get3A_659 = vector.shape_cast %get3A_658 : vector<1x16xf32> to vector<16xf32>
        %swap3A_660 = arith.index_cast %add3A_653 : i32 to index
        %swap3A_661 = arith.constant 112 : index
        %swap3A_662 = tpu.vector_load %arg9[%swap3A_660, %swap3A_661] {strides = array<i32>} : memref<200x128xf32, #tpu.memory_space<vmem>>, vector<1x16xf32>,
        %swap3A_663 = vector.shape_cast %swap3A_662 : vector<1x16xf32> to vector<16xf32>
        %swap3A_664 = vector.shape_cast %get3A_659 : vector<16xf32> to vector<1x16xf32>
        tpu.vector_store %arg9[%swap3A_660, %swap3A_661], %swap3A_664 {add = true, strides = array<i32>} : memref<200x128xf32, #tpu.memory_space<vmem>>, vector<1x16xf32>,
        %add3A_665 = arith.constant 1 : i32
        %add3A_666 = arith.addi %mul3A_562, %add3A_665 : i32
        %add3A_667 = arith.constant 1 : i32
        %add3A_668 = arith.addi %mul3A_562, %add3A_667 : i32
        %get3A_669 = arith.index_cast %add3A_668 : i32 to index
        %get3A_670 = arith.constant 0 : index
        %get3A_671 = tpu.vector_load %arg26[%get3A_669, %get3A_670] {strides = array<i32>} : memref<200x128xf32, #tpu.memory_space<vmem>>, vector<1x16xf32>,
        %get3A_672 = vector.shape_cast %get3A_671 : vector<1x16xf32> to vector<16xf32>
        %swap3A_673 = arith.index_cast %add3A_666 : i32 to index
        %swap3A_674 = arith.constant 0 : index
        %swap3A_675 = tpu.vector_load %arg9[%swap3A_673, %swap3A_674] {strides = array<i32>} : memref<200x128xf32, #tpu.memory_space<vmem>>, vector<1x16xf32>,
        %swap3A_676 = vector.shape_cast %swap3A_675 : vector<1x16xf32> to vector<16xf32>
        %swap3A_677 = vector.shape_cast %get3A_672 : vector<16xf32> to vector<1x16xf32>
        tpu.vector_store %arg9[%swap3A_673, %swap3A_674], %swap3A_677 {add = true, strides = array<i32>} : memref<200x128xf32, #tpu.memory_space<vmem>>, vector<1x16xf32>,
        %add3A_678 = arith.constant 1 : i32
        %add3A_679 = arith.addi %mul3A_562, %add3A_678 : i32
        %add3A_680 = arith.constant 1 : i32
        %add3A_681 = arith.addi %mul3A_562, %add3A_680 : i32
        %get3A_682 = arith.index_cast %add3A_681 : i32 to index
        %get3A_683 = arith.constant 16 : index
        %get3A_684 = tpu.vector_load %arg26[%get3A_682, %get3A_683] {strides = array<i32>} : memref<200x128xf32, #tpu.memory_space<vmem>>, vector<1x16xf32>,
        %get3A_685 = vector.shape_cast %get3A_684 : vector<1x16xf32> to vector<16xf32>
        %swap3A_686 = arith.index_cast %add3A_679 : i32 to index
        %swap3A_687 = arith.constant 16 : index
        %swap3A_688 = tpu.vector_load %arg9[%swap3A_686, %swap3A_687] {strides = array<i32>} : memref<200x128xf32, #tpu.memory_space<vmem>>, vector<1x16xf32>,
        %swap3A_689 = vector.shape_cast %swap3A_688 : vector<1x16xf32> to vector<16xf32>
        %swap3A_690 = vector.shape_cast %get3A_685 : vector<16xf32> to vector<1x16xf32>
        tpu.vector_store %arg9[%swap3A_686, %swap3A_687], %swap3A_690 {add = true, strides = array<i32>} : memref<200x128xf32, #tpu.memory_space<vmem>>, vector<1x16xf32>,
        %add3A_691 = arith.constant 1 : i32
        %add3A_692 = arith.addi %mul3A_562, %add3A_691 : i32
        %add3A_693 = arith.constant 1 : i32
        %add3A_694 = arith.addi %mul3A_562, %add3A_693 : i32
        %get3A_695 = arith.index_cast %add3A_694 : i32 to index
        %get3A_696 = arith.constant 32 : index
        %get3A_697 = tpu.vector_load %arg26[%get3A_695, %get3A_696] {strides = array<i32>} : memref<200x128xf32, #tpu.memory_space<vmem>>, vector<1x16xf32>,
        %get3A_698 = vector.shape_cast %get3A_697 : vector<1x16xf32> to vector<16xf32>
        %swap3A_699 = arith.index_cast %add3A_692 : i32 to index
        %swap3A_700 = arith.constant 32 : index
        %swap3A_701 = tpu.vector_load %arg9[%swap3A_699, %swap3A_700] {strides = array<i32>} : memref<200x128xf32, #tpu.memory_space<vmem>>, vector<1x16xf32>,
        %swap3A_702 = vector.shape_cast %swap3A_701 : vector<1x16xf32> to vector<16xf32>
        %swap3A_703 = vector.shape_cast %get3A_698 : vector<16xf32> to vector<1x16xf32>
        tpu.vector_store %arg9[%swap3A_699, %swap3A_700], %swap3A_703 {add = true, strides = array<i32>} : memref<200x128xf32, #tpu.memory_space<vmem>>, vector<1x16xf32>,
        %add3A_704 = arith.constant 1 : i32
        %add3A_705 = arith.addi %mul3A_562, %add3A_704 : i32
        %add3A_706 = arith.constant 1 : i32
        %add3A_707 = arith.addi %mul3A_562, %add3A_706 : i32
        %get3A_708 = arith.index_cast %add3A_707 : i32 to index
        %get3A_709 = arith.constant 48 : index
        %get3A_710 = tpu.vector_load %arg26[%get3A_708, %get3A_709] {strides = array<i32>} : memref<200x128xf32, #tpu.memory_space<vmem>>, vector<1x16xf32>,
        %get3A_711 = vector.shape_cast %get3A_710 : vector<1x16xf32> to vector<16xf32>
        %swap3A_712 = arith.index_cast %add3A_705 : i32 to index
        %swap3A_713 = arith.constant 48 : index
        %swap3A_714 = tpu.vector_load %arg9[%swap3A_712, %swap3A_713] {strides = array<i32>} : memref<200x128xf32, #tpu.memory_space<vmem>>, vector<1x16xf32>,
        %swap3A_715 = vector.shape_cast %swap3A_714 : vector<1x16xf32> to vector<16xf32>
        %swap3A_716 = vector.shape_cast %get3A_711 : vector<16xf32> to vector<1x16xf32>
        tpu.vector_store %arg9[%swap3A_712, %swap3A_713], %swap3A_716 {add = true, strides = array<i32>} : memref<200x128xf32, #tpu.memory_space<vmem>>, vector<1x16xf32>,
        %add3A_717 = arith.constant 1 : i32
        %add3A_718 = arith.addi %mul3A_562, %add3A_717 : i32
        %add3A_719 = arith.constant 1 : i32
        %add3A_720 = arith.addi %mul3A_562, %add3A_719 : i32
        %get3A_721 = arith.index_cast %add3A_720 : i32 to index
        %get3A_722 = arith.constant 64 : index
        %get3A_723 = tpu.vector_load %arg26[%get3A_721, %get3A_722] {strides = array<i32>} : memref<200x128xf32, #tpu.memory_space<vmem>>, vector<1x16xf32>,
        %get3A_724 = vector.shape_cast %get3A_723 : vector<1x16xf32> to vector<16xf32>
        %swap3A_725 = arith.index_cast %add3A_718 : i32 to index
        %swap3A_726 = arith.constant 64 : index
        %swap3A_727 = tpu.vector_load %arg9[%swap3A_725, %swap3A_726] {strides = array<i32>} : memref<200x128xf32, #tpu.memory_space<vmem>>, vector<1x16xf32>,
        %swap3A_728 = vector.shape_cast %swap3A_727 : vector<1x16xf32> to vector<16xf32>
        %swap3A_729 = vector.shape_cast %get3A_724 : vector<16xf32> to vector<1x16xf32>
        tpu.vector_store %arg9[%swap3A_725, %swap3A_726], %swap3A_729 {add = true, strides = array<i32>} : memref<200x128xf32, #tpu.memory_space<vmem>>, vector<1x16xf32>,
        %add3A_730 = arith.constant 1 : i32
        %add3A_731 = arith.addi %mul3A_562, %add3A_730 : i32
        %add3A_732 = arith.constant 1 : i32
        %add3A_733 = arith.addi %mul3A_562, %add3A_732 : i32
        %get3A_734 = arith.index_cast %add3A_733 : i32 to index
        %get3A_735 = arith.constant 80 : index
        %get3A_736 = tpu.vector_load %arg26[%get3A_734, %get3A_735] {strides = array<i32>} : memref<200x128xf32, #tpu.memory_space<vmem>>, vector<1x16xf32>,
        %get3A_737 = vector.shape_cast %get3A_736 : vector<1x16xf32> to vector<16xf32>
        %swap3A_738 = arith.index_cast %add3A_731 : i32 to index
        %swap3A_739 = arith.constant 80 : index
        %swap3A_740 = tpu.vector_load %arg9[%swap3A_738, %swap3A_739] {strides = array<i32>} : memref<200x128xf32, #tpu.memory_space<vmem>>, vector<1x16xf32>,
        %swap3A_741 = vector.shape_cast %swap3A_740 : vector<1x16xf32> to vector<16xf32>
        %swap3A_742 = vector.shape_cast %get3A_737 : vector<16xf32> to vector<1x16xf32>
        tpu.vector_store %arg9[%swap3A_738, %swap3A_739], %swap3A_742 {add = true, strides = array<i32>} : memref<200x128xf32, #tpu.memory_space<vmem>>, vector<1x16xf32>,
        %add3A_743 = arith.constant 1 : i32
        %add3A_744 = arith.addi %mul3A_562, %add3A_743 : i32
        %add3A_745 = arith.constant 1 : i32
        %add3A_746 = arith.addi %mul3A_562, %add3A_745 : i32
        %get3A_747 = arith.index_cast %add3A_746 : i32 to index
        %get3A_748 = arith.constant 96 : index
        %get3A_749 = tpu.vector_load %arg26[%get3A_747, %get3A_748] {strides = array<i32>} : memref<200x128xf32, #tpu.memory_space<vmem>>, vector<1x16xf32>,
        %get3A_750 = vector.shape_cast %get3A_749 : vector<1x16xf32> to vector<16xf32>
        %swap3A_751 = arith.index_cast %add3A_744 : i32 to index
        %swap3A_752 = arith.constant 96 : index
        %swap3A_753 = tpu.vector_load %arg9[%swap3A_751, %swap3A_752] {strides = array<i32>} : memref<200x128xf32, #tpu.memory_space<vmem>>, vector<1x16xf32>,
        %swap3A_754 = vector.shape_cast %swap3A_753 : vector<1x16xf32> to vector<16xf32>
        %swap3A_755 = vector.shape_cast %get3A_750 : vector<16xf32> to vector<1x16xf32>
        tpu.vector_store %arg9[%swap3A_751, %swap3A_752], %swap3A_755 {add = true, strides = array<i32>} : memref<200x128xf32, #tpu.memory_space<vmem>>, vector<1x16xf32>,
        %add3A_756 = arith.constant 1 : i32
        %add3A_757 = arith.addi %mul3A_562, %add3A_756 : i32
        %add3A_758 = arith.constant 1 : i32
        %add3A_759 = arith.addi %mul3A_562, %add3A_758 : i32
        %get3A_760 = arith.index_cast %add3A_759 : i32 to index
        %get3A_761 = arith.constant 112 : index
        %get3A_762 = tpu.vector_load %arg26[%get3A_760, %get3A_761] {strides = array<i32>} : memref<200x128xf32, #tpu.memory_space<vmem>>, vector<1x16xf32>,
        %get3A_763 = vector.shape_cast %get3A_762 : vector<1x16xf32> to vector<16xf32>
        %swap3A_764 = arith.index_cast %add3A_757 : i32 to index
        %swap3A_765 = arith.constant 112 : index
        %swap3A_766 = tpu.vector_load %arg9[%swap3A_764, %swap3A_765] {strides = array<i32>} : memref<200x128xf32, #tpu.memory_space<vmem>>, vector<1x16xf32>,
        %swap3A_767 = vector.shape_cast %swap3A_766 : vector<1x16xf32> to vector<16xf32>
        %swap3A_768 = vector.shape_cast %get3A_763 : vector<16xf32> to vector<1x16xf32>
        tpu.vector_store %arg9[%swap3A_764, %swap3A_765], %swap3A_768 {add = true, strides = array<i32>} : memref<200x128xf32, #tpu.memory_space<vmem>>, vector<1x16xf32>,
        %add3A_769 = arith.constant 2 : i32
        %add3A_770 = arith.addi %mul3A_562, %add3A_769 : i32
        %add3A_771 = arith.constant 2 : i32
        %add3A_772 = arith.addi %mul3A_562, %add3A_771 : i32
        %get3A_773 = arith.index_cast %add3A_772 : i32 to index
        %get3A_774 = arith.constant 0 : index
        %get3A_775 = tpu.vector_load %arg26[%get3A_773, %get3A_774] {strides = array<i32>} : memref<200x128xf32, #tpu.memory_space<vmem>>, vector<1x16xf32>,
        %get3A_776 = vector.shape_cast %get3A_775 : vector<1x16xf32> to vector<16xf32>
        %swap3A_777 = arith.index_cast %add3A_770 : i32 to index
        %swap3A_778 = arith.constant 0 : index
        %swap3A_779 = tpu.vector_load %arg9[%swap3A_777, %swap3A_778] {strides = array<i32>} : memref<200x128xf32, #tpu.memory_space<vmem>>, vector<1x16xf32>,
        %swap3A_780 = vector.shape_cast %swap3A_779 : vector<1x16xf32> to vector<16xf32>
        %swap3A_781 = vector.shape_cast %get3A_776 : vector<16xf32> to vector<1x16xf32>
        tpu.vector_store %arg9[%swap3A_777, %swap3A_778], %swap3A_781 {add = true, strides = array<i32>} : memref<200x128xf32, #tpu.memory_space<vmem>>, vector<1x16xf32>,
        %add3A_782 = arith.constant 2 : i32
        %add3A_783 = arith.addi %mul3A_562, %add3A_782 : i32
        %add3A_784 = arith.constant 2 : i32
        %add3A_785 = arith.addi %mul3A_562, %add3A_784 : i32
        %get3A_786 = arith.index_cast %add3A_785 : i32 to index
        %get3A_787 = arith.constant 16 : index
        %get3A_788 = tpu.vector_load %arg26[%get3A_786, %get3A_787] {strides = array<i32>} : memref<200x128xf32, #tpu.memory_space<vmem>>, vector<1x16xf32>,
        %get3A_789 = vector.shape_cast %get3A_788 : vector<1x16xf32> to vector<16xf32>
        %swap3A_790 = arith.index_cast %add3A_783 : i32 to index
        %swap3A_791 = arith.constant 16 : index
        %swap3A_792 = tpu.vector_load %arg9[%swap3A_790, %swap3A_791] {strides = array<i32>} : memref<200x128xf32, #tpu.memory_space<vmem>>, vector<1x16xf32>,
        %swap3A_793 = vector.shape_cast %swap3A_792 : vector<1x16xf32> to vector<16xf32>
        %swap3A_794 = vector.shape_cast %get3A_789 : vector<16xf32> to vector<1x16xf32>
        tpu.vector_store %arg9[%swap3A_790, %swap3A_791], %swap3A_794 {add = true, strides = array<i32>} : memref<200x128xf32, #tpu.memory_space<vmem>>, vector<1x16xf32>,
        %add3A_795 = arith.constant 2 : i32
        %add3A_796 = arith.addi %mul3A_562, %add3A_795 : i32
        %add3A_797 = arith.constant 2 : i32
        %add3A_798 = arith.addi %mul3A_562, %add3A_797 : i32
        %get3A_799 = arith.index_cast %add3A_798 : i32 to index
        %get3A_800 = arith.constant 32 : index
        %get3A_801 = tpu.vector_load %arg26[%get3A_799, %get3A_800] {strides = array<i32>} : memref<200x128xf32, #tpu.memory_space<vmem>>, vector<1x16xf32>,
        %get3A_802 = vector.shape_cast %get3A_801 : vector<1x16xf32> to vector<16xf32>
        %swap3A_803 = arith.index_cast %add3A_796 : i32 to index
        %swap3A_804 = arith.constant 32 : index
        %swap3A_805 = tpu.vector_load %arg9[%swap3A_803, %swap3A_804] {strides = array<i32>} : memref<200x128xf32, #tpu.memory_space<vmem>>, vector<1x16xf32>,
        %swap3A_806 = vector.shape_cast %swap3A_805 : vector<1x16xf32> to vector<16xf32>
        %swap3A_807 = vector.shape_cast %get3A_802 : vector<16xf32> to vector<1x16xf32>
        tpu.vector_store %arg9[%swap3A_803, %swap3A_804], %swap3A_807 {add = true, strides = array<i32>} : memref<200x128xf32, #tpu.memory_space<vmem>>, vector<1x16xf32>,
        %add3A_808 = arith.constant 2 : i32
        %add3A_809 = arith.addi %mul3A_562, %add3A_808 : i32
        %add3A_810 = arith.constant 2 : i32
        %add3A_811 = arith.addi %mul3A_562, %add3A_810 : i32
        %get3A_812 = arith.index_cast %add3A_811 : i32 to index
        %get3A_813 = arith.constant 48 : index
        %get3A_814 = tpu.vector_load %arg26[%get3A_812, %get3A_813] {strides = array<i32>} : memref<200x128xf32, #tpu.memory_space<vmem>>, vector<1x16xf32>,
        %get3A_815 = vector.shape_cast %get3A_814 : vector<1x16xf32> to vector<16xf32>
        %swap3A_816 = arith.index_cast %add3A_809 : i32 to index
        %swap3A_817 = arith.constant 48 : index
        %swap3A_818 = tpu.vector_load %arg9[%swap3A_816, %swap3A_817] {strides = array<i32>} : memref<200x128xf32, #tpu.memory_space<vmem>>, vector<1x16xf32>,
        %swap3A_819 = vector.shape_cast %swap3A_818 : vector<1x16xf32> to vector<16xf32>
        %swap3A_820 = vector.shape_cast %get3A_815 : vector<16xf32> to vector<1x16xf32>
        tpu.vector_store %arg9[%swap3A_816, %swap3A_817], %swap3A_820 {add = true, strides = array<i32>} : memref<200x128xf32, #tpu.memory_space<vmem>>, vector<1x16xf32>,
        %add3A_821 = arith.constant 2 : i32
        %add3A_822 = arith.addi %mul3A_562, %add3A_821 : i32
        %add3A_823 = arith.constant 2 : i32
        %add3A_824 = arith.addi %mul3A_562, %add3A_823 : i32
        %get3A_825 = arith.index_cast %add3A_824 : i32 to index
        %get3A_826 = arith.constant 64 : index
        %get3A_827 = tpu.vector_load %arg26[%get3A_825, %get3A_826] {strides = array<i32>} : memref<200x128xf32, #tpu.memory_space<vmem>>, vector<1x16xf32>,
        %get3A_828 = vector.shape_cast %get3A_827 : vector<1x16xf32> to vector<16xf32>
        %swap3A_829 = arith.index_cast %add3A_822 : i32 to index
        %swap3A_830 = arith.constant 64 : index
        %swap3A_831 = tpu.vector_load %arg9[%swap3A_829, %swap3A_830] {strides = array<i32>} : memref<200x128xf32, #tpu.memory_space<vmem>>, vector<1x16xf32>,
        %swap3A_832 = vector.shape_cast %swap3A_831 : vector<1x16xf32> to vector<16xf32>
        %swap3A_833 = vector.shape_cast %get3A_828 : vector<16xf32> to vector<1x16xf32>
        tpu.vector_store %arg9[%swap3A_829, %swap3A_830], %swap3A_833 {add = true, strides = array<i32>} : memref<200x128xf32, #tpu.memory_space<vmem>>, vector<1x16xf32>,
        %add3A_834 = arith.constant 2 : i32
        %add3A_835 = arith.addi %mul3A_562, %add3A_834 : i32
        %add3A_836 = arith.constant 2 : i32
        %add3A_837 = arith.addi %mul3A_562, %add3A_836 : i32
        %get3A_838 = arith.index_cast %add3A_837 : i32 to index
        %get3A_839 = arith.constant 80 : index
        %get3A_840 = tpu.vector_load %arg26[%get3A_838, %get3A_839] {strides = array<i32>} : memref<200x128xf32, #tpu.memory_space<vmem>>, vector<1x16xf32>,
        %get3A_841 = vector.shape_cast %get3A_840 : vector<1x16xf32> to vector<16xf32>
        %swap3A_842 = arith.index_cast %add3A_835 : i32 to index
        %swap3A_843 = arith.constant 80 : index
        %swap3A_844 = tpu.vector_load %arg9[%swap3A_842, %swap3A_843] {strides = array<i32>} : memref<200x128xf32, #tpu.memory_space<vmem>>, vector<1x16xf32>,
        %swap3A_845 = vector.shape_cast %swap3A_844 : vector<1x16xf32> to vector<16xf32>
        %swap3A_846 = vector.shape_cast %get3A_841 : vector<16xf32> to vector<1x16xf32>
        tpu.vector_store %arg9[%swap3A_842, %swap3A_843], %swap3A_846 {add = true, strides = array<i32>} : memref<200x128xf32, #tpu.memory_space<vmem>>, vector<1x16xf32>,
        %add3A_847 = arith.constant 2 : i32
        %add3A_848 = arith.addi %mul3A_562, %add3A_847 : i32
        %add3A_849 = arith.constant 2 : i32
        %add3A_850 = arith.addi %mul3A_562, %add3A_849 : i32
        %get3A_851 = arith.index_cast %add3A_850 : i32 to index
        %get3A_852 = arith.constant 96 : index
        %get3A_853 = tpu.vector_load %arg26[%get3A_851, %get3A_852] {strides = array<i32>} : memref<200x128xf32, #tpu.memory_space<vmem>>, vector<1x16xf32>,
        %get3A_854 = vector.shape_cast %get3A_853 : vector<1x16xf32> to vector<16xf32>
        %swap3A_855 = arith.index_cast %add3A_848 : i32 to index
        %swap3A_856 = arith.constant 96 : index
        %swap3A_857 = tpu.vector_load %arg9[%swap3A_855, %swap3A_856] {strides = array<i32>} : memref<200x128xf32, #tpu.memory_space<vmem>>, vector<1x16xf32>,
        %swap3A_858 = vector.shape_cast %swap3A_857 : vector<1x16xf32> to vector<16xf32>
        %swap3A_859 = vector.shape_cast %get3A_854 : vector<16xf32> to vector<1x16xf32>
        tpu.vector_store %arg9[%swap3A_855, %swap3A_856], %swap3A_859 {add = true, strides = array<i32>} : memref<200x128xf32, #tpu.memory_space<vmem>>, vector<1x16xf32>,
        %add3A_860 = arith.constant 2 : i32
        %add3A_861 = arith.addi %mul3A_562, %add3A_860 : i32
        %add3A_862 = arith.constant 2 : i32
        %add3A_863 = arith.addi %mul3A_562, %add3A_862 : i32
        %get3A_864 = arith.index_cast %add3A_863 : i32 to index
        %get3A_865 = arith.constant 112 : index
        %get3A_866 = tpu.vector_load %arg26[%get3A_864, %get3A_865] {strides = array<i32>} : memref<200x128xf32, #tpu.memory_space<vmem>>, vector<1x16xf32>,
        %get3A_867 = vector.shape_cast %get3A_866 : vector<1x16xf32> to vector<16xf32>
        %swap3A_868 = arith.index_cast %add3A_861 : i32 to index
        %swap3A_869 = arith.constant 112 : index
        %swap3A_870 = tpu.vector_load %arg9[%swap3A_868, %swap3A_869] {strides = array<i32>} : memref<200x128xf32, #tpu.memory_space<vmem>>, vector<1x16xf32>,
        %swap3A_871 = vector.shape_cast %swap3A_870 : vector<1x16xf32> to vector<16xf32>
        %swap3A_872 = vector.shape_cast %get3A_867 : vector<16xf32> to vector<1x16xf32>
        tpu.vector_store %arg9[%swap3A_868, %swap3A_869], %swap3A_872 {add = true, strides = array<i32>} : memref<200x128xf32, #tpu.memory_space<vmem>>, vector<1x16xf32>,
        %add3A_873 = arith.constant 3 : i32
        %add3A_874 = arith.addi %mul3A_562, %add3A_873 : i32
        %add3A_875 = arith.constant 3 : i32
        %add3A_876 = arith.addi %mul3A_562, %add3A_875 : i32
        %get3A_877 = arith.index_cast %add3A_876 : i32 to index
        %get3A_878 = arith.constant 0 : index
        %get3A_879 = tpu.vector_load %arg26[%get3A_877, %get3A_878] {strides = array<i32>} : memref<200x128xf32, #tpu.memory_space<vmem>>, vector<1x16xf32>,
        %get3A_880 = vector.shape_cast %get3A_879 : vector<1x16xf32> to vector<16xf32>
        %swap3A_881 = arith.index_cast %add3A_874 : i32 to index
        %swap3A_882 = arith.constant 0 : index
        %swap3A_883 = tpu.vector_load %arg9[%swap3A_881, %swap3A_882] {strides = array<i32>} : memref<200x128xf32, #tpu.memory_space<vmem>>, vector<1x16xf32>,
        %swap3A_884 = vector.shape_cast %swap3A_883 : vector<1x16xf32> to vector<16xf32>
        %swap3A_885 = vector.shape_cast %get3A_880 : vector<16xf32> to vector<1x16xf32>
        tpu.vector_store %arg9[%swap3A_881, %swap3A_882], %swap3A_885 {add = true, strides = array<i32>} : memref<200x128xf32, #tpu.memory_space<vmem>>, vector<1x16xf32>,
        %add3A_886 = arith.constant 3 : i32
        %add3A_887 = arith.addi %mul3A_562, %add3A_886 : i32
        %add3A_888 = arith.constant 3 : i32
        %add3A_889 = arith.addi %mul3A_562, %add3A_888 : i32
        %get3A_890 = arith.index_cast %add3A_889 : i32 to index
        %get3A_891 = arith.constant 16 : index
        %get3A_892 = tpu.vector_load %arg26[%get3A_890, %get3A_891] {strides = array<i32>} : memref<200x128xf32, #tpu.memory_space<vmem>>, vector<1x16xf32>,
        %get3A_893 = vector.shape_cast %get3A_892 : vector<1x16xf32> to vector<16xf32>
        %swap3A_894 = arith.index_cast %add3A_887 : i32 to index
        %swap3A_895 = arith.constant 16 : index
        %swap3A_896 = tpu.vector_load %arg9[%swap3A_894, %swap3A_895] {strides = array<i32>} : memref<200x128xf32, #tpu.memory_space<vmem>>, vector<1x16xf32>,
        %swap3A_897 = vector.shape_cast %swap3A_896 : vector<1x16xf32> to vector<16xf32>
        %swap3A_898 = vector.shape_cast %get3A_893 : vector<16xf32> to vector<1x16xf32>
        tpu.vector_store %arg9[%swap3A_894, %swap3A_895], %swap3A_898 {add = true, strides = array<i32>} : memref<200x128xf32, #tpu.memory_space<vmem>>, vector<1x16xf32>,
        %add3A_899 = arith.constant 3 : i32
        %add3A_900 = arith.addi %mul3A_562, %add3A_899 : i32
        %add3A_901 = arith.constant 3 : i32
        %add3A_902 = arith.addi %mul3A_562, %add3A_901 : i32
        %get3A_903 = arith.index_cast %add3A_902 : i32 to index
        %get3A_904 = arith.constant 32 : index
        %get3A_905 = tpu.vector_load %arg26[%get3A_903, %get3A_904] {strides = array<i32>} : memref<200x128xf32, #tpu.memory_space<vmem>>, vector<1x16xf32>,
        %get3A_906 = vector.shape_cast %get3A_905 : vector<1x16xf32> to vector<16xf32>
        %swap3A_907 = arith.index_cast %add3A_900 : i32 to index
        %swap3A_908 = arith.constant 32 : index
        %swap3A_909 = tpu.vector_load %arg9[%swap3A_907, %swap3A_908] {strides = array<i32>} : memref<200x128xf32, #tpu.memory_space<vmem>>, vector<1x16xf32>,
        %swap3A_910 = vector.shape_cast %swap3A_909 : vector<1x16xf32> to vector<16xf32>
        %swap3A_911 = vector.shape_cast %get3A_906 : vector<16xf32> to vector<1x16xf32>
        tpu.vector_store %arg9[%swap3A_907, %swap3A_908], %swap3A_911 {add = true, strides = array<i32>} : memref<200x128xf32, #tpu.memory_space<vmem>>, vector<1x16xf32>,
        %add3A_912 = arith.constant 3 : i32
        %add3A_913 = arith.addi %mul3A_562, %add3A_912 : i32
        %add3A_914 = arith.constant 3 : i32
        %add3A_915 = arith.addi %mul3A_562, %add3A_914 : i32
        %get3A_916 = arith.index_cast %add3A_915 : i32 to index
        %get3A_917 = arith.constant 48 : index
        %get3A_918 = tpu.vector_load %arg26[%get3A_916, %get3A_917] {strides = array<i32>} : memref<200x128xf32, #tpu.memory_space<vmem>>, vector<1x16xf32>,
        %get3A_919 = vector.shape_cast %get3A_918 : vector<1x16xf32> to vector<16xf32>
        %swap3A_920 = arith.index_cast %add3A_913 : i32 to index
        %swap3A_921 = arith.constant 48 : index
        %swap3A_922 = tpu.vector_load %arg9[%swap3A_920, %swap3A_921] {strides = array<i32>} : memref<200x128xf32, #tpu.memory_space<vmem>>, vector<1x16xf32>,
        %swap3A_923 = vector.shape_cast %swap3A_922 : vector<1x16xf32> to vector<16xf32>
        %swap3A_924 = vector.shape_cast %get3A_919 : vector<16xf32> to vector<1x16xf32>
        tpu.vector_store %arg9[%swap3A_920, %swap3A_921], %swap3A_924 {add = true, strides = array<i32>} : memref<200x128xf32, #tpu.memory_space<vmem>>, vector<1x16xf32>,
        %add3A_925 = arith.constant 3 : i32
        %add3A_926 = arith.addi %mul3A_562, %add3A_925 : i32
        %add3A_927 = arith.constant 3 : i32
        %add3A_928 = arith.addi %mul3A_562, %add3A_927 : i32
        %get3A_929 = arith.index_cast %add3A_928 : i32 to index
        %get3A_930 = arith.constant 64 : index
        %get3A_931 = tpu.vector_load %arg26[%get3A_929, %get3A_930] {strides = array<i32>} : memref<200x128xf32, #tpu.memory_space<vmem>>, vector<1x16xf32>,
        %get3A_932 = vector.shape_cast %get3A_931 : vector<1x16xf32> to vector<16xf32>
        %swap3A_933 = arith.index_cast %add3A_926 : i32 to index
        %swap3A_934 = arith.constant 64 : index
        %swap3A_935 = tpu.vector_load %arg9[%swap3A_933, %swap3A_934] {strides = array<i32>} : memref<200x128xf32, #tpu.memory_space<vmem>>, vector<1x16xf32>,
        %swap3A_936 = vector.shape_cast %swap3A_935 : vector<1x16xf32> to vector<16xf32>
        %swap3A_937 = vector.shape_cast %get3A_932 : vector<16xf32> to vector<1x16xf32>
        tpu.vector_store %arg9[%swap3A_933, %swap3A_934], %swap3A_937 {add = true, strides = array<i32>} : memref<200x128xf32, #tpu.memory_space<vmem>>, vector<1x16xf32>,
        %add3A_938 = arith.constant 3 : i32
        %add3A_939 = arith.addi %mul3A_562, %add3A_938 : i32
        %add3A_940 = arith.constant 3 : i32
        %add3A_941 = arith.addi %mul3A_562, %add3A_940 : i32
        %get3A_942 = arith.index_cast %add3A_941 : i32 to index
        %get3A_943 = arith.constant 80 : index
        %get3A_944 = tpu.vector_load %arg26[%get3A_942, %get3A_943] {strides = array<i32>} : memref<200x128xf32, #tpu.memory_space<vmem>>, vector<1x16xf32>,
        %get3A_945 = vector.shape_cast %get3A_944 : vector<1x16xf32> to vector<16xf32>
        %swap3A_946 = arith.index_cast %add3A_939 : i32 to index
        %swap3A_947 = arith.constant 80 : index
        %swap3A_948 = tpu.vector_load %arg9[%swap3A_946, %swap3A_947] {strides = array<i32>} : memref<200x128xf32, #tpu.memory_space<vmem>>, vector<1x16xf32>,
        %swap3A_949 = vector.shape_cast %swap3A_948 : vector<1x16xf32> to vector<16xf32>
        %swap3A_950 = vector.shape_cast %get3A_945 : vector<16xf32> to vector<1x16xf32>
        tpu.vector_store %arg9[%swap3A_946, %swap3A_947], %swap3A_950 {add = true, strides = array<i32>} : memref<200x128xf32, #tpu.memory_space<vmem>>, vector<1x16xf32>,
        %add3A_951 = arith.constant 3 : i32
        %add3A_952 = arith.addi %mul3A_562, %add3A_951 : i32
        %add3A_953 = arith.constant 3 : i32
        %add3A_954 = arith.addi %mul3A_562, %add3A_953 : i32
        %get3A_955 = arith.index_cast %add3A_954 : i32 to index
        %get3A_956 = arith.constant 96 : index
        %get3A_957 = tpu.vector_load %arg26[%get3A_955, %get3A_956] {strides = array<i32>} : memref<200x128xf32, #tpu.memory_space<vmem>>, vector<1x16xf32>,
        %get3A_958 = vector.shape_cast %get3A_957 : vector<1x16xf32> to vector<16xf32>
        %swap3A_959 = arith.index_cast %add3A_952 : i32 to index
        %swap3A_960 = arith.constant 96 : index
        %swap3A_961 = tpu.vector_load %arg9[%swap3A_959, %swap3A_960] {strides = array<i32>} : memref<200x128xf32, #tpu.memory_space<vmem>>, vector<1x16xf32>,
        %swap3A_962 = vector.shape_cast %swap3A_961 : vector<1x16xf32> to vector<16xf32>
        %swap3A_963 = vector.shape_cast %get3A_958 : vector<16xf32> to vector<1x16xf32>
        tpu.vector_store %arg9[%swap3A_959, %swap3A_960], %swap3A_963 {add = true, strides = array<i32>} : memref<200x128xf32, #tpu.memory_space<vmem>>, vector<1x16xf32>,
        %add3A_964 = arith.constant 3 : i32
        %add3A_965 = arith.addi %mul3A_562, %add3A_964 : i32
        %add3A_966 = arith.constant 3 : i32
        %add3A_967 = arith.addi %mul3A_562, %add3A_966 : i32
        %get3A_968 = arith.index_cast %add3A_967 : i32 to index
        %get3A_969 = arith.constant 112 : index
        %get3A_970 = tpu.vector_load %arg26[%get3A_968, %get3A_969] {strides = array<i32>} : memref<200x128xf32, #tpu.memory_space<vmem>>, vector<1x16xf32>,
        %get3A_971 = vector.shape_cast %get3A_970 : vector<1x16xf32> to vector<16xf32>
        %swap3A_972 = arith.index_cast %add3A_965 : i32 to index
        %swap3A_973 = arith.constant 112 : index
        %swap3A_974 = tpu.vector_load %arg9[%swap3A_972, %swap3A_973] {strides = array<i32>} : memref<200x128xf32, #tpu.memory_space<vmem>>, vector<1x16xf32>,
        %swap3A_975 = vector.shape_cast %swap3A_974 : vector<1x16xf32> to vector<16xf32>
        %swap3A_976 = vector.shape_cast %get3A_971 : vector<16xf32> to vector<1x16xf32>
        tpu.vector_store %arg9[%swap3A_972, %swap3A_973], %swap3A_976 {add = true, strides = array<i32>} : memref<200x128xf32, #tpu.memory_space<vmem>>, vector<1x16xf32>,
      }
      %scan3A_414 = arith.constant 50 : i32
      %add3A_415 = arith.addi %mul3A_2, %add3A_392 : i32
      %mul3A_416 = arith.constant 200 : i32
      %mul3A_417 = arith.muli %add3A_415, %mul3A_416 : i32
      %dma_start3A_418 = arith.constant 0 : i32
      %dma_start3A_419 = tpu.memref_slice %arg5[%mul3A_417, %dma_start3A_418] : memref<819200x128xf32, #tpu.memory_space<hbm>> -> memref<200x128xf32, #tpu.memory_space<hbm>>
      %dma_start3A_420 = arith.constant 0 : i32
      %dma_start3A_421 = tpu.memref_slice %arg5[%mul3A_417, %dma_start3A_420] : memref<819200x128xf32, #tpu.memory_space<hbm>> -> memref<200x128xf32, #tpu.memory_space<hbm>>
      tpu.enqueue_dma source(%arg9 : memref<200x128xf32, #tpu.memory_space<vmem>>) target(%dma_start3A_421 : memref<200x128xf32, #tpu.memory_space<hbm>>) target_semaphore(%arg21 : memref<!tpu.dma_semaphore, #tpu.memory_space<semaphore_mem>>)
      %dma_wait3A_422 = arith.constant 0 : i32
      %dma_wait3A_423 = arith.constant 0 : i32
      %dma_wait3A_424 = tpu.memref_slice %arg5[%dma_wait3A_422, %dma_wait3A_423] : memref<819200x128xf32, #tpu.memory_space<hbm>> -> memref<200x128xf32, #tpu.memory_space<hbm>>
      %dma_wait3A_425 = arith.constant 0 : i32
      %dma_wait3A_426 = arith.constant 0 : i32
      %dma_wait3A_427 = tpu.memref_slice %arg5[%dma_wait3A_425, %dma_wait3A_426] : memref<819200x128xf32, #tpu.memory_space<hbm>> -> memref<200x128xf32, #tpu.memory_space<hbm>>
      tpu.wait_dma2 semaphore(%arg20 : memref<!tpu.dma_semaphore, #tpu.memory_space<semaphore_mem>>) src(%arg8 : memref<200x128xf32, #tpu.memory_space<vmem>>) dst(%dma_wait3A_427 : memref<200x128xf32, #tpu.memory_space<hbm>>)
      %dma_wait3A_428 = arith.constant 0 : i32
      %dma_wait3A_429 = arith.constant 0 : i32
      %dma_wait3A_430 = tpu.memref_slice %arg2[%dma_wait3A_428, %dma_wait3A_429] : memref<4096x200xi32, #tpu.memory_space<hbm>> -> memref<1x200xi32, #tpu.memory_space<hbm>>
      %dma_wait3A_431 = tpu.memref_squeeze %dma_wait3A_430 : memref<1x200xi32, #tpu.memory_space<hbm>> -> memref<200xi32, #tpu.memory_space<hbm>>
      %dma_wait3A_432 = arith.constant 0 : i32
      %dma_wait3A_433 = tpu.memref_slice %arg2[%dma_wait3A_428, %dma_wait3A_432] : memref<4096x200xi32, #tpu.memory_space<hbm>> -> memref<1x200xi32, #tpu.memory_space<hbm>>
      %dma_wait3A_434 = tpu.memref_squeeze %dma_wait3A_433 : memref<1x200xi32, #tpu.memory_space<hbm>> -> memref<200xi32, #tpu.memory_space<hbm>>
      tpu.wait_dma2 semaphore(%arg24 : memref<!tpu.dma_semaphore, #tpu.memory_space<semaphore_mem>>) src(%dma_wait3A_434 : memref<200xi32, #tpu.memory_space<hbm>>) dst(%arg12 : memref<200xi32, #tpu.memory_space<vmem>>)
      %dma_start3A_435 = arith.constant 0 : i32
      %dma_start3A_436 = arith.constant 0 : i32
      %dma_start3A_437 = tpu.memref_slice %arg8[%dma_start3A_435, %dma_start3A_436] : memref<200x128xf32, #tpu.memory_space<vmem>> -> memref<128x128xf32, #tpu.memory_space<vmem>>
      %dma_start3A_438 = arith.constant 0 : i32
      %dma_start3A_439 = tpu.memref_slice %arg12[%dma_start3A_438] : memref<200xi32, #tpu.memory_space<vmem>> -> memref<128xi32, #tpu.memory_space<vmem>>
      %dma_start3A_440 = arith.constant 0 : i32
      %dma_start3A_441 = arith.constant 0 : i32
      %dma_start3A_442 = tpu.memref_slice %arg3[%dma_start3A_440, %dma_start3A_441] : memref<100000x128xf32, #tpu.memory_space<hbm>> -> memref<100000x128xf32, #tpu.memory_space<hbm>>
      tpu.enqueue_indirect_dma source(%dma_start3A_442 : memref<100000x128xf32, #tpu.memory_space<hbm>>) target(%dma_start3A_437 : memref<128x128xf32, #tpu.memory_space<vmem>>) offsets(%dma_start3A_439 : memref<128xi32, #tpu.memory_space<vmem>>) semaphore(%arg16 : memref<!tpu.dma_semaphore, #tpu.memory_space<semaphore_mem>>)
      %dma_start3A_443 = arith.constant 128 : i32
      %dma_start3A_444 = arith.constant 0 : i32
      %dma_start3A_445 = tpu.memref_slice %arg8[%dma_start3A_443, %dma_start3A_444] : memref<200x128xf32, #tpu.memory_space<vmem>> -> memref<72x128xf32, #tpu.memory_space<vmem>>
      %dma_start3A_446 = arith.constant 128 : i32
      %dma_start3A_447 = tpu.memref_slice %arg12[%dma_start3A_446] : memref<200xi32, #tpu.memory_space<vmem>> -> memref<72xi32, #tpu.memory_space<vmem>>
      %dma_start3A_448 = arith.constant 0 : i32
      %dma_start3A_449 = arith.constant 0 : i32
      %dma_start3A_450 = tpu.memref_slice %arg3[%dma_start3A_448, %dma_start3A_449] : memref<100000x128xf32, #tpu.memory_space<hbm>> -> memref<100000x128xf32, #tpu.memory_space<hbm>>
      tpu.enqueue_indirect_dma source(%dma_start3A_450 : memref<100000x128xf32, #tpu.memory_space<hbm>>) target(%dma_start3A_445 : memref<72x128xf32, #tpu.memory_space<vmem>>) offsets(%dma_start3A_447 : memref<72xi32, #tpu.memory_space<vmem>>) semaphore(%arg16 : memref<!tpu.dma_semaphore, #tpu.memory_space<semaphore_mem>>)
      %add3A_451 = arith.constant 2 : i32
      %add3A_452 = arith.addi %add3A_286, %add3A_451 : i32
      %add3A_453 = arith.constant 3 : i32
      %add3A_454 = arith.addi %add3A_452, %add3A_453 : i32
      %lt3A_455 = arith.constant 128 : i32
      %lt3A_456 = arith.cmpi slt, %add3A_454, %lt3A_455 : i32
      %convert_element_type3A_457 = arith.extui %lt3A_456 : i1 to i32
      %cond3A_458 = arith.constant 0 : i32
      %cond3A_459 = arith.cmpi ne, %convert_element_type3A_457, %cond3A_458 : i32
      scf.if %cond3A_459 {
        %add3A_560 = arith.constant 2 : i32
        %add3A_561 = arith.addi %add3A_286, %add3A_560 : i32
        %add3A_562 = arith.constant 3 : i32
        %add3A_563 = arith.addi %add3A_561, %add3A_562 : i32
        %add3A_564 = arith.addi %mul3A_2, %add3A_563 : i32
        %dma_start3A_565 = arith.constant 0 : i32
        %dma_start3A_566 = tpu.memref_slice %arg2[%add3A_564, %dma_start3A_565] : memref<4096x200xi32, #tpu.memory_space<hbm>> -> memref<1x200xi32, #tpu.memory_space<hbm>>
        %dma_start3A_567 = tpu.memref_squeeze %dma_start3A_566 : memref<1x200xi32, #tpu.memory_space<hbm>> -> memref<200xi32, #tpu.memory_space<hbm>>
        %dma_start3A_568 = arith.constant 0 : i32
        %dma_start3A_569 = tpu.memref_slice %arg2[%add3A_564, %dma_start3A_568] : memref<4096x200xi32, #tpu.memory_space<hbm>> -> memref<1x200xi32, #tpu.memory_space<hbm>>
        %dma_start3A_570 = tpu.memref_squeeze %dma_start3A_569 : memref<1x200xi32, #tpu.memory_space<hbm>> -> memref<200xi32, #tpu.memory_space<hbm>>
        tpu.enqueue_dma source(%dma_start3A_570 : memref<200xi32, #tpu.memory_space<hbm>>) target(%arg13 : memref<200xi32, #tpu.memory_space<vmem>>) target_semaphore(%arg25 : memref<!tpu.dma_semaphore, #tpu.memory_space<semaphore_mem>>)
      } else {
      }
      %add3A_460 = arith.constant 2 : i32
      %add3A_461 = arith.addi %add3A_286, %add3A_460 : i32
      %dma_wait3A_462 = arith.constant 0 : i32
      %dma_wait3A_463 = arith.constant 0 : i32
      %dma_wait3A_464 = tpu.memref_slice %arg6[%dma_wait3A_462, %dma_wait3A_463] : memref<200x128xf32, #tpu.memory_space<vmem>> -> memref<128x128xf32, #tpu.memory_space<vmem>>
      %dma_wait3A_465 = arith.constant 0 : i32
      %dma_wait3A_466 = tpu.memref_slice %arg10[%dma_wait3A_465] : memref<200xi32, #tpu.memory_space<vmem>> -> memref<128xi32, #tpu.memory_space<vmem>>
      %dma_wait3A_467 = arith.constant 0 : i32
      %dma_wait3A_468 = arith.constant 0 : i32
      %dma_wait3A_469 = tpu.memref_slice %arg3[%dma_wait3A_467, %dma_wait3A_468] : memref<100000x128xf32, #tpu.memory_space<hbm>> -> memref<100000x128xf32, #tpu.memory_space<hbm>>
      tpu.wait_indirect_dma semaphore(%arg14 : memref<!tpu.dma_semaphore, #tpu.memory_space<semaphore_mem>>) src(%dma_wait3A_469 : memref<100000x128xf32, #tpu.memory_space<hbm>>) dst(%dma_wait3A_464 : memref<128x128xf32, #tpu.memory_space<vmem>>)
      %dma_wait3A_470 = arith.constant 128 : i32
      %dma_wait3A_471 = arith.constant 0 : i32
      %dma_wait3A_472 = tpu.memref_slice %arg6[%dma_wait3A_470, %dma_wait3A_471] : memref<200x128xf32, #tpu.memory_space<vmem>> -> memref<72x128xf32, #tpu.memory_space<vmem>>
      %dma_wait3A_473 = arith.constant 128 : i32
      %dma_wait3A_474 = tpu.memref_slice %arg10[%dma_wait3A_473] : memref<200xi32, #tpu.memory_space<vmem>> -> memref<72xi32, #tpu.memory_space<vmem>>
      %dma_wait3A_475 = arith.constant 0 : i32
      %dma_wait3A_476 = arith.constant 0 : i32
      %dma_wait3A_477 = tpu.memref_slice %arg3[%dma_wait3A_475, %dma_wait3A_476] : memref<100000x128xf32, #tpu.memory_space<hbm>> -> memref<100000x128xf32, #tpu.memory_space<hbm>>
      tpu.wait_indirect_dma semaphore(%arg14 : memref<!tpu.dma_semaphore, #tpu.memory_space<semaphore_mem>>) src(%dma_wait3A_477 : memref<100000x128xf32, #tpu.memory_space<hbm>>) dst(%dma_wait3A_472 : memref<72x128xf32, #tpu.memory_space<vmem>>)
      %scan3A_478 = arith.constant 0 : i32
      %scan3A_479 = arith.constant 0 : i32
      %scan3A_480 = arith.constant 50 : i32
      %scan3A_481 = arith.addi %scan3A_479, %scan3A_480 : i32
      %scan3A_482 = arith.constant 1 : i32
      scf.for %scan3A_560 = %scan3A_479 to %scan3A_481 step %scan3A_482  : i32 {
        %mul3A_561 = arith.constant 4 : i32
        %mul3A_562 = arith.muli %scan3A_560, %mul3A_561 : i32
        %add3A_563 = arith.constant 0 : i32
        %add3A_564 = arith.addi %mul3A_562, %add3A_563 : i32
        %add3A_565 = arith.constant 0 : i32
        %add3A_566 = arith.addi %mul3A_562, %add3A_565 : i32
        %get3A = arith.index_cast %add3A_566 : i32 to index
        %get3A_567 = arith.constant 0 : index
        %get3A_568 = tpu.vector_load %arg26[%get3A, %get3A_567] {strides = array<i32>} : memref<200x128xf32, #tpu.memory_space<vmem>>, vector<1x16xf32>,
        %get3A_569 = vector.shape_cast %get3A_568 : vector<1x16xf32> to vector<16xf32>
        %swap3A = arith.index_cast %add3A_564 : i32 to index
        %swap3A_570 = arith.constant 0 : index
        %swap3A_571 = tpu.vector_load %arg6[%swap3A, %swap3A_570] {strides = array<i32>} : memref<200x128xf32, #tpu.memory_space<vmem>>, vector<1x16xf32>,
        %swap3A_572 = vector.shape_cast %swap3A_571 : vector<1x16xf32> to vector<16xf32>
        %swap3A_573 = vector.shape_cast %get3A_569 : vector<16xf32> to vector<1x16xf32>
        tpu.vector_store %arg6[%swap3A, %swap3A_570], %swap3A_573 {add = true, strides = array<i32>} : memref<200x128xf32, #tpu.memory_space<vmem>>, vector<1x16xf32>,
        %add3A_574 = arith.constant 0 : i32
        %add3A_575 = arith.addi %mul3A_562, %add3A_574 : i32
        %add3A_576 = arith.constant 0 : i32
        %add3A_577 = arith.addi %mul3A_562, %add3A_576 : i32
        %get3A_578 = arith.index_cast %add3A_577 : i32 to index
        %get3A_579 = arith.constant 16 : index
        %get3A_580 = tpu.vector_load %arg26[%get3A_578, %get3A_579] {strides = array<i32>} : memref<200x128xf32, #tpu.memory_space<vmem>>, vector<1x16xf32>,
        %get3A_581 = vector.shape_cast %get3A_580 : vector<1x16xf32> to vector<16xf32>
        %swap3A_582 = arith.index_cast %add3A_575 : i32 to index
        %swap3A_583 = arith.constant 16 : index
        %swap3A_584 = tpu.vector_load %arg6[%swap3A_582, %swap3A_583] {strides = array<i32>} : memref<200x128xf32, #tpu.memory_space<vmem>>, vector<1x16xf32>,
        %swap3A_585 = vector.shape_cast %swap3A_584 : vector<1x16xf32> to vector<16xf32>
        %swap3A_586 = vector.shape_cast %get3A_581 : vector<16xf32> to vector<1x16xf32>
        tpu.vector_store %arg6[%swap3A_582, %swap3A_583], %swap3A_586 {add = true, strides = array<i32>} : memref<200x128xf32, #tpu.memory_space<vmem>>, vector<1x16xf32>,
        %add3A_587 = arith.constant 0 : i32
        %add3A_588 = arith.addi %mul3A_562, %add3A_587 : i32
        %add3A_589 = arith.constant 0 : i32
        %add3A_590 = arith.addi %mul3A_562, %add3A_589 : i32
        %get3A_591 = arith.index_cast %add3A_590 : i32 to index
        %get3A_592 = arith.constant 32 : index
        %get3A_593 = tpu.vector_load %arg26[%get3A_591, %get3A_592] {strides = array<i32>} : memref<200x128xf32, #tpu.memory_space<vmem>>, vector<1x16xf32>,
        %get3A_594 = vector.shape_cast %get3A_593 : vector<1x16xf32> to vector<16xf32>
        %swap3A_595 = arith.index_cast %add3A_588 : i32 to index
        %swap3A_596 = arith.constant 32 : index
        %swap3A_597 = tpu.vector_load %arg6[%swap3A_595, %swap3A_596] {strides = array<i32>} : memref<200x128xf32, #tpu.memory_space<vmem>>, vector<1x16xf32>,
        %swap3A_598 = vector.shape_cast %swap3A_597 : vector<1x16xf32> to vector<16xf32>
        %swap3A_599 = vector.shape_cast %get3A_594 : vector<16xf32> to vector<1x16xf32>
        tpu.vector_store %arg6[%swap3A_595, %swap3A_596], %swap3A_599 {add = true, strides = array<i32>} : memref<200x128xf32, #tpu.memory_space<vmem>>, vector<1x16xf32>,
        %add3A_600 = arith.constant 0 : i32
        %add3A_601 = arith.addi %mul3A_562, %add3A_600 : i32
        %add3A_602 = arith.constant 0 : i32
        %add3A_603 = arith.addi %mul3A_562, %add3A_602 : i32
        %get3A_604 = arith.index_cast %add3A_603 : i32 to index
        %get3A_605 = arith.constant 48 : index
        %get3A_606 = tpu.vector_load %arg26[%get3A_604, %get3A_605] {strides = array<i32>} : memref<200x128xf32, #tpu.memory_space<vmem>>, vector<1x16xf32>,
        %get3A_607 = vector.shape_cast %get3A_606 : vector<1x16xf32> to vector<16xf32>
        %swap3A_608 = arith.index_cast %add3A_601 : i32 to index
        %swap3A_609 = arith.constant 48 : index
        %swap3A_610 = tpu.vector_load %arg6[%swap3A_608, %swap3A_609] {strides = array<i32>} : memref<200x128xf32, #tpu.memory_space<vmem>>, vector<1x16xf32>,
        %swap3A_611 = vector.shape_cast %swap3A_610 : vector<1x16xf32> to vector<16xf32>
        %swap3A_612 = vector.shape_cast %get3A_607 : vector<16xf32> to vector<1x16xf32>
        tpu.vector_store %arg6[%swap3A_608, %swap3A_609], %swap3A_612 {add = true, strides = array<i32>} : memref<200x128xf32, #tpu.memory_space<vmem>>, vector<1x16xf32>,
        %add3A_613 = arith.constant 0 : i32
        %add3A_614 = arith.addi %mul3A_562, %add3A_613 : i32
        %add3A_615 = arith.constant 0 : i32
        %add3A_616 = arith.addi %mul3A_562, %add3A_615 : i32
        %get3A_617 = arith.index_cast %add3A_616 : i32 to index
        %get3A_618 = arith.constant 64 : index
        %get3A_619 = tpu.vector_load %arg26[%get3A_617, %get3A_618] {strides = array<i32>} : memref<200x128xf32, #tpu.memory_space<vmem>>, vector<1x16xf32>,
        %get3A_620 = vector.shape_cast %get3A_619 : vector<1x16xf32> to vector<16xf32>
        %swap3A_621 = arith.index_cast %add3A_614 : i32 to index
        %swap3A_622 = arith.constant 64 : index
        %swap3A_623 = tpu.vector_load %arg6[%swap3A_621, %swap3A_622] {strides = array<i32>} : memref<200x128xf32, #tpu.memory_space<vmem>>, vector<1x16xf32>,
        %swap3A_624 = vector.shape_cast %swap3A_623 : vector<1x16xf32> to vector<16xf32>
        %swap3A_625 = vector.shape_cast %get3A_620 : vector<16xf32> to vector<1x16xf32>
        tpu.vector_store %arg6[%swap3A_621, %swap3A_622], %swap3A_625 {add = true, strides = array<i32>} : memref<200x128xf32, #tpu.memory_space<vmem>>, vector<1x16xf32>,
        %add3A_626 = arith.constant 0 : i32
        %add3A_627 = arith.addi %mul3A_562, %add3A_626 : i32
        %add3A_628 = arith.constant 0 : i32
        %add3A_629 = arith.addi %mul3A_562, %add3A_628 : i32
        %get3A_630 = arith.index_cast %add3A_629 : i32 to index
        %get3A_631 = arith.constant 80 : index
        %get3A_632 = tpu.vector_load %arg26[%get3A_630, %get3A_631] {strides = array<i32>} : memref<200x128xf32, #tpu.memory_space<vmem>>, vector<1x16xf32>,
        %get3A_633 = vector.shape_cast %get3A_632 : vector<1x16xf32> to vector<16xf32>
        %swap3A_634 = arith.index_cast %add3A_627 : i32 to index
        %swap3A_635 = arith.constant 80 : index
        %swap3A_636 = tpu.vector_load %arg6[%swap3A_634, %swap3A_635] {strides = array<i32>} : memref<200x128xf32, #tpu.memory_space<vmem>>, vector<1x16xf32>,
        %swap3A_637 = vector.shape_cast %swap3A_636 : vector<1x16xf32> to vector<16xf32>
        %swap3A_638 = vector.shape_cast %get3A_633 : vector<16xf32> to vector<1x16xf32>
        tpu.vector_store %arg6[%swap3A_634, %swap3A_635], %swap3A_638 {add = true, strides = array<i32>} : memref<200x128xf32, #tpu.memory_space<vmem>>, vector<1x16xf32>,
        %add3A_639 = arith.constant 0 : i32
        %add3A_640 = arith.addi %mul3A_562, %add3A_639 : i32
        %add3A_641 = arith.constant 0 : i32
        %add3A_642 = arith.addi %mul3A_562, %add3A_641 : i32
        %get3A_643 = arith.index_cast %add3A_642 : i32 to index
        %get3A_644 = arith.constant 96 : index
        %get3A_645 = tpu.vector_load %arg26[%get3A_643, %get3A_644] {strides = array<i32>} : memref<200x128xf32, #tpu.memory_space<vmem>>, vector<1x16xf32>,
        %get3A_646 = vector.shape_cast %get3A_645 : vector<1x16xf32> to vector<16xf32>
        %swap3A_647 = arith.index_cast %add3A_640 : i32 to index
        %swap3A_648 = arith.constant 96 : index
        %swap3A_649 = tpu.vector_load %arg6[%swap3A_647, %swap3A_648] {strides = array<i32>} : memref<200x128xf32, #tpu.memory_space<vmem>>, vector<1x16xf32>,
        %swap3A_650 = vector.shape_cast %swap3A_649 : vector<1x16xf32> to vector<16xf32>
        %swap3A_651 = vector.shape_cast %get3A_646 : vector<16xf32> to vector<1x16xf32>
        tpu.vector_store %arg6[%swap3A_647, %swap3A_648], %swap3A_651 {add = true, strides = array<i32>} : memref<200x128xf32, #tpu.memory_space<vmem>>, vector<1x16xf32>,
        %add3A_652 = arith.constant 0 : i32
        %add3A_653 = arith.addi %mul3A_562, %add3A_652 : i32
        %add3A_654 = arith.constant 0 : i32
        %add3A_655 = arith.addi %mul3A_562, %add3A_654 : i32
        %get3A_656 = arith.index_cast %add3A_655 : i32 to index
        %get3A_657 = arith.constant 112 : index
        %get3A_658 = tpu.vector_load %arg26[%get3A_656, %get3A_657] {strides = array<i32>} : memref<200x128xf32, #tpu.memory_space<vmem>>, vector<1x16xf32>,
        %get3A_659 = vector.shape_cast %get3A_658 : vector<1x16xf32> to vector<16xf32>
        %swap3A_660 = arith.index_cast %add3A_653 : i32 to index
        %swap3A_661 = arith.constant 112 : index
        %swap3A_662 = tpu.vector_load %arg6[%swap3A_660, %swap3A_661] {strides = array<i32>} : memref<200x128xf32, #tpu.memory_space<vmem>>, vector<1x16xf32>,
        %swap3A_663 = vector.shape_cast %swap3A_662 : vector<1x16xf32> to vector<16xf32>
        %swap3A_664 = vector.shape_cast %get3A_659 : vector<16xf32> to vector<1x16xf32>
        tpu.vector_store %arg6[%swap3A_660, %swap3A_661], %swap3A_664 {add = true, strides = array<i32>} : memref<200x128xf32, #tpu.memory_space<vmem>>, vector<1x16xf32>,
        %add3A_665 = arith.constant 1 : i32
        %add3A_666 = arith.addi %mul3A_562, %add3A_665 : i32
        %add3A_667 = arith.constant 1 : i32
        %add3A_668 = arith.addi %mul3A_562, %add3A_667 : i32
        %get3A_669 = arith.index_cast %add3A_668 : i32 to index
        %get3A_670 = arith.constant 0 : index
        %get3A_671 = tpu.vector_load %arg26[%get3A_669, %get3A_670] {strides = array<i32>} : memref<200x128xf32, #tpu.memory_space<vmem>>, vector<1x16xf32>,
        %get3A_672 = vector.shape_cast %get3A_671 : vector<1x16xf32> to vector<16xf32>
        %swap3A_673 = arith.index_cast %add3A_666 : i32 to index
        %swap3A_674 = arith.constant 0 : index
        %swap3A_675 = tpu.vector_load %arg6[%swap3A_673, %swap3A_674] {strides = array<i32>} : memref<200x128xf32, #tpu.memory_space<vmem>>, vector<1x16xf32>,
        %swap3A_676 = vector.shape_cast %swap3A_675 : vector<1x16xf32> to vector<16xf32>
        %swap3A_677 = vector.shape_cast %get3A_672 : vector<16xf32> to vector<1x16xf32>
        tpu.vector_store %arg6[%swap3A_673, %swap3A_674], %swap3A_677 {add = true, strides = array<i32>} : memref<200x128xf32, #tpu.memory_space<vmem>>, vector<1x16xf32>,
        %add3A_678 = arith.constant 1 : i32
        %add3A_679 = arith.addi %mul3A_562, %add3A_678 : i32
        %add3A_680 = arith.constant 1 : i32
        %add3A_681 = arith.addi %mul3A_562, %add3A_680 : i32
        %get3A_682 = arith.index_cast %add3A_681 : i32 to index
        %get3A_683 = arith.constant 16 : index
        %get3A_684 = tpu.vector_load %arg26[%get3A_682, %get3A_683] {strides = array<i32>} : memref<200x128xf32, #tpu.memory_space<vmem>>, vector<1x16xf32>,
        %get3A_685 = vector.shape_cast %get3A_684 : vector<1x16xf32> to vector<16xf32>
        %swap3A_686 = arith.index_cast %add3A_679 : i32 to index
        %swap3A_687 = arith.constant 16 : index
        %swap3A_688 = tpu.vector_load %arg6[%swap3A_686, %swap3A_687] {strides = array<i32>} : memref<200x128xf32, #tpu.memory_space<vmem>>, vector<1x16xf32>,
        %swap3A_689 = vector.shape_cast %swap3A_688 : vector<1x16xf32> to vector<16xf32>
        %swap3A_690 = vector.shape_cast %get3A_685 : vector<16xf32> to vector<1x16xf32>
        tpu.vector_store %arg6[%swap3A_686, %swap3A_687], %swap3A_690 {add = true, strides = array<i32>} : memref<200x128xf32, #tpu.memory_space<vmem>>, vector<1x16xf32>,
        %add3A_691 = arith.constant 1 : i32
        %add3A_692 = arith.addi %mul3A_562, %add3A_691 : i32
        %add3A_693 = arith.constant 1 : i32
        %add3A_694 = arith.addi %mul3A_562, %add3A_693 : i32
        %get3A_695 = arith.index_cast %add3A_694 : i32 to index
        %get3A_696 = arith.constant 32 : index
        %get3A_697 = tpu.vector_load %arg26[%get3A_695, %get3A_696] {strides = array<i32>} : memref<200x128xf32, #tpu.memory_space<vmem>>, vector<1x16xf32>,
        %get3A_698 = vector.shape_cast %get3A_697 : vector<1x16xf32> to vector<16xf32>
        %swap3A_699 = arith.index_cast %add3A_692 : i32 to index
        %swap3A_700 = arith.constant 32 : index
        %swap3A_701 = tpu.vector_load %arg6[%swap3A_699, %swap3A_700] {strides = array<i32>} : memref<200x128xf32, #tpu.memory_space<vmem>>, vector<1x16xf32>,
        %swap3A_702 = vector.shape_cast %swap3A_701 : vector<1x16xf32> to vector<16xf32>
        %swap3A_703 = vector.shape_cast %get3A_698 : vector<16xf32> to vector<1x16xf32>
        tpu.vector_store %arg6[%swap3A_699, %swap3A_700], %swap3A_703 {add = true, strides = array<i32>} : memref<200x128xf32, #tpu.memory_space<vmem>>, vector<1x16xf32>,
        %add3A_704 = arith.constant 1 : i32
        %add3A_705 = arith.addi %mul3A_562, %add3A_704 : i32
        %add3A_706 = arith.constant 1 : i32
        %add3A_707 = arith.addi %mul3A_562, %add3A_706 : i32
        %get3A_708 = arith.index_cast %add3A_707 : i32 to index
        %get3A_709 = arith.constant 48 : index
        %get3A_710 = tpu.vector_load %arg26[%get3A_708, %get3A_709] {strides = array<i32>} : memref<200x128xf32, #tpu.memory_space<vmem>>, vector<1x16xf32>,
        %get3A_711 = vector.shape_cast %get3A_710 : vector<1x16xf32> to vector<16xf32>
        %swap3A_712 = arith.index_cast %add3A_705 : i32 to index
        %swap3A_713 = arith.constant 48 : index
        %swap3A_714 = tpu.vector_load %arg6[%swap3A_712, %swap3A_713] {strides = array<i32>} : memref<200x128xf32, #tpu.memory_space<vmem>>, vector<1x16xf32>,
        %swap3A_715 = vector.shape_cast %swap3A_714 : vector<1x16xf32> to vector<16xf32>
        %swap3A_716 = vector.shape_cast %get3A_711 : vector<16xf32> to vector<1x16xf32>
        tpu.vector_store %arg6[%swap3A_712, %swap3A_713], %swap3A_716 {add = true, strides = array<i32>} : memref<200x128xf32, #tpu.memory_space<vmem>>, vector<1x16xf32>,
        %add3A_717 = arith.constant 1 : i32
        %add3A_718 = arith.addi %mul3A_562, %add3A_717 : i32
        %add3A_719 = arith.constant 1 : i32
        %add3A_720 = arith.addi %mul3A_562, %add3A_719 : i32
        %get3A_721 = arith.index_cast %add3A_720 : i32 to index
        %get3A_722 = arith.constant 64 : index
        %get3A_723 = tpu.vector_load %arg26[%get3A_721, %get3A_722] {strides = array<i32>} : memref<200x128xf32, #tpu.memory_space<vmem>>, vector<1x16xf32>,
        %get3A_724 = vector.shape_cast %get3A_723 : vector<1x16xf32> to vector<16xf32>
        %swap3A_725 = arith.index_cast %add3A_718 : i32 to index
        %swap3A_726 = arith.constant 64 : index
        %swap3A_727 = tpu.vector_load %arg6[%swap3A_725, %swap3A_726] {strides = array<i32>} : memref<200x128xf32, #tpu.memory_space<vmem>>, vector<1x16xf32>,
        %swap3A_728 = vector.shape_cast %swap3A_727 : vector<1x16xf32> to vector<16xf32>
        %swap3A_729 = vector.shape_cast %get3A_724 : vector<16xf32> to vector<1x16xf32>
        tpu.vector_store %arg6[%swap3A_725, %swap3A_726], %swap3A_729 {add = true, strides = array<i32>} : memref<200x128xf32, #tpu.memory_space<vmem>>, vector<1x16xf32>,
        %add3A_730 = arith.constant 1 : i32
        %add3A_731 = arith.addi %mul3A_562, %add3A_730 : i32
        %add3A_732 = arith.constant 1 : i32
        %add3A_733 = arith.addi %mul3A_562, %add3A_732 : i32
        %get3A_734 = arith.index_cast %add3A_733 : i32 to index
        %get3A_735 = arith.constant 80 : index
        %get3A_736 = tpu.vector_load %arg26[%get3A_734, %get3A_735] {strides = array<i32>} : memref<200x128xf32, #tpu.memory_space<vmem>>, vector<1x16xf32>,
        %get3A_737 = vector.shape_cast %get3A_736 : vector<1x16xf32> to vector<16xf32>
        %swap3A_738 = arith.index_cast %add3A_731 : i32 to index
        %swap3A_739 = arith.constant 80 : index
        %swap3A_740 = tpu.vector_load %arg6[%swap3A_738, %swap3A_739] {strides = array<i32>} : memref<200x128xf32, #tpu.memory_space<vmem>>, vector<1x16xf32>,
        %swap3A_741 = vector.shape_cast %swap3A_740 : vector<1x16xf32> to vector<16xf32>
        %swap3A_742 = vector.shape_cast %get3A_737 : vector<16xf32> to vector<1x16xf32>
        tpu.vector_store %arg6[%swap3A_738, %swap3A_739], %swap3A_742 {add = true, strides = array<i32>} : memref<200x128xf32, #tpu.memory_space<vmem>>, vector<1x16xf32>,
        %add3A_743 = arith.constant 1 : i32
        %add3A_744 = arith.addi %mul3A_562, %add3A_743 : i32
        %add3A_745 = arith.constant 1 : i32
        %add3A_746 = arith.addi %mul3A_562, %add3A_745 : i32
        %get3A_747 = arith.index_cast %add3A_746 : i32 to index
        %get3A_748 = arith.constant 96 : index
        %get3A_749 = tpu.vector_load %arg26[%get3A_747, %get3A_748] {strides = array<i32>} : memref<200x128xf32, #tpu.memory_space<vmem>>, vector<1x16xf32>,
        %get3A_750 = vector.shape_cast %get3A_749 : vector<1x16xf32> to vector<16xf32>
        %swap3A_751 = arith.index_cast %add3A_744 : i32 to index
        %swap3A_752 = arith.constant 96 : index
        %swap3A_753 = tpu.vector_load %arg6[%swap3A_751, %swap3A_752] {strides = array<i32>} : memref<200x128xf32, #tpu.memory_space<vmem>>, vector<1x16xf32>,
        %swap3A_754 = vector.shape_cast %swap3A_753 : vector<1x16xf32> to vector<16xf32>
        %swap3A_755 = vector.shape_cast %get3A_750 : vector<16xf32> to vector<1x16xf32>
        tpu.vector_store %arg6[%swap3A_751, %swap3A_752], %swap3A_755 {add = true, strides = array<i32>} : memref<200x128xf32, #tpu.memory_space<vmem>>, vector<1x16xf32>,
        %add3A_756 = arith.constant 1 : i32
        %add3A_757 = arith.addi %mul3A_562, %add3A_756 : i32
        %add3A_758 = arith.constant 1 : i32
        %add3A_759 = arith.addi %mul3A_562, %add3A_758 : i32
        %get3A_760 = arith.index_cast %add3A_759 : i32 to index
        %get3A_761 = arith.constant 112 : index
        %get3A_762 = tpu.vector_load %arg26[%get3A_760, %get3A_761] {strides = array<i32>} : memref<200x128xf32, #tpu.memory_space<vmem>>, vector<1x16xf32>,
        %get3A_763 = vector.shape_cast %get3A_762 : vector<1x16xf32> to vector<16xf32>
        %swap3A_764 = arith.index_cast %add3A_757 : i32 to index
        %swap3A_765 = arith.constant 112 : index
        %swap3A_766 = tpu.vector_load %arg6[%swap3A_764, %swap3A_765] {strides = array<i32>} : memref<200x128xf32, #tpu.memory_space<vmem>>, vector<1x16xf32>,
        %swap3A_767 = vector.shape_cast %swap3A_766 : vector<1x16xf32> to vector<16xf32>
        %swap3A_768 = vector.shape_cast %get3A_763 : vector<16xf32> to vector<1x16xf32>
        tpu.vector_store %arg6[%swap3A_764, %swap3A_765], %swap3A_768 {add = true, strides = array<i32>} : memref<200x128xf32, #tpu.memory_space<vmem>>, vector<1x16xf32>,
        %add3A_769 = arith.constant 2 : i32
        %add3A_770 = arith.addi %mul3A_562, %add3A_769 : i32
        %add3A_771 = arith.constant 2 : i32
        %add3A_772 = arith.addi %mul3A_562, %add3A_771 : i32
        %get3A_773 = arith.index_cast %add3A_772 : i32 to index
        %get3A_774 = arith.constant 0 : index
        %get3A_775 = tpu.vector_load %arg26[%get3A_773, %get3A_774] {strides = array<i32>} : memref<200x128xf32, #tpu.memory_space<vmem>>, vector<1x16xf32>,
        %get3A_776 = vector.shape_cast %get3A_775 : vector<1x16xf32> to vector<16xf32>
        %swap3A_777 = arith.index_cast %add3A_770 : i32 to index
        %swap3A_778 = arith.constant 0 : index
        %swap3A_779 = tpu.vector_load %arg6[%swap3A_777, %swap3A_778] {strides = array<i32>} : memref<200x128xf32, #tpu.memory_space<vmem>>, vector<1x16xf32>,
        %swap3A_780 = vector.shape_cast %swap3A_779 : vector<1x16xf32> to vector<16xf32>
        %swap3A_781 = vector.shape_cast %get3A_776 : vector<16xf32> to vector<1x16xf32>
        tpu.vector_store %arg6[%swap3A_777, %swap3A_778], %swap3A_781 {add = true, strides = array<i32>} : memref<200x128xf32, #tpu.memory_space<vmem>>, vector<1x16xf32>,
        %add3A_782 = arith.constant 2 : i32
        %add3A_783 = arith.addi %mul3A_562, %add3A_782 : i32
        %add3A_784 = arith.constant 2 : i32
        %add3A_785 = arith.addi %mul3A_562, %add3A_784 : i32
        %get3A_786 = arith.index_cast %add3A_785 : i32 to index
        %get3A_787 = arith.constant 16 : index
        %get3A_788 = tpu.vector_load %arg26[%get3A_786, %get3A_787] {strides = array<i32>} : memref<200x128xf32, #tpu.memory_space<vmem>>, vector<1x16xf32>,
        %get3A_789 = vector.shape_cast %get3A_788 : vector<1x16xf32> to vector<16xf32>
        %swap3A_790 = arith.index_cast %add3A_783 : i32 to index
        %swap3A_791 = arith.constant 16 : index
        %swap3A_792 = tpu.vector_load %arg6[%swap3A_790, %swap3A_791] {strides = array<i32>} : memref<200x128xf32, #tpu.memory_space<vmem>>, vector<1x16xf32>,
        %swap3A_793 = vector.shape_cast %swap3A_792 : vector<1x16xf32> to vector<16xf32>
        %swap3A_794 = vector.shape_cast %get3A_789 : vector<16xf32> to vector<1x16xf32>
        tpu.vector_store %arg6[%swap3A_790, %swap3A_791], %swap3A_794 {add = true, strides = array<i32>} : memref<200x128xf32, #tpu.memory_space<vmem>>, vector<1x16xf32>,
        %add3A_795 = arith.constant 2 : i32
        %add3A_796 = arith.addi %mul3A_562, %add3A_795 : i32
        %add3A_797 = arith.constant 2 : i32
        %add3A_798 = arith.addi %mul3A_562, %add3A_797 : i32
        %get3A_799 = arith.index_cast %add3A_798 : i32 to index
        %get3A_800 = arith.constant 32 : index
        %get3A_801 = tpu.vector_load %arg26[%get3A_799, %get3A_800] {strides = array<i32>} : memref<200x128xf32, #tpu.memory_space<vmem>>, vector<1x16xf32>,
        %get3A_802 = vector.shape_cast %get3A_801 : vector<1x16xf32> to vector<16xf32>
        %swap3A_803 = arith.index_cast %add3A_796 : i32 to index
        %swap3A_804 = arith.constant 32 : index
        %swap3A_805 = tpu.vector_load %arg6[%swap3A_803, %swap3A_804] {strides = array<i32>} : memref<200x128xf32, #tpu.memory_space<vmem>>, vector<1x16xf32>,
        %swap3A_806 = vector.shape_cast %swap3A_805 : vector<1x16xf32> to vector<16xf32>
        %swap3A_807 = vector.shape_cast %get3A_802 : vector<16xf32> to vector<1x16xf32>
        tpu.vector_store %arg6[%swap3A_803, %swap3A_804], %swap3A_807 {add = true, strides = array<i32>} : memref<200x128xf32, #tpu.memory_space<vmem>>, vector<1x16xf32>,
        %add3A_808 = arith.constant 2 : i32
        %add3A_809 = arith.addi %mul3A_562, %add3A_808 : i32
        %add3A_810 = arith.constant 2 : i32
        %add3A_811 = arith.addi %mul3A_562, %add3A_810 : i32
        %get3A_812 = arith.index_cast %add3A_811 : i32 to index
        %get3A_813 = arith.constant 48 : index
        %get3A_814 = tpu.vector_load %arg26[%get3A_812, %get3A_813] {strides = array<i32>} : memref<200x128xf32, #tpu.memory_space<vmem>>, vector<1x16xf32>,
        %get3A_815 = vector.shape_cast %get3A_814 : vector<1x16xf32> to vector<16xf32>
        %swap3A_816 = arith.index_cast %add3A_809 : i32 to index
        %swap3A_817 = arith.constant 48 : index
        %swap3A_818 = tpu.vector_load %arg6[%swap3A_816, %swap3A_817] {strides = array<i32>} : memref<200x128xf32, #tpu.memory_space<vmem>>, vector<1x16xf32>,
        %swap3A_819 = vector.shape_cast %swap3A_818 : vector<1x16xf32> to vector<16xf32>
        %swap3A_820 = vector.shape_cast %get3A_815 : vector<16xf32> to vector<1x16xf32>
        tpu.vector_store %arg6[%swap3A_816, %swap3A_817], %swap3A_820 {add = true, strides = array<i32>} : memref<200x128xf32, #tpu.memory_space<vmem>>, vector<1x16xf32>,
        %add3A_821 = arith.constant 2 : i32
        %add3A_822 = arith.addi %mul3A_562, %add3A_821 : i32
        %add3A_823 = arith.constant 2 : i32
        %add3A_824 = arith.addi %mul3A_562, %add3A_823 : i32
        %get3A_825 = arith.index_cast %add3A_824 : i32 to index
        %get3A_826 = arith.constant 64 : index
        %get3A_827 = tpu.vector_load %arg26[%get3A_825, %get3A_826] {strides = array<i32>} : memref<200x128xf32, #tpu.memory_space<vmem>>, vector<1x16xf32>,
        %get3A_828 = vector.shape_cast %get3A_827 : vector<1x16xf32> to vector<16xf32>
        %swap3A_829 = arith.index_cast %add3A_822 : i32 to index
        %swap3A_830 = arith.constant 64 : index
        %swap3A_831 = tpu.vector_load %arg6[%swap3A_829, %swap3A_830] {strides = array<i32>} : memref<200x128xf32, #tpu.memory_space<vmem>>, vector<1x16xf32>,
        %swap3A_832 = vector.shape_cast %swap3A_831 : vector<1x16xf32> to vector<16xf32>
        %swap3A_833 = vector.shape_cast %get3A_828 : vector<16xf32> to vector<1x16xf32>
        tpu.vector_store %arg6[%swap3A_829, %swap3A_830], %swap3A_833 {add = true, strides = array<i32>} : memref<200x128xf32, #tpu.memory_space<vmem>>, vector<1x16xf32>,
        %add3A_834 = arith.constant 2 : i32
        %add3A_835 = arith.addi %mul3A_562, %add3A_834 : i32
        %add3A_836 = arith.constant 2 : i32
        %add3A_837 = arith.addi %mul3A_562, %add3A_836 : i32
        %get3A_838 = arith.index_cast %add3A_837 : i32 to index
        %get3A_839 = arith.constant 80 : index
        %get3A_840 = tpu.vector_load %arg26[%get3A_838, %get3A_839] {strides = array<i32>} : memref<200x128xf32, #tpu.memory_space<vmem>>, vector<1x16xf32>,
        %get3A_841 = vector.shape_cast %get3A_840 : vector<1x16xf32> to vector<16xf32>
        %swap3A_842 = arith.index_cast %add3A_835 : i32 to index
        %swap3A_843 = arith.constant 80 : index
        %swap3A_844 = tpu.vector_load %arg6[%swap3A_842, %swap3A_843] {strides = array<i32>} : memref<200x128xf32, #tpu.memory_space<vmem>>, vector<1x16xf32>,
        %swap3A_845 = vector.shape_cast %swap3A_844 : vector<1x16xf32> to vector<16xf32>
        %swap3A_846 = vector.shape_cast %get3A_841 : vector<16xf32> to vector<1x16xf32>
        tpu.vector_store %arg6[%swap3A_842, %swap3A_843], %swap3A_846 {add = true, strides = array<i32>} : memref<200x128xf32, #tpu.memory_space<vmem>>, vector<1x16xf32>,
        %add3A_847 = arith.constant 2 : i32
        %add3A_848 = arith.addi %mul3A_562, %add3A_847 : i32
        %add3A_849 = arith.constant 2 : i32
        %add3A_850 = arith.addi %mul3A_562, %add3A_849 : i32
        %get3A_851 = arith.index_cast %add3A_850 : i32 to index
        %get3A_852 = arith.constant 96 : index
        %get3A_853 = tpu.vector_load %arg26[%get3A_851, %get3A_852] {strides = array<i32>} : memref<200x128xf32, #tpu.memory_space<vmem>>, vector<1x16xf32>,
        %get3A_854 = vector.shape_cast %get3A_853 : vector<1x16xf32> to vector<16xf32>
        %swap3A_855 = arith.index_cast %add3A_848 : i32 to index
        %swap3A_856 = arith.constant 96 : index
        %swap3A_857 = tpu.vector_load %arg6[%swap3A_855, %swap3A_856] {strides = array<i32>} : memref<200x128xf32, #tpu.memory_space<vmem>>, vector<1x16xf32>,
        %swap3A_858 = vector.shape_cast %swap3A_857 : vector<1x16xf32> to vector<16xf32>
        %swap3A_859 = vector.shape_cast %get3A_854 : vector<16xf32> to vector<1x16xf32>
        tpu.vector_store %arg6[%swap3A_855, %swap3A_856], %swap3A_859 {add = true, strides = array<i32>} : memref<200x128xf32, #tpu.memory_space<vmem>>, vector<1x16xf32>,
        %add3A_860 = arith.constant 2 : i32
        %add3A_861 = arith.addi %mul3A_562, %add3A_860 : i32
        %add3A_862 = arith.constant 2 : i32
        %add3A_863 = arith.addi %mul3A_562, %add3A_862 : i32
        %get3A_864 = arith.index_cast %add3A_863 : i32 to index
        %get3A_865 = arith.constant 112 : index
        %get3A_866 = tpu.vector_load %arg26[%get3A_864, %get3A_865] {strides = array<i32>} : memref<200x128xf32, #tpu.memory_space<vmem>>, vector<1x16xf32>,
        %get3A_867 = vector.shape_cast %get3A_866 : vector<1x16xf32> to vector<16xf32>
        %swap3A_868 = arith.index_cast %add3A_861 : i32 to index
        %swap3A_869 = arith.constant 112 : index
        %swap3A_870 = tpu.vector_load %arg6[%swap3A_868, %swap3A_869] {strides = array<i32>} : memref<200x128xf32, #tpu.memory_space<vmem>>, vector<1x16xf32>,
        %swap3A_871 = vector.shape_cast %swap3A_870 : vector<1x16xf32> to vector<16xf32>
        %swap3A_872 = vector.shape_cast %get3A_867 : vector<16xf32> to vector<1x16xf32>
        tpu.vector_store %arg6[%swap3A_868, %swap3A_869], %swap3A_872 {add = true, strides = array<i32>} : memref<200x128xf32, #tpu.memory_space<vmem>>, vector<1x16xf32>,
        %add3A_873 = arith.constant 3 : i32
        %add3A_874 = arith.addi %mul3A_562, %add3A_873 : i32
        %add3A_875 = arith.constant 3 : i32
        %add3A_876 = arith.addi %mul3A_562, %add3A_875 : i32
        %get3A_877 = arith.index_cast %add3A_876 : i32 to index
        %get3A_878 = arith.constant 0 : index
        %get3A_879 = tpu.vector_load %arg26[%get3A_877, %get3A_878] {strides = array<i32>} : memref<200x128xf32, #tpu.memory_space<vmem>>, vector<1x16xf32>,
        %get3A_880 = vector.shape_cast %get3A_879 : vector<1x16xf32> to vector<16xf32>
        %swap3A_881 = arith.index_cast %add3A_874 : i32 to index
        %swap3A_882 = arith.constant 0 : index
        %swap3A_883 = tpu.vector_load %arg6[%swap3A_881, %swap3A_882] {strides = array<i32>} : memref<200x128xf32, #tpu.memory_space<vmem>>, vector<1x16xf32>,
        %swap3A_884 = vector.shape_cast %swap3A_883 : vector<1x16xf32> to vector<16xf32>
        %swap3A_885 = vector.shape_cast %get3A_880 : vector<16xf32> to vector<1x16xf32>
        tpu.vector_store %arg6[%swap3A_881, %swap3A_882], %swap3A_885 {add = true, strides = array<i32>} : memref<200x128xf32, #tpu.memory_space<vmem>>, vector<1x16xf32>,
        %add3A_886 = arith.constant 3 : i32
        %add3A_887 = arith.addi %mul3A_562, %add3A_886 : i32
        %add3A_888 = arith.constant 3 : i32
        %add3A_889 = arith.addi %mul3A_562, %add3A_888 : i32
        %get3A_890 = arith.index_cast %add3A_889 : i32 to index
        %get3A_891 = arith.constant 16 : index
        %get3A_892 = tpu.vector_load %arg26[%get3A_890, %get3A_891] {strides = array<i32>} : memref<200x128xf32, #tpu.memory_space<vmem>>, vector<1x16xf32>,
        %get3A_893 = vector.shape_cast %get3A_892 : vector<1x16xf32> to vector<16xf32>
        %swap3A_894 = arith.index_cast %add3A_887 : i32 to index
        %swap3A_895 = arith.constant 16 : index
        %swap3A_896 = tpu.vector_load %arg6[%swap3A_894, %swap3A_895] {strides = array<i32>} : memref<200x128xf32, #tpu.memory_space<vmem>>, vector<1x16xf32>,
        %swap3A_897 = vector.shape_cast %swap3A_896 : vector<1x16xf32> to vector<16xf32>
        %swap3A_898 = vector.shape_cast %get3A_893 : vector<16xf32> to vector<1x16xf32>
        tpu.vector_store %arg6[%swap3A_894, %swap3A_895], %swap3A_898 {add = true, strides = array<i32>} : memref<200x128xf32, #tpu.memory_space<vmem>>, vector<1x16xf32>,
        %add3A_899 = arith.constant 3 : i32
        %add3A_900 = arith.addi %mul3A_562, %add3A_899 : i32
        %add3A_901 = arith.constant 3 : i32
        %add3A_902 = arith.addi %mul3A_562, %add3A_901 : i32
        %get3A_903 = arith.index_cast %add3A_902 : i32 to index
        %get3A_904 = arith.constant 32 : index
        %get3A_905 = tpu.vector_load %arg26[%get3A_903, %get3A_904] {strides = array<i32>} : memref<200x128xf32, #tpu.memory_space<vmem>>, vector<1x16xf32>,
        %get3A_906 = vector.shape_cast %get3A_905 : vector<1x16xf32> to vector<16xf32>
        %swap3A_907 = arith.index_cast %add3A_900 : i32 to index
        %swap3A_908 = arith.constant 32 : index
        %swap3A_909 = tpu.vector_load %arg6[%swap3A_907, %swap3A_908] {strides = array<i32>} : memref<200x128xf32, #tpu.memory_space<vmem>>, vector<1x16xf32>,
        %swap3A_910 = vector.shape_cast %swap3A_909 : vector<1x16xf32> to vector<16xf32>
        %swap3A_911 = vector.shape_cast %get3A_906 : vector<16xf32> to vector<1x16xf32>
        tpu.vector_store %arg6[%swap3A_907, %swap3A_908], %swap3A_911 {add = true, strides = array<i32>} : memref<200x128xf32, #tpu.memory_space<vmem>>, vector<1x16xf32>,
        %add3A_912 = arith.constant 3 : i32
        %add3A_913 = arith.addi %mul3A_562, %add3A_912 : i32
        %add3A_914 = arith.constant 3 : i32
        %add3A_915 = arith.addi %mul3A_562, %add3A_914 : i32
        %get3A_916 = arith.index_cast %add3A_915 : i32 to index
        %get3A_917 = arith.constant 48 : index
        %get3A_918 = tpu.vector_load %arg26[%get3A_916, %get3A_917] {strides = array<i32>} : memref<200x128xf32, #tpu.memory_space<vmem>>, vector<1x16xf32>,
        %get3A_919 = vector.shape_cast %get3A_918 : vector<1x16xf32> to vector<16xf32>
        %swap3A_920 = arith.index_cast %add3A_913 : i32 to index
        %swap3A_921 = arith.constant 48 : index
        %swap3A_922 = tpu.vector_load %arg6[%swap3A_920, %swap3A_921] {strides = array<i32>} : memref<200x128xf32, #tpu.memory_space<vmem>>, vector<1x16xf32>,
        %swap3A_923 = vector.shape_cast %swap3A_922 : vector<1x16xf32> to vector<16xf32>
        %swap3A_924 = vector.shape_cast %get3A_919 : vector<16xf32> to vector<1x16xf32>
        tpu.vector_store %arg6[%swap3A_920, %swap3A_921], %swap3A_924 {add = true, strides = array<i32>} : memref<200x128xf32, #tpu.memory_space<vmem>>, vector<1x16xf32>,
        %add3A_925 = arith.constant 3 : i32
        %add3A_926 = arith.addi %mul3A_562, %add3A_925 : i32
        %add3A_927 = arith.constant 3 : i32
        %add3A_928 = arith.addi %mul3A_562, %add3A_927 : i32
        %get3A_929 = arith.index_cast %add3A_928 : i32 to index
        %get3A_930 = arith.constant 64 : index
        %get3A_931 = tpu.vector_load %arg26[%get3A_929, %get3A_930] {strides = array<i32>} : memref<200x128xf32, #tpu.memory_space<vmem>>, vector<1x16xf32>,
        %get3A_932 = vector.shape_cast %get3A_931 : vector<1x16xf32> to vector<16xf32>
        %swap3A_933 = arith.index_cast %add3A_926 : i32 to index
        %swap3A_934 = arith.constant 64 : index
        %swap3A_935 = tpu.vector_load %arg6[%swap3A_933, %swap3A_934] {strides = array<i32>} : memref<200x128xf32, #tpu.memory_space<vmem>>, vector<1x16xf32>,
        %swap3A_936 = vector.shape_cast %swap3A_935 : vector<1x16xf32> to vector<16xf32>
        %swap3A_937 = vector.shape_cast %get3A_932 : vector<16xf32> to vector<1x16xf32>
        tpu.vector_store %arg6[%swap3A_933, %swap3A_934], %swap3A_937 {add = true, strides = array<i32>} : memref<200x128xf32, #tpu.memory_space<vmem>>, vector<1x16xf32>,
        %add3A_938 = arith.constant 3 : i32
        %add3A_939 = arith.addi %mul3A_562, %add3A_938 : i32
        %add3A_940 = arith.constant 3 : i32
        %add3A_941 = arith.addi %mul3A_562, %add3A_940 : i32
        %get3A_942 = arith.index_cast %add3A_941 : i32 to index
        %get3A_943 = arith.constant 80 : index
        %get3A_944 = tpu.vector_load %arg26[%get3A_942, %get3A_943] {strides = array<i32>} : memref<200x128xf32, #tpu.memory_space<vmem>>, vector<1x16xf32>,
        %get3A_945 = vector.shape_cast %get3A_944 : vector<1x16xf32> to vector<16xf32>
        %swap3A_946 = arith.index_cast %add3A_939 : i32 to index
        %swap3A_947 = arith.constant 80 : index
        %swap3A_948 = tpu.vector_load %arg6[%swap3A_946, %swap3A_947] {strides = array<i32>} : memref<200x128xf32, #tpu.memory_space<vmem>>, vector<1x16xf32>,
        %swap3A_949 = vector.shape_cast %swap3A_948 : vector<1x16xf32> to vector<16xf32>
        %swap3A_950 = vector.shape_cast %get3A_945 : vector<16xf32> to vector<1x16xf32>
        tpu.vector_store %arg6[%swap3A_946, %swap3A_947], %swap3A_950 {add = true, strides = array<i32>} : memref<200x128xf32, #tpu.memory_space<vmem>>, vector<1x16xf32>,
        %add3A_951 = arith.constant 3 : i32
        %add3A_952 = arith.addi %mul3A_562, %add3A_951 : i32
        %add3A_953 = arith.constant 3 : i32
        %add3A_954 = arith.addi %mul3A_562, %add3A_953 : i32
        %get3A_955 = arith.index_cast %add3A_954 : i32 to index
        %get3A_956 = arith.constant 96 : index
        %get3A_957 = tpu.vector_load %arg26[%get3A_955, %get3A_956] {strides = array<i32>} : memref<200x128xf32, #tpu.memory_space<vmem>>, vector<1x16xf32>,
        %get3A_958 = vector.shape_cast %get3A_957 : vector<1x16xf32> to vector<16xf32>
        %swap3A_959 = arith.index_cast %add3A_952 : i32 to index
        %swap3A_960 = arith.constant 96 : index
        %swap3A_961 = tpu.vector_load %arg6[%swap3A_959, %swap3A_960] {strides = array<i32>} : memref<200x128xf32, #tpu.memory_space<vmem>>, vector<1x16xf32>,
        %swap3A_962 = vector.shape_cast %swap3A_961 : vector<1x16xf32> to vector<16xf32>
        %swap3A_963 = vector.shape_cast %get3A_958 : vector<16xf32> to vector<1x16xf32>
        tpu.vector_store %arg6[%swap3A_959, %swap3A_960], %swap3A_963 {add = true, strides = array<i32>} : memref<200x128xf32, #tpu.memory_space<vmem>>, vector<1x16xf32>,
        %add3A_964 = arith.constant 3 : i32
        %add3A_965 = arith.addi %mul3A_562, %add3A_964 : i32
        %add3A_966 = arith.constant 3 : i32
        %add3A_967 = arith.addi %mul3A_562, %add3A_966 : i32
        %get3A_968 = arith.index_cast %add3A_967 : i32 to index
        %get3A_969 = arith.constant 112 : index
        %get3A_970 = tpu.vector_load %arg26[%get3A_968, %get3A_969] {strides = array<i32>} : memref<200x128xf32, #tpu.memory_space<vmem>>, vector<1x16xf32>,
        %get3A_971 = vector.shape_cast %get3A_970 : vector<1x16xf32> to vector<16xf32>
        %swap3A_972 = arith.index_cast %add3A_965 : i32 to index
        %swap3A_973 = arith.constant 112 : index
        %swap3A_974 = tpu.vector_load %arg6[%swap3A_972, %swap3A_973] {strides = array<i32>} : memref<200x128xf32, #tpu.memory_space<vmem>>, vector<1x16xf32>,
        %swap3A_975 = vector.shape_cast %swap3A_974 : vector<1x16xf32> to vector<16xf32>
        %swap3A_976 = vector.shape_cast %get3A_971 : vector<16xf32> to vector<1x16xf32>
        tpu.vector_store %arg6[%swap3A_972, %swap3A_973], %swap3A_976 {add = true, strides = array<i32>} : memref<200x128xf32, #tpu.memory_space<vmem>>, vector<1x16xf32>,
      }
      %scan3A_483 = arith.constant 50 : i32
      %add3A_484 = arith.addi %mul3A_2, %add3A_461 : i32
      %mul3A_485 = arith.constant 200 : i32
      %mul3A_486 = arith.muli %add3A_484, %mul3A_485 : i32
      %dma_start3A_487 = arith.constant 0 : i32
      %dma_start3A_488 = tpu.memref_slice %arg5[%mul3A_486, %dma_start3A_487] : memref<819200x128xf32, #tpu.memory_space<hbm>> -> memref<200x128xf32, #tpu.memory_space<hbm>>
      %dma_start3A_489 = arith.constant 0 : i32
      %dma_start3A_490 = tpu.memref_slice %arg5[%mul3A_486, %dma_start3A_489] : memref<819200x128xf32, #tpu.memory_space<hbm>> -> memref<200x128xf32, #tpu.memory_space<hbm>>
      tpu.enqueue_dma source(%arg6 : memref<200x128xf32, #tpu.memory_space<vmem>>) target(%dma_start3A_490 : memref<200x128xf32, #tpu.memory_space<hbm>>) target_semaphore(%arg18 : memref<!tpu.dma_semaphore, #tpu.memory_space<semaphore_mem>>)
      %dma_wait3A_491 = arith.constant 0 : i32
      %dma_wait3A_492 = arith.constant 0 : i32
      %dma_wait3A_493 = tpu.memref_slice %arg5[%dma_wait3A_491, %dma_wait3A_492] : memref<819200x128xf32, #tpu.memory_space<hbm>> -> memref<200x128xf32, #tpu.memory_space<hbm>>
      %dma_wait3A_494 = arith.constant 0 : i32
      %dma_wait3A_495 = arith.constant 0 : i32
      %dma_wait3A_496 = tpu.memref_slice %arg5[%dma_wait3A_494, %dma_wait3A_495] : memref<819200x128xf32, #tpu.memory_space<hbm>> -> memref<200x128xf32, #tpu.memory_space<hbm>>
      tpu.wait_dma2 semaphore(%arg21 : memref<!tpu.dma_semaphore, #tpu.memory_space<semaphore_mem>>) src(%arg9 : memref<200x128xf32, #tpu.memory_space<vmem>>) dst(%dma_wait3A_496 : memref<200x128xf32, #tpu.memory_space<hbm>>)
      %dma_wait3A_497 = arith.constant 0 : i32
      %dma_wait3A_498 = arith.constant 0 : i32
      %dma_wait3A_499 = tpu.memref_slice %arg2[%dma_wait3A_497, %dma_wait3A_498] : memref<4096x200xi32, #tpu.memory_space<hbm>> -> memref<1x200xi32, #tpu.memory_space<hbm>>
      %dma_wait3A_500 = tpu.memref_squeeze %dma_wait3A_499 : memref<1x200xi32, #tpu.memory_space<hbm>> -> memref<200xi32, #tpu.memory_space<hbm>>
      %dma_wait3A_501 = arith.constant 0 : i32
      %dma_wait3A_502 = tpu.memref_slice %arg2[%dma_wait3A_497, %dma_wait3A_501] : memref<4096x200xi32, #tpu.memory_space<hbm>> -> memref<1x200xi32, #tpu.memory_space<hbm>>
      %dma_wait3A_503 = tpu.memref_squeeze %dma_wait3A_502 : memref<1x200xi32, #tpu.memory_space<hbm>> -> memref<200xi32, #tpu.memory_space<hbm>>
      tpu.wait_dma2 semaphore(%arg25 : memref<!tpu.dma_semaphore, #tpu.memory_space<semaphore_mem>>) src(%dma_wait3A_503 : memref<200xi32, #tpu.memory_space<hbm>>) dst(%arg13 : memref<200xi32, #tpu.memory_space<vmem>>)
      %dma_start3A_504 = arith.constant 0 : i32
      %dma_start3A_505 = arith.constant 0 : i32
      %dma_start3A_506 = tpu.memref_slice %arg9[%dma_start3A_504, %dma_start3A_505] : memref<200x128xf32, #tpu.memory_space<vmem>> -> memref<128x128xf32, #tpu.memory_space<vmem>>
      %dma_start3A_507 = arith.constant 0 : i32
      %dma_start3A_508 = tpu.memref_slice %arg13[%dma_start3A_507] : memref<200xi32, #tpu.memory_space<vmem>> -> memref<128xi32, #tpu.memory_space<vmem>>
      %dma_start3A_509 = arith.constant 0 : i32
      %dma_start3A_510 = arith.constant 0 : i32
      %dma_start3A_511 = tpu.memref_slice %arg3[%dma_start3A_509, %dma_start3A_510] : memref<100000x128xf32, #tpu.memory_space<hbm>> -> memref<100000x128xf32, #tpu.memory_space<hbm>>
      tpu.enqueue_indirect_dma source(%dma_start3A_511 : memref<100000x128xf32, #tpu.memory_space<hbm>>) target(%dma_start3A_506 : memref<128x128xf32, #tpu.memory_space<vmem>>) offsets(%dma_start3A_508 : memref<128xi32, #tpu.memory_space<vmem>>) semaphore(%arg17 : memref<!tpu.dma_semaphore, #tpu.memory_space<semaphore_mem>>)
      %dma_start3A_512 = arith.constant 128 : i32
      %dma_start3A_513 = arith.constant 0 : i32
      %dma_start3A_514 = tpu.memref_slice %arg9[%dma_start3A_512, %dma_start3A_513] : memref<200x128xf32, #tpu.memory_space<vmem>> -> memref<72x128xf32, #tpu.memory_space<vmem>>
      %dma_start3A_515 = arith.constant 128 : i32
      %dma_start3A_516 = tpu.memref_slice %arg13[%dma_start3A_515] : memref<200xi32, #tpu.memory_space<vmem>> -> memref<72xi32, #tpu.memory_space<vmem>>
      %dma_start3A_517 = arith.constant 0 : i32
      %dma_start3A_518 = arith.constant 0 : i32
      %dma_start3A_519 = tpu.memref_slice %arg3[%dma_start3A_517, %dma_start3A_518] : memref<100000x128xf32, #tpu.memory_space<hbm>> -> memref<100000x128xf32, #tpu.memory_space<hbm>>
      tpu.enqueue_indirect_dma source(%dma_start3A_519 : memref<100000x128xf32, #tpu.memory_space<hbm>>) target(%dma_start3A_514 : memref<72x128xf32, #tpu.memory_space<vmem>>) offsets(%dma_start3A_516 : memref<72xi32, #tpu.memory_space<vmem>>) semaphore(%arg17 : memref<!tpu.dma_semaphore, #tpu.memory_space<semaphore_mem>>)
      %add3A_520 = arith.constant 3 : i32
      %add3A_521 = arith.addi %add3A_286, %add3A_520 : i32
      %add3A_522 = arith.constant 3 : i32
      %add3A_523 = arith.addi %add3A_521, %add3A_522 : i32
      %lt3A_524 = arith.constant 128 : i32
      %lt3A_525 = arith.cmpi slt, %add3A_523, %lt3A_524 : i32
      %convert_element_type3A_526 = arith.extui %lt3A_525 : i1 to i32
      %cond3A_527 = arith.constant 0 : i32
      %cond3A_528 = arith.cmpi ne, %convert_element_type3A_526, %cond3A_527 : i32
      scf.if %cond3A_528 {
        %add3A_560 = arith.constant 3 : i32
        %add3A_561 = arith.addi %add3A_286, %add3A_560 : i32
        %add3A_562 = arith.constant 3 : i32
        %add3A_563 = arith.addi %add3A_561, %add3A_562 : i32
        %add3A_564 = arith.addi %mul3A_2, %add3A_563 : i32
        %dma_start3A_565 = arith.constant 0 : i32
        %dma_start3A_566 = tpu.memref_slice %arg2[%add3A_564, %dma_start3A_565] : memref<4096x200xi32, #tpu.memory_space<hbm>> -> memref<1x200xi32, #tpu.memory_space<hbm>>
        %dma_start3A_567 = tpu.memref_squeeze %dma_start3A_566 : memref<1x200xi32, #tpu.memory_space<hbm>> -> memref<200xi32, #tpu.memory_space<hbm>>
        %dma_start3A_568 = arith.constant 0 : i32
        %dma_start3A_569 = tpu.memref_slice %arg2[%add3A_564, %dma_start3A_568] : memref<4096x200xi32, #tpu.memory_space<hbm>> -> memref<1x200xi32, #tpu.memory_space<hbm>>
        %dma_start3A_570 = tpu.memref_squeeze %dma_start3A_569 : memref<1x200xi32, #tpu.memory_space<hbm>> -> memref<200xi32, #tpu.memory_space<hbm>>
        tpu.enqueue_dma source(%dma_start3A_570 : memref<200xi32, #tpu.memory_space<hbm>>) target(%arg10 : memref<200xi32, #tpu.memory_space<vmem>>) target_semaphore(%arg22 : memref<!tpu.dma_semaphore, #tpu.memory_space<semaphore_mem>>)
      } else {
      }
      %add3A_529 = arith.constant 3 : i32
      %add3A_530 = arith.addi %add3A_286, %add3A_529 : i32
      %dma_wait3A_531 = arith.constant 0 : i32
      %dma_wait3A_532 = arith.constant 0 : i32
      %dma_wait3A_533 = tpu.memref_slice %arg7[%dma_wait3A_531, %dma_wait3A_532] : memref<200x128xf32, #tpu.memory_space<vmem>> -> memref<128x128xf32, #tpu.memory_space<vmem>>
      %dma_wait3A_534 = arith.constant 0 : i32
      %dma_wait3A_535 = tpu.memref_slice %arg11[%dma_wait3A_534] : memref<200xi32, #tpu.memory_space<vmem>> -> memref<128xi32, #tpu.memory_space<vmem>>
      %dma_wait3A_536 = arith.constant 0 : i32
      %dma_wait3A_537 = arith.constant 0 : i32
      %dma_wait3A_538 = tpu.memref_slice %arg3[%dma_wait3A_536, %dma_wait3A_537] : memref<100000x128xf32, #tpu.memory_space<hbm>> -> memref<100000x128xf32, #tpu.memory_space<hbm>>
      tpu.wait_indirect_dma semaphore(%arg15 : memref<!tpu.dma_semaphore, #tpu.memory_space<semaphore_mem>>) src(%dma_wait3A_538 : memref<100000x128xf32, #tpu.memory_space<hbm>>) dst(%dma_wait3A_533 : memref<128x128xf32, #tpu.memory_space<vmem>>)
      %dma_wait3A_539 = arith.constant 128 : i32
      %dma_wait3A_540 = arith.constant 0 : i32
      %dma_wait3A_541 = tpu.memref_slice %arg7[%dma_wait3A_539, %dma_wait3A_540] : memref<200x128xf32, #tpu.memory_space<vmem>> -> memref<72x128xf32, #tpu.memory_space<vmem>>
      %dma_wait3A_542 = arith.constant 128 : i32
      %dma_wait3A_543 = tpu.memref_slice %arg11[%dma_wait3A_542] : memref<200xi32, #tpu.memory_space<vmem>> -> memref<72xi32, #tpu.memory_space<vmem>>
      %dma_wait3A_544 = arith.constant 0 : i32
      %dma_wait3A_545 = arith.constant 0 : i32
      %dma_wait3A_546 = tpu.memref_slice %arg3[%dma_wait3A_544, %dma_wait3A_545] : memref<100000x128xf32, #tpu.memory_space<hbm>> -> memref<100000x128xf32, #tpu.memory_space<hbm>>
      tpu.wait_indirect_dma semaphore(%arg15 : memref<!tpu.dma_semaphore, #tpu.memory_space<semaphore_mem>>) src(%dma_wait3A_546 : memref<100000x128xf32, #tpu.memory_space<hbm>>) dst(%dma_wait3A_541 : memref<72x128xf32, #tpu.memory_space<vmem>>)
      %scan3A_547 = arith.constant 0 : i32
      %scan3A_548 = arith.constant 0 : i32
      %scan3A_549 = arith.constant 50 : i32
      %scan3A_550 = arith.addi %scan3A_548, %scan3A_549 : i32
      %scan3A_551 = arith.constant 1 : i32
      scf.for %scan3A_560 = %scan3A_548 to %scan3A_550 step %scan3A_551  : i32 {
        %mul3A_561 = arith.constant 4 : i32
        %mul3A_562 = arith.muli %scan3A_560, %mul3A_561 : i32
        %add3A_563 = arith.constant 0 : i32
        %add3A_564 = arith.addi %mul3A_562, %add3A_563 : i32
        %add3A_565 = arith.constant 0 : i32
        %add3A_566 = arith.addi %mul3A_562, %add3A_565 : i32
        %get3A = arith.index_cast %add3A_566 : i32 to index
        %get3A_567 = arith.constant 0 : index
        %get3A_568 = tpu.vector_load %arg26[%get3A, %get3A_567] {strides = array<i32>} : memref<200x128xf32, #tpu.memory_space<vmem>>, vector<1x16xf32>,
        %get3A_569 = vector.shape_cast %get3A_568 : vector<1x16xf32> to vector<16xf32>
        %swap3A = arith.index_cast %add3A_564 : i32 to index
        %swap3A_570 = arith.constant 0 : index
        %swap3A_571 = tpu.vector_load %arg7[%swap3A, %swap3A_570] {strides = array<i32>} : memref<200x128xf32, #tpu.memory_space<vmem>>, vector<1x16xf32>,
        %swap3A_572 = vector.shape_cast %swap3A_571 : vector<1x16xf32> to vector<16xf32>
        %swap3A_573 = vector.shape_cast %get3A_569 : vector<16xf32> to vector<1x16xf32>
        tpu.vector_store %arg7[%swap3A, %swap3A_570], %swap3A_573 {add = true, strides = array<i32>} : memref<200x128xf32, #tpu.memory_space<vmem>>, vector<1x16xf32>,
        %add3A_574 = arith.constant 0 : i32
        %add3A_575 = arith.addi %mul3A_562, %add3A_574 : i32
        %add3A_576 = arith.constant 0 : i32
        %add3A_577 = arith.addi %mul3A_562, %add3A_576 : i32
        %get3A_578 = arith.index_cast %add3A_577 : i32 to index
        %get3A_579 = arith.constant 16 : index
        %get3A_580 = tpu.vector_load %arg26[%get3A_578, %get3A_579] {strides = array<i32>} : memref<200x128xf32, #tpu.memory_space<vmem>>, vector<1x16xf32>,
        %get3A_581 = vector.shape_cast %get3A_580 : vector<1x16xf32> to vector<16xf32>
        %swap3A_582 = arith.index_cast %add3A_575 : i32 to index
        %swap3A_583 = arith.constant 16 : index
        %swap3A_584 = tpu.vector_load %arg7[%swap3A_582, %swap3A_583] {strides = array<i32>} : memref<200x128xf32, #tpu.memory_space<vmem>>, vector<1x16xf32>,
        %swap3A_585 = vector.shape_cast %swap3A_584 : vector<1x16xf32> to vector<16xf32>
        %swap3A_586 = vector.shape_cast %get3A_581 : vector<16xf32> to vector<1x16xf32>
        tpu.vector_store %arg7[%swap3A_582, %swap3A_583], %swap3A_586 {add = true, strides = array<i32>} : memref<200x128xf32, #tpu.memory_space<vmem>>, vector<1x16xf32>,
        %add3A_587 = arith.constant 0 : i32
        %add3A_588 = arith.addi %mul3A_562, %add3A_587 : i32
        %add3A_589 = arith.constant 0 : i32
        %add3A_590 = arith.addi %mul3A_562, %add3A_589 : i32
        %get3A_591 = arith.index_cast %add3A_590 : i32 to index
        %get3A_592 = arith.constant 32 : index
        %get3A_593 = tpu.vector_load %arg26[%get3A_591, %get3A_592] {strides = array<i32>} : memref<200x128xf32, #tpu.memory_space<vmem>>, vector<1x16xf32>,
        %get3A_594 = vector.shape_cast %get3A_593 : vector<1x16xf32> to vector<16xf32>
        %swap3A_595 = arith.index_cast %add3A_588 : i32 to index
        %swap3A_596 = arith.constant 32 : index
        %swap3A_597 = tpu.vector_load %arg7[%swap3A_595, %swap3A_596] {strides = array<i32>} : memref<200x128xf32, #tpu.memory_space<vmem>>, vector<1x16xf32>,
        %swap3A_598 = vector.shape_cast %swap3A_597 : vector<1x16xf32> to vector<16xf32>
        %swap3A_599 = vector.shape_cast %get3A_594 : vector<16xf32> to vector<1x16xf32>
        tpu.vector_store %arg7[%swap3A_595, %swap3A_596], %swap3A_599 {add = true, strides = array<i32>} : memref<200x128xf32, #tpu.memory_space<vmem>>, vector<1x16xf32>,
        %add3A_600 = arith.constant 0 : i32
        %add3A_601 = arith.addi %mul3A_562, %add3A_600 : i32
        %add3A_602 = arith.constant 0 : i32
        %add3A_603 = arith.addi %mul3A_562, %add3A_602 : i32
        %get3A_604 = arith.index_cast %add3A_603 : i32 to index
        %get3A_605 = arith.constant 48 : index
        %get3A_606 = tpu.vector_load %arg26[%get3A_604, %get3A_605] {strides = array<i32>} : memref<200x128xf32, #tpu.memory_space<vmem>>, vector<1x16xf32>,
        %get3A_607 = vector.shape_cast %get3A_606 : vector<1x16xf32> to vector<16xf32>
        %swap3A_608 = arith.index_cast %add3A_601 : i32 to index
        %swap3A_609 = arith.constant 48 : index
        %swap3A_610 = tpu.vector_load %arg7[%swap3A_608, %swap3A_609] {strides = array<i32>} : memref<200x128xf32, #tpu.memory_space<vmem>>, vector<1x16xf32>,
        %swap3A_611 = vector.shape_cast %swap3A_610 : vector<1x16xf32> to vector<16xf32>
        %swap3A_612 = vector.shape_cast %get3A_607 : vector<16xf32> to vector<1x16xf32>
        tpu.vector_store %arg7[%swap3A_608, %swap3A_609], %swap3A_612 {add = true, strides = array<i32>} : memref<200x128xf32, #tpu.memory_space<vmem>>, vector<1x16xf32>,
        %add3A_613 = arith.constant 0 : i32
        %add3A_614 = arith.addi %mul3A_562, %add3A_613 : i32
        %add3A_615 = arith.constant 0 : i32
        %add3A_616 = arith.addi %mul3A_562, %add3A_615 : i32
        %get3A_617 = arith.index_cast %add3A_616 : i32 to index
        %get3A_618 = arith.constant 64 : index
        %get3A_619 = tpu.vector_load %arg26[%get3A_617, %get3A_618] {strides = array<i32>} : memref<200x128xf32, #tpu.memory_space<vmem>>, vector<1x16xf32>,
        %get3A_620 = vector.shape_cast %get3A_619 : vector<1x16xf32> to vector<16xf32>
        %swap3A_621 = arith.index_cast %add3A_614 : i32 to index
        %swap3A_622 = arith.constant 64 : index
        %swap3A_623 = tpu.vector_load %arg7[%swap3A_621, %swap3A_622] {strides = array<i32>} : memref<200x128xf32, #tpu.memory_space<vmem>>, vector<1x16xf32>,
        %swap3A_624 = vector.shape_cast %swap3A_623 : vector<1x16xf32> to vector<16xf32>
        %swap3A_625 = vector.shape_cast %get3A_620 : vector<16xf32> to vector<1x16xf32>
        tpu.vector_store %arg7[%swap3A_621, %swap3A_622], %swap3A_625 {add = true, strides = array<i32>} : memref<200x128xf32, #tpu.memory_space<vmem>>, vector<1x16xf32>,
        %add3A_626 = arith.constant 0 : i32
        %add3A_627 = arith.addi %mul3A_562, %add3A_626 : i32
        %add3A_628 = arith.constant 0 : i32
        %add3A_629 = arith.addi %mul3A_562, %add3A_628 : i32
        %get3A_630 = arith.index_cast %add3A_629 : i32 to index
        %get3A_631 = arith.constant 80 : index
        %get3A_632 = tpu.vector_load %arg26[%get3A_630, %get3A_631] {strides = array<i32>} : memref<200x128xf32, #tpu.memory_space<vmem>>, vector<1x16xf32>,
        %get3A_633 = vector.shape_cast %get3A_632 : vector<1x16xf32> to vector<16xf32>
        %swap3A_634 = arith.index_cast %add3A_627 : i32 to index
        %swap3A_635 = arith.constant 80 : index
        %swap3A_636 = tpu.vector_load %arg7[%swap3A_634, %swap3A_635] {strides = array<i32>} : memref<200x128xf32, #tpu.memory_space<vmem>>, vector<1x16xf32>,
        %swap3A_637 = vector.shape_cast %swap3A_636 : vector<1x16xf32> to vector<16xf32>
        %swap3A_638 = vector.shape_cast %get3A_633 : vector<16xf32> to vector<1x16xf32>
        tpu.vector_store %arg7[%swap3A_634, %swap3A_635], %swap3A_638 {add = true, strides = array<i32>} : memref<200x128xf32, #tpu.memory_space<vmem>>, vector<1x16xf32>,
        %add3A_639 = arith.constant 0 : i32
        %add3A_640 = arith.addi %mul3A_562, %add3A_639 : i32
        %add3A_641 = arith.constant 0 : i32
        %add3A_642 = arith.addi %mul3A_562, %add3A_641 : i32
        %get3A_643 = arith.index_cast %add3A_642 : i32 to index
        %get3A_644 = arith.constant 96 : index
        %get3A_645 = tpu.vector_load %arg26[%get3A_643, %get3A_644] {strides = array<i32>} : memref<200x128xf32, #tpu.memory_space<vmem>>, vector<1x16xf32>,
        %get3A_646 = vector.shape_cast %get3A_645 : vector<1x16xf32> to vector<16xf32>
        %swap3A_647 = arith.index_cast %add3A_640 : i32 to index
        %swap3A_648 = arith.constant 96 : index
        %swap3A_649 = tpu.vector_load %arg7[%swap3A_647, %swap3A_648] {strides = array<i32>} : memref<200x128xf32, #tpu.memory_space<vmem>>, vector<1x16xf32>,
        %swap3A_650 = vector.shape_cast %swap3A_649 : vector<1x16xf32> to vector<16xf32>
        %swap3A_651 = vector.shape_cast %get3A_646 : vector<16xf32> to vector<1x16xf32>
        tpu.vector_store %arg7[%swap3A_647, %swap3A_648], %swap3A_651 {add = true, strides = array<i32>} : memref<200x128xf32, #tpu.memory_space<vmem>>, vector<1x16xf32>,
        %add3A_652 = arith.constant 0 : i32
        %add3A_653 = arith.addi %mul3A_562, %add3A_652 : i32
        %add3A_654 = arith.constant 0 : i32
        %add3A_655 = arith.addi %mul3A_562, %add3A_654 : i32
        %get3A_656 = arith.index_cast %add3A_655 : i32 to index
        %get3A_657 = arith.constant 112 : index
        %get3A_658 = tpu.vector_load %arg26[%get3A_656, %get3A_657] {strides = array<i32>} : memref<200x128xf32, #tpu.memory_space<vmem>>, vector<1x16xf32>,
        %get3A_659 = vector.shape_cast %get3A_658 : vector<1x16xf32> to vector<16xf32>
        %swap3A_660 = arith.index_cast %add3A_653 : i32 to index
        %swap3A_661 = arith.constant 112 : index
        %swap3A_662 = tpu.vector_load %arg7[%swap3A_660, %swap3A_661] {strides = array<i32>} : memref<200x128xf32, #tpu.memory_space<vmem>>, vector<1x16xf32>,
        %swap3A_663 = vector.shape_cast %swap3A_662 : vector<1x16xf32> to vector<16xf32>
        %swap3A_664 = vector.shape_cast %get3A_659 : vector<16xf32> to vector<1x16xf32>
        tpu.vector_store %arg7[%swap3A_660, %swap3A_661], %swap3A_664 {add = true, strides = array<i32>} : memref<200x128xf32, #tpu.memory_space<vmem>>, vector<1x16xf32>,
        %add3A_665 = arith.constant 1 : i32
        %add3A_666 = arith.addi %mul3A_562, %add3A_665 : i32
        %add3A_667 = arith.constant 1 : i32
        %add3A_668 = arith.addi %mul3A_562, %add3A_667 : i32
        %get3A_669 = arith.index_cast %add3A_668 : i32 to index
        %get3A_670 = arith.constant 0 : index
        %get3A_671 = tpu.vector_load %arg26[%get3A_669, %get3A_670] {strides = array<i32>} : memref<200x128xf32, #tpu.memory_space<vmem>>, vector<1x16xf32>,
        %get3A_672 = vector.shape_cast %get3A_671 : vector<1x16xf32> to vector<16xf32>
        %swap3A_673 = arith.index_cast %add3A_666 : i32 to index
        %swap3A_674 = arith.constant 0 : index
        %swap3A_675 = tpu.vector_load %arg7[%swap3A_673, %swap3A_674] {strides = array<i32>} : memref<200x128xf32, #tpu.memory_space<vmem>>, vector<1x16xf32>,
        %swap3A_676 = vector.shape_cast %swap3A_675 : vector<1x16xf32> to vector<16xf32>
        %swap3A_677 = vector.shape_cast %get3A_672 : vector<16xf32> to vector<1x16xf32>
        tpu.vector_store %arg7[%swap3A_673, %swap3A_674], %swap3A_677 {add = true, strides = array<i32>} : memref<200x128xf32, #tpu.memory_space<vmem>>, vector<1x16xf32>,
        %add3A_678 = arith.constant 1 : i32
        %add3A_679 = arith.addi %mul3A_562, %add3A_678 : i32
        %add3A_680 = arith.constant 1 : i32
        %add3A_681 = arith.addi %mul3A_562, %add3A_680 : i32
        %get3A_682 = arith.index_cast %add3A_681 : i32 to index
        %get3A_683 = arith.constant 16 : index
        %get3A_684 = tpu.vector_load %arg26[%get3A_682, %get3A_683] {strides = array<i32>} : memref<200x128xf32, #tpu.memory_space<vmem>>, vector<1x16xf32>,
        %get3A_685 = vector.shape_cast %get3A_684 : vector<1x16xf32> to vector<16xf32>
        %swap3A_686 = arith.index_cast %add3A_679 : i32 to index
        %swap3A_687 = arith.constant 16 : index
        %swap3A_688 = tpu.vector_load %arg7[%swap3A_686, %swap3A_687] {strides = array<i32>} : memref<200x128xf32, #tpu.memory_space<vmem>>, vector<1x16xf32>,
        %swap3A_689 = vector.shape_cast %swap3A_688 : vector<1x16xf32> to vector<16xf32>
        %swap3A_690 = vector.shape_cast %get3A_685 : vector<16xf32> to vector<1x16xf32>
        tpu.vector_store %arg7[%swap3A_686, %swap3A_687], %swap3A_690 {add = true, strides = array<i32>} : memref<200x128xf32, #tpu.memory_space<vmem>>, vector<1x16xf32>,
        %add3A_691 = arith.constant 1 : i32
        %add3A_692 = arith.addi %mul3A_562, %add3A_691 : i32
        %add3A_693 = arith.constant 1 : i32
        %add3A_694 = arith.addi %mul3A_562, %add3A_693 : i32
        %get3A_695 = arith.index_cast %add3A_694 : i32 to index
        %get3A_696 = arith.constant 32 : index
        %get3A_697 = tpu.vector_load %arg26[%get3A_695, %get3A_696] {strides = array<i32>} : memref<200x128xf32, #tpu.memory_space<vmem>>, vector<1x16xf32>,
        %get3A_698 = vector.shape_cast %get3A_697 : vector<1x16xf32> to vector<16xf32>
        %swap3A_699 = arith.index_cast %add3A_692 : i32 to index
        %swap3A_700 = arith.constant 32 : index
        %swap3A_701 = tpu.vector_load %arg7[%swap3A_699, %swap3A_700] {strides = array<i32>} : memref<200x128xf32, #tpu.memory_space<vmem>>, vector<1x16xf32>,
        %swap3A_702 = vector.shape_cast %swap3A_701 : vector<1x16xf32> to vector<16xf32>
        %swap3A_703 = vector.shape_cast %get3A_698 : vector<16xf32> to vector<1x16xf32>
        tpu.vector_store %arg7[%swap3A_699, %swap3A_700], %swap3A_703 {add = true, strides = array<i32>} : memref<200x128xf32, #tpu.memory_space<vmem>>, vector<1x16xf32>,
        %add3A_704 = arith.constant 1 : i32
        %add3A_705 = arith.addi %mul3A_562, %add3A_704 : i32
        %add3A_706 = arith.constant 1 : i32
        %add3A_707 = arith.addi %mul3A_562, %add3A_706 : i32
        %get3A_708 = arith.index_cast %add3A_707 : i32 to index
        %get3A_709 = arith.constant 48 : index
        %get3A_710 = tpu.vector_load %arg26[%get3A_708, %get3A_709] {strides = array<i32>} : memref<200x128xf32, #tpu.memory_space<vmem>>, vector<1x16xf32>,
        %get3A_711 = vector.shape_cast %get3A_710 : vector<1x16xf32> to vector<16xf32>
        %swap3A_712 = arith.index_cast %add3A_705 : i32 to index
        %swap3A_713 = arith.constant 48 : index
        %swap3A_714 = tpu.vector_load %arg7[%swap3A_712, %swap3A_713] {strides = array<i32>} : memref<200x128xf32, #tpu.memory_space<vmem>>, vector<1x16xf32>,
        %swap3A_715 = vector.shape_cast %swap3A_714 : vector<1x16xf32> to vector<16xf32>
        %swap3A_716 = vector.shape_cast %get3A_711 : vector<16xf32> to vector<1x16xf32>
        tpu.vector_store %arg7[%swap3A_712, %swap3A_713], %swap3A_716 {add = true, strides = array<i32>} : memref<200x128xf32, #tpu.memory_space<vmem>>, vector<1x16xf32>,
        %add3A_717 = arith.constant 1 : i32
        %add3A_718 = arith.addi %mul3A_562, %add3A_717 : i32
        %add3A_719 = arith.constant 1 : i32
        %add3A_720 = arith.addi %mul3A_562, %add3A_719 : i32
        %get3A_721 = arith.index_cast %add3A_720 : i32 to index
        %get3A_722 = arith.constant 64 : index
        %get3A_723 = tpu.vector_load %arg26[%get3A_721, %get3A_722] {strides = array<i32>} : memref<200x128xf32, #tpu.memory_space<vmem>>, vector<1x16xf32>,
        %get3A_724 = vector.shape_cast %get3A_723 : vector<1x16xf32> to vector<16xf32>
        %swap3A_725 = arith.index_cast %add3A_718 : i32 to index
        %swap3A_726 = arith.constant 64 : index
        %swap3A_727 = tpu.vector_load %arg7[%swap3A_725, %swap3A_726] {strides = array<i32>} : memref<200x128xf32, #tpu.memory_space<vmem>>, vector<1x16xf32>,
        %swap3A_728 = vector.shape_cast %swap3A_727 : vector<1x16xf32> to vector<16xf32>
        %swap3A_729 = vector.shape_cast %get3A_724 : vector<16xf32> to vector<1x16xf32>
        tpu.vector_store %arg7[%swap3A_725, %swap3A_726], %swap3A_729 {add = true, strides = array<i32>} : memref<200x128xf32, #tpu.memory_space<vmem>>, vector<1x16xf32>,
        %add3A_730 = arith.constant 1 : i32
        %add3A_731 = arith.addi %mul3A_562, %add3A_730 : i32
        %add3A_732 = arith.constant 1 : i32
        %add3A_733 = arith.addi %mul3A_562, %add3A_732 : i32
        %get3A_734 = arith.index_cast %add3A_733 : i32 to index
        %get3A_735 = arith.constant 80 : index
        %get3A_736 = tpu.vector_load %arg26[%get3A_734, %get3A_735] {strides = array<i32>} : memref<200x128xf32, #tpu.memory_space<vmem>>, vector<1x16xf32>,
        %get3A_737 = vector.shape_cast %get3A_736 : vector<1x16xf32> to vector<16xf32>
        %swap3A_738 = arith.index_cast %add3A_731 : i32 to index
        %swap3A_739 = arith.constant 80 : index
        %swap3A_740 = tpu.vector_load %arg7[%swap3A_738, %swap3A_739] {strides = array<i32>} : memref<200x128xf32, #tpu.memory_space<vmem>>, vector<1x16xf32>,
        %swap3A_741 = vector.shape_cast %swap3A_740 : vector<1x16xf32> to vector<16xf32>
        %swap3A_742 = vector.shape_cast %get3A_737 : vector<16xf32> to vector<1x16xf32>
        tpu.vector_store %arg7[%swap3A_738, %swap3A_739], %swap3A_742 {add = true, strides = array<i32>} : memref<200x128xf32, #tpu.memory_space<vmem>>, vector<1x16xf32>,
        %add3A_743 = arith.constant 1 : i32
        %add3A_744 = arith.addi %mul3A_562, %add3A_743 : i32
        %add3A_745 = arith.constant 1 : i32
        %add3A_746 = arith.addi %mul3A_562, %add3A_745 : i32
        %get3A_747 = arith.index_cast %add3A_746 : i32 to index
        %get3A_748 = arith.constant 96 : index
        %get3A_749 = tpu.vector_load %arg26[%get3A_747, %get3A_748] {strides = array<i32>} : memref<200x128xf32, #tpu.memory_space<vmem>>, vector<1x16xf32>,
        %get3A_750 = vector.shape_cast %get3A_749 : vector<1x16xf32> to vector<16xf32>
        %swap3A_751 = arith.index_cast %add3A_744 : i32 to index
        %swap3A_752 = arith.constant 96 : index
        %swap3A_753 = tpu.vector_load %arg7[%swap3A_751, %swap3A_752] {strides = array<i32>} : memref<200x128xf32, #tpu.memory_space<vmem>>, vector<1x16xf32>,
        %swap3A_754 = vector.shape_cast %swap3A_753 : vector<1x16xf32> to vector<16xf32>
        %swap3A_755 = vector.shape_cast %get3A_750 : vector<16xf32> to vector<1x16xf32>
        tpu.vector_store %arg7[%swap3A_751, %swap3A_752], %swap3A_755 {add = true, strides = array<i32>} : memref<200x128xf32, #tpu.memory_space<vmem>>, vector<1x16xf32>,
        %add3A_756 = arith.constant 1 : i32
        %add3A_757 = arith.addi %mul3A_562, %add3A_756 : i32
        %add3A_758 = arith.constant 1 : i32
        %add3A_759 = arith.addi %mul3A_562, %add3A_758 : i32
        %get3A_760 = arith.index_cast %add3A_759 : i32 to index
        %get3A_761 = arith.constant 112 : index
        %get3A_762 = tpu.vector_load %arg26[%get3A_760, %get3A_761] {strides = array<i32>} : memref<200x128xf32, #tpu.memory_space<vmem>>, vector<1x16xf32>,
        %get3A_763 = vector.shape_cast %get3A_762 : vector<1x16xf32> to vector<16xf32>
        %swap3A_764 = arith.index_cast %add3A_757 : i32 to index
        %swap3A_765 = arith.constant 112 : index
        %swap3A_766 = tpu.vector_load %arg7[%swap3A_764, %swap3A_765] {strides = array<i32>} : memref<200x128xf32, #tpu.memory_space<vmem>>, vector<1x16xf32>,
        %swap3A_767 = vector.shape_cast %swap3A_766 : vector<1x16xf32> to vector<16xf32>
        %swap3A_768 = vector.shape_cast %get3A_763 : vector<16xf32> to vector<1x16xf32>
        tpu.vector_store %arg7[%swap3A_764, %swap3A_765], %swap3A_768 {add = true, strides = array<i32>} : memref<200x128xf32, #tpu.memory_space<vmem>>, vector<1x16xf32>,
        %add3A_769 = arith.constant 2 : i32
        %add3A_770 = arith.addi %mul3A_562, %add3A_769 : i32
        %add3A_771 = arith.constant 2 : i32
        %add3A_772 = arith.addi %mul3A_562, %add3A_771 : i32
        %get3A_773 = arith.index_cast %add3A_772 : i32 to index
        %get3A_774 = arith.constant 0 : index
        %get3A_775 = tpu.vector_load %arg26[%get3A_773, %get3A_774] {strides = array<i32>} : memref<200x128xf32, #tpu.memory_space<vmem>>, vector<1x16xf32>,
        %get3A_776 = vector.shape_cast %get3A_775 : vector<1x16xf32> to vector<16xf32>
        %swap3A_777 = arith.index_cast %add3A_770 : i32 to index
        %swap3A_778 = arith.constant 0 : index
        %swap3A_779 = tpu.vector_load %arg7[%swap3A_777, %swap3A_778] {strides = array<i32>} : memref<200x128xf32, #tpu.memory_space<vmem>>, vector<1x16xf32>,
        %swap3A_780 = vector.shape_cast %swap3A_779 : vector<1x16xf32> to vector<16xf32>
        %swap3A_781 = vector.shape_cast %get3A_776 : vector<16xf32> to vector<1x16xf32>
        tpu.vector_store %arg7[%swap3A_777, %swap3A_778], %swap3A_781 {add = true, strides = array<i32>} : memref<200x128xf32, #tpu.memory_space<vmem>>, vector<1x16xf32>,
        %add3A_782 = arith.constant 2 : i32
        %add3A_783 = arith.addi %mul3A_562, %add3A_782 : i32
        %add3A_784 = arith.constant 2 : i32
        %add3A_785 = arith.addi %mul3A_562, %add3A_784 : i32
        %get3A_786 = arith.index_cast %add3A_785 : i32 to index
        %get3A_787 = arith.constant 16 : index
        %get3A_788 = tpu.vector_load %arg26[%get3A_786, %get3A_787] {strides = array<i32>} : memref<200x128xf32, #tpu.memory_space<vmem>>, vector<1x16xf32>,
        %get3A_789 = vector.shape_cast %get3A_788 : vector<1x16xf32> to vector<16xf32>
        %swap3A_790 = arith.index_cast %add3A_783 : i32 to index
        %swap3A_791 = arith.constant 16 : index
        %swap3A_792 = tpu.vector_load %arg7[%swap3A_790, %swap3A_791] {strides = array<i32>} : memref<200x128xf32, #tpu.memory_space<vmem>>, vector<1x16xf32>,
        %swap3A_793 = vector.shape_cast %swap3A_792 : vector<1x16xf32> to vector<16xf32>
        %swap3A_794 = vector.shape_cast %get3A_789 : vector<16xf32> to vector<1x16xf32>
        tpu.vector_store %arg7[%swap3A_790, %swap3A_791], %swap3A_794 {add = true, strides = array<i32>} : memref<200x128xf32, #tpu.memory_space<vmem>>, vector<1x16xf32>,
        %add3A_795 = arith.constant 2 : i32
        %add3A_796 = arith.addi %mul3A_562, %add3A_795 : i32
        %add3A_797 = arith.constant 2 : i32
        %add3A_798 = arith.addi %mul3A_562, %add3A_797 : i32
        %get3A_799 = arith.index_cast %add3A_798 : i32 to index
        %get3A_800 = arith.constant 32 : index
        %get3A_801 = tpu.vector_load %arg26[%get3A_799, %get3A_800] {strides = array<i32>} : memref<200x128xf32, #tpu.memory_space<vmem>>, vector<1x16xf32>,
        %get3A_802 = vector.shape_cast %get3A_801 : vector<1x16xf32> to vector<16xf32>
        %swap3A_803 = arith.index_cast %add3A_796 : i32 to index
        %swap3A_804 = arith.constant 32 : index
        %swap3A_805 = tpu.vector_load %arg7[%swap3A_803, %swap3A_804] {strides = array<i32>} : memref<200x128xf32, #tpu.memory_space<vmem>>, vector<1x16xf32>,
        %swap3A_806 = vector.shape_cast %swap3A_805 : vector<1x16xf32> to vector<16xf32>
        %swap3A_807 = vector.shape_cast %get3A_802 : vector<16xf32> to vector<1x16xf32>
        tpu.vector_store %arg7[%swap3A_803, %swap3A_804], %swap3A_807 {add = true, strides = array<i32>} : memref<200x128xf32, #tpu.memory_space<vmem>>, vector<1x16xf32>,
        %add3A_808 = arith.constant 2 : i32
        %add3A_809 = arith.addi %mul3A_562, %add3A_808 : i32
        %add3A_810 = arith.constant 2 : i32
        %add3A_811 = arith.addi %mul3A_562, %add3A_810 : i32
        %get3A_812 = arith.index_cast %add3A_811 : i32 to index
        %get3A_813 = arith.constant 48 : index
        %get3A_814 = tpu.vector_load %arg26[%get3A_812, %get3A_813] {strides = array<i32>} : memref<200x128xf32, #tpu.memory_space<vmem>>, vector<1x16xf32>,
        %get3A_815 = vector.shape_cast %get3A_814 : vector<1x16xf32> to vector<16xf32>
        %swap3A_816 = arith.index_cast %add3A_809 : i32 to index
        %swap3A_817 = arith.constant 48 : index
        %swap3A_818 = tpu.vector_load %arg7[%swap3A_816, %swap3A_817] {strides = array<i32>} : memref<200x128xf32, #tpu.memory_space<vmem>>, vector<1x16xf32>,
        %swap3A_819 = vector.shape_cast %swap3A_818 : vector<1x16xf32> to vector<16xf32>
        %swap3A_820 = vector.shape_cast %get3A_815 : vector<16xf32> to vector<1x16xf32>
        tpu.vector_store %arg7[%swap3A_816, %swap3A_817], %swap3A_820 {add = true, strides = array<i32>} : memref<200x128xf32, #tpu.memory_space<vmem>>, vector<1x16xf32>,
        %add3A_821 = arith.constant 2 : i32
        %add3A_822 = arith.addi %mul3A_562, %add3A_821 : i32
        %add3A_823 = arith.constant 2 : i32
        %add3A_824 = arith.addi %mul3A_562, %add3A_823 : i32
        %get3A_825 = arith.index_cast %add3A_824 : i32 to index
        %get3A_826 = arith.constant 64 : index
        %get3A_827 = tpu.vector_load %arg26[%get3A_825, %get3A_826] {strides = array<i32>} : memref<200x128xf32, #tpu.memory_space<vmem>>, vector<1x16xf32>,
        %get3A_828 = vector.shape_cast %get3A_827 : vector<1x16xf32> to vector<16xf32>
        %swap3A_829 = arith.index_cast %add3A_822 : i32 to index
        %swap3A_830 = arith.constant 64 : index
        %swap3A_831 = tpu.vector_load %arg7[%swap3A_829, %swap3A_830] {strides = array<i32>} : memref<200x128xf32, #tpu.memory_space<vmem>>, vector<1x16xf32>,
        %swap3A_832 = vector.shape_cast %swap3A_831 : vector<1x16xf32> to vector<16xf32>
        %swap3A_833 = vector.shape_cast %get3A_828 : vector<16xf32> to vector<1x16xf32>
        tpu.vector_store %arg7[%swap3A_829, %swap3A_830], %swap3A_833 {add = true, strides = array<i32>} : memref<200x128xf32, #tpu.memory_space<vmem>>, vector<1x16xf32>,
        %add3A_834 = arith.constant 2 : i32
        %add3A_835 = arith.addi %mul3A_562, %add3A_834 : i32
        %add3A_836 = arith.constant 2 : i32
        %add3A_837 = arith.addi %mul3A_562, %add3A_836 : i32
        %get3A_838 = arith.index_cast %add3A_837 : i32 to index
        %get3A_839 = arith.constant 80 : index
        %get3A_840 = tpu.vector_load %arg26[%get3A_838, %get3A_839] {strides = array<i32>} : memref<200x128xf32, #tpu.memory_space<vmem>>, vector<1x16xf32>,
        %get3A_841 = vector.shape_cast %get3A_840 : vector<1x16xf32> to vector<16xf32>
        %swap3A_842 = arith.index_cast %add3A_835 : i32 to index
        %swap3A_843 = arith.constant 80 : index
        %swap3A_844 = tpu.vector_load %arg7[%swap3A_842, %swap3A_843] {strides = array<i32>} : memref<200x128xf32, #tpu.memory_space<vmem>>, vector<1x16xf32>,
        %swap3A_845 = vector.shape_cast %swap3A_844 : vector<1x16xf32> to vector<16xf32>
        %swap3A_846 = vector.shape_cast %get3A_841 : vector<16xf32> to vector<1x16xf32>
        tpu.vector_store %arg7[%swap3A_842, %swap3A_843], %swap3A_846 {add = true, strides = array<i32>} : memref<200x128xf32, #tpu.memory_space<vmem>>, vector<1x16xf32>,
        %add3A_847 = arith.constant 2 : i32
        %add3A_848 = arith.addi %mul3A_562, %add3A_847 : i32
        %add3A_849 = arith.constant 2 : i32
        %add3A_850 = arith.addi %mul3A_562, %add3A_849 : i32
        %get3A_851 = arith.index_cast %add3A_850 : i32 to index
        %get3A_852 = arith.constant 96 : index
        %get3A_853 = tpu.vector_load %arg26[%get3A_851, %get3A_852] {strides = array<i32>} : memref<200x128xf32, #tpu.memory_space<vmem>>, vector<1x16xf32>,
        %get3A_854 = vector.shape_cast %get3A_853 : vector<1x16xf32> to vector<16xf32>
        %swap3A_855 = arith.index_cast %add3A_848 : i32 to index
        %swap3A_856 = arith.constant 96 : index
        %swap3A_857 = tpu.vector_load %arg7[%swap3A_855, %swap3A_856] {strides = array<i32>} : memref<200x128xf32, #tpu.memory_space<vmem>>, vector<1x16xf32>,
        %swap3A_858 = vector.shape_cast %swap3A_857 : vector<1x16xf32> to vector<16xf32>
        %swap3A_859 = vector.shape_cast %get3A_854 : vector<16xf32> to vector<1x16xf32>
        tpu.vector_store %arg7[%swap3A_855, %swap3A_856], %swap3A_859 {add = true, strides = array<i32>} : memref<200x128xf32, #tpu.memory_space<vmem>>, vector<1x16xf32>,
        %add3A_860 = arith.constant 2 : i32
        %add3A_861 = arith.addi %mul3A_562, %add3A_860 : i32
        %add3A_862 = arith.constant 2 : i32
        %add3A_863 = arith.addi %mul3A_562, %add3A_862 : i32
        %get3A_864 = arith.index_cast %add3A_863 : i32 to index
        %get3A_865 = arith.constant 112 : index
        %get3A_866 = tpu.vector_load %arg26[%get3A_864, %get3A_865] {strides = array<i32>} : memref<200x128xf32, #tpu.memory_space<vmem>>, vector<1x16xf32>,
        %get3A_867 = vector.shape_cast %get3A_866 : vector<1x16xf32> to vector<16xf32>
        %swap3A_868 = arith.index_cast %add3A_861 : i32 to index
        %swap3A_869 = arith.constant 112 : index
        %swap3A_870 = tpu.vector_load %arg7[%swap3A_868, %swap3A_869] {strides = array<i32>} : memref<200x128xf32, #tpu.memory_space<vmem>>, vector<1x16xf32>,
        %swap3A_871 = vector.shape_cast %swap3A_870 : vector<1x16xf32> to vector<16xf32>
        %swap3A_872 = vector.shape_cast %get3A_867 : vector<16xf32> to vector<1x16xf32>
        tpu.vector_store %arg7[%swap3A_868, %swap3A_869], %swap3A_872 {add = true, strides = array<i32>} : memref<200x128xf32, #tpu.memory_space<vmem>>, vector<1x16xf32>,
        %add3A_873 = arith.constant 3 : i32
        %add3A_874 = arith.addi %mul3A_562, %add3A_873 : i32
        %add3A_875 = arith.constant 3 : i32
        %add3A_876 = arith.addi %mul3A_562, %add3A_875 : i32
        %get3A_877 = arith.index_cast %add3A_876 : i32 to index
        %get3A_878 = arith.constant 0 : index
        %get3A_879 = tpu.vector_load %arg26[%get3A_877, %get3A_878] {strides = array<i32>} : memref<200x128xf32, #tpu.memory_space<vmem>>, vector<1x16xf32>,
        %get3A_880 = vector.shape_cast %get3A_879 : vector<1x16xf32> to vector<16xf32>
        %swap3A_881 = arith.index_cast %add3A_874 : i32 to index
        %swap3A_882 = arith.constant 0 : index
        %swap3A_883 = tpu.vector_load %arg7[%swap3A_881, %swap3A_882] {strides = array<i32>} : memref<200x128xf32, #tpu.memory_space<vmem>>, vector<1x16xf32>,
        %swap3A_884 = vector.shape_cast %swap3A_883 : vector<1x16xf32> to vector<16xf32>
        %swap3A_885 = vector.shape_cast %get3A_880 : vector<16xf32> to vector<1x16xf32>
        tpu.vector_store %arg7[%swap3A_881, %swap3A_882], %swap3A_885 {add = true, strides = array<i32>} : memref<200x128xf32, #tpu.memory_space<vmem>>, vector<1x16xf32>,
        %add3A_886 = arith.constant 3 : i32
        %add3A_887 = arith.addi %mul3A_562, %add3A_886 : i32
        %add3A_888 = arith.constant 3 : i32
        %add3A_889 = arith.addi %mul3A_562, %add3A_888 : i32
        %get3A_890 = arith.index_cast %add3A_889 : i32 to index
        %get3A_891 = arith.constant 16 : index
        %get3A_892 = tpu.vector_load %arg26[%get3A_890, %get3A_891] {strides = array<i32>} : memref<200x128xf32, #tpu.memory_space<vmem>>, vector<1x16xf32>,
        %get3A_893 = vector.shape_cast %get3A_892 : vector<1x16xf32> to vector<16xf32>
        %swap3A_894 = arith.index_cast %add3A_887 : i32 to index
        %swap3A_895 = arith.constant 16 : index
        %swap3A_896 = tpu.vector_load %arg7[%swap3A_894, %swap3A_895] {strides = array<i32>} : memref<200x128xf32, #tpu.memory_space<vmem>>, vector<1x16xf32>,
        %swap3A_897 = vector.shape_cast %swap3A_896 : vector<1x16xf32> to vector<16xf32>
        %swap3A_898 = vector.shape_cast %get3A_893 : vector<16xf32> to vector<1x16xf32>
        tpu.vector_store %arg7[%swap3A_894, %swap3A_895], %swap3A_898 {add = true, strides = array<i32>} : memref<200x128xf32, #tpu.memory_space<vmem>>, vector<1x16xf32>,
        %add3A_899 = arith.constant 3 : i32
        %add3A_900 = arith.addi %mul3A_562, %add3A_899 : i32
        %add3A_901 = arith.constant 3 : i32
        %add3A_902 = arith.addi %mul3A_562, %add3A_901 : i32
        %get3A_903 = arith.index_cast %add3A_902 : i32 to index
        %get3A_904 = arith.constant 32 : index
        %get3A_905 = tpu.vector_load %arg26[%get3A_903, %get3A_904] {strides = array<i32>} : memref<200x128xf32, #tpu.memory_space<vmem>>, vector<1x16xf32>,
        %get3A_906 = vector.shape_cast %get3A_905 : vector<1x16xf32> to vector<16xf32>
        %swap3A_907 = arith.index_cast %add3A_900 : i32 to index
        %swap3A_908 = arith.constant 32 : index
        %swap3A_909 = tpu.vector_load %arg7[%swap3A_907, %swap3A_908] {strides = array<i32>} : memref<200x128xf32, #tpu.memory_space<vmem>>, vector<1x16xf32>,
        %swap3A_910 = vector.shape_cast %swap3A_909 : vector<1x16xf32> to vector<16xf32>
        %swap3A_911 = vector.shape_cast %get3A_906 : vector<16xf32> to vector<1x16xf32>
        tpu.vector_store %arg7[%swap3A_907, %swap3A_908], %swap3A_911 {add = true, strides = array<i32>} : memref<200x128xf32, #tpu.memory_space<vmem>>, vector<1x16xf32>,
        %add3A_912 = arith.constant 3 : i32
        %add3A_913 = arith.addi %mul3A_562, %add3A_912 : i32
        %add3A_914 = arith.constant 3 : i32
        %add3A_915 = arith.addi %mul3A_562, %add3A_914 : i32
        %get3A_916 = arith.index_cast %add3A_915 : i32 to index
        %get3A_917 = arith.constant 48 : index
        %get3A_918 = tpu.vector_load %arg26[%get3A_916, %get3A_917] {strides = array<i32>} : memref<200x128xf32, #tpu.memory_space<vmem>>, vector<1x16xf32>,
        %get3A_919 = vector.shape_cast %get3A_918 : vector<1x16xf32> to vector<16xf32>
        %swap3A_920 = arith.index_cast %add3A_913 : i32 to index
        %swap3A_921 = arith.constant 48 : index
        %swap3A_922 = tpu.vector_load %arg7[%swap3A_920, %swap3A_921] {strides = array<i32>} : memref<200x128xf32, #tpu.memory_space<vmem>>, vector<1x16xf32>,
        %swap3A_923 = vector.shape_cast %swap3A_922 : vector<1x16xf32> to vector<16xf32>
        %swap3A_924 = vector.shape_cast %get3A_919 : vector<16xf32> to vector<1x16xf32>
        tpu.vector_store %arg7[%swap3A_920, %swap3A_921], %swap3A_924 {add = true, strides = array<i32>} : memref<200x128xf32, #tpu.memory_space<vmem>>, vector<1x16xf32>,
        %add3A_925 = arith.constant 3 : i32
        %add3A_926 = arith.addi %mul3A_562, %add3A_925 : i32
        %add3A_927 = arith.constant 3 : i32
        %add3A_928 = arith.addi %mul3A_562, %add3A_927 : i32
        %get3A_929 = arith.index_cast %add3A_928 : i32 to index
        %get3A_930 = arith.constant 64 : index
        %get3A_931 = tpu.vector_load %arg26[%get3A_929, %get3A_930] {strides = array<i32>} : memref<200x128xf32, #tpu.memory_space<vmem>>, vector<1x16xf32>,
        %get3A_932 = vector.shape_cast %get3A_931 : vector<1x16xf32> to vector<16xf32>
        %swap3A_933 = arith.index_cast %add3A_926 : i32 to index
        %swap3A_934 = arith.constant 64 : index
        %swap3A_935 = tpu.vector_load %arg7[%swap3A_933, %swap3A_934] {strides = array<i32>} : memref<200x128xf32, #tpu.memory_space<vmem>>, vector<1x16xf32>,
        %swap3A_936 = vector.shape_cast %swap3A_935 : vector<1x16xf32> to vector<16xf32>
        %swap3A_937 = vector.shape_cast %get3A_932 : vector<16xf32> to vector<1x16xf32>
        tpu.vector_store %arg7[%swap3A_933, %swap3A_934], %swap3A_937 {add = true, strides = array<i32>} : memref<200x128xf32, #tpu.memory_space<vmem>>, vector<1x16xf32>,
        %add3A_938 = arith.constant 3 : i32
        %add3A_939 = arith.addi %mul3A_562, %add3A_938 : i32
        %add3A_940 = arith.constant 3 : i32
        %add3A_941 = arith.addi %mul3A_562, %add3A_940 : i32
        %get3A_942 = arith.index_cast %add3A_941 : i32 to index
        %get3A_943 = arith.constant 80 : index
        %get3A_944 = tpu.vector_load %arg26[%get3A_942, %get3A_943] {strides = array<i32>} : memref<200x128xf32, #tpu.memory_space<vmem>>, vector<1x16xf32>,
        %get3A_945 = vector.shape_cast %get3A_944 : vector<1x16xf32> to vector<16xf32>
        %swap3A_946 = arith.index_cast %add3A_939 : i32 to index
        %swap3A_947 = arith.constant 80 : index
        %swap3A_948 = tpu.vector_load %arg7[%swap3A_946, %swap3A_947] {strides = array<i32>} : memref<200x128xf32, #tpu.memory_space<vmem>>, vector<1x16xf32>,
        %swap3A_949 = vector.shape_cast %swap3A_948 : vector<1x16xf32> to vector<16xf32>
        %swap3A_950 = vector.shape_cast %get3A_945 : vector<16xf32> to vector<1x16xf32>
        tpu.vector_store %arg7[%swap3A_946, %swap3A_947], %swap3A_950 {add = true, strides = array<i32>} : memref<200x128xf32, #tpu.memory_space<vmem>>, vector<1x16xf32>,
        %add3A_951 = arith.constant 3 : i32
        %add3A_952 = arith.addi %mul3A_562, %add3A_951 : i32
        %add3A_953 = arith.constant 3 : i32
        %add3A_954 = arith.addi %mul3A_562, %add3A_953 : i32
        %get3A_955 = arith.index_cast %add3A_954 : i32 to index
        %get3A_956 = arith.constant 96 : index
        %get3A_957 = tpu.vector_load %arg26[%get3A_955, %get3A_956] {strides = array<i32>} : memref<200x128xf32, #tpu.memory_space<vmem>>, vector<1x16xf32>,
        %get3A_958 = vector.shape_cast %get3A_957 : vector<1x16xf32> to vector<16xf32>
        %swap3A_959 = arith.index_cast %add3A_952 : i32 to index
        %swap3A_960 = arith.constant 96 : index
        %swap3A_961 = tpu.vector_load %arg7[%swap3A_959, %swap3A_960] {strides = array<i32>} : memref<200x128xf32, #tpu.memory_space<vmem>>, vector<1x16xf32>,
        %swap3A_962 = vector.shape_cast %swap3A_961 : vector<1x16xf32> to vector<16xf32>
        %swap3A_963 = vector.shape_cast %get3A_958 : vector<16xf32> to vector<1x16xf32>
        tpu.vector_store %arg7[%swap3A_959, %swap3A_960], %swap3A_963 {add = true, strides = array<i32>} : memref<200x128xf32, #tpu.memory_space<vmem>>, vector<1x16xf32>,
        %add3A_964 = arith.constant 3 : i32
        %add3A_965 = arith.addi %mul3A_562, %add3A_964 : i32
        %add3A_966 = arith.constant 3 : i32
        %add3A_967 = arith.addi %mul3A_562, %add3A_966 : i32
        %get3A_968 = arith.index_cast %add3A_967 : i32 to index
        %get3A_969 = arith.constant 112 : index
        %get3A_970 = tpu.vector_load %arg26[%get3A_968, %get3A_969] {strides = array<i32>} : memref<200x128xf32, #tpu.memory_space<vmem>>, vector<1x16xf32>,
        %get3A_971 = vector.shape_cast %get3A_970 : vector<1x16xf32> to vector<16xf32>
        %swap3A_972 = arith.index_cast %add3A_965 : i32 to index
        %swap3A_973 = arith.constant 112 : index
        %swap3A_974 = tpu.vector_load %arg7[%swap3A_972, %swap3A_973] {strides = array<i32>} : memref<200x128xf32, #tpu.memory_space<vmem>>, vector<1x16xf32>,
        %swap3A_975 = vector.shape_cast %swap3A_974 : vector<1x16xf32> to vector<16xf32>
        %swap3A_976 = vector.shape_cast %get3A_971 : vector<16xf32> to vector<1x16xf32>
        tpu.vector_store %arg7[%swap3A_972, %swap3A_973], %swap3A_976 {add = true, strides = array<i32>} : memref<200x128xf32, #tpu.memory_space<vmem>>, vector<1x16xf32>,
      }
      %scan3A_552 = arith.constant 50 : i32
      %add3A_553 = arith.addi %mul3A_2, %add3A_530 : i32
      %mul3A_554 = arith.constant 200 : i32
      %mul3A_555 = arith.muli %add3A_553, %mul3A_554 : i32
      %dma_start3A_556 = arith.constant 0 : i32
      %dma_start3A_557 = tpu.memref_slice %arg5[%mul3A_555, %dma_start3A_556] : memref<819200x128xf32, #tpu.memory_space<hbm>> -> memref<200x128xf32, #tpu.memory_space<hbm>>
      %dma_start3A_558 = arith.constant 0 : i32
      %dma_start3A_559 = tpu.memref_slice %arg5[%mul3A_555, %dma_start3A_558] : memref<819200x128xf32, #tpu.memory_space<hbm>> -> memref<200x128xf32, #tpu.memory_space<hbm>>
      tpu.enqueue_dma source(%arg7 : memref<200x128xf32, #tpu.memory_space<vmem>>) target(%dma_start3A_559 : memref<200x128xf32, #tpu.memory_space<hbm>>) target_semaphore(%arg19 : memref<!tpu.dma_semaphore, #tpu.memory_space<semaphore_mem>>)
    }
    %scan3A_197 = arith.constant 31 : i32
    %dma_wait3A_198 = arith.constant 0 : i32
    %dma_wait3A_199 = arith.constant 0 : i32
    %dma_wait3A_200 = tpu.memref_slice %arg8[%dma_wait3A_198, %dma_wait3A_199] : memref<200x128xf32, #tpu.memory_space<vmem>> -> memref<128x128xf32, #tpu.memory_space<vmem>>
    %dma_wait3A_201 = arith.constant 0 : i32
    %dma_wait3A_202 = tpu.memref_slice %arg12[%dma_wait3A_201] : memref<200xi32, #tpu.memory_space<vmem>> -> memref<128xi32, #tpu.memory_space<vmem>>
    %dma_wait3A_203 = arith.constant 0 : i32
    %dma_wait3A_204 = arith.constant 0 : i32
    %dma_wait3A_205 = tpu.memref_slice %arg3[%dma_wait3A_203, %dma_wait3A_204] : memref<100000x128xf32, #tpu.memory_space<hbm>> -> memref<100000x128xf32, #tpu.memory_space<hbm>>
    tpu.wait_indirect_dma semaphore(%arg16 : memref<!tpu.dma_semaphore, #tpu.memory_space<semaphore_mem>>) src(%dma_wait3A_205 : memref<100000x128xf32, #tpu.memory_space<hbm>>) dst(%dma_wait3A_200 : memref<128x128xf32, #tpu.memory_space<vmem>>)
    %dma_wait3A_206 = arith.constant 128 : i32
    %dma_wait3A_207 = arith.constant 0 : i32
    %dma_wait3A_208 = tpu.memref_slice %arg8[%dma_wait3A_206, %dma_wait3A_207] : memref<200x128xf32, #tpu.memory_space<vmem>> -> memref<72x128xf32, #tpu.memory_space<vmem>>
    %dma_wait3A_209 = arith.constant 128 : i32
    %dma_wait3A_210 = tpu.memref_slice %arg12[%dma_wait3A_209] : memref<200xi32, #tpu.memory_space<vmem>> -> memref<72xi32, #tpu.memory_space<vmem>>
    %dma_wait3A_211 = arith.constant 0 : i32
    %dma_wait3A_212 = arith.constant 0 : i32
    %dma_wait3A_213 = tpu.memref_slice %arg3[%dma_wait3A_211, %dma_wait3A_212] : memref<100000x128xf32, #tpu.memory_space<hbm>> -> memref<100000x128xf32, #tpu.memory_space<hbm>>
    tpu.wait_indirect_dma semaphore(%arg16 : memref<!tpu.dma_semaphore, #tpu.memory_space<semaphore_mem>>) src(%dma_wait3A_213 : memref<100000x128xf32, #tpu.memory_space<hbm>>) dst(%dma_wait3A_208 : memref<72x128xf32, #tpu.memory_space<vmem>>)
    %scan3A_214 = arith.constant 0 : i32
    %scan3A_215 = arith.constant 0 : i32
    %scan3A_216 = arith.constant 50 : i32
    %scan3A_217 = arith.addi %scan3A_215, %scan3A_216 : i32
    %scan3A_218 = arith.constant 1 : i32
    scf.for %scan3A_282 = %scan3A_215 to %scan3A_217 step %scan3A_218  : i32 {
      %mul3A_283 = arith.constant 4 : i32
      %mul3A_284 = arith.muli %scan3A_282, %mul3A_283 : i32
      %add3A_285 = arith.constant 0 : i32
      %add3A_286 = arith.addi %mul3A_284, %add3A_285 : i32
      %add3A_287 = arith.constant 0 : i32
      %add3A_288 = arith.addi %mul3A_284, %add3A_287 : i32
      %get3A = arith.index_cast %add3A_288 : i32 to index
      %get3A_289 = arith.constant 0 : index
      %get3A_290 = tpu.vector_load %arg26[%get3A, %get3A_289] {strides = array<i32>} : memref<200x128xf32, #tpu.memory_space<vmem>>, vector<1x16xf32>,
      %get3A_291 = vector.shape_cast %get3A_290 : vector<1x16xf32> to vector<16xf32>
      %swap3A = arith.index_cast %add3A_286 : i32 to index
      %swap3A_292 = arith.constant 0 : index
      %swap3A_293 = tpu.vector_load %arg8[%swap3A, %swap3A_292] {strides = array<i32>} : memref<200x128xf32, #tpu.memory_space<vmem>>, vector<1x16xf32>,
      %swap3A_294 = vector.shape_cast %swap3A_293 : vector<1x16xf32> to vector<16xf32>
      %swap3A_295 = vector.shape_cast %get3A_291 : vector<16xf32> to vector<1x16xf32>
      tpu.vector_store %arg8[%swap3A, %swap3A_292], %swap3A_295 {add = true, strides = array<i32>} : memref<200x128xf32, #tpu.memory_space<vmem>>, vector<1x16xf32>,
      %add3A_296 = arith.constant 0 : i32
      %add3A_297 = arith.addi %mul3A_284, %add3A_296 : i32
      %add3A_298 = arith.constant 0 : i32
      %add3A_299 = arith.addi %mul3A_284, %add3A_298 : i32
      %get3A_300 = arith.index_cast %add3A_299 : i32 to index
      %get3A_301 = arith.constant 16 : index
      %get3A_302 = tpu.vector_load %arg26[%get3A_300, %get3A_301] {strides = array<i32>} : memref<200x128xf32, #tpu.memory_space<vmem>>, vector<1x16xf32>,
      %get3A_303 = vector.shape_cast %get3A_302 : vector<1x16xf32> to vector<16xf32>
      %swap3A_304 = arith.index_cast %add3A_297 : i32 to index
      %swap3A_305 = arith.constant 16 : index
      %swap3A_306 = tpu.vector_load %arg8[%swap3A_304, %swap3A_305] {strides = array<i32>} : memref<200x128xf32, #tpu.memory_space<vmem>>, vector<1x16xf32>,
      %swap3A_307 = vector.shape_cast %swap3A_306 : vector<1x16xf32> to vector<16xf32>
      %swap3A_308 = vector.shape_cast %get3A_303 : vector<16xf32> to vector<1x16xf32>
      tpu.vector_store %arg8[%swap3A_304, %swap3A_305], %swap3A_308 {add = true, strides = array<i32>} : memref<200x128xf32, #tpu.memory_space<vmem>>, vector<1x16xf32>,
      %add3A_309 = arith.constant 0 : i32
      %add3A_310 = arith.addi %mul3A_284, %add3A_309 : i32
      %add3A_311 = arith.constant 0 : i32
      %add3A_312 = arith.addi %mul3A_284, %add3A_311 : i32
      %get3A_313 = arith.index_cast %add3A_312 : i32 to index
      %get3A_314 = arith.constant 32 : index
      %get3A_315 = tpu.vector_load %arg26[%get3A_313, %get3A_314] {strides = array<i32>} : memref<200x128xf32, #tpu.memory_space<vmem>>, vector<1x16xf32>,
      %get3A_316 = vector.shape_cast %get3A_315 : vector<1x16xf32> to vector<16xf32>
      %swap3A_317 = arith.index_cast %add3A_310 : i32 to index
      %swap3A_318 = arith.constant 32 : index
      %swap3A_319 = tpu.vector_load %arg8[%swap3A_317, %swap3A_318] {strides = array<i32>} : memref<200x128xf32, #tpu.memory_space<vmem>>, vector<1x16xf32>,
      %swap3A_320 = vector.shape_cast %swap3A_319 : vector<1x16xf32> to vector<16xf32>
      %swap3A_321 = vector.shape_cast %get3A_316 : vector<16xf32> to vector<1x16xf32>
      tpu.vector_store %arg8[%swap3A_317, %swap3A_318], %swap3A_321 {add = true, strides = array<i32>} : memref<200x128xf32, #tpu.memory_space<vmem>>, vector<1x16xf32>,
      %add3A_322 = arith.constant 0 : i32
      %add3A_323 = arith.addi %mul3A_284, %add3A_322 : i32
      %add3A_324 = arith.constant 0 : i32
      %add3A_325 = arith.addi %mul3A_284, %add3A_324 : i32
      %get3A_326 = arith.index_cast %add3A_325 : i32 to index
      %get3A_327 = arith.constant 48 : index
      %get3A_328 = tpu.vector_load %arg26[%get3A_326, %get3A_327] {strides = array<i32>} : memref<200x128xf32, #tpu.memory_space<vmem>>, vector<1x16xf32>,
      %get3A_329 = vector.shape_cast %get3A_328 : vector<1x16xf32> to vector<16xf32>
      %swap3A_330 = arith.index_cast %add3A_323 : i32 to index
      %swap3A_331 = arith.constant 48 : index
      %swap3A_332 = tpu.vector_load %arg8[%swap3A_330, %swap3A_331] {strides = array<i32>} : memref<200x128xf32, #tpu.memory_space<vmem>>, vector<1x16xf32>,
      %swap3A_333 = vector.shape_cast %swap3A_332 : vector<1x16xf32> to vector<16xf32>
      %swap3A_334 = vector.shape_cast %get3A_329 : vector<16xf32> to vector<1x16xf32>
      tpu.vector_store %arg8[%swap3A_330, %swap3A_331], %swap3A_334 {add = true, strides = array<i32>} : memref<200x128xf32, #tpu.memory_space<vmem>>, vector<1x16xf32>,
      %add3A_335 = arith.constant 0 : i32
      %add3A_336 = arith.addi %mul3A_284, %add3A_335 : i32
      %add3A_337 = arith.constant 0 : i32
      %add3A_338 = arith.addi %mul3A_284, %add3A_337 : i32
      %get3A_339 = arith.index_cast %add3A_338 : i32 to index
      %get3A_340 = arith.constant 64 : index
      %get3A_341 = tpu.vector_load %arg26[%get3A_339, %get3A_340] {strides = array<i32>} : memref<200x128xf32, #tpu.memory_space<vmem>>, vector<1x16xf32>,
      %get3A_342 = vector.shape_cast %get3A_341 : vector<1x16xf32> to vector<16xf32>
      %swap3A_343 = arith.index_cast %add3A_336 : i32 to index
      %swap3A_344 = arith.constant 64 : index
      %swap3A_345 = tpu.vector_load %arg8[%swap3A_343, %swap3A_344] {strides = array<i32>} : memref<200x128xf32, #tpu.memory_space<vmem>>, vector<1x16xf32>,
      %swap3A_346 = vector.shape_cast %swap3A_345 : vector<1x16xf32> to vector<16xf32>
      %swap3A_347 = vector.shape_cast %get3A_342 : vector<16xf32> to vector<1x16xf32>
      tpu.vector_store %arg8[%swap3A_343, %swap3A_344], %swap3A_347 {add = true, strides = array<i32>} : memref<200x128xf32, #tpu.memory_space<vmem>>, vector<1x16xf32>,
      %add3A_348 = arith.constant 0 : i32
      %add3A_349 = arith.addi %mul3A_284, %add3A_348 : i32
      %add3A_350 = arith.constant 0 : i32
      %add3A_351 = arith.addi %mul3A_284, %add3A_350 : i32
      %get3A_352 = arith.index_cast %add3A_351 : i32 to index
      %get3A_353 = arith.constant 80 : index
      %get3A_354 = tpu.vector_load %arg26[%get3A_352, %get3A_353] {strides = array<i32>} : memref<200x128xf32, #tpu.memory_space<vmem>>, vector<1x16xf32>,
      %get3A_355 = vector.shape_cast %get3A_354 : vector<1x16xf32> to vector<16xf32>
      %swap3A_356 = arith.index_cast %add3A_349 : i32 to index
      %swap3A_357 = arith.constant 80 : index
      %swap3A_358 = tpu.vector_load %arg8[%swap3A_356, %swap3A_357] {strides = array<i32>} : memref<200x128xf32, #tpu.memory_space<vmem>>, vector<1x16xf32>,
      %swap3A_359 = vector.shape_cast %swap3A_358 : vector<1x16xf32> to vector<16xf32>
      %swap3A_360 = vector.shape_cast %get3A_355 : vector<16xf32> to vector<1x16xf32>
      tpu.vector_store %arg8[%swap3A_356, %swap3A_357], %swap3A_360 {add = true, strides = array<i32>} : memref<200x128xf32, #tpu.memory_space<vmem>>, vector<1x16xf32>,
      %add3A_361 = arith.constant 0 : i32
      %add3A_362 = arith.addi %mul3A_284, %add3A_361 : i32
      %add3A_363 = arith.constant 0 : i32
      %add3A_364 = arith.addi %mul3A_284, %add3A_363 : i32
      %get3A_365 = arith.index_cast %add3A_364 : i32 to index
      %get3A_366 = arith.constant 96 : index
      %get3A_367 = tpu.vector_load %arg26[%get3A_365, %get3A_366] {strides = array<i32>} : memref<200x128xf32, #tpu.memory_space<vmem>>, vector<1x16xf32>,
      %get3A_368 = vector.shape_cast %get3A_367 : vector<1x16xf32> to vector<16xf32>
      %swap3A_369 = arith.index_cast %add3A_362 : i32 to index
      %swap3A_370 = arith.constant 96 : index
      %swap3A_371 = tpu.vector_load %arg8[%swap3A_369, %swap3A_370] {strides = array<i32>} : memref<200x128xf32, #tpu.memory_space<vmem>>, vector<1x16xf32>,
      %swap3A_372 = vector.shape_cast %swap3A_371 : vector<1x16xf32> to vector<16xf32>
      %swap3A_373 = vector.shape_cast %get3A_368 : vector<16xf32> to vector<1x16xf32>
      tpu.vector_store %arg8[%swap3A_369, %swap3A_370], %swap3A_373 {add = true, strides = array<i32>} : memref<200x128xf32, #tpu.memory_space<vmem>>, vector<1x16xf32>,
      %add3A_374 = arith.constant 0 : i32
      %add3A_375 = arith.addi %mul3A_284, %add3A_374 : i32
      %add3A_376 = arith.constant 0 : i32
      %add3A_377 = arith.addi %mul3A_284, %add3A_376 : i32
      %get3A_378 = arith.index_cast %add3A_377 : i32 to index
      %get3A_379 = arith.constant 112 : index
      %get3A_380 = tpu.vector_load %arg26[%get3A_378, %get3A_379] {strides = array<i32>} : memref<200x128xf32, #tpu.memory_space<vmem>>, vector<1x16xf32>,
      %get3A_381 = vector.shape_cast %get3A_380 : vector<1x16xf32> to vector<16xf32>
      %swap3A_382 = arith.index_cast %add3A_375 : i32 to index
      %swap3A_383 = arith.constant 112 : index
      %swap3A_384 = tpu.vector_load %arg8[%swap3A_382, %swap3A_383] {strides = array<i32>} : memref<200x128xf32, #tpu.memory_space<vmem>>, vector<1x16xf32>,
      %swap3A_385 = vector.shape_cast %swap3A_384 : vector<1x16xf32> to vector<16xf32>
      %swap3A_386 = vector.shape_cast %get3A_381 : vector<16xf32> to vector<1x16xf32>
      tpu.vector_store %arg8[%swap3A_382, %swap3A_383], %swap3A_386 {add = true, strides = array<i32>} : memref<200x128xf32, #tpu.memory_space<vmem>>, vector<1x16xf32>,
      %add3A_387 = arith.constant 1 : i32
      %add3A_388 = arith.addi %mul3A_284, %add3A_387 : i32
      %add3A_389 = arith.constant 1 : i32
      %add3A_390 = arith.addi %mul3A_284, %add3A_389 : i32
      %get3A_391 = arith.index_cast %add3A_390 : i32 to index
      %get3A_392 = arith.constant 0 : index
      %get3A_393 = tpu.vector_load %arg26[%get3A_391, %get3A_392] {strides = array<i32>} : memref<200x128xf32, #tpu.memory_space<vmem>>, vector<1x16xf32>,
      %get3A_394 = vector.shape_cast %get3A_393 : vector<1x16xf32> to vector<16xf32>
      %swap3A_395 = arith.index_cast %add3A_388 : i32 to index
      %swap3A_396 = arith.constant 0 : index
      %swap3A_397 = tpu.vector_load %arg8[%swap3A_395, %swap3A_396] {strides = array<i32>} : memref<200x128xf32, #tpu.memory_space<vmem>>, vector<1x16xf32>,
      %swap3A_398 = vector.shape_cast %swap3A_397 : vector<1x16xf32> to vector<16xf32>
      %swap3A_399 = vector.shape_cast %get3A_394 : vector<16xf32> to vector<1x16xf32>
      tpu.vector_store %arg8[%swap3A_395, %swap3A_396], %swap3A_399 {add = true, strides = array<i32>} : memref<200x128xf32, #tpu.memory_space<vmem>>, vector<1x16xf32>,
      %add3A_400 = arith.constant 1 : i32
      %add3A_401 = arith.addi %mul3A_284, %add3A_400 : i32
      %add3A_402 = arith.constant 1 : i32
      %add3A_403 = arith.addi %mul3A_284, %add3A_402 : i32
      %get3A_404 = arith.index_cast %add3A_403 : i32 to index
      %get3A_405 = arith.constant 16 : index
      %get3A_406 = tpu.vector_load %arg26[%get3A_404, %get3A_405] {strides = array<i32>} : memref<200x128xf32, #tpu.memory_space<vmem>>, vector<1x16xf32>,
      %get3A_407 = vector.shape_cast %get3A_406 : vector<1x16xf32> to vector<16xf32>
      %swap3A_408 = arith.index_cast %add3A_401 : i32 to index
      %swap3A_409 = arith.constant 16 : index
      %swap3A_410 = tpu.vector_load %arg8[%swap3A_408, %swap3A_409] {strides = array<i32>} : memref<200x128xf32, #tpu.memory_space<vmem>>, vector<1x16xf32>,
      %swap3A_411 = vector.shape_cast %swap3A_410 : vector<1x16xf32> to vector<16xf32>
      %swap3A_412 = vector.shape_cast %get3A_407 : vector<16xf32> to vector<1x16xf32>
      tpu.vector_store %arg8[%swap3A_408, %swap3A_409], %swap3A_412 {add = true, strides = array<i32>} : memref<200x128xf32, #tpu.memory_space<vmem>>, vector<1x16xf32>,
      %add3A_413 = arith.constant 1 : i32
      %add3A_414 = arith.addi %mul3A_284, %add3A_413 : i32
      %add3A_415 = arith.constant 1 : i32
      %add3A_416 = arith.addi %mul3A_284, %add3A_415 : i32
      %get3A_417 = arith.index_cast %add3A_416 : i32 to index
      %get3A_418 = arith.constant 32 : index
      %get3A_419 = tpu.vector_load %arg26[%get3A_417, %get3A_418] {strides = array<i32>} : memref<200x128xf32, #tpu.memory_space<vmem>>, vector<1x16xf32>,
      %get3A_420 = vector.shape_cast %get3A_419 : vector<1x16xf32> to vector<16xf32>
      %swap3A_421 = arith.index_cast %add3A_414 : i32 to index
      %swap3A_422 = arith.constant 32 : index
      %swap3A_423 = tpu.vector_load %arg8[%swap3A_421, %swap3A_422] {strides = array<i32>} : memref<200x128xf32, #tpu.memory_space<vmem>>, vector<1x16xf32>,
      %swap3A_424 = vector.shape_cast %swap3A_423 : vector<1x16xf32> to vector<16xf32>
      %swap3A_425 = vector.shape_cast %get3A_420 : vector<16xf32> to vector<1x16xf32>
      tpu.vector_store %arg8[%swap3A_421, %swap3A_422], %swap3A_425 {add = true, strides = array<i32>} : memref<200x128xf32, #tpu.memory_space<vmem>>, vector<1x16xf32>,
      %add3A_426 = arith.constant 1 : i32
      %add3A_427 = arith.addi %mul3A_284, %add3A_426 : i32
      %add3A_428 = arith.constant 1 : i32
      %add3A_429 = arith.addi %mul3A_284, %add3A_428 : i32
      %get3A_430 = arith.index_cast %add3A_429 : i32 to index
      %get3A_431 = arith.constant 48 : index
      %get3A_432 = tpu.vector_load %arg26[%get3A_430, %get3A_431] {strides = array<i32>} : memref<200x128xf32, #tpu.memory_space<vmem>>, vector<1x16xf32>,
      %get3A_433 = vector.shape_cast %get3A_432 : vector<1x16xf32> to vector<16xf32>
      %swap3A_434 = arith.index_cast %add3A_427 : i32 to index
      %swap3A_435 = arith.constant 48 : index
      %swap3A_436 = tpu.vector_load %arg8[%swap3A_434, %swap3A_435] {strides = array<i32>} : memref<200x128xf32, #tpu.memory_space<vmem>>, vector<1x16xf32>,
      %swap3A_437 = vector.shape_cast %swap3A_436 : vector<1x16xf32> to vector<16xf32>
      %swap3A_438 = vector.shape_cast %get3A_433 : vector<16xf32> to vector<1x16xf32>
      tpu.vector_store %arg8[%swap3A_434, %swap3A_435], %swap3A_438 {add = true, strides = array<i32>} : memref<200x128xf32, #tpu.memory_space<vmem>>, vector<1x16xf32>,
      %add3A_439 = arith.constant 1 : i32
      %add3A_440 = arith.addi %mul3A_284, %add3A_439 : i32
      %add3A_441 = arith.constant 1 : i32
      %add3A_442 = arith.addi %mul3A_284, %add3A_441 : i32
      %get3A_443 = arith.index_cast %add3A_442 : i32 to index
      %get3A_444 = arith.constant 64 : index
      %get3A_445 = tpu.vector_load %arg26[%get3A_443, %get3A_444] {strides = array<i32>} : memref<200x128xf32, #tpu.memory_space<vmem>>, vector<1x16xf32>,
      %get3A_446 = vector.shape_cast %get3A_445 : vector<1x16xf32> to vector<16xf32>
      %swap3A_447 = arith.index_cast %add3A_440 : i32 to index
      %swap3A_448 = arith.constant 64 : index
      %swap3A_449 = tpu.vector_load %arg8[%swap3A_447, %swap3A_448] {strides = array<i32>} : memref<200x128xf32, #tpu.memory_space<vmem>>, vector<1x16xf32>,
      %swap3A_450 = vector.shape_cast %swap3A_449 : vector<1x16xf32> to vector<16xf32>
      %swap3A_451 = vector.shape_cast %get3A_446 : vector<16xf32> to vector<1x16xf32>
      tpu.vector_store %arg8[%swap3A_447, %swap3A_448], %swap3A_451 {add = true, strides = array<i32>} : memref<200x128xf32, #tpu.memory_space<vmem>>, vector<1x16xf32>,
      %add3A_452 = arith.constant 1 : i32
      %add3A_453 = arith.addi %mul3A_284, %add3A_452 : i32
      %add3A_454 = arith.constant 1 : i32
      %add3A_455 = arith.addi %mul3A_284, %add3A_454 : i32
      %get3A_456 = arith.index_cast %add3A_455 : i32 to index
      %get3A_457 = arith.constant 80 : index
      %get3A_458 = tpu.vector_load %arg26[%get3A_456, %get3A_457] {strides = array<i32>} : memref<200x128xf32, #tpu.memory_space<vmem>>, vector<1x16xf32>,
      %get3A_459 = vector.shape_cast %get3A_458 : vector<1x16xf32> to vector<16xf32>
      %swap3A_460 = arith.index_cast %add3A_453 : i32 to index
      %swap3A_461 = arith.constant 80 : index
      %swap3A_462 = tpu.vector_load %arg8[%swap3A_460, %swap3A_461] {strides = array<i32>} : memref<200x128xf32, #tpu.memory_space<vmem>>, vector<1x16xf32>,
      %swap3A_463 = vector.shape_cast %swap3A_462 : vector<1x16xf32> to vector<16xf32>
      %swap3A_464 = vector.shape_cast %get3A_459 : vector<16xf32> to vector<1x16xf32>
      tpu.vector_store %arg8[%swap3A_460, %swap3A_461], %swap3A_464 {add = true, strides = array<i32>} : memref<200x128xf32, #tpu.memory_space<vmem>>, vector<1x16xf32>,
      %add3A_465 = arith.constant 1 : i32
      %add3A_466 = arith.addi %mul3A_284, %add3A_465 : i32
      %add3A_467 = arith.constant 1 : i32
      %add3A_468 = arith.addi %mul3A_284, %add3A_467 : i32
      %get3A_469 = arith.index_cast %add3A_468 : i32 to index
      %get3A_470 = arith.constant 96 : index
      %get3A_471 = tpu.vector_load %arg26[%get3A_469, %get3A_470] {strides = array<i32>} : memref<200x128xf32, #tpu.memory_space<vmem>>, vector<1x16xf32>,
      %get3A_472 = vector.shape_cast %get3A_471 : vector<1x16xf32> to vector<16xf32>
      %swap3A_473 = arith.index_cast %add3A_466 : i32 to index
      %swap3A_474 = arith.constant 96 : index
      %swap3A_475 = tpu.vector_load %arg8[%swap3A_473, %swap3A_474] {strides = array<i32>} : memref<200x128xf32, #tpu.memory_space<vmem>>, vector<1x16xf32>,
      %swap3A_476 = vector.shape_cast %swap3A_475 : vector<1x16xf32> to vector<16xf32>
      %swap3A_477 = vector.shape_cast %get3A_472 : vector<16xf32> to vector<1x16xf32>
      tpu.vector_store %arg8[%swap3A_473, %swap3A_474], %swap3A_477 {add = true, strides = array<i32>} : memref<200x128xf32, #tpu.memory_space<vmem>>, vector<1x16xf32>,
      %add3A_478 = arith.constant 1 : i32
      %add3A_479 = arith.addi %mul3A_284, %add3A_478 : i32
      %add3A_480 = arith.constant 1 : i32
      %add3A_481 = arith.addi %mul3A_284, %add3A_480 : i32
      %get3A_482 = arith.index_cast %add3A_481 : i32 to index
      %get3A_483 = arith.constant 112 : index
      %get3A_484 = tpu.vector_load %arg26[%get3A_482, %get3A_483] {strides = array<i32>} : memref<200x128xf32, #tpu.memory_space<vmem>>, vector<1x16xf32>,
      %get3A_485 = vector.shape_cast %get3A_484 : vector<1x16xf32> to vector<16xf32>
      %swap3A_486 = arith.index_cast %add3A_479 : i32 to index
      %swap3A_487 = arith.constant 112 : index
      %swap3A_488 = tpu.vector_load %arg8[%swap3A_486, %swap3A_487] {strides = array<i32>} : memref<200x128xf32, #tpu.memory_space<vmem>>, vector<1x16xf32>,
      %swap3A_489 = vector.shape_cast %swap3A_488 : vector<1x16xf32> to vector<16xf32>
      %swap3A_490 = vector.shape_cast %get3A_485 : vector<16xf32> to vector<1x16xf32>
      tpu.vector_store %arg8[%swap3A_486, %swap3A_487], %swap3A_490 {add = true, strides = array<i32>} : memref<200x128xf32, #tpu.memory_space<vmem>>, vector<1x16xf32>,
      %add3A_491 = arith.constant 2 : i32
      %add3A_492 = arith.addi %mul3A_284, %add3A_491 : i32
      %add3A_493 = arith.constant 2 : i32
      %add3A_494 = arith.addi %mul3A_284, %add3A_493 : i32
      %get3A_495 = arith.index_cast %add3A_494 : i32 to index
      %get3A_496 = arith.constant 0 : index
      %get3A_497 = tpu.vector_load %arg26[%get3A_495, %get3A_496] {strides = array<i32>} : memref<200x128xf32, #tpu.memory_space<vmem>>, vector<1x16xf32>,
      %get3A_498 = vector.shape_cast %get3A_497 : vector<1x16xf32> to vector<16xf32>
      %swap3A_499 = arith.index_cast %add3A_492 : i32 to index
      %swap3A_500 = arith.constant 0 : index
      %swap3A_501 = tpu.vector_load %arg8[%swap3A_499, %swap3A_500] {strides = array<i32>} : memref<200x128xf32, #tpu.memory_space<vmem>>, vector<1x16xf32>,
      %swap3A_502 = vector.shape_cast %swap3A_501 : vector<1x16xf32> to vector<16xf32>
      %swap3A_503 = vector.shape_cast %get3A_498 : vector<16xf32> to vector<1x16xf32>
      tpu.vector_store %arg8[%swap3A_499, %swap3A_500], %swap3A_503 {add = true, strides = array<i32>} : memref<200x128xf32, #tpu.memory_space<vmem>>, vector<1x16xf32>,
      %add3A_504 = arith.constant 2 : i32
      %add3A_505 = arith.addi %mul3A_284, %add3A_504 : i32
      %add3A_506 = arith.constant 2 : i32
      %add3A_507 = arith.addi %mul3A_284, %add3A_506 : i32
      %get3A_508 = arith.index_cast %add3A_507 : i32 to index
      %get3A_509 = arith.constant 16 : index
      %get3A_510 = tpu.vector_load %arg26[%get3A_508, %get3A_509] {strides = array<i32>} : memref<200x128xf32, #tpu.memory_space<vmem>>, vector<1x16xf32>,
      %get3A_511 = vector.shape_cast %get3A_510 : vector<1x16xf32> to vector<16xf32>
      %swap3A_512 = arith.index_cast %add3A_505 : i32 to index
      %swap3A_513 = arith.constant 16 : index
      %swap3A_514 = tpu.vector_load %arg8[%swap3A_512, %swap3A_513] {strides = array<i32>} : memref<200x128xf32, #tpu.memory_space<vmem>>, vector<1x16xf32>,
      %swap3A_515 = vector.shape_cast %swap3A_514 : vector<1x16xf32> to vector<16xf32>
      %swap3A_516 = vector.shape_cast %get3A_511 : vector<16xf32> to vector<1x16xf32>
      tpu.vector_store %arg8[%swap3A_512, %swap3A_513], %swap3A_516 {add = true, strides = array<i32>} : memref<200x128xf32, #tpu.memory_space<vmem>>, vector<1x16xf32>,
      %add3A_517 = arith.constant 2 : i32
      %add3A_518 = arith.addi %mul3A_284, %add3A_517 : i32
      %add3A_519 = arith.constant 2 : i32
      %add3A_520 = arith.addi %mul3A_284, %add3A_519 : i32
      %get3A_521 = arith.index_cast %add3A_520 : i32 to index
      %get3A_522 = arith.constant 32 : index
      %get3A_523 = tpu.vector_load %arg26[%get3A_521, %get3A_522] {strides = array<i32>} : memref<200x128xf32, #tpu.memory_space<vmem>>, vector<1x16xf32>,
      %get3A_524 = vector.shape_cast %get3A_523 : vector<1x16xf32> to vector<16xf32>
      %swap3A_525 = arith.index_cast %add3A_518 : i32 to index
      %swap3A_526 = arith.constant 32 : index
      %swap3A_527 = tpu.vector_load %arg8[%swap3A_525, %swap3A_526] {strides = array<i32>} : memref<200x128xf32, #tpu.memory_space<vmem>>, vector<1x16xf32>,
      %swap3A_528 = vector.shape_cast %swap3A_527 : vector<1x16xf32> to vector<16xf32>
      %swap3A_529 = vector.shape_cast %get3A_524 : vector<16xf32> to vector<1x16xf32>
      tpu.vector_store %arg8[%swap3A_525, %swap3A_526], %swap3A_529 {add = true, strides = array<i32>} : memref<200x128xf32, #tpu.memory_space<vmem>>, vector<1x16xf32>,
      %add3A_530 = arith.constant 2 : i32
      %add3A_531 = arith.addi %mul3A_284, %add3A_530 : i32
      %add3A_532 = arith.constant 2 : i32
      %add3A_533 = arith.addi %mul3A_284, %add3A_532 : i32
      %get3A_534 = arith.index_cast %add3A_533 : i32 to index
      %get3A_535 = arith.constant 48 : index
      %get3A_536 = tpu.vector_load %arg26[%get3A_534, %get3A_535] {strides = array<i32>} : memref<200x128xf32, #tpu.memory_space<vmem>>, vector<1x16xf32>,
      %get3A_537 = vector.shape_cast %get3A_536 : vector<1x16xf32> to vector<16xf32>
      %swap3A_538 = arith.index_cast %add3A_531 : i32 to index
      %swap3A_539 = arith.constant 48 : index
      %swap3A_540 = tpu.vector_load %arg8[%swap3A_538, %swap3A_539] {strides = array<i32>} : memref<200x128xf32, #tpu.memory_space<vmem>>, vector<1x16xf32>,
      %swap3A_541 = vector.shape_cast %swap3A_540 : vector<1x16xf32> to vector<16xf32>
      %swap3A_542 = vector.shape_cast %get3A_537 : vector<16xf32> to vector<1x16xf32>
      tpu.vector_store %arg8[%swap3A_538, %swap3A_539], %swap3A_542 {add = true, strides = array<i32>} : memref<200x128xf32, #tpu.memory_space<vmem>>, vector<1x16xf32>,
      %add3A_543 = arith.constant 2 : i32
      %add3A_544 = arith.addi %mul3A_284, %add3A_543 : i32
      %add3A_545 = arith.constant 2 : i32
      %add3A_546 = arith.addi %mul3A_284, %add3A_545 : i32
      %get3A_547 = arith.index_cast %add3A_546 : i32 to index
      %get3A_548 = arith.constant 64 : index
      %get3A_549 = tpu.vector_load %arg26[%get3A_547, %get3A_548] {strides = array<i32>} : memref<200x128xf32, #tpu.memory_space<vmem>>, vector<1x16xf32>,
      %get3A_550 = vector.shape_cast %get3A_549 : vector<1x16xf32> to vector<16xf32>
      %swap3A_551 = arith.index_cast %add3A_544 : i32 to index
      %swap3A_552 = arith.constant 64 : index
      %swap3A_553 = tpu.vector_load %arg8[%swap3A_551, %swap3A_552] {strides = array<i32>} : memref<200x128xf32, #tpu.memory_space<vmem>>, vector<1x16xf32>,
      %swap3A_554 = vector.shape_cast %swap3A_553 : vector<1x16xf32> to vector<16xf32>
      %swap3A_555 = vector.shape_cast %get3A_550 : vector<16xf32> to vector<1x16xf32>
      tpu.vector_store %arg8[%swap3A_551, %swap3A_552], %swap3A_555 {add = true, strides = array<i32>} : memref<200x128xf32, #tpu.memory_space<vmem>>, vector<1x16xf32>,
      %add3A_556 = arith.constant 2 : i32
      %add3A_557 = arith.addi %mul3A_284, %add3A_556 : i32
      %add3A_558 = arith.constant 2 : i32
      %add3A_559 = arith.addi %mul3A_284, %add3A_558 : i32
      %get3A_560 = arith.index_cast %add3A_559 : i32 to index
      %get3A_561 = arith.constant 80 : index
      %get3A_562 = tpu.vector_load %arg26[%get3A_560, %get3A_561] {strides = array<i32>} : memref<200x128xf32, #tpu.memory_space<vmem>>, vector<1x16xf32>,
      %get3A_563 = vector.shape_cast %get3A_562 : vector<1x16xf32> to vector<16xf32>
      %swap3A_564 = arith.index_cast %add3A_557 : i32 to index
      %swap3A_565 = arith.constant 80 : index
      %swap3A_566 = tpu.vector_load %arg8[%swap3A_564, %swap3A_565] {strides = array<i32>} : memref<200x128xf32, #tpu.memory_space<vmem>>, vector<1x16xf32>,
      %swap3A_567 = vector.shape_cast %swap3A_566 : vector<1x16xf32> to vector<16xf32>
      %swap3A_568 = vector.shape_cast %get3A_563 : vector<16xf32> to vector<1x16xf32>
      tpu.vector_store %arg8[%swap3A_564, %swap3A_565], %swap3A_568 {add = true, strides = array<i32>} : memref<200x128xf32, #tpu.memory_space<vmem>>, vector<1x16xf32>,
      %add3A_569 = arith.constant 2 : i32
      %add3A_570 = arith.addi %mul3A_284, %add3A_569 : i32
      %add3A_571 = arith.constant 2 : i32
      %add3A_572 = arith.addi %mul3A_284, %add3A_571 : i32
      %get3A_573 = arith.index_cast %add3A_572 : i32 to index
      %get3A_574 = arith.constant 96 : index
      %get3A_575 = tpu.vector_load %arg26[%get3A_573, %get3A_574] {strides = array<i32>} : memref<200x128xf32, #tpu.memory_space<vmem>>, vector<1x16xf32>,
      %get3A_576 = vector.shape_cast %get3A_575 : vector<1x16xf32> to vector<16xf32>
      %swap3A_577 = arith.index_cast %add3A_570 : i32 to index
      %swap3A_578 = arith.constant 96 : index
      %swap3A_579 = tpu.vector_load %arg8[%swap3A_577, %swap3A_578] {strides = array<i32>} : memref<200x128xf32, #tpu.memory_space<vmem>>, vector<1x16xf32>,
      %swap3A_580 = vector.shape_cast %swap3A_579 : vector<1x16xf32> to vector<16xf32>
      %swap3A_581 = vector.shape_cast %get3A_576 : vector<16xf32> to vector<1x16xf32>
      tpu.vector_store %arg8[%swap3A_577, %swap3A_578], %swap3A_581 {add = true, strides = array<i32>} : memref<200x128xf32, #tpu.memory_space<vmem>>, vector<1x16xf32>,
      %add3A_582 = arith.constant 2 : i32
      %add3A_583 = arith.addi %mul3A_284, %add3A_582 : i32
      %add3A_584 = arith.constant 2 : i32
      %add3A_585 = arith.addi %mul3A_284, %add3A_584 : i32
      %get3A_586 = arith.index_cast %add3A_585 : i32 to index
      %get3A_587 = arith.constant 112 : index
      %get3A_588 = tpu.vector_load %arg26[%get3A_586, %get3A_587] {strides = array<i32>} : memref<200x128xf32, #tpu.memory_space<vmem>>, vector<1x16xf32>,
      %get3A_589 = vector.shape_cast %get3A_588 : vector<1x16xf32> to vector<16xf32>
      %swap3A_590 = arith.index_cast %add3A_583 : i32 to index
      %swap3A_591 = arith.constant 112 : index
      %swap3A_592 = tpu.vector_load %arg8[%swap3A_590, %swap3A_591] {strides = array<i32>} : memref<200x128xf32, #tpu.memory_space<vmem>>, vector<1x16xf32>,
      %swap3A_593 = vector.shape_cast %swap3A_592 : vector<1x16xf32> to vector<16xf32>
      %swap3A_594 = vector.shape_cast %get3A_589 : vector<16xf32> to vector<1x16xf32>
      tpu.vector_store %arg8[%swap3A_590, %swap3A_591], %swap3A_594 {add = true, strides = array<i32>} : memref<200x128xf32, #tpu.memory_space<vmem>>, vector<1x16xf32>,
      %add3A_595 = arith.constant 3 : i32
      %add3A_596 = arith.addi %mul3A_284, %add3A_595 : i32
      %add3A_597 = arith.constant 3 : i32
      %add3A_598 = arith.addi %mul3A_284, %add3A_597 : i32
      %get3A_599 = arith.index_cast %add3A_598 : i32 to index
      %get3A_600 = arith.constant 0 : index
      %get3A_601 = tpu.vector_load %arg26[%get3A_599, %get3A_600] {strides = array<i32>} : memref<200x128xf32, #tpu.memory_space<vmem>>, vector<1x16xf32>,
      %get3A_602 = vector.shape_cast %get3A_601 : vector<1x16xf32> to vector<16xf32>
      %swap3A_603 = arith.index_cast %add3A_596 : i32 to index
      %swap3A_604 = arith.constant 0 : index
      %swap3A_605 = tpu.vector_load %arg8[%swap3A_603, %swap3A_604] {strides = array<i32>} : memref<200x128xf32, #tpu.memory_space<vmem>>, vector<1x16xf32>,
      %swap3A_606 = vector.shape_cast %swap3A_605 : vector<1x16xf32> to vector<16xf32>
      %swap3A_607 = vector.shape_cast %get3A_602 : vector<16xf32> to vector<1x16xf32>
      tpu.vector_store %arg8[%swap3A_603, %swap3A_604], %swap3A_607 {add = true, strides = array<i32>} : memref<200x128xf32, #tpu.memory_space<vmem>>, vector<1x16xf32>,
      %add3A_608 = arith.constant 3 : i32
      %add3A_609 = arith.addi %mul3A_284, %add3A_608 : i32
      %add3A_610 = arith.constant 3 : i32
      %add3A_611 = arith.addi %mul3A_284, %add3A_610 : i32
      %get3A_612 = arith.index_cast %add3A_611 : i32 to index
      %get3A_613 = arith.constant 16 : index
      %get3A_614 = tpu.vector_load %arg26[%get3A_612, %get3A_613] {strides = array<i32>} : memref<200x128xf32, #tpu.memory_space<vmem>>, vector<1x16xf32>,
      %get3A_615 = vector.shape_cast %get3A_614 : vector<1x16xf32> to vector<16xf32>
      %swap3A_616 = arith.index_cast %add3A_609 : i32 to index
      %swap3A_617 = arith.constant 16 : index
      %swap3A_618 = tpu.vector_load %arg8[%swap3A_616, %swap3A_617] {strides = array<i32>} : memref<200x128xf32, #tpu.memory_space<vmem>>, vector<1x16xf32>,
      %swap3A_619 = vector.shape_cast %swap3A_618 : vector<1x16xf32> to vector<16xf32>
      %swap3A_620 = vector.shape_cast %get3A_615 : vector<16xf32> to vector<1x16xf32>
      tpu.vector_store %arg8[%swap3A_616, %swap3A_617], %swap3A_620 {add = true, strides = array<i32>} : memref<200x128xf32, #tpu.memory_space<vmem>>, vector<1x16xf32>,
      %add3A_621 = arith.constant 3 : i32
      %add3A_622 = arith.addi %mul3A_284, %add3A_621 : i32
      %add3A_623 = arith.constant 3 : i32
      %add3A_624 = arith.addi %mul3A_284, %add3A_623 : i32
      %get3A_625 = arith.index_cast %add3A_624 : i32 to index
      %get3A_626 = arith.constant 32 : index
      %get3A_627 = tpu.vector_load %arg26[%get3A_625, %get3A_626] {strides = array<i32>} : memref<200x128xf32, #tpu.memory_space<vmem>>, vector<1x16xf32>,
      %get3A_628 = vector.shape_cast %get3A_627 : vector<1x16xf32> to vector<16xf32>
      %swap3A_629 = arith.index_cast %add3A_622 : i32 to index
      %swap3A_630 = arith.constant 32 : index
      %swap3A_631 = tpu.vector_load %arg8[%swap3A_629, %swap3A_630] {strides = array<i32>} : memref<200x128xf32, #tpu.memory_space<vmem>>, vector<1x16xf32>,
      %swap3A_632 = vector.shape_cast %swap3A_631 : vector<1x16xf32> to vector<16xf32>
      %swap3A_633 = vector.shape_cast %get3A_628 : vector<16xf32> to vector<1x16xf32>
      tpu.vector_store %arg8[%swap3A_629, %swap3A_630], %swap3A_633 {add = true, strides = array<i32>} : memref<200x128xf32, #tpu.memory_space<vmem>>, vector<1x16xf32>,
      %add3A_634 = arith.constant 3 : i32
      %add3A_635 = arith.addi %mul3A_284, %add3A_634 : i32
      %add3A_636 = arith.constant 3 : i32
      %add3A_637 = arith.addi %mul3A_284, %add3A_636 : i32
      %get3A_638 = arith.index_cast %add3A_637 : i32 to index
      %get3A_639 = arith.constant 48 : index
      %get3A_640 = tpu.vector_load %arg26[%get3A_638, %get3A_639] {strides = array<i32>} : memref<200x128xf32, #tpu.memory_space<vmem>>, vector<1x16xf32>,
      %get3A_641 = vector.shape_cast %get3A_640 : vector<1x16xf32> to vector<16xf32>
      %swap3A_642 = arith.index_cast %add3A_635 : i32 to index
      %swap3A_643 = arith.constant 48 : index
      %swap3A_644 = tpu.vector_load %arg8[%swap3A_642, %swap3A_643] {strides = array<i32>} : memref<200x128xf32, #tpu.memory_space<vmem>>, vector<1x16xf32>,
      %swap3A_645 = vector.shape_cast %swap3A_644 : vector<1x16xf32> to vector<16xf32>
      %swap3A_646 = vector.shape_cast %get3A_641 : vector<16xf32> to vector<1x16xf32>
      tpu.vector_store %arg8[%swap3A_642, %swap3A_643], %swap3A_646 {add = true, strides = array<i32>} : memref<200x128xf32, #tpu.memory_space<vmem>>, vector<1x16xf32>,
      %add3A_647 = arith.constant 3 : i32
      %add3A_648 = arith.addi %mul3A_284, %add3A_647 : i32
      %add3A_649 = arith.constant 3 : i32
      %add3A_650 = arith.addi %mul3A_284, %add3A_649 : i32
      %get3A_651 = arith.index_cast %add3A_650 : i32 to index
      %get3A_652 = arith.constant 64 : index
      %get3A_653 = tpu.vector_load %arg26[%get3A_651, %get3A_652] {strides = array<i32>} : memref<200x128xf32, #tpu.memory_space<vmem>>, vector<1x16xf32>,
      %get3A_654 = vector.shape_cast %get3A_653 : vector<1x16xf32> to vector<16xf32>
      %swap3A_655 = arith.index_cast %add3A_648 : i32 to index
      %swap3A_656 = arith.constant 64 : index
      %swap3A_657 = tpu.vector_load %arg8[%swap3A_655, %swap3A_656] {strides = array<i32>} : memref<200x128xf32, #tpu.memory_space<vmem>>, vector<1x16xf32>,
      %swap3A_658 = vector.shape_cast %swap3A_657 : vector<1x16xf32> to vector<16xf32>
      %swap3A_659 = vector.shape_cast %get3A_654 : vector<16xf32> to vector<1x16xf32>
      tpu.vector_store %arg8[%swap3A_655, %swap3A_656], %swap3A_659 {add = true, strides = array<i32>} : memref<200x128xf32, #tpu.memory_space<vmem>>, vector<1x16xf32>,
      %add3A_660 = arith.constant 3 : i32
      %add3A_661 = arith.addi %mul3A_284, %add3A_660 : i32
      %add3A_662 = arith.constant 3 : i32
      %add3A_663 = arith.addi %mul3A_284, %add3A_662 : i32
      %get3A_664 = arith.index_cast %add3A_663 : i32 to index
      %get3A_665 = arith.constant 80 : index
      %get3A_666 = tpu.vector_load %arg26[%get3A_664, %get3A_665] {strides = array<i32>} : memref<200x128xf32, #tpu.memory_space<vmem>>, vector<1x16xf32>,
      %get3A_667 = vector.shape_cast %get3A_666 : vector<1x16xf32> to vector<16xf32>
      %swap3A_668 = arith.index_cast %add3A_661 : i32 to index
      %swap3A_669 = arith.constant 80 : index
      %swap3A_670 = tpu.vector_load %arg8[%swap3A_668, %swap3A_669] {strides = array<i32>} : memref<200x128xf32, #tpu.memory_space<vmem>>, vector<1x16xf32>,
      %swap3A_671 = vector.shape_cast %swap3A_670 : vector<1x16xf32> to vector<16xf32>
      %swap3A_672 = vector.shape_cast %get3A_667 : vector<16xf32> to vector<1x16xf32>
      tpu.vector_store %arg8[%swap3A_668, %swap3A_669], %swap3A_672 {add = true, strides = array<i32>} : memref<200x128xf32, #tpu.memory_space<vmem>>, vector<1x16xf32>,
      %add3A_673 = arith.constant 3 : i32
      %add3A_674 = arith.addi %mul3A_284, %add3A_673 : i32
      %add3A_675 = arith.constant 3 : i32
      %add3A_676 = arith.addi %mul3A_284, %add3A_675 : i32
      %get3A_677 = arith.index_cast %add3A_676 : i32 to index
      %get3A_678 = arith.constant 96 : index
      %get3A_679 = tpu.vector_load %arg26[%get3A_677, %get3A_678] {strides = array<i32>} : memref<200x128xf32, #tpu.memory_space<vmem>>, vector<1x16xf32>,
      %get3A_680 = vector.shape_cast %get3A_679 : vector<1x16xf32> to vector<16xf32>
      %swap3A_681 = arith.index_cast %add3A_674 : i32 to index
      %swap3A_682 = arith.constant 96 : index
      %swap3A_683 = tpu.vector_load %arg8[%swap3A_681, %swap3A_682] {strides = array<i32>} : memref<200x128xf32, #tpu.memory_space<vmem>>, vector<1x16xf32>,
      %swap3A_684 = vector.shape_cast %swap3A_683 : vector<1x16xf32> to vector<16xf32>
      %swap3A_685 = vector.shape_cast %get3A_680 : vector<16xf32> to vector<1x16xf32>
      tpu.vector_store %arg8[%swap3A_681, %swap3A_682], %swap3A_685 {add = true, strides = array<i32>} : memref<200x128xf32, #tpu.memory_space<vmem>>, vector<1x16xf32>,
      %add3A_686 = arith.constant 3 : i32
      %add3A_687 = arith.addi %mul3A_284, %add3A_686 : i32
      %add3A_688 = arith.constant 3 : i32
      %add3A_689 = arith.addi %mul3A_284, %add3A_688 : i32
      %get3A_690 = arith.index_cast %add3A_689 : i32 to index
      %get3A_691 = arith.constant 112 : index
      %get3A_692 = tpu.vector_load %arg26[%get3A_690, %get3A_691] {strides = array<i32>} : memref<200x128xf32, #tpu.memory_space<vmem>>, vector<1x16xf32>,
      %get3A_693 = vector.shape_cast %get3A_692 : vector<1x16xf32> to vector<16xf32>
      %swap3A_694 = arith.index_cast %add3A_687 : i32 to index
      %swap3A_695 = arith.constant 112 : index
      %swap3A_696 = tpu.vector_load %arg8[%swap3A_694, %swap3A_695] {strides = array<i32>} : memref<200x128xf32, #tpu.memory_space<vmem>>, vector<1x16xf32>,
      %swap3A_697 = vector.shape_cast %swap3A_696 : vector<1x16xf32> to vector<16xf32>
      %swap3A_698 = vector.shape_cast %get3A_693 : vector<16xf32> to vector<1x16xf32>
      tpu.vector_store %arg8[%swap3A_694, %swap3A_695], %swap3A_698 {add = true, strides = array<i32>} : memref<200x128xf32, #tpu.memory_space<vmem>>, vector<1x16xf32>,
    }
    %scan3A_219 = arith.constant 50 : i32
    %add3A_220 = arith.constant 126 : i32
    %add3A_221 = arith.addi %mul3A_2, %add3A_220 : i32
    %mul3A_222 = arith.constant 200 : i32
    %mul3A_223 = arith.muli %add3A_221, %mul3A_222 : i32
    %dma_start3A_224 = arith.constant 0 : i32
    %dma_start3A_225 = tpu.memref_slice %arg5[%mul3A_223, %dma_start3A_224] : memref<819200x128xf32, #tpu.memory_space<hbm>> -> memref<200x128xf32, #tpu.memory_space<hbm>>
    %dma_start3A_226 = arith.constant 0 : i32
    %dma_start3A_227 = tpu.memref_slice %arg5[%mul3A_223, %dma_start3A_226] : memref<819200x128xf32, #tpu.memory_space<hbm>> -> memref<200x128xf32, #tpu.memory_space<hbm>>
    tpu.enqueue_dma source(%arg8 : memref<200x128xf32, #tpu.memory_space<vmem>>) target(%dma_start3A_227 : memref<200x128xf32, #tpu.memory_space<hbm>>) target_semaphore(%arg20 : memref<!tpu.dma_semaphore, #tpu.memory_space<semaphore_mem>>)
    %dma_wait3A_228 = arith.constant 0 : i32
    %dma_wait3A_229 = arith.constant 0 : i32
    %dma_wait3A_230 = tpu.memref_slice %arg9[%dma_wait3A_228, %dma_wait3A_229] : memref<200x128xf32, #tpu.memory_space<vmem>> -> memref<128x128xf32, #tpu.memory_space<vmem>>
    %dma_wait3A_231 = arith.constant 0 : i32
    %dma_wait3A_232 = tpu.memref_slice %arg13[%dma_wait3A_231] : memref<200xi32, #tpu.memory_space<vmem>> -> memref<128xi32, #tpu.memory_space<vmem>>
    %dma_wait3A_233 = arith.constant 0 : i32
    %dma_wait3A_234 = arith.constant 0 : i32
    %dma_wait3A_235 = tpu.memref_slice %arg3[%dma_wait3A_233, %dma_wait3A_234] : memref<100000x128xf32, #tpu.memory_space<hbm>> -> memref<100000x128xf32, #tpu.memory_space<hbm>>
    tpu.wait_indirect_dma semaphore(%arg17 : memref<!tpu.dma_semaphore, #tpu.memory_space<semaphore_mem>>) src(%dma_wait3A_235 : memref<100000x128xf32, #tpu.memory_space<hbm>>) dst(%dma_wait3A_230 : memref<128x128xf32, #tpu.memory_space<vmem>>)
    %dma_wait3A_236 = arith.constant 128 : i32
    %dma_wait3A_237 = arith.constant 0 : i32
    %dma_wait3A_238 = tpu.memref_slice %arg9[%dma_wait3A_236, %dma_wait3A_237] : memref<200x128xf32, #tpu.memory_space<vmem>> -> memref<72x128xf32, #tpu.memory_space<vmem>>
    %dma_wait3A_239 = arith.constant 128 : i32
    %dma_wait3A_240 = tpu.memref_slice %arg13[%dma_wait3A_239] : memref<200xi32, #tpu.memory_space<vmem>> -> memref<72xi32, #tpu.memory_space<vmem>>
    %dma_wait3A_241 = arith.constant 0 : i32
    %dma_wait3A_242 = arith.constant 0 : i32
    %dma_wait3A_243 = tpu.memref_slice %arg3[%dma_wait3A_241, %dma_wait3A_242] : memref<100000x128xf32, #tpu.memory_space<hbm>> -> memref<100000x128xf32, #tpu.memory_space<hbm>>
    tpu.wait_indirect_dma semaphore(%arg17 : memref<!tpu.dma_semaphore, #tpu.memory_space<semaphore_mem>>) src(%dma_wait3A_243 : memref<100000x128xf32, #tpu.memory_space<hbm>>) dst(%dma_wait3A_238 : memref<72x128xf32, #tpu.memory_space<vmem>>)
    %scan3A_244 = arith.constant 0 : i32
    %scan3A_245 = arith.constant 0 : i32
    %scan3A_246 = arith.constant 50 : i32
    %scan3A_247 = arith.addi %scan3A_245, %scan3A_246 : i32
    %scan3A_248 = arith.constant 1 : i32
    scf.for %scan3A_282 = %scan3A_245 to %scan3A_247 step %scan3A_248  : i32 {
      %mul3A_283 = arith.constant 4 : i32
      %mul3A_284 = arith.muli %scan3A_282, %mul3A_283 : i32
      %add3A_285 = arith.constant 0 : i32
      %add3A_286 = arith.addi %mul3A_284, %add3A_285 : i32
      %add3A_287 = arith.constant 0 : i32
      %add3A_288 = arith.addi %mul3A_284, %add3A_287 : i32
      %get3A = arith.index_cast %add3A_288 : i32 to index
      %get3A_289 = arith.constant 0 : index
      %get3A_290 = tpu.vector_load %arg26[%get3A, %get3A_289] {strides = array<i32>} : memref<200x128xf32, #tpu.memory_space<vmem>>, vector<1x16xf32>,
      %get3A_291 = vector.shape_cast %get3A_290 : vector<1x16xf32> to vector<16xf32>
      %swap3A = arith.index_cast %add3A_286 : i32 to index
      %swap3A_292 = arith.constant 0 : index
      %swap3A_293 = tpu.vector_load %arg9[%swap3A, %swap3A_292] {strides = array<i32>} : memref<200x128xf32, #tpu.memory_space<vmem>>, vector<1x16xf32>,
      %swap3A_294 = vector.shape_cast %swap3A_293 : vector<1x16xf32> to vector<16xf32>
      %swap3A_295 = vector.shape_cast %get3A_291 : vector<16xf32> to vector<1x16xf32>
      tpu.vector_store %arg9[%swap3A, %swap3A_292], %swap3A_295 {add = true, strides = array<i32>} : memref<200x128xf32, #tpu.memory_space<vmem>>, vector<1x16xf32>,
      %add3A_296 = arith.constant 0 : i32
      %add3A_297 = arith.addi %mul3A_284, %add3A_296 : i32
      %add3A_298 = arith.constant 0 : i32
      %add3A_299 = arith.addi %mul3A_284, %add3A_298 : i32
      %get3A_300 = arith.index_cast %add3A_299 : i32 to index
      %get3A_301 = arith.constant 16 : index
      %get3A_302 = tpu.vector_load %arg26[%get3A_300, %get3A_301] {strides = array<i32>} : memref<200x128xf32, #tpu.memory_space<vmem>>, vector<1x16xf32>,
      %get3A_303 = vector.shape_cast %get3A_302 : vector<1x16xf32> to vector<16xf32>
      %swap3A_304 = arith.index_cast %add3A_297 : i32 to index
      %swap3A_305 = arith.constant 16 : index
      %swap3A_306 = tpu.vector_load %arg9[%swap3A_304, %swap3A_305] {strides = array<i32>} : memref<200x128xf32, #tpu.memory_space<vmem>>, vector<1x16xf32>,
      %swap3A_307 = vector.shape_cast %swap3A_306 : vector<1x16xf32> to vector<16xf32>
      %swap3A_308 = vector.shape_cast %get3A_303 : vector<16xf32> to vector<1x16xf32>
      tpu.vector_store %arg9[%swap3A_304, %swap3A_305], %swap3A_308 {add = true, strides = array<i32>} : memref<200x128xf32, #tpu.memory_space<vmem>>, vector<1x16xf32>,
      %add3A_309 = arith.constant 0 : i32
      %add3A_310 = arith.addi %mul3A_284, %add3A_309 : i32
      %add3A_311 = arith.constant 0 : i32
      %add3A_312 = arith.addi %mul3A_284, %add3A_311 : i32
      %get3A_313 = arith.index_cast %add3A_312 : i32 to index
      %get3A_314 = arith.constant 32 : index
      %get3A_315 = tpu.vector_load %arg26[%get3A_313, %get3A_314] {strides = array<i32>} : memref<200x128xf32, #tpu.memory_space<vmem>>, vector<1x16xf32>,
      %get3A_316 = vector.shape_cast %get3A_315 : vector<1x16xf32> to vector<16xf32>
      %swap3A_317 = arith.index_cast %add3A_310 : i32 to index
      %swap3A_318 = arith.constant 32 : index
      %swap3A_319 = tpu.vector_load %arg9[%swap3A_317, %swap3A_318] {strides = array<i32>} : memref<200x128xf32, #tpu.memory_space<vmem>>, vector<1x16xf32>,
      %swap3A_320 = vector.shape_cast %swap3A_319 : vector<1x16xf32> to vector<16xf32>
      %swap3A_321 = vector.shape_cast %get3A_316 : vector<16xf32> to vector<1x16xf32>
      tpu.vector_store %arg9[%swap3A_317, %swap3A_318], %swap3A_321 {add = true, strides = array<i32>} : memref<200x128xf32, #tpu.memory_space<vmem>>, vector<1x16xf32>,
      %add3A_322 = arith.constant 0 : i32
      %add3A_323 = arith.addi %mul3A_284, %add3A_322 : i32
      %add3A_324 = arith.constant 0 : i32
      %add3A_325 = arith.addi %mul3A_284, %add3A_324 : i32
      %get3A_326 = arith.index_cast %add3A_325 : i32 to index
      %get3A_327 = arith.constant 48 : index
      %get3A_328 = tpu.vector_load %arg26[%get3A_326, %get3A_327] {strides = array<i32>} : memref<200x128xf32, #tpu.memory_space<vmem>>, vector<1x16xf32>,
      %get3A_329 = vector.shape_cast %get3A_328 : vector<1x16xf32> to vector<16xf32>
      %swap3A_330 = arith.index_cast %add3A_323 : i32 to index
      %swap3A_331 = arith.constant 48 : index
      %swap3A_332 = tpu.vector_load %arg9[%swap3A_330, %swap3A_331] {strides = array<i32>} : memref<200x128xf32, #tpu.memory_space<vmem>>, vector<1x16xf32>,
      %swap3A_333 = vector.shape_cast %swap3A_332 : vector<1x16xf32> to vector<16xf32>
      %swap3A_334 = vector.shape_cast %get3A_329 : vector<16xf32> to vector<1x16xf32>
      tpu.vector_store %arg9[%swap3A_330, %swap3A_331], %swap3A_334 {add = true, strides = array<i32>} : memref<200x128xf32, #tpu.memory_space<vmem>>, vector<1x16xf32>,
      %add3A_335 = arith.constant 0 : i32
      %add3A_336 = arith.addi %mul3A_284, %add3A_335 : i32
      %add3A_337 = arith.constant 0 : i32
      %add3A_338 = arith.addi %mul3A_284, %add3A_337 : i32
      %get3A_339 = arith.index_cast %add3A_338 : i32 to index
      %get3A_340 = arith.constant 64 : index
      %get3A_341 = tpu.vector_load %arg26[%get3A_339, %get3A_340] {strides = array<i32>} : memref<200x128xf32, #tpu.memory_space<vmem>>, vector<1x16xf32>,
      %get3A_342 = vector.shape_cast %get3A_341 : vector<1x16xf32> to vector<16xf32>
      %swap3A_343 = arith.index_cast %add3A_336 : i32 to index
      %swap3A_344 = arith.constant 64 : index
      %swap3A_345 = tpu.vector_load %arg9[%swap3A_343, %swap3A_344] {strides = array<i32>} : memref<200x128xf32, #tpu.memory_space<vmem>>, vector<1x16xf32>,
      %swap3A_346 = vector.shape_cast %swap3A_345 : vector<1x16xf32> to vector<16xf32>
      %swap3A_347 = vector.shape_cast %get3A_342 : vector<16xf32> to vector<1x16xf32>
      tpu.vector_store %arg9[%swap3A_343, %swap3A_344], %swap3A_347 {add = true, strides = array<i32>} : memref<200x128xf32, #tpu.memory_space<vmem>>, vector<1x16xf32>,
      %add3A_348 = arith.constant 0 : i32
      %add3A_349 = arith.addi %mul3A_284, %add3A_348 : i32
      %add3A_350 = arith.constant 0 : i32
      %add3A_351 = arith.addi %mul3A_284, %add3A_350 : i32
      %get3A_352 = arith.index_cast %add3A_351 : i32 to index
      %get3A_353 = arith.constant 80 : index
      %get3A_354 = tpu.vector_load %arg26[%get3A_352, %get3A_353] {strides = array<i32>} : memref<200x128xf32, #tpu.memory_space<vmem>>, vector<1x16xf32>,
      %get3A_355 = vector.shape_cast %get3A_354 : vector<1x16xf32> to vector<16xf32>
      %swap3A_356 = arith.index_cast %add3A_349 : i32 to index
      %swap3A_357 = arith.constant 80 : index
      %swap3A_358 = tpu.vector_load %arg9[%swap3A_356, %swap3A_357] {strides = array<i32>} : memref<200x128xf32, #tpu.memory_space<vmem>>, vector<1x16xf32>,
      %swap3A_359 = vector.shape_cast %swap3A_358 : vector<1x16xf32> to vector<16xf32>
      %swap3A_360 = vector.shape_cast %get3A_355 : vector<16xf32> to vector<1x16xf32>
      tpu.vector_store %arg9[%swap3A_356, %swap3A_357], %swap3A_360 {add = true, strides = array<i32>} : memref<200x128xf32, #tpu.memory_space<vmem>>, vector<1x16xf32>,
      %add3A_361 = arith.constant 0 : i32
      %add3A_362 = arith.addi %mul3A_284, %add3A_361 : i32
      %add3A_363 = arith.constant 0 : i32
      %add3A_364 = arith.addi %mul3A_284, %add3A_363 : i32
      %get3A_365 = arith.index_cast %add3A_364 : i32 to index
      %get3A_366 = arith.constant 96 : index
      %get3A_367 = tpu.vector_load %arg26[%get3A_365, %get3A_366] {strides = array<i32>} : memref<200x128xf32, #tpu.memory_space<vmem>>, vector<1x16xf32>,
      %get3A_368 = vector.shape_cast %get3A_367 : vector<1x16xf32> to vector<16xf32>
      %swap3A_369 = arith.index_cast %add3A_362 : i32 to index
      %swap3A_370 = arith.constant 96 : index
      %swap3A_371 = tpu.vector_load %arg9[%swap3A_369, %swap3A_370] {strides = array<i32>} : memref<200x128xf32, #tpu.memory_space<vmem>>, vector<1x16xf32>,
      %swap3A_372 = vector.shape_cast %swap3A_371 : vector<1x16xf32> to vector<16xf32>
      %swap3A_373 = vector.shape_cast %get3A_368 : vector<16xf32> to vector<1x16xf32>
      tpu.vector_store %arg9[%swap3A_369, %swap3A_370], %swap3A_373 {add = true, strides = array<i32>} : memref<200x128xf32, #tpu.memory_space<vmem>>, vector<1x16xf32>,
      %add3A_374 = arith.constant 0 : i32
      %add3A_375 = arith.addi %mul3A_284, %add3A_374 : i32
      %add3A_376 = arith.constant 0 : i32
      %add3A_377 = arith.addi %mul3A_284, %add3A_376 : i32
      %get3A_378 = arith.index_cast %add3A_377 : i32 to index
      %get3A_379 = arith.constant 112 : index
      %get3A_380 = tpu.vector_load %arg26[%get3A_378, %get3A_379] {strides = array<i32>} : memref<200x128xf32, #tpu.memory_space<vmem>>, vector<1x16xf32>,
      %get3A_381 = vector.shape_cast %get3A_380 : vector<1x16xf32> to vector<16xf32>
      %swap3A_382 = arith.index_cast %add3A_375 : i32 to index
      %swap3A_383 = arith.constant 112 : index
      %swap3A_384 = tpu.vector_load %arg9[%swap3A_382, %swap3A_383] {strides = array<i32>} : memref<200x128xf32, #tpu.memory_space<vmem>>, vector<1x16xf32>,
      %swap3A_385 = vector.shape_cast %swap3A_384 : vector<1x16xf32> to vector<16xf32>
      %swap3A_386 = vector.shape_cast %get3A_381 : vector<16xf32> to vector<1x16xf32>
      tpu.vector_store %arg9[%swap3A_382, %swap3A_383], %swap3A_386 {add = true, strides = array<i32>} : memref<200x128xf32, #tpu.memory_space<vmem>>, vector<1x16xf32>,
      %add3A_387 = arith.constant 1 : i32
      %add3A_388 = arith.addi %mul3A_284, %add3A_387 : i32
      %add3A_389 = arith.constant 1 : i32
      %add3A_390 = arith.addi %mul3A_284, %add3A_389 : i32
      %get3A_391 = arith.index_cast %add3A_390 : i32 to index
      %get3A_392 = arith.constant 0 : index
      %get3A_393 = tpu.vector_load %arg26[%get3A_391, %get3A_392] {strides = array<i32>} : memref<200x128xf32, #tpu.memory_space<vmem>>, vector<1x16xf32>,
      %get3A_394 = vector.shape_cast %get3A_393 : vector<1x16xf32> to vector<16xf32>
      %swap3A_395 = arith.index_cast %add3A_388 : i32 to index
      %swap3A_396 = arith.constant 0 : index
      %swap3A_397 = tpu.vector_load %arg9[%swap3A_395, %swap3A_396] {strides = array<i32>} : memref<200x128xf32, #tpu.memory_space<vmem>>, vector<1x16xf32>,
      %swap3A_398 = vector.shape_cast %swap3A_397 : vector<1x16xf32> to vector<16xf32>
      %swap3A_399 = vector.shape_cast %get3A_394 : vector<16xf32> to vector<1x16xf32>
      tpu.vector_store %arg9[%swap3A_395, %swap3A_396], %swap3A_399 {add = true, strides = array<i32>} : memref<200x128xf32, #tpu.memory_space<vmem>>, vector<1x16xf32>,
      %add3A_400 = arith.constant 1 : i32
      %add3A_401 = arith.addi %mul3A_284, %add3A_400 : i32
      %add3A_402 = arith.constant 1 : i32
      %add3A_403 = arith.addi %mul3A_284, %add3A_402 : i32
      %get3A_404 = arith.index_cast %add3A_403 : i32 to index
      %get3A_405 = arith.constant 16 : index
      %get3A_406 = tpu.vector_load %arg26[%get3A_404, %get3A_405] {strides = array<i32>} : memref<200x128xf32, #tpu.memory_space<vmem>>, vector<1x16xf32>,
      %get3A_407 = vector.shape_cast %get3A_406 : vector<1x16xf32> to vector<16xf32>
      %swap3A_408 = arith.index_cast %add3A_401 : i32 to index
      %swap3A_409 = arith.constant 16 : index
      %swap3A_410 = tpu.vector_load %arg9[%swap3A_408, %swap3A_409] {strides = array<i32>} : memref<200x128xf32, #tpu.memory_space<vmem>>, vector<1x16xf32>,
      %swap3A_411 = vector.shape_cast %swap3A_410 : vector<1x16xf32> to vector<16xf32>
      %swap3A_412 = vector.shape_cast %get3A_407 : vector<16xf32> to vector<1x16xf32>
      tpu.vector_store %arg9[%swap3A_408, %swap3A_409], %swap3A_412 {add = true, strides = array<i32>} : memref<200x128xf32, #tpu.memory_space<vmem>>, vector<1x16xf32>,
      %add3A_413 = arith.constant 1 : i32
      %add3A_414 = arith.addi %mul3A_284, %add3A_413 : i32
      %add3A_415 = arith.constant 1 : i32
      %add3A_416 = arith.addi %mul3A_284, %add3A_415 : i32
      %get3A_417 = arith.index_cast %add3A_416 : i32 to index
      %get3A_418 = arith.constant 32 : index
      %get3A_419 = tpu.vector_load %arg26[%get3A_417, %get3A_418] {strides = array<i32>} : memref<200x128xf32, #tpu.memory_space<vmem>>, vector<1x16xf32>,
      %get3A_420 = vector.shape_cast %get3A_419 : vector<1x16xf32> to vector<16xf32>
      %swap3A_421 = arith.index_cast %add3A_414 : i32 to index
      %swap3A_422 = arith.constant 32 : index
      %swap3A_423 = tpu.vector_load %arg9[%swap3A_421, %swap3A_422] {strides = array<i32>} : memref<200x128xf32, #tpu.memory_space<vmem>>, vector<1x16xf32>,
      %swap3A_424 = vector.shape_cast %swap3A_423 : vector<1x16xf32> to vector<16xf32>
      %swap3A_425 = vector.shape_cast %get3A_420 : vector<16xf32> to vector<1x16xf32>
      tpu.vector_store %arg9[%swap3A_421, %swap3A_422], %swap3A_425 {add = true, strides = array<i32>} : memref<200x128xf32, #tpu.memory_space<vmem>>, vector<1x16xf32>,
      %add3A_426 = arith.constant 1 : i32
      %add3A_427 = arith.addi %mul3A_284, %add3A_426 : i32
      %add3A_428 = arith.constant 1 : i32
      %add3A_429 = arith.addi %mul3A_284, %add3A_428 : i32
      %get3A_430 = arith.index_cast %add3A_429 : i32 to index
      %get3A_431 = arith.constant 48 : index
      %get3A_432 = tpu.vector_load %arg26[%get3A_430, %get3A_431] {strides = array<i32>} : memref<200x128xf32, #tpu.memory_space<vmem>>, vector<1x16xf32>,
      %get3A_433 = vector.shape_cast %get3A_432 : vector<1x16xf32> to vector<16xf32>
      %swap3A_434 = arith.index_cast %add3A_427 : i32 to index
      %swap3A_435 = arith.constant 48 : index
      %swap3A_436 = tpu.vector_load %arg9[%swap3A_434, %swap3A_435] {strides = array<i32>} : memref<200x128xf32, #tpu.memory_space<vmem>>, vector<1x16xf32>,
      %swap3A_437 = vector.shape_cast %swap3A_436 : vector<1x16xf32> to vector<16xf32>
      %swap3A_438 = vector.shape_cast %get3A_433 : vector<16xf32> to vector<1x16xf32>
      tpu.vector_store %arg9[%swap3A_434, %swap3A_435], %swap3A_438 {add = true, strides = array<i32>} : memref<200x128xf32, #tpu.memory_space<vmem>>, vector<1x16xf32>,
      %add3A_439 = arith.constant 1 : i32
      %add3A_440 = arith.addi %mul3A_284, %add3A_439 : i32
      %add3A_441 = arith.constant 1 : i32
      %add3A_442 = arith.addi %mul3A_284, %add3A_441 : i32
      %get3A_443 = arith.index_cast %add3A_442 : i32 to index
      %get3A_444 = arith.constant 64 : index
      %get3A_445 = tpu.vector_load %arg26[%get3A_443, %get3A_444] {strides = array<i32>} : memref<200x128xf32, #tpu.memory_space<vmem>>, vector<1x16xf32>,
      %get3A_446 = vector.shape_cast %get3A_445 : vector<1x16xf32> to vector<16xf32>
      %swap3A_447 = arith.index_cast %add3A_440 : i32 to index
      %swap3A_448 = arith.constant 64 : index
      %swap3A_449 = tpu.vector_load %arg9[%swap3A_447, %swap3A_448] {strides = array<i32>} : memref<200x128xf32, #tpu.memory_space<vmem>>, vector<1x16xf32>,
      %swap3A_450 = vector.shape_cast %swap3A_449 : vector<1x16xf32> to vector<16xf32>
      %swap3A_451 = vector.shape_cast %get3A_446 : vector<16xf32> to vector<1x16xf32>
      tpu.vector_store %arg9[%swap3A_447, %swap3A_448], %swap3A_451 {add = true, strides = array<i32>} : memref<200x128xf32, #tpu.memory_space<vmem>>, vector<1x16xf32>,
      %add3A_452 = arith.constant 1 : i32
      %add3A_453 = arith.addi %mul3A_284, %add3A_452 : i32
      %add3A_454 = arith.constant 1 : i32
      %add3A_455 = arith.addi %mul3A_284, %add3A_454 : i32
      %get3A_456 = arith.index_cast %add3A_455 : i32 to index
      %get3A_457 = arith.constant 80 : index
      %get3A_458 = tpu.vector_load %arg26[%get3A_456, %get3A_457] {strides = array<i32>} : memref<200x128xf32, #tpu.memory_space<vmem>>, vector<1x16xf32>,
      %get3A_459 = vector.shape_cast %get3A_458 : vector<1x16xf32> to vector<16xf32>
      %swap3A_460 = arith.index_cast %add3A_453 : i32 to index
      %swap3A_461 = arith.constant 80 : index
      %swap3A_462 = tpu.vector_load %arg9[%swap3A_460, %swap3A_461] {strides = array<i32>} : memref<200x128xf32, #tpu.memory_space<vmem>>, vector<1x16xf32>,
      %swap3A_463 = vector.shape_cast %swap3A_462 : vector<1x16xf32> to vector<16xf32>
      %swap3A_464 = vector.shape_cast %get3A_459 : vector<16xf32> to vector<1x16xf32>
      tpu.vector_store %arg9[%swap3A_460, %swap3A_461], %swap3A_464 {add = true, strides = array<i32>} : memref<200x128xf32, #tpu.memory_space<vmem>>, vector<1x16xf32>,
      %add3A_465 = arith.constant 1 : i32
      %add3A_466 = arith.addi %mul3A_284, %add3A_465 : i32
      %add3A_467 = arith.constant 1 : i32
      %add3A_468 = arith.addi %mul3A_284, %add3A_467 : i32
      %get3A_469 = arith.index_cast %add3A_468 : i32 to index
      %get3A_470 = arith.constant 96 : index
      %get3A_471 = tpu.vector_load %arg26[%get3A_469, %get3A_470] {strides = array<i32>} : memref<200x128xf32, #tpu.memory_space<vmem>>, vector<1x16xf32>,
      %get3A_472 = vector.shape_cast %get3A_471 : vector<1x16xf32> to vector<16xf32>
      %swap3A_473 = arith.index_cast %add3A_466 : i32 to index
      %swap3A_474 = arith.constant 96 : index
      %swap3A_475 = tpu.vector_load %arg9[%swap3A_473, %swap3A_474] {strides = array<i32>} : memref<200x128xf32, #tpu.memory_space<vmem>>, vector<1x16xf32>,
      %swap3A_476 = vector.shape_cast %swap3A_475 : vector<1x16xf32> to vector<16xf32>
      %swap3A_477 = vector.shape_cast %get3A_472 : vector<16xf32> to vector<1x16xf32>
      tpu.vector_store %arg9[%swap3A_473, %swap3A_474], %swap3A_477 {add = true, strides = array<i32>} : memref<200x128xf32, #tpu.memory_space<vmem>>, vector<1x16xf32>,
      %add3A_478 = arith.constant 1 : i32
      %add3A_479 = arith.addi %mul3A_284, %add3A_478 : i32
      %add3A_480 = arith.constant 1 : i32
      %add3A_481 = arith.addi %mul3A_284, %add3A_480 : i32
      %get3A_482 = arith.index_cast %add3A_481 : i32 to index
      %get3A_483 = arith.constant 112 : index
      %get3A_484 = tpu.vector_load %arg26[%get3A_482, %get3A_483] {strides = array<i32>} : memref<200x128xf32, #tpu.memory_space<vmem>>, vector<1x16xf32>,
      %get3A_485 = vector.shape_cast %get3A_484 : vector<1x16xf32> to vector<16xf32>
      %swap3A_486 = arith.index_cast %add3A_479 : i32 to index
      %swap3A_487 = arith.constant 112 : index
      %swap3A_488 = tpu.vector_load %arg9[%swap3A_486, %swap3A_487] {strides = array<i32>} : memref<200x128xf32, #tpu.memory_space<vmem>>, vector<1x16xf32>,
      %swap3A_489 = vector.shape_cast %swap3A_488 : vector<1x16xf32> to vector<16xf32>
      %swap3A_490 = vector.shape_cast %get3A_485 : vector<16xf32> to vector<1x16xf32>
      tpu.vector_store %arg9[%swap3A_486, %swap3A_487], %swap3A_490 {add = true, strides = array<i32>} : memref<200x128xf32, #tpu.memory_space<vmem>>, vector<1x16xf32>,
      %add3A_491 = arith.constant 2 : i32
      %add3A_492 = arith.addi %mul3A_284, %add3A_491 : i32
      %add3A_493 = arith.constant 2 : i32
      %add3A_494 = arith.addi %mul3A_284, %add3A_493 : i32
      %get3A_495 = arith.index_cast %add3A_494 : i32 to index
      %get3A_496 = arith.constant 0 : index
      %get3A_497 = tpu.vector_load %arg26[%get3A_495, %get3A_496] {strides = array<i32>} : memref<200x128xf32, #tpu.memory_space<vmem>>, vector<1x16xf32>,
      %get3A_498 = vector.shape_cast %get3A_497 : vector<1x16xf32> to vector<16xf32>
      %swap3A_499 = arith.index_cast %add3A_492 : i32 to index
      %swap3A_500 = arith.constant 0 : index
      %swap3A_501 = tpu.vector_load %arg9[%swap3A_499, %swap3A_500] {strides = array<i32>} : memref<200x128xf32, #tpu.memory_space<vmem>>, vector<1x16xf32>,
      %swap3A_502 = vector.shape_cast %swap3A_501 : vector<1x16xf32> to vector<16xf32>
      %swap3A_503 = vector.shape_cast %get3A_498 : vector<16xf32> to vector<1x16xf32>
      tpu.vector_store %arg9[%swap3A_499, %swap3A_500], %swap3A_503 {add = true, strides = array<i32>} : memref<200x128xf32, #tpu.memory_space<vmem>>, vector<1x16xf32>,
      %add3A_504 = arith.constant 2 : i32
      %add3A_505 = arith.addi %mul3A_284, %add3A_504 : i32
      %add3A_506 = arith.constant 2 : i32
      %add3A_507 = arith.addi %mul3A_284, %add3A_506 : i32
      %get3A_508 = arith.index_cast %add3A_507 : i32 to index
      %get3A_509 = arith.constant 16 : index
      %get3A_510 = tpu.vector_load %arg26[%get3A_508, %get3A_509] {strides = array<i32>} : memref<200x128xf32, #tpu.memory_space<vmem>>, vector<1x16xf32>,
      %get3A_511 = vector.shape_cast %get3A_510 : vector<1x16xf32> to vector<16xf32>
      %swap3A_512 = arith.index_cast %add3A_505 : i32 to index
      %swap3A_513 = arith.constant 16 : index
      %swap3A_514 = tpu.vector_load %arg9[%swap3A_512, %swap3A_513] {strides = array<i32>} : memref<200x128xf32, #tpu.memory_space<vmem>>, vector<1x16xf32>,
      %swap3A_515 = vector.shape_cast %swap3A_514 : vector<1x16xf32> to vector<16xf32>
      %swap3A_516 = vector.shape_cast %get3A_511 : vector<16xf32> to vector<1x16xf32>
      tpu.vector_store %arg9[%swap3A_512, %swap3A_513], %swap3A_516 {add = true, strides = array<i32>} : memref<200x128xf32, #tpu.memory_space<vmem>>, vector<1x16xf32>,
      %add3A_517 = arith.constant 2 : i32
      %add3A_518 = arith.addi %mul3A_284, %add3A_517 : i32
      %add3A_519 = arith.constant 2 : i32
      %add3A_520 = arith.addi %mul3A_284, %add3A_519 : i32
      %get3A_521 = arith.index_cast %add3A_520 : i32 to index
      %get3A_522 = arith.constant 32 : index
      %get3A_523 = tpu.vector_load %arg26[%get3A_521, %get3A_522] {strides = array<i32>} : memref<200x128xf32, #tpu.memory_space<vmem>>, vector<1x16xf32>,
      %get3A_524 = vector.shape_cast %get3A_523 : vector<1x16xf32> to vector<16xf32>
      %swap3A_525 = arith.index_cast %add3A_518 : i32 to index
      %swap3A_526 = arith.constant 32 : index
      %swap3A_527 = tpu.vector_load %arg9[%swap3A_525, %swap3A_526] {strides = array<i32>} : memref<200x128xf32, #tpu.memory_space<vmem>>, vector<1x16xf32>,
      %swap3A_528 = vector.shape_cast %swap3A_527 : vector<1x16xf32> to vector<16xf32>
      %swap3A_529 = vector.shape_cast %get3A_524 : vector<16xf32> to vector<1x16xf32>
      tpu.vector_store %arg9[%swap3A_525, %swap3A_526], %swap3A_529 {add = true, strides = array<i32>} : memref<200x128xf32, #tpu.memory_space<vmem>>, vector<1x16xf32>,
      %add3A_530 = arith.constant 2 : i32
      %add3A_531 = arith.addi %mul3A_284, %add3A_530 : i32
      %add3A_532 = arith.constant 2 : i32
      %add3A_533 = arith.addi %mul3A_284, %add3A_532 : i32
      %get3A_534 = arith.index_cast %add3A_533 : i32 to index
      %get3A_535 = arith.constant 48 : index
      %get3A_536 = tpu.vector_load %arg26[%get3A_534, %get3A_535] {strides = array<i32>} : memref<200x128xf32, #tpu.memory_space<vmem>>, vector<1x16xf32>,
      %get3A_537 = vector.shape_cast %get3A_536 : vector<1x16xf32> to vector<16xf32>
      %swap3A_538 = arith.index_cast %add3A_531 : i32 to index
      %swap3A_539 = arith.constant 48 : index
      %swap3A_540 = tpu.vector_load %arg9[%swap3A_538, %swap3A_539] {strides = array<i32>} : memref<200x128xf32, #tpu.memory_space<vmem>>, vector<1x16xf32>,
      %swap3A_541 = vector.shape_cast %swap3A_540 : vector<1x16xf32> to vector<16xf32>
      %swap3A_542 = vector.shape_cast %get3A_537 : vector<16xf32> to vector<1x16xf32>
      tpu.vector_store %arg9[%swap3A_538, %swap3A_539], %swap3A_542 {add = true, strides = array<i32>} : memref<200x128xf32, #tpu.memory_space<vmem>>, vector<1x16xf32>,
      %add3A_543 = arith.constant 2 : i32
      %add3A_544 = arith.addi %mul3A_284, %add3A_543 : i32
      %add3A_545 = arith.constant 2 : i32
      %add3A_546 = arith.addi %mul3A_284, %add3A_545 : i32
      %get3A_547 = arith.index_cast %add3A_546 : i32 to index
      %get3A_548 = arith.constant 64 : index
      %get3A_549 = tpu.vector_load %arg26[%get3A_547, %get3A_548] {strides = array<i32>} : memref<200x128xf32, #tpu.memory_space<vmem>>, vector<1x16xf32>,
      %get3A_550 = vector.shape_cast %get3A_549 : vector<1x16xf32> to vector<16xf32>
      %swap3A_551 = arith.index_cast %add3A_544 : i32 to index
      %swap3A_552 = arith.constant 64 : index
      %swap3A_553 = tpu.vector_load %arg9[%swap3A_551, %swap3A_552] {strides = array<i32>} : memref<200x128xf32, #tpu.memory_space<vmem>>, vector<1x16xf32>,
      %swap3A_554 = vector.shape_cast %swap3A_553 : vector<1x16xf32> to vector<16xf32>
      %swap3A_555 = vector.shape_cast %get3A_550 : vector<16xf32> to vector<1x16xf32>
      tpu.vector_store %arg9[%swap3A_551, %swap3A_552], %swap3A_555 {add = true, strides = array<i32>} : memref<200x128xf32, #tpu.memory_space<vmem>>, vector<1x16xf32>,
      %add3A_556 = arith.constant 2 : i32
      %add3A_557 = arith.addi %mul3A_284, %add3A_556 : i32
      %add3A_558 = arith.constant 2 : i32
      %add3A_559 = arith.addi %mul3A_284, %add3A_558 : i32
      %get3A_560 = arith.index_cast %add3A_559 : i32 to index
      %get3A_561 = arith.constant 80 : index
      %get3A_562 = tpu.vector_load %arg26[%get3A_560, %get3A_561] {strides = array<i32>} : memref<200x128xf32, #tpu.memory_space<vmem>>, vector<1x16xf32>,
      %get3A_563 = vector.shape_cast %get3A_562 : vector<1x16xf32> to vector<16xf32>
      %swap3A_564 = arith.index_cast %add3A_557 : i32 to index
      %swap3A_565 = arith.constant 80 : index
      %swap3A_566 = tpu.vector_load %arg9[%swap3A_564, %swap3A_565] {strides = array<i32>} : memref<200x128xf32, #tpu.memory_space<vmem>>, vector<1x16xf32>,
      %swap3A_567 = vector.shape_cast %swap3A_566 : vector<1x16xf32> to vector<16xf32>
      %swap3A_568 = vector.shape_cast %get3A_563 : vector<16xf32> to vector<1x16xf32>
      tpu.vector_store %arg9[%swap3A_564, %swap3A_565], %swap3A_568 {add = true, strides = array<i32>} : memref<200x128xf32, #tpu.memory_space<vmem>>, vector<1x16xf32>,
      %add3A_569 = arith.constant 2 : i32
      %add3A_570 = arith.addi %mul3A_284, %add3A_569 : i32
      %add3A_571 = arith.constant 2 : i32
      %add3A_572 = arith.addi %mul3A_284, %add3A_571 : i32
      %get3A_573 = arith.index_cast %add3A_572 : i32 to index
      %get3A_574 = arith.constant 96 : index
      %get3A_575 = tpu.vector_load %arg26[%get3A_573, %get3A_574] {strides = array<i32>} : memref<200x128xf32, #tpu.memory_space<vmem>>, vector<1x16xf32>,
      %get3A_576 = vector.shape_cast %get3A_575 : vector<1x16xf32> to vector<16xf32>
      %swap3A_577 = arith.index_cast %add3A_570 : i32 to index
      %swap3A_578 = arith.constant 96 : index
      %swap3A_579 = tpu.vector_load %arg9[%swap3A_577, %swap3A_578] {strides = array<i32>} : memref<200x128xf32, #tpu.memory_space<vmem>>, vector<1x16xf32>,
      %swap3A_580 = vector.shape_cast %swap3A_579 : vector<1x16xf32> to vector<16xf32>
      %swap3A_581 = vector.shape_cast %get3A_576 : vector<16xf32> to vector<1x16xf32>
      tpu.vector_store %arg9[%swap3A_577, %swap3A_578], %swap3A_581 {add = true, strides = array<i32>} : memref<200x128xf32, #tpu.memory_space<vmem>>, vector<1x16xf32>,
      %add3A_582 = arith.constant 2 : i32
      %add3A_583 = arith.addi %mul3A_284, %add3A_582 : i32
      %add3A_584 = arith.constant 2 : i32
      %add3A_585 = arith.addi %mul3A_284, %add3A_584 : i32
      %get3A_586 = arith.index_cast %add3A_585 : i32 to index
      %get3A_587 = arith.constant 112 : index
      %get3A_588 = tpu.vector_load %arg26[%get3A_586, %get3A_587] {strides = array<i32>} : memref<200x128xf32, #tpu.memory_space<vmem>>, vector<1x16xf32>,
      %get3A_589 = vector.shape_cast %get3A_588 : vector<1x16xf32> to vector<16xf32>
      %swap3A_590 = arith.index_cast %add3A_583 : i32 to index
      %swap3A_591 = arith.constant 112 : index
      %swap3A_592 = tpu.vector_load %arg9[%swap3A_590, %swap3A_591] {strides = array<i32>} : memref<200x128xf32, #tpu.memory_space<vmem>>, vector<1x16xf32>,
      %swap3A_593 = vector.shape_cast %swap3A_592 : vector<1x16xf32> to vector<16xf32>
      %swap3A_594 = vector.shape_cast %get3A_589 : vector<16xf32> to vector<1x16xf32>
      tpu.vector_store %arg9[%swap3A_590, %swap3A_591], %swap3A_594 {add = true, strides = array<i32>} : memref<200x128xf32, #tpu.memory_space<vmem>>, vector<1x16xf32>,
      %add3A_595 = arith.constant 3 : i32
      %add3A_596 = arith.addi %mul3A_284, %add3A_595 : i32
      %add3A_597 = arith.constant 3 : i32
      %add3A_598 = arith.addi %mul3A_284, %add3A_597 : i32
      %get3A_599 = arith.index_cast %add3A_598 : i32 to index
      %get3A_600 = arith.constant 0 : index
      %get3A_601 = tpu.vector_load %arg26[%get3A_599, %get3A_600] {strides = array<i32>} : memref<200x128xf32, #tpu.memory_space<vmem>>, vector<1x16xf32>,
      %get3A_602 = vector.shape_cast %get3A_601 : vector<1x16xf32> to vector<16xf32>
      %swap3A_603 = arith.index_cast %add3A_596 : i32 to index
      %swap3A_604 = arith.constant 0 : index
      %swap3A_605 = tpu.vector_load %arg9[%swap3A_603, %swap3A_604] {strides = array<i32>} : memref<200x128xf32, #tpu.memory_space<vmem>>, vector<1x16xf32>,
      %swap3A_606 = vector.shape_cast %swap3A_605 : vector<1x16xf32> to vector<16xf32>
      %swap3A_607 = vector.shape_cast %get3A_602 : vector<16xf32> to vector<1x16xf32>
      tpu.vector_store %arg9[%swap3A_603, %swap3A_604], %swap3A_607 {add = true, strides = array<i32>} : memref<200x128xf32, #tpu.memory_space<vmem>>, vector<1x16xf32>,
      %add3A_608 = arith.constant 3 : i32
      %add3A_609 = arith.addi %mul3A_284, %add3A_608 : i32
      %add3A_610 = arith.constant 3 : i32
      %add3A_611 = arith.addi %mul3A_284, %add3A_610 : i32
      %get3A_612 = arith.index_cast %add3A_611 : i32 to index
      %get3A_613 = arith.constant 16 : index
      %get3A_614 = tpu.vector_load %arg26[%get3A_612, %get3A_613] {strides = array<i32>} : memref<200x128xf32, #tpu.memory_space<vmem>>, vector<1x16xf32>,
      %get3A_615 = vector.shape_cast %get3A_614 : vector<1x16xf32> to vector<16xf32>
      %swap3A_616 = arith.index_cast %add3A_609 : i32 to index
      %swap3A_617 = arith.constant 16 : index
      %swap3A_618 = tpu.vector_load %arg9[%swap3A_616, %swap3A_617] {strides = array<i32>} : memref<200x128xf32, #tpu.memory_space<vmem>>, vector<1x16xf32>,
      %swap3A_619 = vector.shape_cast %swap3A_618 : vector<1x16xf32> to vector<16xf32>
      %swap3A_620 = vector.shape_cast %get3A_615 : vector<16xf32> to vector<1x16xf32>
      tpu.vector_store %arg9[%swap3A_616, %swap3A_617], %swap3A_620 {add = true, strides = array<i32>} : memref<200x128xf32, #tpu.memory_space<vmem>>, vector<1x16xf32>,
      %add3A_621 = arith.constant 3 : i32
      %add3A_622 = arith.addi %mul3A_284, %add3A_621 : i32
      %add3A_623 = arith.constant 3 : i32
      %add3A_624 = arith.addi %mul3A_284, %add3A_623 : i32
      %get3A_625 = arith.index_cast %add3A_624 : i32 to index
      %get3A_626 = arith.constant 32 : index
      %get3A_627 = tpu.vector_load %arg26[%get3A_625, %get3A_626] {strides = array<i32>} : memref<200x128xf32, #tpu.memory_space<vmem>>, vector<1x16xf32>,
      %get3A_628 = vector.shape_cast %get3A_627 : vector<1x16xf32> to vector<16xf32>
      %swap3A_629 = arith.index_cast %add3A_622 : i32 to index
      %swap3A_630 = arith.constant 32 : index
      %swap3A_631 = tpu.vector_load %arg9[%swap3A_629, %swap3A_630] {strides = array<i32>} : memref<200x128xf32, #tpu.memory_space<vmem>>, vector<1x16xf32>,
      %swap3A_632 = vector.shape_cast %swap3A_631 : vector<1x16xf32> to vector<16xf32>
      %swap3A_633 = vector.shape_cast %get3A_628 : vector<16xf32> to vector<1x16xf32>
      tpu.vector_store %arg9[%swap3A_629, %swap3A_630], %swap3A_633 {add = true, strides = array<i32>} : memref<200x128xf32, #tpu.memory_space<vmem>>, vector<1x16xf32>,
      %add3A_634 = arith.constant 3 : i32
      %add3A_635 = arith.addi %mul3A_284, %add3A_634 : i32
      %add3A_636 = arith.constant 3 : i32
      %add3A_637 = arith.addi %mul3A_284, %add3A_636 : i32
      %get3A_638 = arith.index_cast %add3A_637 : i32 to index
      %get3A_639 = arith.constant 48 : index
      %get3A_640 = tpu.vector_load %arg26[%get3A_638, %get3A_639] {strides = array<i32>} : memref<200x128xf32, #tpu.memory_space<vmem>>, vector<1x16xf32>,
      %get3A_641 = vector.shape_cast %get3A_640 : vector<1x16xf32> to vector<16xf32>
      %swap3A_642 = arith.index_cast %add3A_635 : i32 to index
      %swap3A_643 = arith.constant 48 : index
      %swap3A_644 = tpu.vector_load %arg9[%swap3A_642, %swap3A_643] {strides = array<i32>} : memref<200x128xf32, #tpu.memory_space<vmem>>, vector<1x16xf32>,
      %swap3A_645 = vector.shape_cast %swap3A_644 : vector<1x16xf32> to vector<16xf32>
      %swap3A_646 = vector.shape_cast %get3A_641 : vector<16xf32> to vector<1x16xf32>
      tpu.vector_store %arg9[%swap3A_642, %swap3A_643], %swap3A_646 {add = true, strides = array<i32>} : memref<200x128xf32, #tpu.memory_space<vmem>>, vector<1x16xf32>,
      %add3A_647 = arith.constant 3 : i32
      %add3A_648 = arith.addi %mul3A_284, %add3A_647 : i32
      %add3A_649 = arith.constant 3 : i32
      %add3A_650 = arith.addi %mul3A_284, %add3A_649 : i32
      %get3A_651 = arith.index_cast %add3A_650 : i32 to index
      %get3A_652 = arith.constant 64 : index
      %get3A_653 = tpu.vector_load %arg26[%get3A_651, %get3A_652] {strides = array<i32>} : memref<200x128xf32, #tpu.memory_space<vmem>>, vector<1x16xf32>,
      %get3A_654 = vector.shape_cast %get3A_653 : vector<1x16xf32> to vector<16xf32>
      %swap3A_655 = arith.index_cast %add3A_648 : i32 to index
      %swap3A_656 = arith.constant 64 : index
      %swap3A_657 = tpu.vector_load %arg9[%swap3A_655, %swap3A_656] {strides = array<i32>} : memref<200x128xf32, #tpu.memory_space<vmem>>, vector<1x16xf32>,
      %swap3A_658 = vector.shape_cast %swap3A_657 : vector<1x16xf32> to vector<16xf32>
      %swap3A_659 = vector.shape_cast %get3A_654 : vector<16xf32> to vector<1x16xf32>
      tpu.vector_store %arg9[%swap3A_655, %swap3A_656], %swap3A_659 {add = true, strides = array<i32>} : memref<200x128xf32, #tpu.memory_space<vmem>>, vector<1x16xf32>,
      %add3A_660 = arith.constant 3 : i32
      %add3A_661 = arith.addi %mul3A_284, %add3A_660 : i32
      %add3A_662 = arith.constant 3 : i32
      %add3A_663 = arith.addi %mul3A_284, %add3A_662 : i32
      %get3A_664 = arith.index_cast %add3A_663 : i32 to index
      %get3A_665 = arith.constant 80 : index
      %get3A_666 = tpu.vector_load %arg26[%get3A_664, %get3A_665] {strides = array<i32>} : memref<200x128xf32, #tpu.memory_space<vmem>>, vector<1x16xf32>,
      %get3A_667 = vector.shape_cast %get3A_666 : vector<1x16xf32> to vector<16xf32>
      %swap3A_668 = arith.index_cast %add3A_661 : i32 to index
      %swap3A_669 = arith.constant 80 : index
      %swap3A_670 = tpu.vector_load %arg9[%swap3A_668, %swap3A_669] {strides = array<i32>} : memref<200x128xf32, #tpu.memory_space<vmem>>, vector<1x16xf32>,
      %swap3A_671 = vector.shape_cast %swap3A_670 : vector<1x16xf32> to vector<16xf32>
      %swap3A_672 = vector.shape_cast %get3A_667 : vector<16xf32> to vector<1x16xf32>
      tpu.vector_store %arg9[%swap3A_668, %swap3A_669], %swap3A_672 {add = true, strides = array<i32>} : memref<200x128xf32, #tpu.memory_space<vmem>>, vector<1x16xf32>,
      %add3A_673 = arith.constant 3 : i32
      %add3A_674 = arith.addi %mul3A_284, %add3A_673 : i32
      %add3A_675 = arith.constant 3 : i32
      %add3A_676 = arith.addi %mul3A_284, %add3A_675 : i32
      %get3A_677 = arith.index_cast %add3A_676 : i32 to index
      %get3A_678 = arith.constant 96 : index
      %get3A_679 = tpu.vector_load %arg26[%get3A_677, %get3A_678] {strides = array<i32>} : memref<200x128xf32, #tpu.memory_space<vmem>>, vector<1x16xf32>,
      %get3A_680 = vector.shape_cast %get3A_679 : vector<1x16xf32> to vector<16xf32>
      %swap3A_681 = arith.index_cast %add3A_674 : i32 to index
      %swap3A_682 = arith.constant 96 : index
      %swap3A_683 = tpu.vector_load %arg9[%swap3A_681, %swap3A_682] {strides = array<i32>} : memref<200x128xf32, #tpu.memory_space<vmem>>, vector<1x16xf32>,
      %swap3A_684 = vector.shape_cast %swap3A_683 : vector<1x16xf32> to vector<16xf32>
      %swap3A_685 = vector.shape_cast %get3A_680 : vector<16xf32> to vector<1x16xf32>
      tpu.vector_store %arg9[%swap3A_681, %swap3A_682], %swap3A_685 {add = true, strides = array<i32>} : memref<200x128xf32, #tpu.memory_space<vmem>>, vector<1x16xf32>,
      %add3A_686 = arith.constant 3 : i32
      %add3A_687 = arith.addi %mul3A_284, %add3A_686 : i32
      %add3A_688 = arith.constant 3 : i32
      %add3A_689 = arith.addi %mul3A_284, %add3A_688 : i32
      %get3A_690 = arith.index_cast %add3A_689 : i32 to index
      %get3A_691 = arith.constant 112 : index
      %get3A_692 = tpu.vector_load %arg26[%get3A_690, %get3A_691] {strides = array<i32>} : memref<200x128xf32, #tpu.memory_space<vmem>>, vector<1x16xf32>,
      %get3A_693 = vector.shape_cast %get3A_692 : vector<1x16xf32> to vector<16xf32>
      %swap3A_694 = arith.index_cast %add3A_687 : i32 to index
      %swap3A_695 = arith.constant 112 : index
      %swap3A_696 = tpu.vector_load %arg9[%swap3A_694, %swap3A_695] {strides = array<i32>} : memref<200x128xf32, #tpu.memory_space<vmem>>, vector<1x16xf32>,
      %swap3A_697 = vector.shape_cast %swap3A_696 : vector<1x16xf32> to vector<16xf32>
      %swap3A_698 = vector.shape_cast %get3A_693 : vector<16xf32> to vector<1x16xf32>
      tpu.vector_store %arg9[%swap3A_694, %swap3A_695], %swap3A_698 {add = true, strides = array<i32>} : memref<200x128xf32, #tpu.memory_space<vmem>>, vector<1x16xf32>,
    }
    %scan3A_249 = arith.constant 50 : i32
    %add3A_250 = arith.constant 127 : i32
    %add3A_251 = arith.addi %mul3A_2, %add3A_250 : i32
    %mul3A_252 = arith.constant 200 : i32
    %mul3A_253 = arith.muli %add3A_251, %mul3A_252 : i32
    %dma_start3A_254 = arith.constant 0 : i32
    %dma_start3A_255 = tpu.memref_slice %arg5[%mul3A_253, %dma_start3A_254] : memref<819200x128xf32, #tpu.memory_space<hbm>> -> memref<200x128xf32, #tpu.memory_space<hbm>>
    %dma_start3A_256 = arith.constant 0 : i32
    %dma_start3A_257 = tpu.memref_slice %arg5[%mul3A_253, %dma_start3A_256] : memref<819200x128xf32, #tpu.memory_space<hbm>> -> memref<200x128xf32, #tpu.memory_space<hbm>>
    tpu.enqueue_dma source(%arg9 : memref<200x128xf32, #tpu.memory_space<vmem>>) target(%dma_start3A_257 : memref<200x128xf32, #tpu.memory_space<hbm>>) target_semaphore(%arg21 : memref<!tpu.dma_semaphore, #tpu.memory_space<semaphore_mem>>)
    %dma_wait3A_258 = arith.constant 0 : i32
    %dma_wait3A_259 = arith.constant 0 : i32
    %dma_wait3A_260 = tpu.memref_slice %arg5[%dma_wait3A_258, %dma_wait3A_259] : memref<819200x128xf32, #tpu.memory_space<hbm>> -> memref<200x128xf32, #tpu.memory_space<hbm>>
    %dma_wait3A_261 = arith.constant 0 : i32
    %dma_wait3A_262 = arith.constant 0 : i32
    %dma_wait3A_263 = tpu.memref_slice %arg5[%dma_wait3A_261, %dma_wait3A_262] : memref<819200x128xf32, #tpu.memory_space<hbm>> -> memref<200x128xf32, #tpu.memory_space<hbm>>
    tpu.wait_dma2 semaphore(%arg18 : memref<!tpu.dma_semaphore, #tpu.memory_space<semaphore_mem>>) src(%arg6 : memref<200x128xf32, #tpu.memory_space<vmem>>) dst(%dma_wait3A_263 : memref<200x128xf32, #tpu.memory_space<hbm>>)
    %dma_wait3A_264 = arith.constant 0 : i32
    %dma_wait3A_265 = arith.constant 0 : i32
    %dma_wait3A_266 = tpu.memref_slice %arg5[%dma_wait3A_264, %dma_wait3A_265] : memref<819200x128xf32, #tpu.memory_space<hbm>> -> memref<200x128xf32, #tpu.memory_space<hbm>>
    %dma_wait3A_267 = arith.constant 0 : i32
    %dma_wait3A_268 = arith.constant 0 : i32
    %dma_wait3A_269 = tpu.memref_slice %arg5[%dma_wait3A_267, %dma_wait3A_268] : memref<819200x128xf32, #tpu.memory_space<hbm>> -> memref<200x128xf32, #tpu.memory_space<hbm>>
    tpu.wait_dma2 semaphore(%arg19 : memref<!tpu.dma_semaphore, #tpu.memory_space<semaphore_mem>>) src(%arg7 : memref<200x128xf32, #tpu.memory_space<vmem>>) dst(%dma_wait3A_269 : memref<200x128xf32, #tpu.memory_space<hbm>>)
    %dma_wait3A_270 = arith.constant 0 : i32
    %dma_wait3A_271 = arith.constant 0 : i32
    %dma_wait3A_272 = tpu.memref_slice %arg5[%dma_wait3A_270, %dma_wait3A_271] : memref<819200x128xf32, #tpu.memory_space<hbm>> -> memref<200x128xf32, #tpu.memory_space<hbm>>
    %dma_wait3A_273 = arith.constant 0 : i32
    %dma_wait3A_274 = arith.constant 0 : i32
    %dma_wait3A_275 = tpu.memref_slice %arg5[%dma_wait3A_273, %dma_wait3A_274] : memref<819200x128xf32, #tpu.memory_space<hbm>> -> memref<200x128xf32, #tpu.memory_space<hbm>>
    tpu.wait_dma2 semaphore(%arg20 : memref<!tpu.dma_semaphore, #tpu.memory_space<semaphore_mem>>) src(%arg8 : memref<200x128xf32, #tpu.memory_space<vmem>>) dst(%dma_wait3A_275 : memref<200x128xf32, #tpu.memory_space<hbm>>)
    %dma_wait3A_276 = arith.constant 0 : i32
    %dma_wait3A_277 = arith.constant 0 : i32
    %dma_wait3A_278 = tpu.memref_slice %arg5[%dma_wait3A_276, %dma_wait3A_277] : memref<819200x128xf32, #tpu.memory_space<hbm>> -> memref<200x128xf32, #tpu.memory_space<hbm>>
    %dma_wait3A_279 = arith.constant 0 : i32
    %dma_wait3A_280 = arith.constant 0 : i32
    %dma_wait3A_281 = tpu.memref_slice %arg5[%dma_wait3A_279, %dma_wait3A_280] : memref<819200x128xf32, #tpu.memory_space<hbm>> -> memref<200x128xf32, #tpu.memory_space<hbm>>
    tpu.wait_dma2 semaphore(%arg21 : memref<!tpu.dma_semaphore, #tpu.memory_space<semaphore_mem>>) src(%arg9 : memref<200x128xf32, #tpu.memory_space<vmem>>) dst(%dma_wait3A_281 : memref<200x128xf32, #tpu.memory_space<hbm>>)
    return
  }
}

</mosaic_0001>

<sc_bundles>
// kernel: kernel.3.cloned.1.call-start
scs
__scs_entry_jumppad:
0x0: {  	(pc) =	sbr.rel $0x88, $3  }
0x1: {  	(tag) =	ssettag $0x0;
	lr =	simm.s32 $0x1  }
0x2: {  	[smem:$0x3F9E] =	sst lr;
	_ =	strace $0xD0000000  }
0x3: {  	_ = 	snop  }
0x4: {  	_ = 	snop  }
0x5: {  	_ = 	snop  }
0x6: {  	_ = 	snop  }
0x7: {  	_ = 	snop  }
__scs_overlays_trampoline_lowered:
0x8: {  	[smem:$0x3FAD] =	sst s0  }
0x9: {  	[smem:$0x3FAE] =	sst s1  }
0xa: {  	[smem:$0x3FAF] =	sst s2  }
0xb: {  	[smem:$0x3FB0] =	sst s3  }
0xc: {  	[smem:$0x3FB1] =	sst s4  }
0xd: {  	[smem:$0x3FB2] =	sst s5  }
0xe: {  	[smem:$0x3FB3] =	sst s6  }
0xf: {  	[smem:$0x3FB4] =	sst s7  }
0x10: {  	[smem:$0x3FB5] =	sst s8  }
0x11: {  	[smem:$0x3FB6] =	sst s9;
	s0 =	simm.s32 @!p0 $0x0  }
0x12: {  	s1 =	sld [smem:$0x3F9C];
	s0 =	simm.s32 @p0 $0x1  }
0x13: {  	[smem:$0x3FB7] =	sst s0;
	s0 =	simm.s32 @!p1 $0x0  }
0x14: {  	s2 =	sld [smem:$0x3F9B];
	s0 =	simm.s32 @p1 $0x1  }
0x15: {  	[smem:$0x3FB8] =	sst s0;
	s0 =	simm.s32 @!p2 $0x0  }
0x16: {  	s3 =	sld [smem:$0x3FDB];
	s0 =	simm.s32 @p2 $0x1  }
0x17: {  	s4 =	simm.s32 $0x1BF5;
	[smem:$0x3FBA] =	sst s0  }
0x18: {  	s0 =	sld [smem:$0x3F9D];
	_ =	swait.ge [sflag:s4], $0x0  }
0x19: {  	s7 =	sld [smem:$0x3F9E]  }
0x1a: {  	s8 =	sadd.s32 $0xFFFFE003, lr  }
0x1b: {  	s9 =	sadd.s32 $0xFFFFFEF7, lr;
	s5 =	simm.s32 $0xFFFFFFFF;
	p2 =	slt.u32 s8, $0xFFFFF086  }
0x1c: {  	p1 =	slt.u32 s9, $0xF7A;
	s5 =	simm.s32 @!p2 $0x0  }
0x1d: {  	s5 =	simm.s32 @p1 $0x1;
	p0 =	seq.s32 s7, s2  }
0x1e: {  	s7 =	smul.u32 @!p0 $0xF7A, s2;
	p2 =	seq.s32 @!p0 s5, $0x0  }
0x1f: {  	s9 =	smul.u32 $0xF7A, s1;
	s8 =	simm.s32 @!p0 $0x1BF5;
	p2 =	por !p2, p0  }
0x20: {  	[sflag:s8] =	ssyncset.s32 @!p0 $0xFFFFF086;
	s6 =	sadd.s32 @!p0 s3, s7;
	s7 =	simm.s32 @!p0 $0x108  }
0x21: {  	s3 =	sadd.s32 s3, s9;
	s6 =	sadd.s32 @!p0 $0x88, s6;
	s7 =	simm.s32 @p2 $0x1082  }
0x22: {  	[simem:s7], [sflag:s8] =	dma.local @!p0 [hbm:s6], $0xF7A  }
0x23: {  	s9 =	sor.u32 $0xD0000000, s2;
	s6 =	simm.s32 $0x108;
	_ =	swait.ge @!p0 [sflag:s8], $0x0  }
0x24: {  	s3 =	sadd.s32 $0x88, s3;
	s6 =	simm.s32 @!p1 $0x1082;
	[sflag:s4] =	ssyncset.s32 $0xFFFFF086  }
0x25: {  	[simem:s6], [sflag:s4] =	dma.local [hbm:s3], $0xF7A  }
0x26: {  	[smem:$0x3F9E] =	sst s1;
	(tag) =	ssettag s2;
	_ =	strace s9  }
0x27: {  	s1 =	sld [smem:$0x3FAE]  }
0x28: {  	s2 =	sld [smem:$0x3FAF]  }
0x29: {  	s4 =	sld [smem:$0x3FB1]  }
0x2a: {  	p0 =	seq.s32 s5, $0x0;
	s5 =	sld [smem:$0x3FB2]  }
0x2b: {  	s6 =	sld [smem:$0x3FB3]  }
0x2c: {  	s7 =	sld [smem:$0x3FB4]  }
0x2d: {  	s3 =	simm.s32 $0x108;
	s8 =	sld [smem:$0x3FB5]  }
0x2e: {  	s3 =	simm.s32 @!p0 $0x1082;
	s9 =	sld [smem:$0x3FB6]  }
0x2f: {  	lr =	sadd.s32 s0, s3;
	s0 =	sld [smem:$0x3FAD]  }
0x30: {  	s3 =	sld [smem:$0x3FB0]  }
0x31: {  	[smem:$0x3FB9] =	sst s10  }
0x32: {  	s10 =	sld [smem:$0x3FB7];
	_ =	sdelay $0x3  }
0x33: {  	p0 =	seq.s32 s10, $0x1;
	s10 =	sld [smem:$0x3FB9];
	_ =	sdelay $0x3  }
0x34: {  	[smem:$0x3FB9] =	sst s10  }
0x35: {  	s10 =	sld [smem:$0x3FB8];
	_ =	sdelay $0x3  }
0x36: {  	p1 =	seq.s32 s10, $0x1;
	s10 =	sld [smem:$0x3FB9];
	_ =	sdelay $0x3  }
0x37: {  	[smem:$0x3FB9] =	sst s10  }
0x38: {  	s10 =	sld [smem:$0x3FBA]  }
0x39: {  	_ = 	snop;
	(pc) =	sbr.ind lr, $3  }
0x3a: {  	_ = 	snop  }
0x3b: {  	_ = 	snop  }
0x3c: {  	p2 =	seq.s32 s10, $0x1;
	s10 =	sld [smem:$0x3FB9]  }
0x3d: {  	_ =	shalt  }
0x3e: {  	_ =	shalt  }
0x3f: {  	_ =	shalt  }
0x40: {  	_ =	shalt  }
0x41: {  	_ =	shalt  }
0x42: {  	_ =	shalt  }
0x43: {  	_ =	shalt  }
0x44: {  	_ =	shalt  }
0x45: {  	_ =	shalt  }
0x46: {  	_ =	shalt  }
0x47: {  	_ =	shalt  }
0x48: {  	_ =	shalt  }
0x49: {  	_ =	shalt  }
0x4a: {  	_ =	shalt  }
0x4b: {  	_ =	shalt  }
0x4c: {  	_ =	shalt  }
0x4d: {  	_ =	shalt  }
0x4e: {  	_ =	shalt  }
0x4f: {  	_ =	shalt  }
0x50: {  	_ =	shalt  }
0x51: {  	_ =	shalt  }
0x52: {  	_ =	shalt  }
0x53: {  	_ =	shalt  }
0x54: {  	_ =	shalt  }
0x55: {  	_ =	shalt  }
0x56: {  	_ =	shalt  }
0x57: {  	_ =	shalt  }
0x58: {  	_ =	shalt  }
0x59: {  	_ =	shalt  }
0x5a: {  	_ =	shalt  }
0x5b: {  	_ =	shalt  }
0x5c: {  	_ =	shalt  }
0x5d: {  	_ =	shalt  }
0x5e: {  	_ =	shalt  }
0x5f: {  	_ =	shalt  }
0x60: {  	_ =	shalt  }
0x61: {  	_ =	shalt  }
0x62: {  	_ =	shalt  }
0x63: {  	_ =	shalt  }
0x64: {  	_ =	shalt  }
0x65: {  	_ =	shalt  }
0x66: {  	_ =	shalt  }
0x67: {  	_ =	shalt  }
0x68: {  	_ =	shalt  }
0x69: {  	_ =	shalt  }
0x6a: {  	_ =	shalt  }
0x6b: {  	_ =	shalt  }
0x6c: {  	_ =	shalt  }
0x6d: {  	_ =	shalt  }
0x6e: {  	_ =	shalt  }
0x6f: {  	_ =	shalt  }
0x70: {  	_ =	shalt  }
0x71: {  	_ =	shalt  }
0x72: {  	_ =	shalt  }
0x73: {  	_ =	shalt  }
0x74: {  	_ =	shalt  }
0x75: {  	_ =	shalt  }
0x76: {  	_ =	shalt  }
0x77: {  	_ =	shalt  }
0x78: {  	_ =	shalt  }
0x79: {  	_ =	shalt  }
0x7a: {  	_ =	shalt  }
0x7b: {  	_ =	shalt  }
0x7c: {  	_ =	shalt  }
0x7d: {  	_ =	shalt  }
0x7e: {  	_ =	shalt  }
0x7f: {  	_ =	shalt  }
0x80: {  	_ =	shalt  }
0x81: {  	_ =	shalt  }
0x82: {  	_ =	shalt  }
0x83: {  	_ =	shalt  }
0x84: {  	_ =	shalt  }
0x85: {  	_ =	shalt  }
0x86: {  	_ =	shalt  }
0x87: {  	_ =	shalt  }
.Lfunc_end0:
.L_simem_size_0:
called_computation_lowered:
.L_overlay_start_0:
0x88: {  	s2 =	sld [smem:$0x3FD9]  }
0x89: {  	s3 =	sld [smem:$0x3FFE];
	_ =	sdelay $0x1  }
0x8a: {  	s1 =	srdreg.scid  }
0x8b: {  	s0 =	sand.u32 $0x1, s1  }
0x8c: {  	s17 =	sshll.u32 s0, $0xA;
	s2 =	sadd.s32 s3, s2  }
0x8d: {  	s2 =	sadd.s32 s2, s17  }
0x8e: {  	[smem:$0x3FC5] =	sst s2  }
0x8f: {  	_ = 	snop  }
0x90: {  	s2 =	sld [smem:$0x3FC8]  }
0x91: {  	s18 =	sld [smem:$0x3FC7]  }
0x92: {  	s4 =	sld [smem:$0x3FD0];
	(tm) =	ssettm $0x1  }
0x93: {  	s5 =	sld [smem:$0x3FFB];
	_ =	sdelay $0x3  }
0x94: {  	_ =	strace s5  }
0x95: {  	s5 =	sld [smem:$0x3FFC];
	_ =	sdelay $0x3  }
0x96: {  	_ =	strace s5  }
0x97: {  	s5 =	sld [smem:$0x3FFD];
	_ =	sdelay $0x3  }
0x98: {  	_ =	strace s5  }
0x99: {  	_ =	strace $0x8FFFFFFF  }
0x9a: {  	s19 =	sld [smem:$0x3FDB];
	_ =	sdelay $0x1  }
0x9b: {  	s6 =	simm.s32 $_scs_section_size  }
0x9c: {  	s7 =	simm.s32 $_size__tile_overlayer_lowered;
	s8 =	simm.s32 $_tile_overlayer_lowered  }
0x9d: {  	s22 =	simm.s32 $0x1BFF;
	s21 =	sshll.u32 s8, $0x1;
	s5 =	sadd.s32 s6, s19  }
0x9e: {  	s9 =	simm.s32 $0x0;
	s20 =	sshll.u32 s7, $0x1;
	s7 =	sadd.s32 s21, s5  }
0x9f: {  	[timem:s9], [sflag:s22] =	dma.local [hbm:s7], s20  }
0xa0: {  	_ =	swait.ge [sflag:s22], s20  }
0xa1: {  	s6 =	ssub.s32 $0x0, s20;
	[sflag:s22] =	ssyncset.done $0x0  }
0xa2: {  	[sflag:s22] =	ssyncadd.s32 s6;
	_ =	sdelay $0x1  }
0xa3: {  	s23 =	simm.s32 $0x1B8B  }
0xa4: {  	_ =	swait.ge [sflag:s23], $0x1  }
0xa5: {  	[sflag:s23] =	ssyncset.done $0x0  }
0xa6: {  	s25 =	simm.s32 $0x1B8E;
	s24 =	sld [smem:$0x3FFE];
	[sflag:s23] =	ssyncadd.s32 $0xFFFFFFFF  }
0xa7: {  	s26 =	simm.s32 $execute0_lowered;
	[smem:$0x3FD2] =	sst s25  }
0xa8: {  	s7 =	sshll.u32 s26, $0x1;
	_ =	strace $0x80000046;
	[dreg:$0x1] =	wrdreg $0xFFFFFFFF  }
0xa9: {  	s28 =	simm.s32 $_size_execute0_lowered;
	s5 =	sadd.s32 s5, s7;
	[dreg:$0x0] =	wrdreg $0x0  }
0xaa: {  	s7 =	sshll.u32 s28, $0x1;
	[dreg:$0x2] =	wrdreg s5  }
0xab: {  	[dreg:$0x3] =	wrdreg s7  }
0xac: {  	[dreg:$0x4] =	wrdreg $0xC0  }
0xad: {  	_ =	task [dreg:s9], $0x5FFFF  }
0xae: {  	[dreg:$0x1] =	wrdreg $0xFFFFFFFF  }
0xaf: {  	[dreg:$0x0] =	wrdreg $0x60  }
0xb0: {  	[dreg:$0x2] =	wrdreg s24  }
0xb1: {  	[dreg:$0x3] =	wrdreg s2  }
0xb2: {  	[dreg:$0x4] =	wrdreg s18  }
0xb3: {  	[dreg:$0x5] =	wrdreg s4  }
0xb4: {  	[dreg:$0x6] =	wrdreg $0x9  }
0xb5: {  	_ =	task.clear_ibuf [dreg:s9], $0x7FFFF;
	_ =	strace $0x90000046  }
0xb6: {  	s29 =	simm.s32 $0x9;
	_ =	strace $0x80000048  }
0xb7: {  	_ =	swait.ge [sflag:s29], $0x1  }
0xb8: {  	[sflag:s29] =	ssyncadd.s32 $0xFFFFFFFF  }
0xb9: {  	_ =	strace $0x90000048  }
0xba: {  	_ =	sfence  }
0xbb: {  	s30 =	sld [smem:$0x0];
	_ =	sdelay $0x2  }
0xbc: {  	s31 =	sshll.u32 s1, $0xD;
	s1 =	sshrl.u32 s1, $0x2  }
0xbd: {  	s3 =	sand.u32 $0x4000, s31;
	s1 =	sadd.s32 s1, s30  }
0xbe: {  	s0 =	sor.u32 s3, s0;
	s1 =	sshll.u32 s1, $0x11  }
0xbf: {  	s0 =	sor.u32 s1, s0  }
0xc0: {  	s0 =	sadd.s32 $0x8F2B, s0  }
0xc1: {  	[sflag:s0] =	ssyncadd.remote.s32 $0x1  }
0xc2: {  	_ =	sfence.sel $0xFFFF  }
0xc3: {  	[dreg:$0x0] =	wrdreg $0xFFFFFFFF;
	(pc) =	sbr.abs _section_cstart, $3  }
0xc4: {  	[dreg:$0x1] =	wrdreg $0xFFFFFFFF  }
0xc5: {  	_ =	task.clear_ibuf [dreg:s9], $0x2FFFF;
	_ =	strace $0x9FFFFFFF  }
0xc6: {  	(tm) =	ssettm $0x7FFFFFFF  }
0xc7: {  	_ =	shalt  }
tec
execute0_lowered:
.L_overlay_start_1:
0x0: {  	(tag) =	ssettag $0x1  }
0x1: {  	s0 =	rddreg [dreg:$0x0]  }
0x2: {  	s1 =	rddreg [dreg:$0x1]  }
0x3: {  	s4 =	rddreg [dreg:$0x3]  }
0x4: {  	s15 =	simm.s32 $0x0;
	s2 =	srdreg.scid;
	s3 =	stileid.u32  }
0x5: {  	s28 =	simm.s32 $0x48;
	s31 =	simm.s32 $0xA;
	s9 =	simm.s32 $0xB  }
0x6: {  	s14 =	simm.s32 $0x19300;
	s17 =	simm.s32 $0x1;
	s18 =	simm.s32 $0xC  }
0x7: {  	s29 =	simm.s32 $0x5;
	s30 =	simm.s32 $0x3;
	s11 =	simm.s32 $0x7  }
0x8: {  	s13 =	simm.s32 $0x8;
	s10 =	simm.s32 $0x19200;
	s12 =	simm.s32 $0x0  }
0x9: {  	[smem:$0x7FF] =	sst s15;
	s2 =	sand.u32 $0x1, s2;
	s3 =	sshll.u32 s3, $0x1  }
0xa: {  	s6 =	sadd.s32 $0x400, s0;
	s5 =	ssub.s32 $0x2, s2;
	s2 =	sor.u32 s2, s3  }
0xb: {  	_ =	strace $0x80000047;
	s19 =	sshrl.u32 s5, $0x1;
	s3 =	sshll.u32 s2, $0xC  }
0xc: {  	s21 =	smul.u32 $0x64000, s2;
	s8 =	sshll.u32 s2, $0x7;
	s20 =	sadd.s32 s6, s3  }
0xd: {  	s2 =	smul.u32 $0x320000, s2;
	s24 =	sor.u32 $0x4, s8;
	[dreg:$0x5] =	wrdreg s20  }
0xe: {  	s0 =	ssub.s32 s5, s19;
	s25 =	sor.u32 $0x8, s8;
	[dreg:$0xc] =	wrdreg s24  }
0xf: {  	s19 =	simm.s32 $0x12C00;
	s7 =	sadd.s32 $0x10, s20;
	[dreg:$0xd] =	wrdreg s25  }
0x10: {  	s22 =	sadd.s32 $0x20, s20;
	s23 =	sadd.s32 $0x30, s20;
	[dreg:$0x6] =	wrdreg s7  }
0x11: {  	s3 =	sadd.s32 s4, s21;
	s5 =	sadd.s32 $0x40, s20;
	[dreg:$0x7] =	wrdreg s22  }
0x12: {  	s2 =	sshrl.u32 s2, $0x3;
	s0 =	smax.u32 s0, $0x1;
	[dreg:$0x8] =	wrdreg s23  }
0x13: {  	s21 =	simm.s32 $0x2;
	s20 =	simm.s32 $0x19100;
	[dreg:$0xa] =	wrdreg s5  }
0x14: {  	[dreg:$0x9] =	wrdreg s3;
	s3 =	sadd.s32 $0xC80, s3;
	s2 =	sadd.s32 s4, s2  }
0x15: {  	[dreg:$0x10] =	wrdreg s0;
	s22 =	simm.s32 $0x80;
	s23 =	simm.s32 $0x400  }
0x16: {  	s5 =	simm.s32 $0x0;
	[dreg:$0xb] =	wrdreg s3;
	s26 =	sadd.s32 $0x62700, s2  }
0x17: {  	s2 =	sadd.s32 $0x63380, s2;
	s3 =	simm.s32 $0x6;
	[dreg:$0xe] =	wrdreg s26  }
0x18: {  	[dreg:$0xf] =	wrdreg s2;
	s26 =	simm.s32 $0x9;
	s2 =	simm.s32 $0x4  }
.LBB2_1:
0x19: {  	[dreg:$0x11] =	wrdreg s5  }
0x1a: {  	s25 =	rddreg [dreg:$0x2];
	s0 =	simm.s32 $0x19400;
	s7 =	simm.s32 $0xD  }
0x1b: {  	[tilespmem:s0], [sflag:$0xD] =	stream.linear.gather [hbm4b:s25+s15], $0x6400, $0x38;
	[tilespmem:$0x1F800] =	vst v63  }
0x1c: {  	_ =	swait.ge [sflag:s7], $0x6400  }
0x1d: {  	[sflag:s7] =	ssyncset.done $0x0  }
0x1e: {  	s24 =	simm.s32 $0x19000;
	s16 =	rddreg [dreg:$0x5];
	[sflag:s7] =	ssyncadd.s32 $0xFFFF9C00  }
0x1f: {  	[tilespmem:s24], [sflag:$0x9] =	stream.strided.gather [hbm4b:s16+s22], $0x100, s23, s22, $0x38;
	[tilespmem:$0x1F800] =	vst v63  }
0x20: {  	s25 =	rddreg [dreg:$0x6];
	s7 =	simm.s32 $0x19100  }
0x21: {  	[tilespmem:s7], [sflag:$0xA] =	stream.strided.gather [hbm4b:s25+s22], $0x100, s23, s22, $0x38;
	[tilespmem:$0x1F800] =	vst v63  }
0x22: {  	_ =	swait.ge [sflag:s26], $0x100  }
0x23: {  	[sflag:s26] =	ssyncset.done $0x0  }
0x24: {  	[sflag:s26] =	ssyncadd.s32 $0xFFFFFF00  }
0x25: {  	[tilespmem:s15], [sflag:$0x1] =	stream.indirect.gather [hbm4b:s1+s22], $0x80, s24, s22, $0xb8;
	[tilespmem:$0x1F800] =	vst v63  }
0x26: {  	s5 =	simm.s32 $0x19080;
	s15 =	simm.s32 $0x4000  }
0x27: {  	[tilespmem:s15], [sflag:$0x1] =	stream.indirect.gather [hbm4b:s1+s28], $0x80, s5, s28, $0xb8;
	[tilespmem:$0x1F800] =	vst v63  }
0x28: {  	_ =	swait.ge [sflag:s31], $0x100  }
0x29: {  	[sflag:s31] =	ssyncset.done $0x0  }
0x2a: {  	s16 =	simm.s32 $0x6400;
	[sflag:s31] =	ssyncadd.s32 $0xFFFFFF00  }
0x2b: {  	[tilespmem:s16], [sflag:$0x2] =	stream.indirect.gather [hbm4b:s1+s22], $0x80, s7, s22, $0xb8;
	[tilespmem:$0x1F800] =	vst v63  }
0x2c: {  	s25 =	simm.s32 $0xA400;
	s24 =	simm.s32 $0x19180  }
0x2d: {  	[tilespmem:s25], [sflag:$0x2] =	stream.indirect.gather [hbm4b:s1+s28], $0x80, s24, s28, $0xb8;
	[tilespmem:$0x1F800] =	vst v63  }
0x2e: {  	s5 =	rddreg [dreg:$0x7];
	s7 =	simm.s32 $0x19200  }
0x2f: {  	[tilespmem:s7], [sflag:$0xB] =	stream.strided.gather [hbm4b:s5+s22], $0x100, s23, s22, $0x38;
	[tilespmem:$0x1F800] =	vst v63  }
0x30: {  	_ =	swait.ge [sflag:s9], $0x100  }
0x31: {  	[sflag:s9] =	ssyncset.done $0x0  }
0x32: {  	s15 =	simm.s32 $0xC800;
	[sflag:s9] =	ssyncadd.s32 $0xFFFFFF00  }
0x33: {  	[tilespmem:s15], [sflag:$0x3] =	stream.indirect.gather [hbm4b:s1+s22], $0x80, s7, s22, $0xb8;
	[tilespmem:$0x1F800] =	vst v63  }
0x34: {  	s16 =	simm.s32 $0x19280;
	s24 =	simm.s32 $0x10800  }
0x35: {  	[tilespmem:s24], [sflag:$0x3] =	stream.indirect.gather [hbm4b:s1+s28], $0x80, s16, s28, $0xb8;
	[tilespmem:$0x1F800] =	vst v63  }
0x36: {  	s25 =	rddreg [dreg:$0x8]  }
0x37: {  	[tilespmem:s14], [sflag:$0xC] =	stream.strided.gather [hbm4b:s25+s22], $0x100, s23, s22, $0x38;
	[tilespmem:$0x1F800] =	vst v63  }
0x38: {  	_ =	swait.ge [sflag:s17], $0x4000  }
0x39: {  	[sflag:s17] =	ssyncset.done $0x0  }
0x3a: {  	[sflag:s17] =	ssyncadd.s32 $0xFFFFC000  }
0x3b: {  	_ =	swait.ge [sflag:s17], $0x2400  }
0x3c: {  	[sflag:s17] =	ssyncset.done $0x0  }
0x3d: {  	s5 =	simm.s32 $0x0;
	s7 =	simm.s32 $0x800;
	[sflag:s17] =	ssyncadd.s32 $0xFFFFDC00  }
.LBB2_2:
0x3e: {  	p0 =	sne.s32 s7, $0x18800;
	v0 =	vld [tilespmem:s5+$0x195F0]  }
0x3f: {  	v1 =	vld [tilespmem:s5+$0x19400]  }
0x40: {  	v2 =	vld [tilespmem:s5+$0x19410]  }
0x41: {  	v3 =	vld [tilespmem:s5+$0x19420]  }
0x42: {  	v4 =	vld [tilespmem:s5+$0x19430]  }
0x43: {  	[tilespmem:s5+$0x1F0] =	vst.add.f32.msk $0xffff, v0  }
0x44: {  	v0 =	vld [tilespmem:s5+$0x19440]  }
0x45: {  	v5 =	vld [tilespmem:s5+$0x19450]  }
0x46: {  	v6 =	vld [tilespmem:s5+$0x19460]  }
0x47: {  	v7 =	vld [tilespmem:s5+$0x19470]  }
0x48: {  	v8 =	vld [tilespmem:s5+$0x19480]  }
0x49: {  	v9 =	vld [tilespmem:s5+$0x19490]  }
0x4a: {  	v10 =	vld [tilespmem:s5+$0x194A0]  }
0x4b: {  	v11 =	vld [tilespmem:s5+$0x194B0]  }
0x4c: {  	v12 =	vld [tilespmem:s5+$0x194C0]  }
0x4d: {  	v13 =	vld [tilespmem:s5+$0x194D0]  }
0x4e: {  	v14 =	vld [tilespmem:s5+$0x194E0]  }
0x4f: {  	v15 =	vld [tilespmem:s5+$0x194F0]  }
0x50: {  	v16 =	vld [tilespmem:s5+$0x19500]  }
0x51: {  	v17 =	vld [tilespmem:s5+$0x19510]  }
0x52: {  	v18 =	vld [tilespmem:s5+$0x19520]  }
0x53: {  	v19 =	vld [tilespmem:s5+$0x19530]  }
0x54: {  	v20 =	vld [tilespmem:s5+$0x19540]  }
0x55: {  	v21 =	vld [tilespmem:s5+$0x19550]  }
0x56: {  	v22 =	vld [tilespmem:s5+$0x19560]  }
0x57: {  	v23 =	vld [tilespmem:s5+$0x19570]  }
0x58: {  	v24 =	vld [tilespmem:s5+$0x19580]  }
0x59: {  	v25 =	vld [tilespmem:s5+$0x19590]  }
0x5a: {  	v26 =	vld [tilespmem:s5+$0x195A0]  }
0x5b: {  	v27 =	vld [tilespmem:s5+$0x195B0]  }
0x5c: {  	v28 =	vld [tilespmem:s5+$0x195C0]  }
0x5d: {  	v29 =	vld [tilespmem:s5+$0x195D0]  }
0x5e: {  	v30 =	vld [tilespmem:s5+$0x195E0]  }
0x5f: {  	[tilespmem:s5+$0x0] =	vst.add.f32.msk $0xffff, v1  }
0x60: {  	[tilespmem:s5+$0x10] =	vst.add.f32.msk $0xffff, v2  }
0x61: {  	[tilespmem:s5+$0x20] =	vst.add.f32.msk $0xffff, v3  }
0x62: {  	[tilespmem:s5+$0x30] =	vst.add.f32.msk $0xffff, v4  }
0x63: {  	[tilespmem:s5+$0x40] =	vst.add.f32.msk $0xffff, v0  }
0x64: {  	[tilespmem:s5+$0x50] =	vst.add.f32.msk $0xffff, v5  }
0x65: {  	[tilespmem:s5+$0x60] =	vst.add.f32.msk $0xffff, v6  }
0x66: {  	[tilespmem:s5+$0x70] =	vst.add.f32.msk $0xffff, v7  }
0x67: {  	[tilespmem:s5+$0x80] =	vst.add.f32.msk $0xffff, v8  }
0x68: {  	[tilespmem:s5+$0x90] =	vst.add.f32.msk $0xffff, v9  }
0x69: {  	[tilespmem:s5+$0xA0] =	vst.add.f32.msk $0xffff, v10  }
0x6a: {  	[tilespmem:s5+$0xB0] =	vst.add.f32.msk $0xffff, v11  }
0x6b: {  	[tilespmem:s5+$0xC0] =	vst.add.f32.msk $0xffff, v12  }
0x6c: {  	[tilespmem:s5+$0xD0] =	vst.add.f32.msk $0xffff, v13  }
0x6d: {  	[tilespmem:s5+$0xE0] =	vst.add.f32.msk $0xffff, v14  }
0x6e: {  	[tilespmem:s5+$0xF0] =	vst.add.f32.msk $0xffff, v15  }
0x6f: {  	[tilespmem:s5+$0x100] =	vst.add.f32.msk $0xffff, v16  }
0x70: {  	[tilespmem:s5+$0x110] =	vst.add.f32.msk $0xffff, v17  }
0x71: {  	[tilespmem:s5+$0x120] =	vst.add.f32.msk $0xffff, v18  }
0x72: {  	[tilespmem:s5+$0x130] =	vst.add.f32.msk $0xffff, v19  }
0x73: {  	[tilespmem:s5+$0x140] =	vst.add.f32.msk $0xffff, v20  }
0x74: {  	[tilespmem:s5+$0x150] =	vst.add.f32.msk $0xffff, v21  }
0x75: {  	[tilespmem:s5+$0x160] =	vst.add.f32.msk $0xffff, v22  }
0x76: {  	[tilespmem:s5+$0x170] =	vst.add.f32.msk $0xffff, v23  }
0x77: {  	[tilespmem:s5+$0x180] =	vst.add.f32.msk $0xffff, v24  }
0x78: {  	[tilespmem:s5+$0x190] =	vst.add.f32.msk $0xffff, v25  }
.Ltmp0:
0x79: {  	[tilespmem:s5+$0x1A0] =	vst.add.f32.msk $0xffff, v26;
	(pc) =	sbr.rel @p0 .LBB2_2-.Ltmp0, $4  }
0x7a: {  	[tilespmem:s5+$0x1B0] =	vst.add.f32.msk $0xffff, v27  }
0x7b: {  	[tilespmem:s5+$0x1C0] =	vst.add.f32.msk $0xffff, v28  }
0x7c: {  	[tilespmem:s5+$0x1D0] =	vst.add.f32.msk $0xffff, v29  }
0x7d: {  	[tilespmem:s5+$0x1E0] =	vst.add.f32.msk $0xffff, v30;
	s5 =	sshra.s32 s7, $0x2;
	s7 =	sadd.s32 $0x800, s7  }
0x7e: {  	v0 =	vld [tilespmem:s5+$0x195F0]  }
0x7f: {  	v1 =	vld [tilespmem:s5+$0x19400]  }
0x80: {  	v2 =	vld [tilespmem:s5+$0x19410]  }
0x81: {  	v3 =	vld [tilespmem:s5+$0x19420]  }
0x82: {  	v4 =	vld [tilespmem:s5+$0x19430]  }
0x83: {  	v63 =	vld [tilespmem:s5+$0x19440]  }
0x84: {  	v5 =	vld [tilespmem:s5+$0x19450]  }
0x85: {  	v6 =	vld [tilespmem:s5+$0x19460]  }
0x86: {  	v7 =	vld [tilespmem:s5+$0x19470]  }
0x87: {  	v8 =	vld [tilespmem:s5+$0x19480]  }
0x88: {  	v9 =	vld [tilespmem:s5+$0x19490]  }
0x89: {  	v10 =	vld [tilespmem:s5+$0x194A0]  }
0x8a: {  	v11 =	vld [tilespmem:s5+$0x194B0]  }
0x8b: {  	v12 =	vld [tilespmem:s5+$0x194C0]  }
0x8c: {  	v13 =	vld [tilespmem:s5+$0x194D0]  }
0x8d: {  	v14 =	vld [tilespmem:s5+$0x194E0]  }
0x8e: {  	v15 =	vld [tilespmem:s5+$0x194F0]  }
0x8f: {  	v16 =	vld [tilespmem:s5+$0x19500]  }
0x90: {  	v17 =	vld [tilespmem:s5+$0x19510]  }
0x91: {  	v18 =	vld [tilespmem:s5+$0x19520]  }
0x92: {  	v19 =	vld [tilespmem:s5+$0x19530]  }
0x93: {  	v20 =	vld [tilespmem:s5+$0x19540]  }
0x94: {  	v21 =	vld [tilespmem:s5+$0x19550]  }
0x95: {  	v22 =	vld [tilespmem:s5+$0x19560]  }
0x96: {  	v23 =	vld [tilespmem:s5+$0x19570]  }
0x97: {  	v24 =	vld [tilespmem:s5+$0x19580]  }
0x98: {  	v25 =	vld [tilespmem:s5+$0x19590]  }
0x99: {  	v26 =	vld [tilespmem:s5+$0x195A0]  }
0x9a: {  	v27 =	vld [tilespmem:s5+$0x195B0]  }
0x9b: {  	v28 =	vld [tilespmem:s5+$0x195C0]  }
0x9c: {  	v29 =	vld [tilespmem:s5+$0x195D0]  }
0x9d: {  	v30 =	vld [tilespmem:s5+$0x195E0]  }
0x9e: {  	[tilespmem:s5+$0x1F0] =	vst.add.f32.msk $0xffff, v0  }
0x9f: {  	[tilespmem:s5+$0x0] =	vst.add.f32.msk $0xffff, v1  }
0xa0: {  	[tilespmem:s5+$0x10] =	vst.add.f32.msk $0xffff, v2  }
0xa1: {  	[tilespmem:s5+$0x20] =	vst.add.f32.msk $0xffff, v3  }
0xa2: {  	[tilespmem:s5+$0x30] =	vst.add.f32.msk $0xffff, v4  }
0xa3: {  	[tilespmem:s5+$0x40] =	vst.add.f32.msk $0xffff, v63  }
0xa4: {  	[tilespmem:s5+$0x50] =	vst.add.f32.msk $0xffff, v5  }
0xa5: {  	[tilespmem:s5+$0x60] =	vst.add.f32.msk $0xffff, v6  }
0xa6: {  	[tilespmem:s5+$0x70] =	vst.add.f32.msk $0xffff, v7  }
0xa7: {  	[tilespmem:s5+$0x80] =	vst.add.f32.msk $0xffff, v8  }
0xa8: {  	[tilespmem:s5+$0x90] =	vst.add.f32.msk $0xffff, v9  }
0xa9: {  	[tilespmem:s5+$0xA0] =	vst.add.f32.msk $0xffff, v10  }
0xaa: {  	[tilespmem:s5+$0xB0] =	vst.add.f32.msk $0xffff, v11  }
0xab: {  	[tilespmem:s5+$0xC0] =	vst.add.f32.msk $0xffff, v12  }
0xac: {  	[tilespmem:s5+$0xD0] =	vst.add.f32.msk $0xffff, v13  }
0xad: {  	[tilespmem:s5+$0xE0] =	vst.add.f32.msk $0xffff, v14  }
0xae: {  	[tilespmem:s5+$0xF0] =	vst.add.f32.msk $0xffff, v15  }
0xaf: {  	[tilespmem:s5+$0x100] =	vst.add.f32.msk $0xffff, v16  }
0xb0: {  	[tilespmem:s5+$0x110] =	vst.add.f32.msk $0xffff, v17  }
0xb1: {  	[tilespmem:s5+$0x120] =	vst.add.f32.msk $0xffff, v18  }
0xb2: {  	[tilespmem:s5+$0x130] =	vst.add.f32.msk $0xffff, v19  }
0xb3: {  	[tilespmem:s5+$0x140] =	vst.add.f32.msk $0xffff, v20  }
0xb4: {  	[tilespmem:s5+$0x150] =	vst.add.f32.msk $0xffff, v21  }
0xb5: {  	[tilespmem:s5+$0x160] =	vst.add.f32.msk $0xffff, v22  }
0xb6: {  	[tilespmem:s5+$0x170] =	vst.add.f32.msk $0xffff, v23  }
0xb7: {  	[tilespmem:s5+$0x180] =	vst.add.f32.msk $0xffff, v24  }
0xb8: {  	[tilespmem:s5+$0x190] =	vst.add.f32.msk $0xffff, v25  }
0xb9: {  	[tilespmem:s5+$0x1A0] =	vst.add.f32.msk $0xffff, v26  }
0xba: {  	[tilespmem:s5+$0x1B0] =	vst.add.f32.msk $0xffff, v27  }
0xbb: {  	[tilespmem:s5+$0x1C0] =	vst.add.f32.msk $0xffff, v28  }
0xbc: {  	[tilespmem:s5+$0x1D0] =	vst.add.f32.msk $0xffff, v29  }
0xbd: {  	s7 =	simm.s32 $0x0;
	s0 =	rddreg [dreg:$0x9];
	[tilespmem:s5+$0x1E0] =	vst.add.f32.msk $0xffff, v30  }
0xbe: {  	[hbm4b:s0+s7] =	stream.linear.scatter [tilespmem:s7], [sflag:$0x5], $0x6400, $0x38;
	[tilespmem:$0x1F800] =	vst v63  }
0xbf: {  	_ =	swait.ge [sflag:s18], $0x100  }
0xc0: {  	[sflag:s18] =	ssyncset.done $0x0  }
0xc1: {  	[sflag:s18] =	ssyncadd.s32 $0xFFFFFF00  }
0xc2: {  	[tilespmem:s19], [sflag:$0x4] =	stream.indirect.gather [hbm4b:s1+s22], $0x80, s14, s22, $0xb8;
	[tilespmem:$0x1F800] =	vst v63  }
0xc3: {  	s15 =	simm.s32 $0x19380;
	s16 =	simm.s32 $0x16C00  }
0xc4: {  	[tilespmem:s16], [sflag:$0x4] =	stream.indirect.gather [hbm4b:s1+s28], $0x80, s15, s28, $0xb8;
	[tilespmem:$0x1F800] =	vst v63  }
0xc5: {  	s25 =	simm.s32 $0x19000;
	s24 =	rddreg [dreg:$0xa]  }
0xc6: {  	[tilespmem:s25], [sflag:$0x9] =	stream.strided.gather [hbm4b:s24+s22], $0x100, s23, s22, $0x38;
	[tilespmem:$0x1F800] =	vst v63  }
0xc7: {  	_ =	swait.ge [sflag:s21], $0x4000  }
0xc8: {  	[sflag:s21] =	ssyncset.done $0x0  }
0xc9: {  	[sflag:s21] =	ssyncadd.s32 $0xFFFFC000  }
0xca: {  	_ =	swait.ge [sflag:s21], $0x2400  }
0xcb: {  	[sflag:s21] =	ssyncset.done $0x0  }
0xcc: {  	s5 =	simm.s32 $0x0;
	s7 =	simm.s32 $0x800;
	[sflag:s21] =	ssyncadd.s32 $0xFFFFDC00  }
.LBB2_4:
0xcd: {  	p0 =	sne.s32 s7, $0x18800;
	v0 =	vld [tilespmem:s5+$0x195F0]  }
0xce: {  	v1 =	vld [tilespmem:s5+$0x19400]  }
0xcf: {  	v2 =	vld [tilespmem:s5+$0x19410]  }
0xd0: {  	v3 =	vld [tilespmem:s5+$0x19420]  }
0xd1: {  	v4 =	vld [tilespmem:s5+$0x19430]  }
0xd2: {  	[tilespmem:s5+$0x65F0] =	vst.add.f32.msk $0xffff, v0  }
0xd3: {  	v0 =	vld [tilespmem:s5+$0x19440]  }
0xd4: {  	v5 =	vld [tilespmem:s5+$0x19450]  }
0xd5: {  	v6 =	vld [tilespmem:s5+$0x19460]  }
0xd6: {  	v7 =	vld [tilespmem:s5+$0x19470]  }
0xd7: {  	v8 =	vld [tilespmem:s5+$0x19480]  }
0xd8: {  	v9 =	vld [tilespmem:s5+$0x19490]  }
0xd9: {  	v10 =	vld [tilespmem:s5+$0x194A0]  }
0xda: {  	v11 =	vld [tilespmem:s5+$0x194B0]  }
0xdb: {  	v12 =	vld [tilespmem:s5+$0x194C0]  }
0xdc: {  	v13 =	vld [tilespmem:s5+$0x194D0]  }
0xdd: {  	v14 =	vld [tilespmem:s5+$0x194E0]  }
0xde: {  	v15 =	vld [tilespmem:s5+$0x194F0]  }
0xdf: {  	v16 =	vld [tilespmem:s5+$0x19500]  }
0xe0: {  	v17 =	vld [tilespmem:s5+$0x19510]  }
0xe1: {  	v18 =	vld [tilespmem:s5+$0x19520]  }
0xe2: {  	v19 =	vld [tilespmem:s5+$0x19530]  }
0xe3: {  	v20 =	vld [tilespmem:s5+$0x19540]  }
0xe4: {  	v21 =	vld [tilespmem:s5+$0x19550]  }
0xe5: {  	v22 =	vld [tilespmem:s5+$0x19560]  }
0xe6: {  	v23 =	vld [tilespmem:s5+$0x19570]  }
0xe7: {  	v24 =	vld [tilespmem:s5+$0x19580]  }
0xe8: {  	v25 =	vld [tilespmem:s5+$0x19590]  }
0xe9: {  	v26 =	vld [tilespmem:s5+$0x195A0]  }
0xea: {  	v27 =	vld [tilespmem:s5+$0x195B0]  }
0xeb: {  	v28 =	vld [tilespmem:s5+$0x195C0]  }
0xec: {  	v29 =	vld [tilespmem:s5+$0x195D0]  }
0xed: {  	v30 =	vld [tilespmem:s5+$0x195E0]  }
0xee: {  	[tilespmem:s5+$0x6400] =	vst.add.f32.msk $0xffff, v1  }
0xef: {  	[tilespmem:s5+$0x6410] =	vst.add.f32.msk $0xffff, v2  }
0xf0: {  	[tilespmem:s5+$0x6420] =	vst.add.f32.msk $0xffff, v3  }
0xf1: {  	[tilespmem:s5+$0x6430] =	vst.add.f32.msk $0xffff, v4  }
0xf2: {  	[tilespmem:s5+$0x6440] =	vst.add.f32.msk $0xffff, v0  }
0xf3: {  	[tilespmem:s5+$0x6450] =	vst.add.f32.msk $0xffff, v5  }
0xf4: {  	[tilespmem:s5+$0x6460] =	vst.add.f32.msk $0xffff, v6  }
0xf5: {  	[tilespmem:s5+$0x6470] =	vst.add.f32.msk $0xffff, v7  }
0xf6: {  	[tilespmem:s5+$0x6480] =	vst.add.f32.msk $0xffff, v8  }
0xf7: {  	[tilespmem:s5+$0x6490] =	vst.add.f32.msk $0xffff, v9  }
0xf8: {  	[tilespmem:s5+$0x64A0] =	vst.add.f32.msk $0xffff, v10  }
0xf9: {  	[tilespmem:s5+$0x64B0] =	vst.add.f32.msk $0xffff, v11  }
0xfa: {  	[tilespmem:s5+$0x64C0] =	vst.add.f32.msk $0xffff, v12  }
0xfb: {  	[tilespmem:s5+$0x64D0] =	vst.add.f32.msk $0xffff, v13  }
0xfc: {  	[tilespmem:s5+$0x64E0] =	vst.add.f32.msk $0xffff, v14  }
0xfd: {  	[tilespmem:s5+$0x64F0] =	vst.add.f32.msk $0xffff, v15  }
0xfe: {  	[tilespmem:s5+$0x6500] =	vst.add.f32.msk $0xffff, v16  }
0xff: {  	[tilespmem:s5+$0x6510] =	vst.add.f32.msk $0xffff, v17  }
0x100: {  	[tilespmem:s5+$0x6520] =	vst.add.f32.msk $0xffff, v18  }
0x101: {  	[tilespmem:s5+$0x6530] =	vst.add.f32.msk $0xffff, v19  }
0x102: {  	[tilespmem:s5+$0x6540] =	vst.add.f32.msk $0xffff, v20  }
0x103: {  	[tilespmem:s5+$0x6550] =	vst.add.f32.msk $0xffff, v21  }
0x104: {  	[tilespmem:s5+$0x6560] =	vst.add.f32.msk $0xffff, v22  }
0x105: {  	[tilespmem:s5+$0x6570] =	vst.add.f32.msk $0xffff, v23  }
0x106: {  	[tilespmem:s5+$0x6580] =	vst.add.f32.msk $0xffff, v24  }
0x107: {  	[tilespmem:s5+$0x6590] =	vst.add.f32.msk $0xffff, v25  }
.Ltmp1:
0x108: {  	[tilespmem:s5+$0x65A0] =	vst.add.f32.msk $0xffff, v26;
	(pc) =	sbr.rel @p0 .LBB2_4-.Ltmp1, $4  }
0x109: {  	[tilespmem:s5+$0x65B0] =	vst.add.f32.msk $0xffff, v27  }
0x10a: {  	[tilespmem:s5+$0x65C0] =	vst.add.f32.msk $0xffff, v28  }
0x10b: {  	[tilespmem:s5+$0x65D0] =	vst.add.f32.msk $0xffff, v29  }
0x10c: {  	[tilespmem:s5+$0x65E0] =	vst.add.f32.msk $0xffff, v30;
	s5 =	sshra.s32 s7, $0x2;
	s7 =	sadd.s32 $0x800, s7  }
0x10d: {  	v0 =	vld [tilespmem:s5+$0x195F0]  }
0x10e: {  	v1 =	vld [tilespmem:s5+$0x19400]  }
0x10f: {  	v2 =	vld [tilespmem:s5+$0x19410]  }
0x110: {  	v3 =	vld [tilespmem:s5+$0x19420]  }
0x111: {  	v4 =	vld [tilespmem:s5+$0x19430]  }
0x112: {  	v63 =	vld [tilespmem:s5+$0x19440]  }
0x113: {  	v5 =	vld [tilespmem:s5+$0x19450]  }
0x114: {  	v6 =	vld [tilespmem:s5+$0x19460]  }
0x115: {  	v7 =	vld [tilespmem:s5+$0x19470]  }
0x116: {  	v8 =	vld [tilespmem:s5+$0x19480]  }
0x117: {  	v9 =	vld [tilespmem:s5+$0x19490]  }
0x118: {  	v10 =	vld [tilespmem:s5+$0x194A0]  }
0x119: {  	v11 =	vld [tilespmem:s5+$0x194B0]  }
0x11a: {  	v12 =	vld [tilespmem:s5+$0x194C0]  }
0x11b: {  	v13 =	vld [tilespmem:s5+$0x194D0]  }
0x11c: {  	v14 =	vld [tilespmem:s5+$0x194E0]  }
0x11d: {  	v15 =	vld [tilespmem:s5+$0x194F0]  }
0x11e: {  	v16 =	vld [tilespmem:s5+$0x19500]  }
0x11f: {  	v17 =	vld [tilespmem:s5+$0x19510]  }
0x120: {  	v18 =	vld [tilespmem:s5+$0x19520]  }
0x121: {  	v19 =	vld [tilespmem:s5+$0x19530]  }
0x122: {  	v20 =	vld [tilespmem:s5+$0x19540]  }
0x123: {  	v21 =	vld [tilespmem:s5+$0x19550]  }
0x124: {  	v22 =	vld [tilespmem:s5+$0x19560]  }
0x125: {  	v23 =	vld [tilespmem:s5+$0x19570]  }
0x126: {  	v24 =	vld [tilespmem:s5+$0x19580]  }
0x127: {  	v25 =	vld [tilespmem:s5+$0x19590]  }
0x128: {  	v26 =	vld [tilespmem:s5+$0x195A0]  }
0x129: {  	v27 =	vld [tilespmem:s5+$0x195B0]  }
0x12a: {  	v28 =	vld [tilespmem:s5+$0x195C0]  }
0x12b: {  	v29 =	vld [tilespmem:s5+$0x195D0]  }
0x12c: {  	v30 =	vld [tilespmem:s5+$0x195E0]  }
0x12d: {  	[tilespmem:s5+$0x65F0] =	vst.add.f32.msk $0xffff, v0  }
0x12e: {  	[tilespmem:s5+$0x6400] =	vst.add.f32.msk $0xffff, v1  }
0x12f: {  	[tilespmem:s5+$0x6410] =	vst.add.f32.msk $0xffff, v2  }
0x130: {  	[tilespmem:s5+$0x6420] =	vst.add.f32.msk $0xffff, v3  }
0x131: {  	[tilespmem:s5+$0x6430] =	vst.add.f32.msk $0xffff, v4  }
0x132: {  	[tilespmem:s5+$0x6440] =	vst.add.f32.msk $0xffff, v63  }
0x133: {  	[tilespmem:s5+$0x6450] =	vst.add.f32.msk $0xffff, v5  }
0x134: {  	[tilespmem:s5+$0x6460] =	vst.add.f32.msk $0xffff, v6  }
0x135: {  	[tilespmem:s5+$0x6470] =	vst.add.f32.msk $0xffff, v7  }
0x136: {  	[tilespmem:s5+$0x6480] =	vst.add.f32.msk $0xffff, v8  }
0x137: {  	[tilespmem:s5+$0x6490] =	vst.add.f32.msk $0xffff, v9  }
0x138: {  	[tilespmem:s5+$0x64A0] =	vst.add.f32.msk $0xffff, v10  }
0x139: {  	[tilespmem:s5+$0x64B0] =	vst.add.f32.msk $0xffff, v11  }
0x13a: {  	[tilespmem:s5+$0x64C0] =	vst.add.f32.msk $0xffff, v12  }
0x13b: {  	[tilespmem:s5+$0x64D0] =	vst.add.f32.msk $0xffff, v13  }
0x13c: {  	[tilespmem:s5+$0x64E0] =	vst.add.f32.msk $0xffff, v14  }
0x13d: {  	[tilespmem:s5+$0x64F0] =	vst.add.f32.msk $0xffff, v15  }
0x13e: {  	[tilespmem:s5+$0x6500] =	vst.add.f32.msk $0xffff, v16  }
0x13f: {  	[tilespmem:s5+$0x6510] =	vst.add.f32.msk $0xffff, v17  }
0x140: {  	[tilespmem:s5+$0x6520] =	vst.add.f32.msk $0xffff, v18  }
0x141: {  	[tilespmem:s5+$0x6530] =	vst.add.f32.msk $0xffff, v19  }
0x142: {  	[tilespmem:s5+$0x6540] =	vst.add.f32.msk $0xffff, v20  }
0x143: {  	[tilespmem:s5+$0x6550] =	vst.add.f32.msk $0xffff, v21  }
0x144: {  	[tilespmem:s5+$0x6560] =	vst.add.f32.msk $0xffff, v22  }
0x145: {  	[tilespmem:s5+$0x6570] =	vst.add.f32.msk $0xffff, v23  }
0x146: {  	[tilespmem:s5+$0x6580] =	vst.add.f32.msk $0xffff, v24  }
0x147: {  	[tilespmem:s5+$0x6590] =	vst.add.f32.msk $0xffff, v25  }
0x148: {  	[tilespmem:s5+$0x65A0] =	vst.add.f32.msk $0xffff, v26  }
0x149: {  	[tilespmem:s5+$0x65B0] =	vst.add.f32.msk $0xffff, v27  }
0x14a: {  	[tilespmem:s5+$0x65C0] =	vst.add.f32.msk $0xffff, v28  }
0x14b: {  	[tilespmem:s5+$0x65D0] =	vst.add.f32.msk $0xffff, v29  }
0x14c: {  	s0 =	rddreg [dreg:$0xb];
	s25 =	simm.s32 $0x6400;
	s7 =	simm.s32 $0x0;
	[tilespmem:s5+$0x65E0] =	vst.add.f32.msk $0xffff, v30  }
0x14d: {  	[hbm4b:s0+s12] =	stream.linear.scatter [tilespmem:s25], [sflag:$0x6], $0x6400, $0x38;
	[tilespmem:$0x1F800] =	vst v63  }
.LBB2_6:
0x14e: {  	_ =	swait.ge [sflag:s29], $0x6400  }
0x14f: {  	[sflag:s29] =	ssyncset.done $0x0  }
0x150: {  	[sflag:s29] =	ssyncadd.s32 $0xFFFF9C00  }
0x151: {  	_ =	swait.ge [sflag:s26], $0x100  }
0x152: {  	[sflag:s26] =	ssyncset.done $0x0  }
0x153: {  	s5 =	simm.s32 $0x19000;
	[sflag:s26] =	ssyncadd.s32 $0xFFFFFF00  }
0x154: {  	[tilespmem:s12], [sflag:$0x1] =	stream.indirect.gather [hbm4b:s1+s22], $0x80, s5, s22, $0xb8;
	[tilespmem:$0x1F800] =	vst v63  }
0x155: {  	s15 =	sshll.u32 s7, $0x2;
	s14 =	simm.s32 $0x19080;
	s16 =	simm.s32 $0x4000  }
0x156: {  	[tilespmem:s16], [sflag:$0x1] =	stream.indirect.gather [hbm4b:s1+s28], $0x80, s14, s28, $0xb8;
	[tilespmem:$0x1F800] =	vst v63  }
0x157: {  	s16 =	sadd.s32 $0x5, s15  }
0x158: {  	s24 =	sadd.s32 s8, s16;
	s5 =	sshll.u32 s16, $0x4  }
0x159: {  	s25 =	sshll.u32 s24, $0x5;
	s5 =	sand.u32 $0x50, s5  }
0x15a: {  	s16 =	sand.u32 $0xFFFFF00, s25;
	s5 =	sadd.s32 s6, s5  }
0x15b: {  	s5 =	sadd.s32 s16, s5  }
0x15c: {  	[tilespmem:s20], [sflag:$0xA] =	stream.strided.gather [hbm4b:s5+s22], $0x100, s23, s22, $0x38;
	[tilespmem:$0x1F800] =	vst v63  }
0x15d: {  	_ =	swait.ge [sflag:s30], $0x4000  }
0x15e: {  	[sflag:s30] =	ssyncset.done $0x0  }
0x15f: {  	[sflag:s30] =	ssyncadd.s32 $0xFFFFC000  }
0x160: {  	_ =	swait.ge [sflag:s30], $0x2400  }
0x161: {  	s0 =	simm.s32 $0x0;
	[sflag:s30] =	ssyncset.done $0x0  }
0x162: {  	s16 =	simm.s32 $0x800;
	s5 =	simm.s32 $0x0;
	[sflag:s30] =	ssyncadd.s32 $0xFFFFDC00  }
.LBB2_7:
0x163: {  	p0 =	sne.s32 s16, $0x18800;
	v0 =	vld [tilespmem:s5+$0x195F0]  }
0x164: {  	v1 =	vld [tilespmem:s5+$0x19400]  }
0x165: {  	v2 =	vld [tilespmem:s5+$0x19410]  }
0x166: {  	v3 =	vld [tilespmem:s5+$0x19420]  }
0x167: {  	v4 =	vld [tilespmem:s5+$0x19430]  }
0x168: {  	[tilespmem:s5+$0xC9F0] =	vst.add.f32.msk $0xffff, v0  }
0x169: {  	v0 =	vld [tilespmem:s5+$0x19440]  }
0x16a: {  	v5 =	vld [tilespmem:s5+$0x19450]  }
0x16b: {  	v6 =	vld [tilespmem:s5+$0x19460]  }
0x16c: {  	v7 =	vld [tilespmem:s5+$0x19470]  }
0x16d: {  	v8 =	vld [tilespmem:s5+$0x19480]  }
0x16e: {  	v9 =	vld [tilespmem:s5+$0x19490]  }
0x16f: {  	v10 =	vld [tilespmem:s5+$0x194A0]  }
0x170: {  	v11 =	vld [tilespmem:s5+$0x194B0]  }
0x171: {  	v12 =	vld [tilespmem:s5+$0x194C0]  }
0x172: {  	v13 =	vld [tilespmem:s5+$0x194D0]  }
0x173: {  	v14 =	vld [tilespmem:s5+$0x194E0]  }
0x174: {  	v15 =	vld [tilespmem:s5+$0x194F0]  }
0x175: {  	v16 =	vld [tilespmem:s5+$0x19500]  }
0x176: {  	v17 =	vld [tilespmem:s5+$0x19510]  }
0x177: {  	v18 =	vld [tilespmem:s5+$0x19520]  }
0x178: {  	v19 =	vld [tilespmem:s5+$0x19530]  }
0x179: {  	v20 =	vld [tilespmem:s5+$0x19540]  }
0x17a: {  	v21 =	vld [tilespmem:s5+$0x19550]  }
0x17b: {  	v22 =	vld [tilespmem:s5+$0x19560]  }
0x17c: {  	v23 =	vld [tilespmem:s5+$0x19570]  }
0x17d: {  	v24 =	vld [tilespmem:s5+$0x19580]  }
0x17e: {  	v25 =	vld [tilespmem:s5+$0x19590]  }
0x17f: {  	v26 =	vld [tilespmem:s5+$0x195A0]  }
0x180: {  	v27 =	vld [tilespmem:s5+$0x195B0]  }
0x181: {  	v28 =	vld [tilespmem:s5+$0x195C0]  }
0x182: {  	v29 =	vld [tilespmem:s5+$0x195D0]  }
0x183: {  	v30 =	vld [tilespmem:s5+$0x195E0]  }
0x184: {  	[tilespmem:s5+$0xC800] =	vst.add.f32.msk $0xffff, v1  }
0x185: {  	[tilespmem:s5+$0xC810] =	vst.add.f32.msk $0xffff, v2  }
0x186: {  	[tilespmem:s5+$0xC820] =	vst.add.f32.msk $0xffff, v3  }
0x187: {  	[tilespmem:s5+$0xC830] =	vst.add.f32.msk $0xffff, v4  }
0x188: {  	[tilespmem:s5+$0xC840] =	vst.add.f32.msk $0xffff, v0  }
0x189: {  	[tilespmem:s5+$0xC850] =	vst.add.f32.msk $0xffff, v5  }
0x18a: {  	[tilespmem:s5+$0xC860] =	vst.add.f32.msk $0xffff, v6  }
0x18b: {  	[tilespmem:s5+$0xC870] =	vst.add.f32.msk $0xffff, v7  }
0x18c: {  	[tilespmem:s5+$0xC880] =	vst.add.f32.msk $0xffff, v8  }
0x18d: {  	[tilespmem:s5+$0xC890] =	vst.add.f32.msk $0xffff, v9  }
0x18e: {  	[tilespmem:s5+$0xC8A0] =	vst.add.f32.msk $0xffff, v10  }
0x18f: {  	[tilespmem:s5+$0xC8B0] =	vst.add.f32.msk $0xffff, v11  }
0x190: {  	[tilespmem:s5+$0xC8C0] =	vst.add.f32.msk $0xffff, v12  }
0x191: {  	[tilespmem:s5+$0xC8D0] =	vst.add.f32.msk $0xffff, v13  }
0x192: {  	[tilespmem:s5+$0xC8E0] =	vst.add.f32.msk $0xffff, v14  }
0x193: {  	[tilespmem:s5+$0xC8F0] =	vst.add.f32.msk $0xffff, v15  }
0x194: {  	[tilespmem:s5+$0xC900] =	vst.add.f32.msk $0xffff, v16  }
0x195: {  	[tilespmem:s5+$0xC910] =	vst.add.f32.msk $0xffff, v17  }
0x196: {  	[tilespmem:s5+$0xC920] =	vst.add.f32.msk $0xffff, v18  }
0x197: {  	[tilespmem:s5+$0xC930] =	vst.add.f32.msk $0xffff, v19  }
0x198: {  	[tilespmem:s5+$0xC940] =	vst.add.f32.msk $0xffff, v20  }
0x199: {  	[tilespmem:s5+$0xC950] =	vst.add.f32.msk $0xffff, v21  }
0x19a: {  	[tilespmem:s5+$0xC960] =	vst.add.f32.msk $0xffff, v22  }
0x19b: {  	[tilespmem:s5+$0xC970] =	vst.add.f32.msk $0xffff, v23  }
0x19c: {  	[tilespmem:s5+$0xC980] =	vst.add.f32.msk $0xffff, v24  }
0x19d: {  	[tilespmem:s5+$0xC990] =	vst.add.f32.msk $0xffff, v25  }
.Ltmp2:
0x19e: {  	[tilespmem:s5+$0xC9A0] =	vst.add.f32.msk $0xffff, v26;
	(pc) =	sbr.rel @p0 .LBB2_7-.Ltmp2, $4  }
0x19f: {  	[tilespmem:s5+$0xC9B0] =	vst.add.f32.msk $0xffff, v27  }
0x1a0: {  	[tilespmem:s5+$0xC9C0] =	vst.add.f32.msk $0xffff, v28  }
0x1a1: {  	[tilespmem:s5+$0xC9D0] =	vst.add.f32.msk $0xffff, v29  }
0x1a2: {  	[tilespmem:s5+$0xC9E0] =	vst.add.f32.msk $0xffff, v30;
	s5 =	sshra.s32 s16, $0x2;
	s16 =	sadd.s32 $0x800, s16  }
0x1a3: {  	v0 =	vld [tilespmem:s5+$0x195F0]  }
0x1a4: {  	v1 =	vld [tilespmem:s5+$0x19400]  }
0x1a5: {  	v2 =	vld [tilespmem:s5+$0x19410]  }
0x1a6: {  	v3 =	vld [tilespmem:s5+$0x19420]  }
0x1a7: {  	v4 =	vld [tilespmem:s5+$0x19430]  }
0x1a8: {  	v63 =	vld [tilespmem:s5+$0x19440]  }
0x1a9: {  	v5 =	vld [tilespmem:s5+$0x19450]  }
0x1aa: {  	v6 =	vld [tilespmem:s5+$0x19460]  }
0x1ab: {  	v7 =	vld [tilespmem:s5+$0x19470]  }
0x1ac: {  	v8 =	vld [tilespmem:s5+$0x19480]  }
0x1ad: {  	v9 =	vld [tilespmem:s5+$0x19490]  }
0x1ae: {  	v10 =	vld [tilespmem:s5+$0x194A0]  }
0x1af: {  	v11 =	vld [tilespmem:s5+$0x194B0]  }
0x1b0: {  	v12 =	vld [tilespmem:s5+$0x194C0]  }
0x1b1: {  	v13 =	vld [tilespmem:s5+$0x194D0]  }
0x1b2: {  	v14 =	vld [tilespmem:s5+$0x194E0]  }
0x1b3: {  	v15 =	vld [tilespmem:s5+$0x194F0]  }
0x1b4: {  	v16 =	vld [tilespmem:s5+$0x19500]  }
0x1b5: {  	v17 =	vld [tilespmem:s5+$0x19510]  }
0x1b6: {  	v18 =	vld [tilespmem:s5+$0x19520]  }
0x1b7: {  	v19 =	vld [tilespmem:s5+$0x19530]  }
0x1b8: {  	v20 =	vld [tilespmem:s5+$0x19540]  }
0x1b9: {  	v21 =	vld [tilespmem:s5+$0x19550]  }
0x1ba: {  	v22 =	vld [tilespmem:s5+$0x19560]  }
0x1bb: {  	v23 =	vld [tilespmem:s5+$0x19570]  }
0x1bc: {  	v24 =	vld [tilespmem:s5+$0x19580]  }
0x1bd: {  	v25 =	vld [tilespmem:s5+$0x19590]  }
0x1be: {  	v26 =	vld [tilespmem:s5+$0x195A0]  }
0x1bf: {  	v27 =	vld [tilespmem:s5+$0x195B0]  }
0x1c0: {  	v28 =	vld [tilespmem:s5+$0x195C0]  }
0x1c1: {  	v29 =	vld [tilespmem:s5+$0x195D0]  }
0x1c2: {  	v30 =	vld [tilespmem:s5+$0x195E0]  }
0x1c3: {  	[tilespmem:s5+$0xC9F0] =	vst.add.f32.msk $0xffff, v0  }
0x1c4: {  	[tilespmem:s5+$0xC800] =	vst.add.f32.msk $0xffff, v1  }
0x1c5: {  	[tilespmem:s5+$0xC810] =	vst.add.f32.msk $0xffff, v2  }
0x1c6: {  	[tilespmem:s5+$0xC820] =	vst.add.f32.msk $0xffff, v3  }
0x1c7: {  	[tilespmem:s5+$0xC830] =	vst.add.f32.msk $0xffff, v4  }
0x1c8: {  	[tilespmem:s5+$0xC840] =	vst.add.f32.msk $0xffff, v63  }
0x1c9: {  	[tilespmem:s5+$0xC850] =	vst.add.f32.msk $0xffff, v5  }
0x1ca: {  	[tilespmem:s5+$0xC860] =	vst.add.f32.msk $0xffff, v6  }
0x1cb: {  	[tilespmem:s5+$0xC870] =	vst.add.f32.msk $0xffff, v7  }
0x1cc: {  	[tilespmem:s5+$0xC880] =	vst.add.f32.msk $0xffff, v8  }
0x1cd: {  	[tilespmem:s5+$0xC890] =	vst.add.f32.msk $0xffff, v9  }
0x1ce: {  	[tilespmem:s5+$0xC8A0] =	vst.add.f32.msk $0xffff, v10  }
0x1cf: {  	[tilespmem:s5+$0xC8B0] =	vst.add.f32.msk $0xffff, v11  }
0x1d0: {  	[tilespmem:s5+$0xC8C0] =	vst.add.f32.msk $0xffff, v12  }
0x1d1: {  	[tilespmem:s5+$0xC8D0] =	vst.add.f32.msk $0xffff, v13  }
0x1d2: {  	[tilespmem:s5+$0xC8E0] =	vst.add.f32.msk $0xffff, v14  }
0x1d3: {  	[tilespmem:s5+$0xC8F0] =	vst.add.f32.msk $0xffff, v15  }
0x1d4: {  	[tilespmem:s5+$0xC900] =	vst.add.f32.msk $0xffff, v16  }
0x1d5: {  	[tilespmem:s5+$0xC910] =	vst.add.f32.msk $0xffff, v17  }
0x1d6: {  	[tilespmem:s5+$0xC920] =	vst.add.f32.msk $0xffff, v18  }
0x1d7: {  	[tilespmem:s5+$0xC930] =	vst.add.f32.msk $0xffff, v19  }
0x1d8: {  	[tilespmem:s5+$0xC940] =	vst.add.f32.msk $0xffff, v20  }
0x1d9: {  	[tilespmem:s5+$0xC950] =	vst.add.f32.msk $0xffff, v21  }
0x1da: {  	[tilespmem:s5+$0xC960] =	vst.add.f32.msk $0xffff, v22  }
0x1db: {  	[tilespmem:s5+$0xC970] =	vst.add.f32.msk $0xffff, v23  }
0x1dc: {  	[tilespmem:s5+$0xC980] =	vst.add.f32.msk $0xffff, v24  }
0x1dd: {  	[tilespmem:s5+$0xC990] =	vst.add.f32.msk $0xffff, v25  }
0x1de: {  	s16 =	sadd.s32 s15, s8;
	[tilespmem:s5+$0xC9A0] =	vst.add.f32.msk $0xffff, v26  }
0x1df: {  	s16 =	smul.u32 $0xC80, s16;
	[tilespmem:s5+$0xC9B0] =	vst.add.f32.msk $0xffff, v27  }
0x1e0: {  	[tilespmem:s5+$0xC9C0] =	vst.add.f32.msk $0xffff, v28  }
0x1e1: {  	s16 =	sadd.s32 s4, s16;
	[tilespmem:s5+$0xC9D0] =	vst.add.f32.msk $0xffff, v29  }
0x1e2: {  	s25 =	simm.s32 $0x0;
	s14 =	simm.s32 $0xC800;
	[tilespmem:s5+$0xC9E0] =	vst.add.f32.msk $0xffff, v30;
	s5 =	sadd.s32 $0x1900, s16  }
0x1e3: {  	[hbm4b:s5+s25] =	stream.linear.scatter [tilespmem:s14], [sflag:$0x7], $0x6400, $0x38;
	[tilespmem:$0x1F800] =	vst v63  }
0x1e4: {  	_ =	swait.ge [sflag:s3], $0x6400  }
0x1e5: {  	[sflag:s3] =	ssyncset.done $0x0  }
0x1e6: {  	[sflag:s3] =	ssyncadd.s32 $0xFFFF9C00  }
0x1e7: {  	_ =	swait.ge [sflag:s31], $0x100  }
0x1e8: {  	[sflag:s31] =	ssyncset.done $0x0  }
0x1e9: {  	s14 =	simm.s32 $0x6400;
	[sflag:s31] =	ssyncadd.s32 $0xFFFFFF00  }
0x1ea: {  	[tilespmem:s14], [sflag:$0x2] =	stream.indirect.gather [hbm4b:s1+s22], $0x80, s20, s22, $0xb8;
	[tilespmem:$0x1F800] =	vst v63  }
0x1eb: {  	s25 =	simm.s32 $0x19180;
	s14 =	simm.s32 $0xA400  }
0x1ec: {  	[tilespmem:s14], [sflag:$0x2] =	stream.indirect.gather [hbm4b:s1+s28], $0x80, s25, s28, $0xb8;
	[tilespmem:$0x1F800] =	vst v63  }
0x1ed: {  	s25 =	sadd.s32 $0x6, s15  }
0x1ee: {  	s14 =	sadd.s32 s8, s25;
	s5 =	sshll.u32 s25, $0x4  }
0x1ef: {  	s25 =	sshll.u32 s14, $0x5;
	s5 =	sand.u32 $0x60, s5  }
0x1f0: {  	s25 =	sand.u32 $0xFFFFF00, s25;
	s5 =	sadd.s32 s6, s5  }
0x1f1: {  	s5 =	sadd.s32 s25, s5  }
0x1f2: {  	[tilespmem:s10], [sflag:$0xB] =	stream.strided.gather [hbm4b:s5+s22], $0x100, s23, s22, $0x38;
	[tilespmem:$0x1F800] =	vst v63  }
0x1f3: {  	_ =	swait.ge [sflag:s2], $0x4000  }
0x1f4: {  	[sflag:s2] =	ssyncset.done $0x0  }
0x1f5: {  	[sflag:s2] =	ssyncadd.s32 $0xFFFFC000  }
0x1f6: {  	_ =	swait.ge [sflag:s2], $0x2400  }
0x1f7: {  	[sflag:s2] =	ssyncset.done $0x0  }
0x1f8: {  	s25 =	simm.s32 $0x800;
	s5 =	simm.s32 $0x0;
	[sflag:s2] =	ssyncadd.s32 $0xFFFFDC00  }
.LBB2_9:
0x1f9: {  	p0 =	sne.s32 s25, $0x18800;
	v0 =	vld [tilespmem:s5+$0x195F0]  }
0x1fa: {  	v1 =	vld [tilespmem:s5+$0x19400]  }
0x1fb: {  	v2 =	vld [tilespmem:s5+$0x19410]  }
0x1fc: {  	v3 =	vld [tilespmem:s5+$0x19420]  }
0x1fd: {  	v4 =	vld [tilespmem:s5+$0x19430]  }
0x1fe: {  	[tilespmem:s5+$0x12DF0] =	vst.add.f32.msk $0xffff, v0  }
0x1ff: {  	v0 =	vld [tilespmem:s5+$0x19440]  }
0x200: {  	v5 =	vld [tilespmem:s5+$0x19450]  }
0x201: {  	v6 =	vld [tilespmem:s5+$0x19460]  }
0x202: {  	v7 =	vld [tilespmem:s5+$0x19470]  }
0x203: {  	v8 =	vld [tilespmem:s5+$0x19480]  }
0x204: {  	v9 =	vld [tilespmem:s5+$0x19490]  }
0x205: {  	v10 =	vld [tilespmem:s5+$0x194A0]  }
0x206: {  	v11 =	vld [tilespmem:s5+$0x194B0]  }
0x207: {  	v12 =	vld [tilespmem:s5+$0x194C0]  }
0x208: {  	v13 =	vld [tilespmem:s5+$0x194D0]  }
0x209: {  	v14 =	vld [tilespmem:s5+$0x194E0]  }
0x20a: {  	v15 =	vld [tilespmem:s5+$0x194F0]  }
0x20b: {  	v16 =	vld [tilespmem:s5+$0x19500]  }
0x20c: {  	v17 =	vld [tilespmem:s5+$0x19510]  }
0x20d: {  	v18 =	vld [tilespmem:s5+$0x19520]  }
0x20e: {  	v19 =	vld [tilespmem:s5+$0x19530]  }
0x20f: {  	v20 =	vld [tilespmem:s5+$0x19540]  }
0x210: {  	v21 =	vld [tilespmem:s5+$0x19550]  }
0x211: {  	v22 =	vld [tilespmem:s5+$0x19560]  }
0x212: {  	v23 =	vld [tilespmem:s5+$0x19570]  }
0x213: {  	v24 =	vld [tilespmem:s5+$0x19580]  }
0x214: {  	v25 =	vld [tilespmem:s5+$0x19590]  }
0x215: {  	v26 =	vld [tilespmem:s5+$0x195A0]  }
0x216: {  	v27 =	vld [tilespmem:s5+$0x195B0]  }
0x217: {  	v28 =	vld [tilespmem:s5+$0x195C0]  }
0x218: {  	v29 =	vld [tilespmem:s5+$0x195D0]  }
0x219: {  	v30 =	vld [tilespmem:s5+$0x195E0]  }
0x21a: {  	[tilespmem:s5+$0x12C00] =	vst.add.f32.msk $0xffff, v1  }
0x21b: {  	[tilespmem:s5+$0x12C10] =	vst.add.f32.msk $0xffff, v2  }
0x21c: {  	[tilespmem:s5+$0x12C20] =	vst.add.f32.msk $0xffff, v3  }
0x21d: {  	[tilespmem:s5+$0x12C30] =	vst.add.f32.msk $0xffff, v4  }
0x21e: {  	[tilespmem:s5+$0x12C40] =	vst.add.f32.msk $0xffff, v0  }
0x21f: {  	[tilespmem:s5+$0x12C50] =	vst.add.f32.msk $0xffff, v5  }
0x220: {  	[tilespmem:s5+$0x12C60] =	vst.add.f32.msk $0xffff, v6  }
0x221: {  	[tilespmem:s5+$0x12C70] =	vst.add.f32.msk $0xffff, v7  }
0x222: {  	[tilespmem:s5+$0x12C80] =	vst.add.f32.msk $0xffff, v8  }
0x223: {  	[tilespmem:s5+$0x12C90] =	vst.add.f32.msk $0xffff, v9  }
0x224: {  	[tilespmem:s5+$0x12CA0] =	vst.add.f32.msk $0xffff, v10  }
0x225: {  	[tilespmem:s5+$0x12CB0] =	vst.add.f32.msk $0xffff, v11  }
0x226: {  	[tilespmem:s5+$0x12CC0] =	vst.add.f32.msk $0xffff, v12  }
0x227: {  	[tilespmem:s5+$0x12CD0] =	vst.add.f32.msk $0xffff, v13  }
0x228: {  	[tilespmem:s5+$0x12CE0] =	vst.add.f32.msk $0xffff, v14  }
0x229: {  	[tilespmem:s5+$0x12CF0] =	vst.add.f32.msk $0xffff, v15  }
0x22a: {  	[tilespmem:s5+$0x12D00] =	vst.add.f32.msk $0xffff, v16  }
0x22b: {  	[tilespmem:s5+$0x12D10] =	vst.add.f32.msk $0xffff, v17  }
0x22c: {  	[tilespmem:s5+$0x12D20] =	vst.add.f32.msk $0xffff, v18  }
0x22d: {  	[tilespmem:s5+$0x12D30] =	vst.add.f32.msk $0xffff, v19  }
0x22e: {  	[tilespmem:s5+$0x12D40] =	vst.add.f32.msk $0xffff, v20  }
0x22f: {  	[tilespmem:s5+$0x12D50] =	vst.add.f32.msk $0xffff, v21  }
0x230: {  	[tilespmem:s5+$0x12D60] =	vst.add.f32.msk $0xffff, v22  }
0x231: {  	[tilespmem:s5+$0x12D70] =	vst.add.f32.msk $0xffff, v23  }
0x232: {  	[tilespmem:s5+$0x12D80] =	vst.add.f32.msk $0xffff, v24  }
0x233: {  	[tilespmem:s5+$0x12D90] =	vst.add.f32.msk $0xffff, v25  }
.Ltmp3:
0x234: {  	[tilespmem:s5+$0x12DA0] =	vst.add.f32.msk $0xffff, v26;
	(pc) =	sbr.rel @p0 .LBB2_9-.Ltmp3, $4  }
0x235: {  	[tilespmem:s5+$0x12DB0] =	vst.add.f32.msk $0xffff, v27  }
0x236: {  	[tilespmem:s5+$0x12DC0] =	vst.add.f32.msk $0xffff, v28  }
0x237: {  	[tilespmem:s5+$0x12DD0] =	vst.add.f32.msk $0xffff, v29  }
0x238: {  	[tilespmem:s5+$0x12DE0] =	vst.add.f32.msk $0xffff, v30;
	s5 =	sshra.s32 s25, $0x2;
	s25 =	sadd.s32 $0x800, s25  }
0x239: {  	v0 =	vld [tilespmem:s5+$0x195F0]  }
0x23a: {  	v1 =	vld [tilespmem:s5+$0x19400]  }
0x23b: {  	v2 =	vld [tilespmem:s5+$0x19410]  }
0x23c: {  	v3 =	vld [tilespmem:s5+$0x19420]  }
0x23d: {  	v4 =	vld [tilespmem:s5+$0x19430]  }
0x23e: {  	v63 =	vld [tilespmem:s5+$0x19440]  }
0x23f: {  	v5 =	vld [tilespmem:s5+$0x19450]  }
0x240: {  	v6 =	vld [tilespmem:s5+$0x19460]  }
0x241: {  	v7 =	vld [tilespmem:s5+$0x19470]  }
0x242: {  	v8 =	vld [tilespmem:s5+$0x19480]  }
0x243: {  	v9 =	vld [tilespmem:s5+$0x19490]  }
0x244: {  	v10 =	vld [tilespmem:s5+$0x194A0]  }
0x245: {  	v11 =	vld [tilespmem:s5+$0x194B0]  }
0x246: {  	v12 =	vld [tilespmem:s5+$0x194C0]  }
0x247: {  	v13 =	vld [tilespmem:s5+$0x194D0]  }
0x248: {  	v14 =	vld [tilespmem:s5+$0x194E0]  }
0x249: {  	v15 =	vld [tilespmem:s5+$0x194F0]  }
0x24a: {  	v16 =	vld [tilespmem:s5+$0x19500]  }
0x24b: {  	v17 =	vld [tilespmem:s5+$0x19510]  }
0x24c: {  	v18 =	vld [tilespmem:s5+$0x19520]  }
0x24d: {  	v19 =	vld [tilespmem:s5+$0x19530]  }
0x24e: {  	v20 =	vld [tilespmem:s5+$0x19540]  }
0x24f: {  	v21 =	vld [tilespmem:s5+$0x19550]  }
0x250: {  	v22 =	vld [tilespmem:s5+$0x19560]  }
0x251: {  	v23 =	vld [tilespmem:s5+$0x19570]  }
0x252: {  	v24 =	vld [tilespmem:s5+$0x19580]  }
0x253: {  	v25 =	vld [tilespmem:s5+$0x19590]  }
0x254: {  	v26 =	vld [tilespmem:s5+$0x195A0]  }
0x255: {  	v27 =	vld [tilespmem:s5+$0x195B0]  }
0x256: {  	v28 =	vld [tilespmem:s5+$0x195C0]  }
0x257: {  	v29 =	vld [tilespmem:s5+$0x195D0]  }
0x258: {  	v30 =	vld [tilespmem:s5+$0x195E0]  }
0x259: {  	[tilespmem:s5+$0x12DF0] =	vst.add.f32.msk $0xffff, v0  }
0x25a: {  	[tilespmem:s5+$0x12C00] =	vst.add.f32.msk $0xffff, v1  }
0x25b: {  	[tilespmem:s5+$0x12C10] =	vst.add.f32.msk $0xffff, v2  }
0x25c: {  	[tilespmem:s5+$0x12C20] =	vst.add.f32.msk $0xffff, v3  }
0x25d: {  	[tilespmem:s5+$0x12C30] =	vst.add.f32.msk $0xffff, v4  }
0x25e: {  	[tilespmem:s5+$0x12C40] =	vst.add.f32.msk $0xffff, v63  }
0x25f: {  	[tilespmem:s5+$0x12C50] =	vst.add.f32.msk $0xffff, v5  }
0x260: {  	[tilespmem:s5+$0x12C60] =	vst.add.f32.msk $0xffff, v6  }
0x261: {  	[tilespmem:s5+$0x12C70] =	vst.add.f32.msk $0xffff, v7  }
0x262: {  	[tilespmem:s5+$0x12C80] =	vst.add.f32.msk $0xffff, v8  }
0x263: {  	[tilespmem:s5+$0x12C90] =	vst.add.f32.msk $0xffff, v9  }
0x264: {  	[tilespmem:s5+$0x12CA0] =	vst.add.f32.msk $0xffff, v10  }
0x265: {  	[tilespmem:s5+$0x12CB0] =	vst.add.f32.msk $0xffff, v11  }
0x266: {  	[tilespmem:s5+$0x12CC0] =	vst.add.f32.msk $0xffff, v12  }
0x267: {  	[tilespmem:s5+$0x12CD0] =	vst.add.f32.msk $0xffff, v13  }
0x268: {  	[tilespmem:s5+$0x12CE0] =	vst.add.f32.msk $0xffff, v14  }
0x269: {  	[tilespmem:s5+$0x12CF0] =	vst.add.f32.msk $0xffff, v15  }
0x26a: {  	[tilespmem:s5+$0x12D00] =	vst.add.f32.msk $0xffff, v16  }
0x26b: {  	[tilespmem:s5+$0x12D10] =	vst.add.f32.msk $0xffff, v17  }
0x26c: {  	[tilespmem:s5+$0x12D20] =	vst.add.f32.msk $0xffff, v18  }
0x26d: {  	[tilespmem:s5+$0x12D30] =	vst.add.f32.msk $0xffff, v19  }
0x26e: {  	[tilespmem:s5+$0x12D40] =	vst.add.f32.msk $0xffff, v20  }
0x26f: {  	[tilespmem:s5+$0x12D50] =	vst.add.f32.msk $0xffff, v21  }
0x270: {  	[tilespmem:s5+$0x12D60] =	vst.add.f32.msk $0xffff, v22  }
0x271: {  	[tilespmem:s5+$0x12D70] =	vst.add.f32.msk $0xffff, v23  }
0x272: {  	[tilespmem:s5+$0x12D80] =	vst.add.f32.msk $0xffff, v24  }
0x273: {  	[tilespmem:s5+$0x12D90] =	vst.add.f32.msk $0xffff, v25  }
0x274: {  	[tilespmem:s5+$0x12DA0] =	vst.add.f32.msk $0xffff, v26  }
0x275: {  	[tilespmem:s5+$0x12DB0] =	vst.add.f32.msk $0xffff, v27  }
0x276: {  	[tilespmem:s5+$0x12DC0] =	vst.add.f32.msk $0xffff, v28  }
0x277: {  	[tilespmem:s5+$0x12DD0] =	vst.add.f32.msk $0xffff, v29  }
0x278: {  	s25 =	sadd.s32 $0x2580, s16;
	s14 =	simm.s32 $0x0;
	[tilespmem:s5+$0x12DE0] =	vst.add.f32.msk $0xffff, v30  }
0x279: {  	[hbm4b:s25+s14] =	stream.linear.scatter [tilespmem:s19], [sflag:$0x8], $0x6400, $0x38;
	[tilespmem:$0x1F800] =	vst v63  }
0x27a: {  	_ =	swait.ge [sflag:s11], $0x6400  }
0x27b: {  	[sflag:s11] =	ssyncset.done $0x0  }
0x27c: {  	[sflag:s11] =	ssyncadd.s32 $0xFFFF9C00  }
0x27d: {  	_ =	swait.ge [sflag:s9], $0x100  }
0x27e: {  	[sflag:s9] =	ssyncset.done $0x0  }
0x27f: {  	s16 =	simm.s32 $0xC800;
	[sflag:s9] =	ssyncadd.s32 $0xFFFFFF00  }
0x280: {  	[tilespmem:s16], [sflag:$0x3] =	stream.indirect.gather [hbm4b:s1+s22], $0x80, s10, s22, $0xb8;
	[tilespmem:$0x1F800] =	vst v63  }
0x281: {  	s25 =	simm.s32 $0x19280;
	s14 =	simm.s32 $0x10800;
	s16 =	sadd.s32 $0x7, s15  }
0x282: {  	[tilespmem:s14], [sflag:$0x3] =	stream.indirect.gather [hbm4b:s1+s28], $0x80, s25, s28, $0xb8;
	[tilespmem:$0x1F800] =	vst v63  }
0x283: {  	s5 =	sshll.u32 s16, $0x4;
	s25 =	sadd.s32 s8, s16  }
0x284: {  	s5 =	sand.u32 $0x70, s5;
	s16 =	sshll.u32 s25, $0x5  }
0x285: {  	s5 =	sadd.s32 s6, s5;
	s16 =	sand.u32 $0xFFFFF00, s16  }
0x286: {  	s14 =	simm.s32 $0x19300;
	s5 =	sadd.s32 s16, s5  }
0x287: {  	[tilespmem:s14], [sflag:$0xC] =	stream.strided.gather [hbm4b:s5+s22], $0x100, s23, s22, $0x38;
	[tilespmem:$0x1F800] =	vst v63  }
0x288: {  	_ =	swait.ge [sflag:s17], $0x4000  }
0x289: {  	[sflag:s17] =	ssyncset.done $0x0  }
0x28a: {  	[sflag:s17] =	ssyncadd.s32 $0xFFFFC000  }
0x28b: {  	_ =	swait.ge [sflag:s17], $0x2400  }
0x28c: {  	[sflag:s17] =	ssyncset.done $0x0  }
0x28d: {  	s16 =	simm.s32 $0x800;
	s5 =	simm.s32 $0x0;
	[sflag:s17] =	ssyncadd.s32 $0xFFFFDC00  }
.LBB2_11:
0x28e: {  	p0 =	sne.s32 s16, $0x18800;
	v0 =	vld [tilespmem:s5+$0x195F0]  }
0x28f: {  	v1 =	vld [tilespmem:s5+$0x19400]  }
0x290: {  	v2 =	vld [tilespmem:s5+$0x19410]  }
0x291: {  	v3 =	vld [tilespmem:s5+$0x19420]  }
0x292: {  	v4 =	vld [tilespmem:s5+$0x19430]  }
0x293: {  	[tilespmem:s5+$0x1F0] =	vst.add.f32.msk $0xffff, v0  }
0x294: {  	v0 =	vld [tilespmem:s5+$0x19440]  }
0x295: {  	v5 =	vld [tilespmem:s5+$0x19450]  }
0x296: {  	v6 =	vld [tilespmem:s5+$0x19460]  }
0x297: {  	v7 =	vld [tilespmem:s5+$0x19470]  }
0x298: {  	v8 =	vld [tilespmem:s5+$0x19480]  }
0x299: {  	v9 =	vld [tilespmem:s5+$0x19490]  }
0x29a: {  	v10 =	vld [tilespmem:s5+$0x194A0]  }
0x29b: {  	v11 =	vld [tilespmem:s5+$0x194B0]  }
0x29c: {  	v12 =	vld [tilespmem:s5+$0x194C0]  }
0x29d: {  	v13 =	vld [tilespmem:s5+$0x194D0]  }
0x29e: {  	v14 =	vld [tilespmem:s5+$0x194E0]  }
0x29f: {  	v15 =	vld [tilespmem:s5+$0x194F0]  }
0x2a0: {  	v16 =	vld [tilespmem:s5+$0x19500]  }
0x2a1: {  	v17 =	vld [tilespmem:s5+$0x19510]  }
0x2a2: {  	v18 =	vld [tilespmem:s5+$0x19520]  }
0x2a3: {  	v19 =	vld [tilespmem:s5+$0x19530]  }
0x2a4: {  	v20 =	vld [tilespmem:s5+$0x19540]  }
0x2a5: {  	v21 =	vld [tilespmem:s5+$0x19550]  }
0x2a6: {  	v22 =	vld [tilespmem:s5+$0x19560]  }
0x2a7: {  	v23 =	vld [tilespmem:s5+$0x19570]  }
0x2a8: {  	v24 =	vld [tilespmem:s5+$0x19580]  }
0x2a9: {  	v25 =	vld [tilespmem:s5+$0x19590]  }
0x2aa: {  	v26 =	vld [tilespmem:s5+$0x195A0]  }
0x2ab: {  	v27 =	vld [tilespmem:s5+$0x195B0]  }
0x2ac: {  	v28 =	vld [tilespmem:s5+$0x195C0]  }
0x2ad: {  	v29 =	vld [tilespmem:s5+$0x195D0]  }
0x2ae: {  	v30 =	vld [tilespmem:s5+$0x195E0]  }
0x2af: {  	[tilespmem:s5+$0x0] =	vst.add.f32.msk $0xffff, v1  }
0x2b0: {  	[tilespmem:s5+$0x10] =	vst.add.f32.msk $0xffff, v2  }
0x2b1: {  	[tilespmem:s5+$0x20] =	vst.add.f32.msk $0xffff, v3  }
0x2b2: {  	[tilespmem:s5+$0x30] =	vst.add.f32.msk $0xffff, v4  }
0x2b3: {  	[tilespmem:s5+$0x40] =	vst.add.f32.msk $0xffff, v0  }
0x2b4: {  	[tilespmem:s5+$0x50] =	vst.add.f32.msk $0xffff, v5  }
0x2b5: {  	[tilespmem:s5+$0x60] =	vst.add.f32.msk $0xffff, v6  }
0x2b6: {  	[tilespmem:s5+$0x70] =	vst.add.f32.msk $0xffff, v7  }
0x2b7: {  	[tilespmem:s5+$0x80] =	vst.add.f32.msk $0xffff, v8  }
0x2b8: {  	[tilespmem:s5+$0x90] =	vst.add.f32.msk $0xffff, v9  }
0x2b9: {  	[tilespmem:s5+$0xA0] =	vst.add.f32.msk $0xffff, v10  }
0x2ba: {  	[tilespmem:s5+$0xB0] =	vst.add.f32.msk $0xffff, v11  }
0x2bb: {  	[tilespmem:s5+$0xC0] =	vst.add.f32.msk $0xffff, v12  }
0x2bc: {  	[tilespmem:s5+$0xD0] =	vst.add.f32.msk $0xffff, v13  }
0x2bd: {  	[tilespmem:s5+$0xE0] =	vst.add.f32.msk $0xffff, v14  }
0x2be: {  	[tilespmem:s5+$0xF0] =	vst.add.f32.msk $0xffff, v15  }
0x2bf: {  	[tilespmem:s5+$0x100] =	vst.add.f32.msk $0xffff, v16  }
0x2c0: {  	[tilespmem:s5+$0x110] =	vst.add.f32.msk $0xffff, v17  }
0x2c1: {  	[tilespmem:s5+$0x120] =	vst.add.f32.msk $0xffff, v18  }
0x2c2: {  	[tilespmem:s5+$0x130] =	vst.add.f32.msk $0xffff, v19  }
0x2c3: {  	[tilespmem:s5+$0x140] =	vst.add.f32.msk $0xffff, v20  }
0x2c4: {  	[tilespmem:s5+$0x150] =	vst.add.f32.msk $0xffff, v21  }
0x2c5: {  	[tilespmem:s5+$0x160] =	vst.add.f32.msk $0xffff, v22  }
0x2c6: {  	[tilespmem:s5+$0x170] =	vst.add.f32.msk $0xffff, v23  }
0x2c7: {  	[tilespmem:s5+$0x180] =	vst.add.f32.msk $0xffff, v24  }
0x2c8: {  	[tilespmem:s5+$0x190] =	vst.add.f32.msk $0xffff, v25  }
.Ltmp4:
0x2c9: {  	[tilespmem:s5+$0x1A0] =	vst.add.f32.msk $0xffff, v26;
	(pc) =	sbr.rel @p0 .LBB2_11-.Ltmp4, $4  }
0x2ca: {  	[tilespmem:s5+$0x1B0] =	vst.add.f32.msk $0xffff, v27  }
0x2cb: {  	[tilespmem:s5+$0x1C0] =	vst.add.f32.msk $0xffff, v28  }
0x2cc: {  	[tilespmem:s5+$0x1D0] =	vst.add.f32.msk $0xffff, v29  }
0x2cd: {  	[tilespmem:s5+$0x1E0] =	vst.add.f32.msk $0xffff, v30;
	s5 =	sshra.s32 s16, $0x2;
	s16 =	sadd.s32 $0x800, s16  }
0x2ce: {  	v0 =	vld [tilespmem:s5+$0x195F0]  }
0x2cf: {  	v1 =	vld [tilespmem:s5+$0x19400]  }
0x2d0: {  	v2 =	vld [tilespmem:s5+$0x19410]  }
0x2d1: {  	v3 =	vld [tilespmem:s5+$0x19420]  }
0x2d2: {  	v4 =	vld [tilespmem:s5+$0x19430]  }
0x2d3: {  	v63 =	vld [tilespmem:s5+$0x19440]  }
0x2d4: {  	v5 =	vld [tilespmem:s5+$0x19450]  }
0x2d5: {  	v6 =	vld [tilespmem:s5+$0x19460]  }
0x2d6: {  	v7 =	vld [tilespmem:s5+$0x19470]  }
0x2d7: {  	v8 =	vld [tilespmem:s5+$0x19480]  }
0x2d8: {  	v9 =	vld [tilespmem:s5+$0x19490]  }
0x2d9: {  	v10 =	vld [tilespmem:s5+$0x194A0]  }
0x2da: {  	v11 =	vld [tilespmem:s5+$0x194B0]  }
0x2db: {  	v12 =	vld [tilespmem:s5+$0x194C0]  }
0x2dc: {  	v13 =	vld [tilespmem:s5+$0x194D0]  }
0x2dd: {  	v14 =	vld [tilespmem:s5+$0x194E0]  }
0x2de: {  	v15 =	vld [tilespmem:s5+$0x194F0]  }
0x2df: {  	v16 =	vld [tilespmem:s5+$0x19500]  }
0x2e0: {  	v17 =	vld [tilespmem:s5+$0x19510]  }
0x2e1: {  	v18 =	vld [tilespmem:s5+$0x19520]  }
0x2e2: {  	v19 =	vld [tilespmem:s5+$0x19530]  }
0x2e3: {  	v20 =	vld [tilespmem:s5+$0x19540]  }
0x2e4: {  	v21 =	vld [tilespmem:s5+$0x19550]  }
0x2e5: {  	v22 =	vld [tilespmem:s5+$0x19560]  }
0x2e6: {  	v23 =	vld [tilespmem:s5+$0x19570]  }
0x2e7: {  	v24 =	vld [tilespmem:s5+$0x19580]  }
0x2e8: {  	v25 =	vld [tilespmem:s5+$0x19590]  }
0x2e9: {  	v26 =	vld [tilespmem:s5+$0x195A0]  }
0x2ea: {  	v27 =	vld [tilespmem:s5+$0x195B0]  }
0x2eb: {  	v28 =	vld [tilespmem:s5+$0x195C0]  }
0x2ec: {  	v29 =	vld [tilespmem:s5+$0x195D0]  }
0x2ed: {  	v30 =	vld [tilespmem:s5+$0x195E0]  }
0x2ee: {  	[tilespmem:s5+$0x1F0] =	vst.add.f32.msk $0xffff, v0  }
0x2ef: {  	[tilespmem:s5+$0x0] =	vst.add.f32.msk $0xffff, v1  }
0x2f0: {  	[tilespmem:s5+$0x10] =	vst.add.f32.msk $0xffff, v2  }
0x2f1: {  	[tilespmem:s5+$0x20] =	vst.add.f32.msk $0xffff, v3  }
0x2f2: {  	[tilespmem:s5+$0x30] =	vst.add.f32.msk $0xffff, v4  }
0x2f3: {  	[tilespmem:s5+$0x40] =	vst.add.f32.msk $0xffff, v63  }
0x2f4: {  	[tilespmem:s5+$0x50] =	vst.add.f32.msk $0xffff, v5  }
0x2f5: {  	[tilespmem:s5+$0x60] =	vst.add.f32.msk $0xffff, v6  }
0x2f6: {  	[tilespmem:s5+$0x70] =	vst.add.f32.msk $0xffff, v7  }
0x2f7: {  	[tilespmem:s5+$0x80] =	vst.add.f32.msk $0xffff, v8  }
0x2f8: {  	[tilespmem:s5+$0x90] =	vst.add.f32.msk $0xffff, v9  }
0x2f9: {  	[tilespmem:s5+$0xA0] =	vst.add.f32.msk $0xffff, v10  }
0x2fa: {  	[tilespmem:s5+$0xB0] =	vst.add.f32.msk $0xffff, v11  }
0x2fb: {  	[tilespmem:s5+$0xC0] =	vst.add.f32.msk $0xffff, v12  }
0x2fc: {  	[tilespmem:s5+$0xD0] =	vst.add.f32.msk $0xffff, v13  }
0x2fd: {  	[tilespmem:s5+$0xE0] =	vst.add.f32.msk $0xffff, v14  }
0x2fe: {  	[tilespmem:s5+$0xF0] =	vst.add.f32.msk $0xffff, v15  }
0x2ff: {  	[tilespmem:s5+$0x100] =	vst.add.f32.msk $0xffff, v16  }
0x300: {  	[tilespmem:s5+$0x110] =	vst.add.f32.msk $0xffff, v17  }
0x301: {  	[tilespmem:s5+$0x120] =	vst.add.f32.msk $0xffff, v18  }
0x302: {  	[tilespmem:s5+$0x130] =	vst.add.f32.msk $0xffff, v19  }
0x303: {  	[tilespmem:s5+$0x140] =	vst.add.f32.msk $0xffff, v20  }
0x304: {  	[tilespmem:s5+$0x150] =	vst.add.f32.msk $0xffff, v21  }
0x305: {  	[tilespmem:s5+$0x160] =	vst.add.f32.msk $0xffff, v22  }
0x306: {  	[tilespmem:s5+$0x170] =	vst.add.f32.msk $0xffff, v23  }
0x307: {  	[tilespmem:s5+$0x180] =	vst.add.f32.msk $0xffff, v24  }
0x308: {  	[tilespmem:s5+$0x190] =	vst.add.f32.msk $0xffff, v25  }
0x309: {  	s16 =	rddreg [dreg:$0xc];
	[tilespmem:s5+$0x1A0] =	vst.add.f32.msk $0xffff, v26  }
0x30a: {  	s16 =	sadd.s32 s15, s16;
	[tilespmem:s5+$0x1B0] =	vst.add.f32.msk $0xffff, v27  }
0x30b: {  	s16 =	smul.u32 $0xC80, s16;
	[tilespmem:s5+$0x1C0] =	vst.add.f32.msk $0xffff, v28  }
0x30c: {  	[tilespmem:s5+$0x1D0] =	vst.add.f32.msk $0xffff, v29  }
0x30d: {  	s25 =	sadd.s32 s4, s16;
	[tilespmem:s5+$0x1E0] =	vst.add.f32.msk $0xffff, v30  }
0x30e: {  	[hbm4b:s25+s0] =	stream.linear.scatter [tilespmem:s0], [sflag:$0x5], $0x6400, $0x38;
	[tilespmem:$0x1F800] =	vst v63  }
0x30f: {  	_ =	swait.ge [sflag:s13], $0x6400  }
0x310: {  	[sflag:s13] =	ssyncset.done $0x0  }
0x311: {  	[sflag:s13] =	ssyncadd.s32 $0xFFFF9C00  }
0x312: {  	_ =	swait.ge [sflag:s18], $0x100  }
0x313: {  	p0 =	seq.s32 s7, $0x1E;
	[sflag:s18] =	ssyncset.done $0x0;
	s0 =	rddreg [dreg:$0xd]  }
0x314: {  	[sflag:s18] =	ssyncadd.s32 $0xFFFFFF00;
	s5 =	sadd.s32 @!p0 s15, s0;
	s15 =	sshll.u32 @!p0 s7, $0x6  }
0x315: {  	[tilespmem:s19], [sflag:$0x4] =	stream.indirect.gather [hbm4b:s1+s22], $0x80, s14, s22, $0xb8;
	[tilespmem:$0x1F800] =	vst v63  }
0x316: {  	s16 =	simm.s32 $0x19380;
	s5 =	sshll.u32 @!p0 s5, $0x5;
	s15 =	sand.u32 @!p0 $0x40, s15  }
0x317: {  	s25 =	simm.s32 $0x16C00;
	s5 =	sand.u32 @!p0 $0xFFFFF00, s5;
	s15 =	sadd.s32 @!p0 s6, s15  }
0x318: {  	[tilespmem:s25], [sflag:$0x4] =	stream.indirect.gather [hbm4b:s1+s28], $0x80, s16, s28, $0xb8;
	[tilespmem:$0x1F800] =	vst v63  }
0x319: {  	s5 =	sadd.s32 @!p0 s5, s15  }
0x31a: {  	s15 =	simm.s32 @!p0 $0x80;
	s16 =	simm.s32 @!p0 $0x400;
	s25 =	simm.s32 @!p0 $0x19000  }
0x31b: {  	[tilespmem:s25], [sflag:$0x9] =	stream.strided.gather @!p0 [hbm4b:s5+s15], $0x100, s16, s15, $0x38;
	[tilespmem:$0x1F800] =	vst v63  }
0x31c: {  	_ =	swait.ge [sflag:s21], $0x4000  }
0x31d: {  	[sflag:s21] =	ssyncset.done $0x0  }
0x31e: {  	[sflag:s21] =	ssyncadd.s32 $0xFFFFC000  }
0x31f: {  	_ =	swait.ge [sflag:s21], $0x2400  }
0x320: {  	[sflag:s21] =	ssyncset.done $0x0  }
0x321: {  	s5 =	simm.s32 $0x0;
	s15 =	simm.s32 $0x800;
	[sflag:s21] =	ssyncadd.s32 $0xFFFFDC00  }
.LBB2_13:
0x322: {  	p0 =	sne.s32 s15, $0x18800;
	v0 =	vld [tilespmem:s5+$0x195F0]  }
0x323: {  	v1 =	vld [tilespmem:s5+$0x19400]  }
0x324: {  	v2 =	vld [tilespmem:s5+$0x19410]  }
0x325: {  	v3 =	vld [tilespmem:s5+$0x19420]  }
0x326: {  	v4 =	vld [tilespmem:s5+$0x19430]  }
0x327: {  	[tilespmem:s5+$0x65F0] =	vst.add.f32.msk $0xffff, v0  }
0x328: {  	v0 =	vld [tilespmem:s5+$0x19440]  }
0x329: {  	v5 =	vld [tilespmem:s5+$0x19450]  }
0x32a: {  	v6 =	vld [tilespmem:s5+$0x19460]  }
0x32b: {  	v7 =	vld [tilespmem:s5+$0x19470]  }
0x32c: {  	v8 =	vld [tilespmem:s5+$0x19480]  }
0x32d: {  	v9 =	vld [tilespmem:s5+$0x19490]  }
0x32e: {  	v10 =	vld [tilespmem:s5+$0x194A0]  }
0x32f: {  	v11 =	vld [tilespmem:s5+$0x194B0]  }
0x330: {  	v12 =	vld [tilespmem:s5+$0x194C0]  }
0x331: {  	v13 =	vld [tilespmem:s5+$0x194D0]  }
0x332: {  	v14 =	vld [tilespmem:s5+$0x194E0]  }
0x333: {  	v15 =	vld [tilespmem:s5+$0x194F0]  }
0x334: {  	v16 =	vld [tilespmem:s5+$0x19500]  }
0x335: {  	v17 =	vld [tilespmem:s5+$0x19510]  }
0x336: {  	v18 =	vld [tilespmem:s5+$0x19520]  }
0x337: {  	v19 =	vld [tilespmem:s5+$0x19530]  }
0x338: {  	v20 =	vld [tilespmem:s5+$0x19540]  }
0x339: {  	v21 =	vld [tilespmem:s5+$0x19550]  }
0x33a: {  	v22 =	vld [tilespmem:s5+$0x19560]  }
0x33b: {  	v23 =	vld [tilespmem:s5+$0x19570]  }
0x33c: {  	v24 =	vld [tilespmem:s5+$0x19580]  }
0x33d: {  	v25 =	vld [tilespmem:s5+$0x19590]  }
0x33e: {  	v26 =	vld [tilespmem:s5+$0x195A0]  }
0x33f: {  	v27 =	vld [tilespmem:s5+$0x195B0]  }
0x340: {  	v28 =	vld [tilespmem:s5+$0x195C0]  }
0x341: {  	v29 =	vld [tilespmem:s5+$0x195D0]  }
0x342: {  	v30 =	vld [tilespmem:s5+$0x195E0]  }
0x343: {  	[tilespmem:s5+$0x6400] =	vst.add.f32.msk $0xffff, v1  }
0x344: {  	[tilespmem:s5+$0x6410] =	vst.add.f32.msk $0xffff, v2  }
0x345: {  	[tilespmem:s5+$0x6420] =	vst.add.f32.msk $0xffff, v3  }
0x346: {  	[tilespmem:s5+$0x6430] =	vst.add.f32.msk $0xffff, v4  }
0x347: {  	[tilespmem:s5+$0x6440] =	vst.add.f32.msk $0xffff, v0  }
0x348: {  	[tilespmem:s5+$0x6450] =	vst.add.f32.msk $0xffff, v5  }
0x349: {  	[tilespmem:s5+$0x6460] =	vst.add.f32.msk $0xffff, v6  }
0x34a: {  	[tilespmem:s5+$0x6470] =	vst.add.f32.msk $0xffff, v7  }
0x34b: {  	[tilespmem:s5+$0x6480] =	vst.add.f32.msk $0xffff, v8  }
0x34c: {  	[tilespmem:s5+$0x6490] =	vst.add.f32.msk $0xffff, v9  }
0x34d: {  	[tilespmem:s5+$0x64A0] =	vst.add.f32.msk $0xffff, v10  }
0x34e: {  	[tilespmem:s5+$0x64B0] =	vst.add.f32.msk $0xffff, v11  }
0x34f: {  	[tilespmem:s5+$0x64C0] =	vst.add.f32.msk $0xffff, v12  }
0x350: {  	[tilespmem:s5+$0x64D0] =	vst.add.f32.msk $0xffff, v13  }
0x351: {  	[tilespmem:s5+$0x64E0] =	vst.add.f32.msk $0xffff, v14  }
0x352: {  	[tilespmem:s5+$0x64F0] =	vst.add.f32.msk $0xffff, v15  }
0x353: {  	[tilespmem:s5+$0x6500] =	vst.add.f32.msk $0xffff, v16  }
0x354: {  	[tilespmem:s5+$0x6510] =	vst.add.f32.msk $0xffff, v17  }
0x355: {  	[tilespmem:s5+$0x6520] =	vst.add.f32.msk $0xffff, v18  }
0x356: {  	[tilespmem:s5+$0x6530] =	vst.add.f32.msk $0xffff, v19  }
0x357: {  	[tilespmem:s5+$0x6540] =	vst.add.f32.msk $0xffff, v20  }
0x358: {  	[tilespmem:s5+$0x6550] =	vst.add.f32.msk $0xffff, v21  }
0x359: {  	[tilespmem:s5+$0x6560] =	vst.add.f32.msk $0xffff, v22  }
0x35a: {  	[tilespmem:s5+$0x6570] =	vst.add.f32.msk $0xffff, v23  }
0x35b: {  	[tilespmem:s5+$0x6580] =	vst.add.f32.msk $0xffff, v24  }
0x35c: {  	[tilespmem:s5+$0x6590] =	vst.add.f32.msk $0xffff, v25  }
.Ltmp5:
0x35d: {  	[tilespmem:s5+$0x65A0] =	vst.add.f32.msk $0xffff, v26;
	(pc) =	sbr.rel @p0 .LBB2_13-.Ltmp5, $4  }
0x35e: {  	[tilespmem:s5+$0x65B0] =	vst.add.f32.msk $0xffff, v27  }
0x35f: {  	[tilespmem:s5+$0x65C0] =	vst.add.f32.msk $0xffff, v28  }
0x360: {  	[tilespmem:s5+$0x65D0] =	vst.add.f32.msk $0xffff, v29  }
0x361: {  	[tilespmem:s5+$0x65E0] =	vst.add.f32.msk $0xffff, v30;
	s5 =	sshra.s32 s15, $0x2;
	s15 =	sadd.s32 $0x800, s15  }
0x362: {  	v0 =	vld [tilespmem:s5+$0x195F0]  }
0x363: {  	v1 =	vld [tilespmem:s5+$0x19400]  }
0x364: {  	v2 =	vld [tilespmem:s5+$0x19410]  }
0x365: {  	v3 =	vld [tilespmem:s5+$0x19420]  }
0x366: {  	v4 =	vld [tilespmem:s5+$0x19430]  }
0x367: {  	v63 =	vld [tilespmem:s5+$0x19440]  }
0x368: {  	v5 =	vld [tilespmem:s5+$0x19450]  }
0x369: {  	v6 =	vld [tilespmem:s5+$0x19460]  }
0x36a: {  	v7 =	vld [tilespmem:s5+$0x19470]  }
0x36b: {  	v8 =	vld [tilespmem:s5+$0x19480]  }
0x36c: {  	v9 =	vld [tilespmem:s5+$0x19490]  }
0x36d: {  	v10 =	vld [tilespmem:s5+$0x194A0]  }
0x36e: {  	v11 =	vld [tilespmem:s5+$0x194B0]  }
0x36f: {  	v12 =	vld [tilespmem:s5+$0x194C0]  }
0x370: {  	v13 =	vld [tilespmem:s5+$0x194D0]  }
0x371: {  	v14 =	vld [tilespmem:s5+$0x194E0]  }
0x372: {  	v15 =	vld [tilespmem:s5+$0x194F0]  }
0x373: {  	v16 =	vld [tilespmem:s5+$0x19500]  }
0x374: {  	v17 =	vld [tilespmem:s5+$0x19510]  }
0x375: {  	v18 =	vld [tilespmem:s5+$0x19520]  }
0x376: {  	v19 =	vld [tilespmem:s5+$0x19530]  }
0x377: {  	v20 =	vld [tilespmem:s5+$0x19540]  }
0x378: {  	v21 =	vld [tilespmem:s5+$0x19550]  }
0x379: {  	v22 =	vld [tilespmem:s5+$0x19560]  }
0x37a: {  	v23 =	vld [tilespmem:s5+$0x19570]  }
0x37b: {  	v24 =	vld [tilespmem:s5+$0x19580]  }
0x37c: {  	v25 =	vld [tilespmem:s5+$0x19590]  }
0x37d: {  	v26 =	vld [tilespmem:s5+$0x195A0]  }
0x37e: {  	v27 =	vld [tilespmem:s5+$0x195B0]  }
0x37f: {  	v28 =	vld [tilespmem:s5+$0x195C0]  }
0x380: {  	v29 =	vld [tilespmem:s5+$0x195D0]  }
0x381: {  	v30 =	vld [tilespmem:s5+$0x195E0]  }
0x382: {  	[tilespmem:s5+$0x65F0] =	vst.add.f32.msk $0xffff, v0  }
0x383: {  	[tilespmem:s5+$0x6400] =	vst.add.f32.msk $0xffff, v1  }
0x384: {  	[tilespmem:s5+$0x6410] =	vst.add.f32.msk $0xffff, v2  }
0x385: {  	[tilespmem:s5+$0x6420] =	vst.add.f32.msk $0xffff, v3  }
0x386: {  	[tilespmem:s5+$0x6430] =	vst.add.f32.msk $0xffff, v4  }
0x387: {  	[tilespmem:s5+$0x6440] =	vst.add.f32.msk $0xffff, v63  }
0x388: {  	[tilespmem:s5+$0x6450] =	vst.add.f32.msk $0xffff, v5  }
0x389: {  	[tilespmem:s5+$0x6460] =	vst.add.f32.msk $0xffff, v6  }
0x38a: {  	[tilespmem:s5+$0x6470] =	vst.add.f32.msk $0xffff, v7  }
0x38b: {  	[tilespmem:s5+$0x6480] =	vst.add.f32.msk $0xffff, v8  }
0x38c: {  	[tilespmem:s5+$0x6490] =	vst.add.f32.msk $0xffff, v9  }
0x38d: {  	[tilespmem:s5+$0x64A0] =	vst.add.f32.msk $0xffff, v10  }
0x38e: {  	[tilespmem:s5+$0x64B0] =	vst.add.f32.msk $0xffff, v11  }
0x38f: {  	[tilespmem:s5+$0x64C0] =	vst.add.f32.msk $0xffff, v12  }
0x390: {  	[tilespmem:s5+$0x64D0] =	vst.add.f32.msk $0xffff, v13  }
0x391: {  	[tilespmem:s5+$0x64E0] =	vst.add.f32.msk $0xffff, v14  }
0x392: {  	[tilespmem:s5+$0x64F0] =	vst.add.f32.msk $0xffff, v15  }
0x393: {  	[tilespmem:s5+$0x6500] =	vst.add.f32.msk $0xffff, v16  }
0x394: {  	[tilespmem:s5+$0x6510] =	vst.add.f32.msk $0xffff, v17  }
0x395: {  	[tilespmem:s5+$0x6520] =	vst.add.f32.msk $0xffff, v18  }
0x396: {  	[tilespmem:s5+$0x6530] =	vst.add.f32.msk $0xffff, v19  }
0x397: {  	[tilespmem:s5+$0x6540] =	vst.add.f32.msk $0xffff, v20  }
0x398: {  	[tilespmem:s5+$0x6550] =	vst.add.f32.msk $0xffff, v21  }
0x399: {  	[tilespmem:s5+$0x6560] =	vst.add.f32.msk $0xffff, v22  }
0x39a: {  	[tilespmem:s5+$0x6570] =	vst.add.f32.msk $0xffff, v23  }
0x39b: {  	[tilespmem:s5+$0x6580] =	vst.add.f32.msk $0xffff, v24  }
0x39c: {  	s7 =	sadd.s32 $0x1, s7;
	[tilespmem:s5+$0x6590] =	vst.add.f32.msk $0xffff, v25  }
0x39d: {  	p0 =	sne.s32 s7, $0x1F;
	[tilespmem:s5+$0x65A0] =	vst.add.f32.msk $0xffff, v26  }
.Ltmp6:
0x39e: {  	[tilespmem:s5+$0x65B0] =	vst.add.f32.msk $0xffff, v27;
	(pc) =	sbr.rel @p0 .LBB2_6-.Ltmp6, $4  }
0x39f: {  	s15 =	smul.u32 $0xC80, s24;
	[tilespmem:s5+$0x65C0] =	vst.add.f32.msk $0xffff, v28  }
0x3a0: {  	[tilespmem:s5+$0x65D0] =	vst.add.f32.msk $0xffff, v29  }
0x3a1: {  	s0 =	simm.s32 $0x6400;
	s25 =	sadd.s32 s4, s15;
	s15 =	simm.s32 $0x0;
	[tilespmem:s5+$0x65E0] =	vst.add.f32.msk $0xffff, v30  }
0x3a2: {  	[hbm4b:s25+s15] =	stream.linear.scatter [tilespmem:s0], [sflag:$0x6], $0x6400, $0x38;
	[tilespmem:$0x1F800] =	vst v63  }
0x3a3: {  	_ =	swait.ge [sflag:s30], $0x4000  }
0x3a4: {  	[sflag:s30] =	ssyncset.done $0x0  }
0x3a5: {  	[sflag:s30] =	ssyncadd.s32 $0xFFFFC000  }
0x3a6: {  	_ =	swait.ge [sflag:s30], $0x2400  }
0x3a7: {  	[sflag:s30] =	ssyncset.done $0x0  }
0x3a8: {  	s5 =	simm.s32 $0x0;
	s7 =	simm.s32 $0x800;
	[sflag:s30] =	ssyncadd.s32 $0xFFFFDC00  }
.LBB2_16:
0x3a9: {  	p0 =	sne.s32 s7, $0x18800;
	v0 =	vld [tilespmem:s5+$0x195F0]  }
0x3aa: {  	v1 =	vld [tilespmem:s5+$0x19400]  }
0x3ab: {  	v2 =	vld [tilespmem:s5+$0x19410]  }
0x3ac: {  	v3 =	vld [tilespmem:s5+$0x19420]  }
0x3ad: {  	v4 =	vld [tilespmem:s5+$0x19430]  }
0x3ae: {  	[tilespmem:s5+$0xC9F0] =	vst.add.f32.msk $0xffff, v0  }
0x3af: {  	v0 =	vld [tilespmem:s5+$0x19440]  }
0x3b0: {  	v5 =	vld [tilespmem:s5+$0x19450]  }
0x3b1: {  	v6 =	vld [tilespmem:s5+$0x19460]  }
0x3b2: {  	v7 =	vld [tilespmem:s5+$0x19470]  }
0x3b3: {  	v8 =	vld [tilespmem:s5+$0x19480]  }
0x3b4: {  	v9 =	vld [tilespmem:s5+$0x19490]  }
0x3b5: {  	v10 =	vld [tilespmem:s5+$0x194A0]  }
0x3b6: {  	v11 =	vld [tilespmem:s5+$0x194B0]  }
0x3b7: {  	v12 =	vld [tilespmem:s5+$0x194C0]  }
0x3b8: {  	v13 =	vld [tilespmem:s5+$0x194D0]  }
0x3b9: {  	v14 =	vld [tilespmem:s5+$0x194E0]  }
0x3ba: {  	v15 =	vld [tilespmem:s5+$0x194F0]  }
0x3bb: {  	v16 =	vld [tilespmem:s5+$0x19500]  }
0x3bc: {  	v17 =	vld [tilespmem:s5+$0x19510]  }
0x3bd: {  	v18 =	vld [tilespmem:s5+$0x19520]  }
0x3be: {  	v19 =	vld [tilespmem:s5+$0x19530]  }
0x3bf: {  	v20 =	vld [tilespmem:s5+$0x19540]  }
0x3c0: {  	v21 =	vld [tilespmem:s5+$0x19550]  }
0x3c1: {  	v22 =	vld [tilespmem:s5+$0x19560]  }
0x3c2: {  	v23 =	vld [tilespmem:s5+$0x19570]  }
0x3c3: {  	v24 =	vld [tilespmem:s5+$0x19580]  }
0x3c4: {  	v25 =	vld [tilespmem:s5+$0x19590]  }
0x3c5: {  	v26 =	vld [tilespmem:s5+$0x195A0]  }
0x3c6: {  	v27 =	vld [tilespmem:s5+$0x195B0]  }
0x3c7: {  	v28 =	vld [tilespmem:s5+$0x195C0]  }
0x3c8: {  	v29 =	vld [tilespmem:s5+$0x195D0]  }
0x3c9: {  	v30 =	vld [tilespmem:s5+$0x195E0]  }
0x3ca: {  	[tilespmem:s5+$0xC800] =	vst.add.f32.msk $0xffff, v1  }
0x3cb: {  	[tilespmem:s5+$0xC810] =	vst.add.f32.msk $0xffff, v2  }
0x3cc: {  	[tilespmem:s5+$0xC820] =	vst.add.f32.msk $0xffff, v3  }
0x3cd: {  	[tilespmem:s5+$0xC830] =	vst.add.f32.msk $0xffff, v4  }
0x3ce: {  	[tilespmem:s5+$0xC840] =	vst.add.f32.msk $0xffff, v0  }
0x3cf: {  	[tilespmem:s5+$0xC850] =	vst.add.f32.msk $0xffff, v5  }
0x3d0: {  	[tilespmem:s5+$0xC860] =	vst.add.f32.msk $0xffff, v6  }
0x3d1: {  	[tilespmem:s5+$0xC870] =	vst.add.f32.msk $0xffff, v7  }
0x3d2: {  	[tilespmem:s5+$0xC880] =	vst.add.f32.msk $0xffff, v8  }
0x3d3: {  	[tilespmem:s5+$0xC890] =	vst.add.f32.msk $0xffff, v9  }
0x3d4: {  	[tilespmem:s5+$0xC8A0] =	vst.add.f32.msk $0xffff, v10  }
0x3d5: {  	[tilespmem:s5+$0xC8B0] =	vst.add.f32.msk $0xffff, v11  }
0x3d6: {  	[tilespmem:s5+$0xC8C0] =	vst.add.f32.msk $0xffff, v12  }
0x3d7: {  	[tilespmem:s5+$0xC8D0] =	vst.add.f32.msk $0xffff, v13  }
0x3d8: {  	[tilespmem:s5+$0xC8E0] =	vst.add.f32.msk $0xffff, v14  }
0x3d9: {  	[tilespmem:s5+$0xC8F0] =	vst.add.f32.msk $0xffff, v15  }
0x3da: {  	[tilespmem:s5+$0xC900] =	vst.add.f32.msk $0xffff, v16  }
0x3db: {  	[tilespmem:s5+$0xC910] =	vst.add.f32.msk $0xffff, v17  }
0x3dc: {  	[tilespmem:s5+$0xC920] =	vst.add.f32.msk $0xffff, v18  }
0x3dd: {  	[tilespmem:s5+$0xC930] =	vst.add.f32.msk $0xffff, v19  }
0x3de: {  	[tilespmem:s5+$0xC940] =	vst.add.f32.msk $0xffff, v20  }
0x3df: {  	[tilespmem:s5+$0xC950] =	vst.add.f32.msk $0xffff, v21  }
0x3e0: {  	[tilespmem:s5+$0xC960] =	vst.add.f32.msk $0xffff, v22  }
0x3e1: {  	[tilespmem:s5+$0xC970] =	vst.add.f32.msk $0xffff, v23  }
0x3e2: {  	[tilespmem:s5+$0xC980] =	vst.add.f32.msk $0xffff, v24  }
0x3e3: {  	[tilespmem:s5+$0xC990] =	vst.add.f32.msk $0xffff, v25  }
.Ltmp7:
0x3e4: {  	[tilespmem:s5+$0xC9A0] =	vst.add.f32.msk $0xffff, v26;
	(pc) =	sbr.rel @p0 .LBB2_16-.Ltmp7, $4  }
0x3e5: {  	[tilespmem:s5+$0xC9B0] =	vst.add.f32.msk $0xffff, v27  }
0x3e6: {  	[tilespmem:s5+$0xC9C0] =	vst.add.f32.msk $0xffff, v28  }
0x3e7: {  	[tilespmem:s5+$0xC9D0] =	vst.add.f32.msk $0xffff, v29  }
0x3e8: {  	[tilespmem:s5+$0xC9E0] =	vst.add.f32.msk $0xffff, v30;
	s5 =	sshra.s32 s7, $0x2;
	s7 =	sadd.s32 $0x800, s7  }
0x3e9: {  	v0 =	vld [tilespmem:s5+$0x195F0]  }
0x3ea: {  	v1 =	vld [tilespmem:s5+$0x19400]  }
0x3eb: {  	v2 =	vld [tilespmem:s5+$0x19410]  }
0x3ec: {  	v3 =	vld [tilespmem:s5+$0x19420]  }
0x3ed: {  	v4 =	vld [tilespmem:s5+$0x19430]  }
0x3ee: {  	v63 =	vld [tilespmem:s5+$0x19440]  }
0x3ef: {  	v5 =	vld [tilespmem:s5+$0x19450]  }
0x3f0: {  	v6 =	vld [tilespmem:s5+$0x19460]  }
0x3f1: {  	v7 =	vld [tilespmem:s5+$0x19470]  }
0x3f2: {  	v8 =	vld [tilespmem:s5+$0x19480]  }
0x3f3: {  	v9 =	vld [tilespmem:s5+$0x19490]  }
0x3f4: {  	v10 =	vld [tilespmem:s5+$0x194A0]  }
0x3f5: {  	v11 =	vld [tilespmem:s5+$0x194B0]  }
0x3f6: {  	v12 =	vld [tilespmem:s5+$0x194C0]  }
0x3f7: {  	v13 =	vld [tilespmem:s5+$0x194D0]  }
0x3f8: {  	v14 =	vld [tilespmem:s5+$0x194E0]  }
0x3f9: {  	v15 =	vld [tilespmem:s5+$0x194F0]  }
0x3fa: {  	v16 =	vld [tilespmem:s5+$0x19500]  }
0x3fb: {  	v17 =	vld [tilespmem:s5+$0x19510]  }
0x3fc: {  	v18 =	vld [tilespmem:s5+$0x19520]  }
0x3fd: {  	v19 =	vld [tilespmem:s5+$0x19530]  }
0x3fe: {  	v20 =	vld [tilespmem:s5+$0x19540]  }
0x3ff: {  	v21 =	vld [tilespmem:s5+$0x19550]  }
0x400: {  	v22 =	vld [tilespmem:s5+$0x19560]  }
0x401: {  	v23 =	vld [tilespmem:s5+$0x19570]  }
0x402: {  	v24 =	vld [tilespmem:s5+$0x19580]  }
0x403: {  	v25 =	vld [tilespmem:s5+$0x19590]  }
0x404: {  	v26 =	vld [tilespmem:s5+$0x195A0]  }
0x405: {  	v27 =	vld [tilespmem:s5+$0x195B0]  }
0x406: {  	v28 =	vld [tilespmem:s5+$0x195C0]  }
0x407: {  	v29 =	vld [tilespmem:s5+$0x195D0]  }
0x408: {  	v30 =	vld [tilespmem:s5+$0x195E0]  }
0x409: {  	[tilespmem:s5+$0xC9F0] =	vst.add.f32.msk $0xffff, v0  }
0x40a: {  	[tilespmem:s5+$0xC800] =	vst.add.f32.msk $0xffff, v1  }
0x40b: {  	[tilespmem:s5+$0xC810] =	vst.add.f32.msk $0xffff, v2  }
0x40c: {  	[tilespmem:s5+$0xC820] =	vst.add.f32.msk $0xffff, v3  }
0x40d: {  	[tilespmem:s5+$0xC830] =	vst.add.f32.msk $0xffff, v4  }
0x40e: {  	[tilespmem:s5+$0xC840] =	vst.add.f32.msk $0xffff, v63  }
0x40f: {  	[tilespmem:s5+$0xC850] =	vst.add.f32.msk $0xffff, v5  }
0x410: {  	[tilespmem:s5+$0xC860] =	vst.add.f32.msk $0xffff, v6  }
0x411: {  	[tilespmem:s5+$0xC870] =	vst.add.f32.msk $0xffff, v7  }
0x412: {  	[tilespmem:s5+$0xC880] =	vst.add.f32.msk $0xffff, v8  }
0x413: {  	[tilespmem:s5+$0xC890] =	vst.add.f32.msk $0xffff, v9  }
0x414: {  	[tilespmem:s5+$0xC8A0] =	vst.add.f32.msk $0xffff, v10  }
0x415: {  	[tilespmem:s5+$0xC8B0] =	vst.add.f32.msk $0xffff, v11  }
0x416: {  	[tilespmem:s5+$0xC8C0] =	vst.add.f32.msk $0xffff, v12  }
0x417: {  	[tilespmem:s5+$0xC8D0] =	vst.add.f32.msk $0xffff, v13  }
0x418: {  	[tilespmem:s5+$0xC8E0] =	vst.add.f32.msk $0xffff, v14  }
0x419: {  	[tilespmem:s5+$0xC8F0] =	vst.add.f32.msk $0xffff, v15  }
0x41a: {  	[tilespmem:s5+$0xC900] =	vst.add.f32.msk $0xffff, v16  }
0x41b: {  	[tilespmem:s5+$0xC910] =	vst.add.f32.msk $0xffff, v17  }
0x41c: {  	[tilespmem:s5+$0xC920] =	vst.add.f32.msk $0xffff, v18  }
0x41d: {  	[tilespmem:s5+$0xC930] =	vst.add.f32.msk $0xffff, v19  }
0x41e: {  	[tilespmem:s5+$0xC940] =	vst.add.f32.msk $0xffff, v20  }
0x41f: {  	[tilespmem:s5+$0xC950] =	vst.add.f32.msk $0xffff, v21  }
0x420: {  	[tilespmem:s5+$0xC960] =	vst.add.f32.msk $0xffff, v22  }
0x421: {  	[tilespmem:s5+$0xC970] =	vst.add.f32.msk $0xffff, v23  }
0x422: {  	[tilespmem:s5+$0xC980] =	vst.add.f32.msk $0xffff, v24  }
0x423: {  	[tilespmem:s5+$0xC990] =	vst.add.f32.msk $0xffff, v25  }
0x424: {  	[tilespmem:s5+$0xC9A0] =	vst.add.f32.msk $0xffff, v26  }
0x425: {  	[tilespmem:s5+$0xC9B0] =	vst.add.f32.msk $0xffff, v27  }
0x426: {  	[tilespmem:s5+$0xC9C0] =	vst.add.f32.msk $0xffff, v28  }
0x427: {  	[tilespmem:s5+$0xC9D0] =	vst.add.f32.msk $0xffff, v29  }
0x428: {  	s25 =	simm.s32 $0x0;
	s0 =	rddreg [dreg:$0xe];
	s7 =	simm.s32 $0xC800;
	[tilespmem:s5+$0xC9E0] =	vst.add.f32.msk $0xffff, v30  }
0x429: {  	[hbm4b:s0+s25] =	stream.linear.scatter [tilespmem:s7], [sflag:$0x7], $0x6400, $0x38;
	[tilespmem:$0x1F800] =	vst v63  }
0x42a: {  	_ =	swait.ge [sflag:s2], $0x4000  }
0x42b: {  	[sflag:s2] =	ssyncset.done $0x0  }
0x42c: {  	[sflag:s2] =	ssyncadd.s32 $0xFFFFC000  }
0x42d: {  	_ =	swait.ge [sflag:s2], $0x2400  }
0x42e: {  	[sflag:s2] =	ssyncset.done $0x0  }
0x42f: {  	s5 =	simm.s32 $0x0;
	s7 =	simm.s32 $0x800;
	[sflag:s2] =	ssyncadd.s32 $0xFFFFDC00  }
.LBB2_18:
0x430: {  	p0 =	sne.s32 s7, $0x18800;
	v0 =	vld [tilespmem:s5+$0x195F0]  }
0x431: {  	v1 =	vld [tilespmem:s5+$0x19400]  }
0x432: {  	v2 =	vld [tilespmem:s5+$0x19410]  }
0x433: {  	v3 =	vld [tilespmem:s5+$0x19420]  }
0x434: {  	v4 =	vld [tilespmem:s5+$0x19430]  }
0x435: {  	[tilespmem:s5+$0x12DF0] =	vst.add.f32.msk $0xffff, v0  }
0x436: {  	v0 =	vld [tilespmem:s5+$0x19440]  }
0x437: {  	v5 =	vld [tilespmem:s5+$0x19450]  }
0x438: {  	v6 =	vld [tilespmem:s5+$0x19460]  }
0x439: {  	v7 =	vld [tilespmem:s5+$0x19470]  }
0x43a: {  	v8 =	vld [tilespmem:s5+$0x19480]  }
0x43b: {  	v9 =	vld [tilespmem:s5+$0x19490]  }
0x43c: {  	v10 =	vld [tilespmem:s5+$0x194A0]  }
0x43d: {  	v11 =	vld [tilespmem:s5+$0x194B0]  }
0x43e: {  	v12 =	vld [tilespmem:s5+$0x194C0]  }
0x43f: {  	v13 =	vld [tilespmem:s5+$0x194D0]  }
0x440: {  	v14 =	vld [tilespmem:s5+$0x194E0]  }
0x441: {  	v15 =	vld [tilespmem:s5+$0x194F0]  }
0x442: {  	v16 =	vld [tilespmem:s5+$0x19500]  }
0x443: {  	v17 =	vld [tilespmem:s5+$0x19510]  }
0x444: {  	v18 =	vld [tilespmem:s5+$0x19520]  }
0x445: {  	v19 =	vld [tilespmem:s5+$0x19530]  }
0x446: {  	v20 =	vld [tilespmem:s5+$0x19540]  }
0x447: {  	v21 =	vld [tilespmem:s5+$0x19550]  }
0x448: {  	v22 =	vld [tilespmem:s5+$0x19560]  }
0x449: {  	v23 =	vld [tilespmem:s5+$0x19570]  }
0x44a: {  	v24 =	vld [tilespmem:s5+$0x19580]  }
0x44b: {  	v25 =	vld [tilespmem:s5+$0x19590]  }
0x44c: {  	v26 =	vld [tilespmem:s5+$0x195A0]  }
0x44d: {  	v27 =	vld [tilespmem:s5+$0x195B0]  }
0x44e: {  	v28 =	vld [tilespmem:s5+$0x195C0]  }
0x44f: {  	v29 =	vld [tilespmem:s5+$0x195D0]  }
0x450: {  	v30 =	vld [tilespmem:s5+$0x195E0]  }
0x451: {  	[tilespmem:s5+$0x12C00] =	vst.add.f32.msk $0xffff, v1  }
0x452: {  	[tilespmem:s5+$0x12C10] =	vst.add.f32.msk $0xffff, v2  }
0x453: {  	[tilespmem:s5+$0x12C20] =	vst.add.f32.msk $0xffff, v3  }
0x454: {  	[tilespmem:s5+$0x12C30] =	vst.add.f32.msk $0xffff, v4  }
0x455: {  	[tilespmem:s5+$0x12C40] =	vst.add.f32.msk $0xffff, v0  }
0x456: {  	[tilespmem:s5+$0x12C50] =	vst.add.f32.msk $0xffff, v5  }
0x457: {  	[tilespmem:s5+$0x12C60] =	vst.add.f32.msk $0xffff, v6  }
0x458: {  	[tilespmem:s5+$0x12C70] =	vst.add.f32.msk $0xffff, v7  }
0x459: {  	[tilespmem:s5+$0x12C80] =	vst.add.f32.msk $0xffff, v8  }
0x45a: {  	[tilespmem:s5+$0x12C90] =	vst.add.f32.msk $0xffff, v9  }
0x45b: {  	[tilespmem:s5+$0x12CA0] =	vst.add.f32.msk $0xffff, v10  }
0x45c: {  	[tilespmem:s5+$0x12CB0] =	vst.add.f32.msk $0xffff, v11  }
0x45d: {  	[tilespmem:s5+$0x12CC0] =	vst.add.f32.msk $0xffff, v12  }
0x45e: {  	[tilespmem:s5+$0x12CD0] =	vst.add.f32.msk $0xffff, v13  }
0x45f: {  	[tilespmem:s5+$0x12CE0] =	vst.add.f32.msk $0xffff, v14  }
0x460: {  	[tilespmem:s5+$0x12CF0] =	vst.add.f32.msk $0xffff, v15  }
0x461: {  	[tilespmem:s5+$0x12D00] =	vst.add.f32.msk $0xffff, v16  }
0x462: {  	[tilespmem:s5+$0x12D10] =	vst.add.f32.msk $0xffff, v17  }
0x463: {  	[tilespmem:s5+$0x12D20] =	vst.add.f32.msk $0xffff, v18  }
0x464: {  	[tilespmem:s5+$0x12D30] =	vst.add.f32.msk $0xffff, v19  }
0x465: {  	[tilespmem:s5+$0x12D40] =	vst.add.f32.msk $0xffff, v20  }
0x466: {  	[tilespmem:s5+$0x12D50] =	vst.add.f32.msk $0xffff, v21  }
0x467: {  	[tilespmem:s5+$0x12D60] =	vst.add.f32.msk $0xffff, v22  }
0x468: {  	[tilespmem:s5+$0x12D70] =	vst.add.f32.msk $0xffff, v23  }
0x469: {  	[tilespmem:s5+$0x12D80] =	vst.add.f32.msk $0xffff, v24  }
0x46a: {  	[tilespmem:s5+$0x12D90] =	vst.add.f32.msk $0xffff, v25  }
.Ltmp8:
0x46b: {  	[tilespmem:s5+$0x12DA0] =	vst.add.f32.msk $0xffff, v26;
	(pc) =	sbr.rel @p0 .LBB2_18-.Ltmp8, $4  }
0x46c: {  	[tilespmem:s5+$0x12DB0] =	vst.add.f32.msk $0xffff, v27  }
0x46d: {  	[tilespmem:s5+$0x12DC0] =	vst.add.f32.msk $0xffff, v28  }
0x46e: {  	[tilespmem:s5+$0x12DD0] =	vst.add.f32.msk $0xffff, v29  }
0x46f: {  	[tilespmem:s5+$0x12DE0] =	vst.add.f32.msk $0xffff, v30;
	s5 =	sshra.s32 s7, $0x2;
	s7 =	sadd.s32 $0x800, s7  }
0x470: {  	v0 =	vld [tilespmem:s5+$0x195F0]  }
0x471: {  	v1 =	vld [tilespmem:s5+$0x19400]  }
0x472: {  	v2 =	vld [tilespmem:s5+$0x19410]  }
0x473: {  	v3 =	vld [tilespmem:s5+$0x19420]  }
0x474: {  	v4 =	vld [tilespmem:s5+$0x19430]  }
0x475: {  	v63 =	vld [tilespmem:s5+$0x19440]  }
0x476: {  	v5 =	vld [tilespmem:s5+$0x19450]  }
0x477: {  	v6 =	vld [tilespmem:s5+$0x19460]  }
0x478: {  	v7 =	vld [tilespmem:s5+$0x19470]  }
0x479: {  	v8 =	vld [tilespmem:s5+$0x19480]  }
0x47a: {  	v9 =	vld [tilespmem:s5+$0x19490]  }
0x47b: {  	v10 =	vld [tilespmem:s5+$0x194A0]  }
0x47c: {  	v11 =	vld [tilespmem:s5+$0x194B0]  }
0x47d: {  	v12 =	vld [tilespmem:s5+$0x194C0]  }
0x47e: {  	v13 =	vld [tilespmem:s5+$0x194D0]  }
0x47f: {  	v14 =	vld [tilespmem:s5+$0x194E0]  }
0x480: {  	v15 =	vld [tilespmem:s5+$0x194F0]  }
0x481: {  	v16 =	vld [tilespmem:s5+$0x19500]  }
0x482: {  	v17 =	vld [tilespmem:s5+$0x19510]  }
0x483: {  	v18 =	vld [tilespmem:s5+$0x19520]  }
0x484: {  	v19 =	vld [tilespmem:s5+$0x19530]  }
0x485: {  	v20 =	vld [tilespmem:s5+$0x19540]  }
0x486: {  	v21 =	vld [tilespmem:s5+$0x19550]  }
0x487: {  	v22 =	vld [tilespmem:s5+$0x19560]  }
0x488: {  	v23 =	vld [tilespmem:s5+$0x19570]  }
0x489: {  	v24 =	vld [tilespmem:s5+$0x19580]  }
0x48a: {  	v25 =	vld [tilespmem:s5+$0x19590]  }
0x48b: {  	v26 =	vld [tilespmem:s5+$0x195A0]  }
0x48c: {  	v27 =	vld [tilespmem:s5+$0x195B0]  }
0x48d: {  	v28 =	vld [tilespmem:s5+$0x195C0]  }
0x48e: {  	v29 =	vld [tilespmem:s5+$0x195D0]  }
0x48f: {  	v30 =	vld [tilespmem:s5+$0x195E0]  }
0x490: {  	[tilespmem:s5+$0x12DF0] =	vst.add.f32.msk $0xffff, v0  }
0x491: {  	[tilespmem:s5+$0x12C00] =	vst.add.f32.msk $0xffff, v1  }
0x492: {  	[tilespmem:s5+$0x12C10] =	vst.add.f32.msk $0xffff, v2  }
0x493: {  	[tilespmem:s5+$0x12C20] =	vst.add.f32.msk $0xffff, v3  }
0x494: {  	[tilespmem:s5+$0x12C30] =	vst.add.f32.msk $0xffff, v4  }
0x495: {  	[tilespmem:s5+$0x12C40] =	vst.add.f32.msk $0xffff, v63  }
0x496: {  	[tilespmem:s5+$0x12C50] =	vst.add.f32.msk $0xffff, v5  }
0x497: {  	[tilespmem:s5+$0x12C60] =	vst.add.f32.msk $0xffff, v6  }
0x498: {  	[tilespmem:s5+$0x12C70] =	vst.add.f32.msk $0xffff, v7  }
0x499: {  	[tilespmem:s5+$0x12C80] =	vst.add.f32.msk $0xffff, v8  }
0x49a: {  	[tilespmem:s5+$0x12C90] =	vst.add.f32.msk $0xffff, v9  }
0x49b: {  	[tilespmem:s5+$0x12CA0] =	vst.add.f32.msk $0xffff, v10  }
0x49c: {  	[tilespmem:s5+$0x12CB0] =	vst.add.f32.msk $0xffff, v11  }
0x49d: {  	[tilespmem:s5+$0x12CC0] =	vst.add.f32.msk $0xffff, v12  }
0x49e: {  	[tilespmem:s5+$0x12CD0] =	vst.add.f32.msk $0xffff, v13  }
0x49f: {  	[tilespmem:s5+$0x12CE0] =	vst.add.f32.msk $0xffff, v14  }
0x4a0: {  	[tilespmem:s5+$0x12CF0] =	vst.add.f32.msk $0xffff, v15  }
0x4a1: {  	[tilespmem:s5+$0x12D00] =	vst.add.f32.msk $0xffff, v16  }
0x4a2: {  	[tilespmem:s5+$0x12D10] =	vst.add.f32.msk $0xffff, v17  }
0x4a3: {  	[tilespmem:s5+$0x12D20] =	vst.add.f32.msk $0xffff, v18  }
0x4a4: {  	[tilespmem:s5+$0x12D30] =	vst.add.f32.msk $0xffff, v19  }
0x4a5: {  	[tilespmem:s5+$0x12D40] =	vst.add.f32.msk $0xffff, v20  }
0x4a6: {  	[tilespmem:s5+$0x12D50] =	vst.add.f32.msk $0xffff, v21  }
0x4a7: {  	[tilespmem:s5+$0x12D60] =	vst.add.f32.msk $0xffff, v22  }
0x4a8: {  	[tilespmem:s5+$0x12D70] =	vst.add.f32.msk $0xffff, v23  }
0x4a9: {  	[tilespmem:s5+$0x12D80] =	vst.add.f32.msk $0xffff, v24  }
0x4aa: {  	[tilespmem:s5+$0x12D90] =	vst.add.f32.msk $0xffff, v25  }
0x4ab: {  	[tilespmem:s5+$0x12DA0] =	vst.add.f32.msk $0xffff, v26  }
0x4ac: {  	[tilespmem:s5+$0x12DB0] =	vst.add.f32.msk $0xffff, v27  }
0x4ad: {  	[tilespmem:s5+$0x12DC0] =	vst.add.f32.msk $0xffff, v28  }
0x4ae: {  	[tilespmem:s5+$0x12DD0] =	vst.add.f32.msk $0xffff, v29  }
0x4af: {  	s0 =	rddreg [dreg:$0xf];
	[tilespmem:s5+$0x12DE0] =	vst.add.f32.msk $0xffff, v30  }
0x4b0: {  	[hbm4b:s0+s15] =	stream.linear.scatter [tilespmem:s19], [sflag:$0x8], $0x6400, $0x38;
	[tilespmem:$0x1F800] =	vst v63  }
0x4b1: {  	_ =	swait.ge [sflag:s29], $0x6400  }
0x4b2: {  	[sflag:s29] =	ssyncset.done $0x0  }
0x4b3: {  	[sflag:s29] =	ssyncadd.s32 $0xFFFF9C00  }
0x4b4: {  	_ =	swait.ge [sflag:s3], $0x6400  }
0x4b5: {  	[sflag:s3] =	ssyncset.done $0x0  }
0x4b6: {  	[sflag:s3] =	ssyncadd.s32 $0xFFFF9C00  }
0x4b7: {  	_ =	swait.ge [sflag:s11], $0x6400  }
0x4b8: {  	[sflag:s11] =	ssyncset.done $0x0  }
0x4b9: {  	[sflag:s11] =	ssyncadd.s32 $0xFFFF9C00  }
0x4ba: {  	_ =	swait.ge [sflag:s13], $0x6400  }
0x4bb: {  	s24 =	rddreg [dreg:$0x11]  }
0x4bc: {  	s25 =	rddreg [dreg:$0x10];
	s5 =	sadd.s32 $0x1, s24  }
0x4bd: {  	p0 =	sne.s32 s5, s25  }
.Ltmp9:
0x4be: {  	_ = 	snop;
	(pc) =	sbr.rel @p0 .LBB2_1-.Ltmp9, $3  }
0x4bf: {  	_ =	sdelay $0x1  }
0x4c0: {  	[sflag:s13] =	ssyncset.done $0x0  }
0x4c1: {  	[sflag:s13] =	ssyncadd.s32 $0xFFFF9C00  }
0x4c2: {  	_ =	sfence.sel $0x180000  }
0x4c3: {  	[bflag:$0x0] =	sbarrier.arrive $0xFFFF  }
0x4c4: {  	_ =	strace $0x90000047  }
0x4c5: {  	s0 =	stileid.u32;
	[bflag:$0x2] =	sbarrier.arrive $0xFFFF  }
0x4c6: {  	p0 =	sne.s32 s0, $0x0;
	s0 =	rddreg [dreg:$0x4]  }
0x4c7: {  	s0 =	sadd.s32 @!p0 $0x100000, s0  }
0x4c8: {  	[sflag:s0] =	ssyncadd.tile.s32 @!p0 $0x1;
	_ =	shalt  }
.Lfunc_end2:
_tile_overlayer_lowered:
.L_overlay_start_2:
0x4c9: {  	(tag) =	ssettag $0x2  }
0x4ca: {  	s0 =	rddreg [dreg:$0x0];
	s2 =	stileid.u32  }
0x4cb: {  	s1 =	rddreg [dreg:$0x1];
	p0 =	sne.s32 s2, $0x0  }
0x4cc: {  	s3 =	rddreg [dreg:$0x2];
	[bflag:$0x3] =	sbarrier.arrive $0xFFFF;
	s2 =	simm.s32 @!p0 $0x1C0D  }
0x4cd: {  	[timem:s3], [sflag:s2] =	dma.local @!p0 [hbm:s0], s1  }
0x4ce: {  	s0 =	simm.s32 @!p0 $0xD  }
0x4cf: {  	_ =	swait.ge @!p0 [sflag:s0], s1  }
0x4d0: {  	s1 =	ssub.s32 @!p0 $0x0, s1;
	[sflag:s0] =	ssyncset.done @!p0 $0x0  }
0x4d1: {  	[sflag:s0] =	ssyncadd.s32 @!p0 s1  }
0x4d2: {  	[bflag:$0x3] =	sbarrier.arrive $0xFFFF  }
0x4d3: {  	_ =	shalt  }

</sc_bundles>
